<compile_context>
chip_gen: v7x
topology: tpu7x:2x2x1
jax: 0.10.2.dev20260603
libtpu: 0.0.44.dev20260713+nightly
codegen_flags: <defaults>
</compile_context>

<pallas_src>
import functools

import jax
import jax.numpy as jnp
from jax import lax
from jax.experimental import pallas as pl
from jax.experimental.pallas import tpu as pltpu
from jax.experimental.pallas import tpu_sc as plsc

_LANES = 16
_TM = 2048


def _mm_body(it_ref, jt_ref, a_ref, b_ref, o_ref):
    def _bf16_bits(x):
        u = lax.bitcast_convert_type(x, jnp.int32)
        return lax.shift_right_logical(u + 0x8000, 16)

    a = a_ref[...]
    for jj in range(_TM // 256):
        p = lax.dot_general(
            a, b_ref[pl.ds(jj * 256, 256), :], (((1,), (1,)), ((), ())),
            preferred_element_type=jnp.float32)
        w = _bf16_bits(p[:, :128]) | lax.shift_left(
            _bf16_bits(p[:, 128:]), 16)
        o_ref[:, jj] = w.reshape(_TM // 8, 8, 128)


@functools.lru_cache(maxsize=None)
def _make_gram(n_pad: int, d: int):
    nt = n_pad // _TM
    grid = (nt * (nt + 1) // 2,)
    return pl.pallas_call(
        _mm_body,
        grid_spec=pltpu.PrefetchScalarGridSpec(
            num_scalar_prefetch=2,
            grid=grid,
            in_specs=[
                pl.BlockSpec((_TM, d), lambda t, it, jt: (it[t], 0)),
                pl.BlockSpec((_TM, d), lambda t, it, jt: (jt[t], 0)),
            ],
            out_specs=pl.BlockSpec((_TM // 8, _TM // 256, 8, 128),
                                   lambda t, it, jt: (it[t], jt[t], 0, 0)),
        ),
        out_shape=jax.ShapeDtypeStruct(
            (n_pad // 8, n_pad // 256, 8, 128), jnp.int32),
    )


@functools.lru_cache(maxsize=None)
def _make_decoder(n_nodes: int, n_pad: int, n_edges: int):
    info = plsc.get_sparse_core_info()
    nw = info.num_cores * info.num_subcores
    assert n_edges % nw == 0
    per_w = n_edges // nw
    chunk = 0
    for c in range(128, 15, -16):
        if per_w % c == 0:
            chunk = c
            break
    assert chunk > 0
    n_chunks = per_w // chunk
    n_rows = n_pad * n_pad // 32
    np128 = n_pad // 256

    mesh = plsc.VectorSubcoreMesh(core_axis_name="c", subcore_axis_name="s")
    nbuf = 8

    @functools.partial(
        pl.kernel,
        out_type=jax.ShapeDtypeStruct((n_edges,), jnp.float32),
        mesh=mesh,
        compiler_params=pltpu.CompilerParams(needs_layout_passes=False,
                                             use_tc_tiling_on_sc=False),
        scratch_types=[
            pltpu.VMEM((n_chunks, chunk), jnp.int32),
            pltpu.VMEM((n_chunks, chunk), jnp.int32),
            pltpu.VMEM((nbuf, chunk), jnp.int32),
            pltpu.VMEM((nbuf, chunk, 16), jnp.int32),
            pltpu.VMEM((per_w,), jnp.float32),
        ] + [pltpu.SemaphoreType.DMA] * nbuf,
    )
    def decode(gw_hbm, ei_hbm, out_hbm, idx_s, idx_d, row_buf, w_buf,
               out_buf, *sems):
        wid = lax.axis_index("s") * info.num_cores + lax.axis_index("c")
        base = wid * per_w

        pltpu.sync_copy(ei_hbm.at[0, wid], idx_s)
        pltpu.sync_copy(ei_hbm.at[1, wid], idx_d)

        lane = lax.iota(jnp.int32, 16)

        def flat_words(c, g):
            a_vec = idx_s[c, pl.ds(g * _LANES, _LANES)]
            b_vec = idx_d[c, pl.ds(g * _LANES, _LANES)]
            s_vec = jnp.maximum(a_vec, b_vec)
            d_vec = jnp.minimum(a_vec, b_vec)
            tile = lax.shift_right_logical(s_vec, 3) * np128 + \
                lax.shift_right_logical(d_vec, 8)
            return (tile * 1024 + lax.shift_left(s_vec & 7, 7) +
                    (d_vec & 127), lax.shift_right_logical(d_vec, 7) & 1)

        def rowidx(c, slot):
            def g_body(g, _):
                row_buf[slot, pl.ds(g * _LANES, _LANES)] = \
                    lax.shift_right_logical(flat_words(c, g)[0], 4)
                return 0

            lax.fori_loop(0, chunk // _LANES, g_body, 0)

        def fire(c, slot):
            rowidx(c, slot)
            pltpu.make_async_copy(
                gw_hbm.at[row_buf.at[slot]], w_buf.at[slot],
                sems[slot]).start()

        def drain(slot):
            pltpu.make_async_copy(
                gw_hbm.at[row_buf.at[slot]], w_buf.at[slot],
                sems[slot]).wait()

        def compute(c, slot):
            out_base = c * chunk

            def g_body(g, _):
                e_vec = g * _LANES + lane
                words, parity = flat_words(c, g)
                w = plsc.load_gather(w_buf.at[slot], [e_vec, words & 15])
                lo, hi = plsc.unpack(
                    plsc.bitcast(w, jnp.bfloat16),
                    format=plsc.PackFormat.INTERLEAVED,
                    preferred_element_type=jnp.float32)
                val = jnp.where(parity == 1, hi, lo)
                res = 1.0 / (1.0 + jnp.exp(-val))
                out_buf[pl.ds(out_base + g * _LANES, _LANES)] = res
                return 0

            lax.fori_loop(0, chunk // _LANES, g_body, 0)

        for s in range(nbuf - 1):
            fire(s, s)

        def pipe_body(i, _):
            for j in range(nbuf):
                c = i * nbuf + j

                @pl.when(c + nbuf - 1 < n_chunks)
                def _():
                    fire(c + nbuf - 1, (j + nbuf - 1) % nbuf)

                drain(j)
                compute(c, j)
            return 0

        lax.fori_loop(0, n_chunks // nbuf, pipe_body, 0)
        for j in range(n_chunks % nbuf):
            c = n_chunks - n_chunks % nbuf + j
            drain(c % nbuf)
            compute(c, c % nbuf)

        pltpu.sync_copy(out_buf, out_hbm.at[pl.ds(base, per_w)])

    return decode, nw, n_chunks, chunk, n_rows


def kernel(z, edge_index):
    n_nodes, d = z.shape
    n_edges = edge_index.shape[1]
    n_pad = -(-n_nodes // _TM) * _TM
    decode, nw, n_chunks, chunk, n_rows = _make_decoder(
        n_nodes, n_pad, n_edges)
    z_bf = jnp.pad(z.astype(jnp.bfloat16), ((0, n_pad - n_nodes), (0, 0)))
    nt = n_pad // _TM
    it = jnp.array([i for i in range(nt) for _ in range(i + 1)], jnp.int32)
    jt = jnp.array([j for i in range(nt) for j in range(i + 1)], jnp.int32)
    gram4d = _make_gram(n_pad, d)(it, jt, z_bf, z_bf)
    gw = gram4d.reshape(n_rows, 16)
    ei = edge_index.astype(jnp.int32).reshape(2, nw, n_chunks, chunk)
    return decode(gw, ei)

# --- scband reference (transcript-rebuilt; emitter-appended) ---
"""Pipeline reference for scband-inner-product-decoder-43843026157636 (READ-ONLY COPY).

The authoritative reference and input builder live on the scoring server;
editing this copy changes nothing except your own understanding.
"""

import jax, jax.numpy as jnp
import numpy as np


def setup_inputs(seed: int = 0) -> dict:
    key = jax.random.key(seed)
    k1, k2 = jax.random.split(key)
    z = jax.random.normal(k1, (10000, 128), dtype=jnp.float32)
    edge_index = jax.random.randint(k2, (2, 320000), 0, 10000, dtype=jnp.int64)
    return {"z": z, "edge_index": edge_index}


def reference(z, edge_index):
    # value = (z[edge_index[0]] * z[edge_index[1]]).sum(dim=1); sigmoid applied (default)
    src = jnp.take(z, edge_index[0], axis=0)
    dst = jnp.take(z, edge_index[1], axis=0)
    value = jnp.sum(src * dst, axis=1)
    return jax.nn.sigmoid(value)

if __name__ == "__main__":
    import jax
    _d = setup_inputs()
    print(jax.jit(kernel)(*tuple(_d.values())))

</pallas_src>

<mosaic_0001>
#map = affine_map<(d0, d1) -> (0, 0)>
#map1 = affine_map<(d0, d1) -> (0, 0, 0, 0)>
#map2 = affine_map<(d0, d1) -> (0)>
module attributes {stable_mosaic.version = 14 : i64} {
  func.func @decode(%arg0: i32, %arg1: i32, %arg2: memref<3276800x16xi32, #tpu.memory_space<hbm>>, %arg3: memref<2x32x125x80xi32, #tpu.memory_space<hbm>>, %arg4: memref<320000xf32, #tpu.memory_space<hbm>>, %arg5: memref<125x80xi32, #tpu.memory_space<vmem>>, %arg6: memref<125x80xi32, #tpu.memory_space<vmem>>, %arg7: memref<8x80xi32, #tpu.memory_space<vmem>>, %arg8: memref<8x80x16xi32, #tpu.memory_space<vmem>>, %arg9: memref<10000xf32, #tpu.memory_space<vmem>>, %arg10: memref<!tpu.dma_semaphore, #tpu.memory_space<semaphore_mem>>, %arg11: memref<!tpu.dma_semaphore, #tpu.memory_space<semaphore_mem>>, %arg12: memref<!tpu.dma_semaphore, #tpu.memory_space<semaphore_mem>>, %arg13: memref<!tpu.dma_semaphore, #tpu.memory_space<semaphore_mem>>, %arg14: memref<!tpu.dma_semaphore, #tpu.memory_space<semaphore_mem>>, %arg15: memref<!tpu.dma_semaphore, #tpu.memory_space<semaphore_mem>>, %arg16: memref<!tpu.dma_semaphore, #tpu.memory_space<semaphore_mem>>, %arg17: memref<!tpu.dma_semaphore, #tpu.memory_space<semaphore_mem>>) attributes {dimension_semantics = [#tpu.dimension_semantics<core_parallel>, #tpu.dimension_semantics<subcore_parallel>], iteration_bounds = array<i64: 2, 16>, scalar_prefetch = 0 : i64, scratch_operands = 13 : i64, tpu.core_type = #tpu.core_type<sc_vector_subcore>, window_params = [{transform_indices = #map}, {transform_indices = #map1}, {transform_indices = #map2}]} {
    %mul3A = arith.constant 2 : i32
    %mul3A_0 = arith.muli %arg1, %mul3A : i32
    %add3A = arith.addi %mul3A_0, %arg0 : i32
    %mul3A_1 = arith.constant 10000 : i32
    %mul3A_2 = arith.muli %add3A, %mul3A_1 : i32
    %run_scoped3A = arith.constant 0 : i32
    "tpu.region"() ({
      %run_scoped3A_236 = tpu.sem_alloc : memref<!tpu.dma_semaphore, #tpu.memory_space<semaphore_mem>>
      %dma_start3A_237 = arith.constant 0 : i32
      %dma_start3A_238 = arith.constant 0 : i32
      %dma_start3A_239 = tpu.memref_slice %arg3[%run_scoped3A, %add3A, %dma_start3A_237, %dma_start3A_238] : memref<2x32x125x80xi32, #tpu.memory_space<hbm>> -> memref<1x1x125x80xi32, #tpu.memory_space<hbm>>
      %dma_start3A_240 = tpu.memref_squeeze %dma_start3A_239 : memref<1x1x125x80xi32, #tpu.memory_space<hbm>> -> memref<125x80xi32, #tpu.memory_space<hbm>>
      %dma_start3A_241 = arith.constant 0 : i32
      %dma_start3A_242 = arith.constant 0 : i32
      %dma_start3A_243 = tpu.memref_slice %arg3[%run_scoped3A, %add3A, %dma_start3A_241, %dma_start3A_242] : memref<2x32x125x80xi32, #tpu.memory_space<hbm>> -> memref<1x1x125x80xi32, #tpu.memory_space<hbm>>
      %dma_start3A_244 = tpu.memref_squeeze %dma_start3A_243 : memref<1x1x125x80xi32, #tpu.memory_space<hbm>> -> memref<125x80xi32, #tpu.memory_space<hbm>>
      tpu.enqueue_dma source(%dma_start3A_244 : memref<125x80xi32, #tpu.memory_space<hbm>>) target(%arg5 : memref<125x80xi32, #tpu.memory_space<vmem>>) target_semaphore(%run_scoped3A_236 : memref<!tpu.dma_semaphore, #tpu.memory_space<semaphore_mem>>)
      %dma_wait3A_245 = arith.constant 0 : i32
      %dma_wait3A_246 = arith.constant 0 : i32
      %dma_wait3A_247 = tpu.memref_slice %arg3[%run_scoped3A, %add3A, %dma_wait3A_245, %dma_wait3A_246] : memref<2x32x125x80xi32, #tpu.memory_space<hbm>> -> memref<1x1x125x80xi32, #tpu.memory_space<hbm>>
      %dma_wait3A_248 = tpu.memref_squeeze %dma_wait3A_247 : memref<1x1x125x80xi32, #tpu.memory_space<hbm>> -> memref<125x80xi32, #tpu.memory_space<hbm>>
      %dma_wait3A_249 = arith.constant 0 : i32
      %dma_wait3A_250 = arith.constant 0 : i32
      %dma_wait3A_251 = tpu.memref_slice %arg3[%run_scoped3A, %add3A, %dma_wait3A_249, %dma_wait3A_250] : memref<2x32x125x80xi32, #tpu.memory_space<hbm>> -> memref<1x1x125x80xi32, #tpu.memory_space<hbm>>
      %dma_wait3A_252 = tpu.memref_squeeze %dma_wait3A_251 : memref<1x1x125x80xi32, #tpu.memory_space<hbm>> -> memref<125x80xi32, #tpu.memory_space<hbm>>
      tpu.wait_dma2 semaphore(%run_scoped3A_236 : memref<!tpu.dma_semaphore, #tpu.memory_space<semaphore_mem>>) src(%dma_wait3A_252 : memref<125x80xi32, #tpu.memory_space<hbm>>) dst(%arg5 : memref<125x80xi32, #tpu.memory_space<vmem>>)
      tpu.yield
    }) : () -> ()
    %run_scoped3A_3 = arith.constant 1 : i32
    "tpu.region"() ({
      %run_scoped3A_236 = tpu.sem_alloc : memref<!tpu.dma_semaphore, #tpu.memory_space<semaphore_mem>>
      %dma_start3A_237 = arith.constant 0 : i32
      %dma_start3A_238 = arith.constant 0 : i32
      %dma_start3A_239 = tpu.memref_slice %arg3[%run_scoped3A_3, %add3A, %dma_start3A_237, %dma_start3A_238] : memref<2x32x125x80xi32, #tpu.memory_space<hbm>> -> memref<1x1x125x80xi32, #tpu.memory_space<hbm>>
      %dma_start3A_240 = tpu.memref_squeeze %dma_start3A_239 : memref<1x1x125x80xi32, #tpu.memory_space<hbm>> -> memref<125x80xi32, #tpu.memory_space<hbm>>
      %dma_start3A_241 = arith.constant 0 : i32
      %dma_start3A_242 = arith.constant 0 : i32
      %dma_start3A_243 = tpu.memref_slice %arg3[%run_scoped3A_3, %add3A, %dma_start3A_241, %dma_start3A_242] : memref<2x32x125x80xi32, #tpu.memory_space<hbm>> -> memref<1x1x125x80xi32, #tpu.memory_space<hbm>>
      %dma_start3A_244 = tpu.memref_squeeze %dma_start3A_243 : memref<1x1x125x80xi32, #tpu.memory_space<hbm>> -> memref<125x80xi32, #tpu.memory_space<hbm>>
      tpu.enqueue_dma source(%dma_start3A_244 : memref<125x80xi32, #tpu.memory_space<hbm>>) target(%arg6 : memref<125x80xi32, #tpu.memory_space<vmem>>) target_semaphore(%run_scoped3A_236 : memref<!tpu.dma_semaphore, #tpu.memory_space<semaphore_mem>>)
      %dma_wait3A_245 = arith.constant 0 : i32
      %dma_wait3A_246 = arith.constant 0 : i32
      %dma_wait3A_247 = tpu.memref_slice %arg3[%run_scoped3A_3, %add3A, %dma_wait3A_245, %dma_wait3A_246] : memref<2x32x125x80xi32, #tpu.memory_space<hbm>> -> memref<1x1x125x80xi32, #tpu.memory_space<hbm>>
      %dma_wait3A_248 = tpu.memref_squeeze %dma_wait3A_247 : memref<1x1x125x80xi32, #tpu.memory_space<hbm>> -> memref<125x80xi32, #tpu.memory_space<hbm>>
      %dma_wait3A_249 = arith.constant 0 : i32
      %dma_wait3A_250 = arith.constant 0 : i32
      %dma_wait3A_251 = tpu.memref_slice %arg3[%run_scoped3A_3, %add3A, %dma_wait3A_249, %dma_wait3A_250] : memref<2x32x125x80xi32, #tpu.memory_space<hbm>> -> memref<1x1x125x80xi32, #tpu.memory_space<hbm>>
      %dma_wait3A_252 = tpu.memref_squeeze %dma_wait3A_251 : memref<1x1x125x80xi32, #tpu.memory_space<hbm>> -> memref<125x80xi32, #tpu.memory_space<hbm>>
      tpu.wait_dma2 semaphore(%run_scoped3A_236 : memref<!tpu.dma_semaphore, #tpu.memory_space<semaphore_mem>>) src(%dma_wait3A_252 : memref<125x80xi32, #tpu.memory_space<hbm>>) dst(%arg6 : memref<125x80xi32, #tpu.memory_space<vmem>>)
      tpu.yield
    }) : () -> ()
    %iota3A = tpu.iota {dimensions = array<i32: 0>} : vector<16xi32>
    %scan3A = arith.constant 0 : i32
    %scan3A_4 = arith.constant 0 : i32
    %scan3A_5 = arith.constant 5 : i32
    %scan3A_6 = arith.addi %scan3A_4, %scan3A_5 : i32
    %scan3A_7 = arith.constant 1 : i32
    %scan3A_8 = scf.for %scan3A_236 = %scan3A_4 to %scan3A_6 step %scan3A_7 iter_args(%scan3A_237 = %scan3A) -> (i32)  : i32 {
      %mul3A_238 = arith.constant 16 : i32
      %mul3A_239 = arith.muli %scan3A_236, %mul3A_238 : i32
      %get3A = arith.constant 0 : i32
      %get3A_240 = arith.index_cast %get3A : i32 to index
      %get3A_241 = arith.index_cast %mul3A_239 : i32 to index
      %get3A_242 = tpu.vector_load %arg5[%get3A_240, %get3A_241] {strides = array<i32>} : memref<125x80xi32, #tpu.memory_space<vmem>>, vector<16xi32>,
      %mul3A_243 = arith.constant 16 : i32
      %mul3A_244 = arith.muli %scan3A_236, %mul3A_243 : i32
      %get3A_245 = arith.constant 0 : i32
      %get3A_246 = arith.index_cast %get3A_245 : i32 to index
      %get3A_247 = arith.index_cast %mul3A_244 : i32 to index
      %get3A_248 = tpu.vector_load %arg6[%get3A_246, %get3A_247] {strides = array<i32>} : memref<125x80xi32, #tpu.memory_space<vmem>>, vector<16xi32>,
      %max3A = arith.maxsi %get3A_242, %get3A_248 : vector<16xi32>
      %min3A = arith.minsi %get3A_242, %get3A_248 : vector<16xi32>
      %shift_right_logical3A = arith.constant 3 : i32
      %shift_right_logical3A_249 = vector.broadcast %shift_right_logical3A : i32 to vector<16xi32>
      %shift_right_logical3A_250 = arith.shrui %max3A, %shift_right_logical3A_249 : vector<16xi32>
      %mul3A_251 = arith.constant 40 : i32
      %mul3A_252 = vector.broadcast %mul3A_251 : i32 to vector<16xi32>
      %mul3A_253 = arith.muli %shift_right_logical3A_250, %mul3A_252 : vector<16xi32>
      %shift_right_logical3A_254 = arith.constant 8 : i32
      %shift_right_logical3A_255 = vector.broadcast %shift_right_logical3A_254 : i32 to vector<16xi32>
      %shift_right_logical3A_256 = arith.shrui %min3A, %shift_right_logical3A_255 : vector<16xi32>
      %add3A_257 = arith.addi %mul3A_253, %shift_right_logical3A_256 : vector<16xi32>
      %mul3A_258 = arith.constant 1024 : i32
      %mul3A_259 = vector.broadcast %mul3A_258 : i32 to vector<16xi32>
      %mul3A_260 = arith.muli %add3A_257, %mul3A_259 : vector<16xi32>
      %and3A = arith.constant 7 : i32
      %and3A_261 = vector.broadcast %and3A : i32 to vector<16xi32>
      %and3A_262 = arith.andi %max3A, %and3A_261 : vector<16xi32>
      %shift_left3A = arith.constant 7 : i32
      %shift_left3A_263 = vector.broadcast %shift_left3A : i32 to vector<16xi32>
      %shift_left3A_264 = arith.shli %and3A_262, %shift_left3A_263 : vector<16xi32>
      %add3A_265 = arith.addi %mul3A_260, %shift_left3A_264 : vector<16xi32>
      %and3A_266 = arith.constant 127 : i32
      %and3A_267 = vector.broadcast %and3A_266 : i32 to vector<16xi32>
      %and3A_268 = arith.andi %min3A, %and3A_267 : vector<16xi32>
      %add3A_269 = arith.addi %add3A_265, %and3A_268 : vector<16xi32>
      %shift_right_logical3A_270 = arith.constant 7 : i32
      %shift_right_logical3A_271 = vector.broadcast %shift_right_logical3A_270 : i32 to vector<16xi32>
      %shift_right_logical3A_272 = arith.shrui %min3A, %shift_right_logical3A_271 : vector<16xi32>
      %and3A_273 = arith.constant 1 : i32
      %and3A_274 = vector.broadcast %and3A_273 : i32 to vector<16xi32>
      %and3A_275 = arith.andi %shift_right_logical3A_272, %and3A_274 : vector<16xi32>
      %shift_right_logical3A_276 = arith.constant 4 : i32
      %shift_right_logical3A_277 = vector.broadcast %shift_right_logical3A_276 : i32 to vector<16xi32>
      %shift_right_logical3A_278 = arith.shrui %add3A_269, %shift_right_logical3A_277 : vector<16xi32>
      %mul3A_279 = arith.constant 16 : i32
      %mul3A_280 = arith.muli %scan3A_236, %mul3A_279 : i32
      %swap3A = arith.constant 0 : i32
      %swap3A_281 = arith.index_cast %swap3A : i32 to index
      %swap3A_282 = arith.index_cast %mul3A_280 : i32 to index
      %swap3A_283 = tpu.vector_load %arg7[%swap3A_281, %swap3A_282] {strides = array<i32>} : memref<8x80xi32, #tpu.memory_space<vmem>>, vector<16xi32>,
      tpu.vector_store %arg7[%swap3A_281, %swap3A_282], %shift_right_logical3A_278 {strides = array<i32>} : memref<8x80xi32, #tpu.memory_space<vmem>>, vector<16xi32>,
      %scan3A_284 = arith.constant 0 : i32
      scf.yield %scan3A_284 : i32
    }
    %scan3A_9 = arith.constant 5 : i32
    %dma_start3A = arith.constant 0 : i32
    %dma_start3A_10 = arith.constant 0 : i32
    %dma_start3A_11 = arith.constant 0 : i32
    %dma_start3A_12 = arith.constant 0 : i32
    %dma_start3A_13 = tpu.memref_slice %arg8[%dma_start3A_10, %dma_start3A_11, %dma_start3A_12] : memref<8x80x16xi32, #tpu.memory_space<vmem>> -> memref<1x80x16xi32, #tpu.memory_space<vmem>>
    %dma_start3A_14 = tpu.memref_squeeze %dma_start3A_13 : memref<1x80x16xi32, #tpu.memory_space<vmem>> -> memref<80x16xi32, #tpu.memory_space<vmem>>
    %dma_start3A_15 = arith.constant 0 : i32
    %dma_start3A_16 = tpu.memref_slice %arg7[%dma_start3A, %dma_start3A_15] : memref<8x80xi32, #tpu.memory_space<vmem>> -> memref<1x80xi32, #tpu.memory_space<vmem>>
    %dma_start3A_17 = tpu.memref_squeeze %dma_start3A_16 : memref<1x80xi32, #tpu.memory_space<vmem>> -> memref<80xi32, #tpu.memory_space<vmem>>
    %dma_start3A_18 = arith.constant 0 : i32
    %dma_start3A_19 = arith.constant 0 : i32
    %dma_start3A_20 = tpu.memref_slice %arg2[%dma_start3A_18, %dma_start3A_19] : memref<3276800x16xi32, #tpu.memory_space<hbm>> -> memref<3276800x16xi32, #tpu.memory_space<hbm>>
    tpu.enqueue_indirect_dma source(%dma_start3A_20 : memref<3276800x16xi32, #tpu.memory_space<hbm>>) target(%dma_start3A_14 : memref<80x16xi32, #tpu.memory_space<vmem>>) offsets(%dma_start3A_17 : memref<80xi32, #tpu.memory_space<vmem>>) semaphore(%arg10 : memref<!tpu.dma_semaphore, #tpu.memory_space<semaphore_mem>>)
    %scan3A_21 = arith.constant 0 : i32
    %scan3A_22 = arith.constant 0 : i32
    %scan3A_23 = arith.constant 5 : i32
    %scan3A_24 = arith.addi %scan3A_22, %scan3A_23 : i32
    %scan3A_25 = arith.constant 1 : i32
    %scan3A_26 = scf.for %scan3A_236 = %scan3A_22 to %scan3A_24 step %scan3A_25 iter_args(%scan3A_237 = %scan3A_21) -> (i32)  : i32 {
      %mul3A_238 = arith.constant 16 : i32
      %mul3A_239 = arith.muli %scan3A_236, %mul3A_238 : i32
      %get3A = arith.constant 1 : i32
      %get3A_240 = arith.index_cast %get3A : i32 to index
      %get3A_241 = arith.index_cast %mul3A_239 : i32 to index
      %get3A_242 = tpu.vector_load %arg5[%get3A_240, %get3A_241] {strides = array<i32>} : memref<125x80xi32, #tpu.memory_space<vmem>>, vector<16xi32>,
      %mul3A_243 = arith.constant 16 : i32
      %mul3A_244 = arith.muli %scan3A_236, %mul3A_243 : i32
      %get3A_245 = arith.constant 1 : i32
      %get3A_246 = arith.index_cast %get3A_245 : i32 to index
      %get3A_247 = arith.index_cast %mul3A_244 : i32 to index
      %get3A_248 = tpu.vector_load %arg6[%get3A_246, %get3A_247] {strides = array<i32>} : memref<125x80xi32, #tpu.memory_space<vmem>>, vector<16xi32>,
      %max3A = arith.maxsi %get3A_242, %get3A_248 : vector<16xi32>
      %min3A = arith.minsi %get3A_242, %get3A_248 : vector<16xi32>
      %shift_right_logical3A = arith.constant 3 : i32
      %shift_right_logical3A_249 = vector.broadcast %shift_right_logical3A : i32 to vector<16xi32>
      %shift_right_logical3A_250 = arith.shrui %max3A, %shift_right_logical3A_249 : vector<16xi32>
      %mul3A_251 = arith.constant 40 : i32
      %mul3A_252 = vector.broadcast %mul3A_251 : i32 to vector<16xi32>
      %mul3A_253 = arith.muli %shift_right_logical3A_250, %mul3A_252 : vector<16xi32>
      %shift_right_logical3A_254 = arith.constant 8 : i32
      %shift_right_logical3A_255 = vector.broadcast %shift_right_logical3A_254 : i32 to vector<16xi32>
      %shift_right_logical3A_256 = arith.shrui %min3A, %shift_right_logical3A_255 : vector<16xi32>
      %add3A_257 = arith.addi %mul3A_253, %shift_right_logical3A_256 : vector<16xi32>
      %mul3A_258 = arith.constant 1024 : i32
      %mul3A_259 = vector.broadcast %mul3A_258 : i32 to vector<16xi32>
      %mul3A_260 = arith.muli %add3A_257, %mul3A_259 : vector<16xi32>
      %and3A = arith.constant 7 : i32
      %and3A_261 = vector.broadcast %and3A : i32 to vector<16xi32>
      %and3A_262 = arith.andi %max3A, %and3A_261 : vector<16xi32>
      %shift_left3A = arith.constant 7 : i32
      %shift_left3A_263 = vector.broadcast %shift_left3A : i32 to vector<16xi32>
      %shift_left3A_264 = arith.shli %and3A_262, %shift_left3A_263 : vector<16xi32>
      %add3A_265 = arith.addi %mul3A_260, %shift_left3A_264 : vector<16xi32>
      %and3A_266 = arith.constant 127 : i32
      %and3A_267 = vector.broadcast %and3A_266 : i32 to vector<16xi32>
      %and3A_268 = arith.andi %min3A, %and3A_267 : vector<16xi32>
      %add3A_269 = arith.addi %add3A_265, %and3A_268 : vector<16xi32>
      %shift_right_logical3A_270 = arith.constant 7 : i32
      %shift_right_logical3A_271 = vector.broadcast %shift_right_logical3A_270 : i32 to vector<16xi32>
      %shift_right_logical3A_272 = arith.shrui %min3A, %shift_right_logical3A_271 : vector<16xi32>
      %and3A_273 = arith.constant 1 : i32
      %and3A_274 = vector.broadcast %and3A_273 : i32 to vector<16xi32>
      %and3A_275 = arith.andi %shift_right_logical3A_272, %and3A_274 : vector<16xi32>
      %shift_right_logical3A_276 = arith.constant 4 : i32
      %shift_right_logical3A_277 = vector.broadcast %shift_right_logical3A_276 : i32 to vector<16xi32>
      %shift_right_logical3A_278 = arith.shrui %add3A_269, %shift_right_logical3A_277 : vector<16xi32>
      %mul3A_279 = arith.constant 16 : i32
      %mul3A_280 = arith.muli %scan3A_236, %mul3A_279 : i32
      %swap3A = arith.constant 1 : i32
      %swap3A_281 = arith.index_cast %swap3A : i32 to index
      %swap3A_282 = arith.index_cast %mul3A_280 : i32 to index
      %swap3A_283 = tpu.vector_load %arg7[%swap3A_281, %swap3A_282] {strides = array<i32>} : memref<8x80xi32, #tpu.memory_space<vmem>>, vector<16xi32>,
      tpu.vector_store %arg7[%swap3A_281, %swap3A_282], %shift_right_logical3A_278 {strides = array<i32>} : memref<8x80xi32, #tpu.memory_space<vmem>>, vector<16xi32>,
      %scan3A_284 = arith.constant 0 : i32
      scf.yield %scan3A_284 : i32
    }
    %scan3A_27 = arith.constant 5 : i32
    %dma_start3A_28 = arith.constant 1 : i32
    %dma_start3A_29 = arith.constant 1 : i32
    %dma_start3A_30 = arith.constant 0 : i32
    %dma_start3A_31 = arith.constant 0 : i32
    %dma_start3A_32 = tpu.memref_slice %arg8[%dma_start3A_29, %dma_start3A_30, %dma_start3A_31] : memref<8x80x16xi32, #tpu.memory_space<vmem>> -> memref<1x80x16xi32, #tpu.memory_space<vmem>>
    %dma_start3A_33 = tpu.memref_squeeze %dma_start3A_32 : memref<1x80x16xi32, #tpu.memory_space<vmem>> -> memref<80x16xi32, #tpu.memory_space<vmem>>
    %dma_start3A_34 = arith.constant 0 : i32
    %dma_start3A_35 = tpu.memref_slice %arg7[%dma_start3A_28, %dma_start3A_34] : memref<8x80xi32, #tpu.memory_space<vmem>> -> memref<1x80xi32, #tpu.memory_space<vmem>>
    %dma_start3A_36 = tpu.memref_squeeze %dma_start3A_35 : memref<1x80xi32, #tpu.memory_space<vmem>> -> memref<80xi32, #tpu.memory_space<vmem>>
    %dma_start3A_37 = arith.constant 0 : i32
    %dma_start3A_38 = arith.constant 0 : i32
    %dma_start3A_39 = tpu.memref_slice %arg2[%dma_start3A_37, %dma_start3A_38] : memref<3276800x16xi32, #tpu.memory_space<hbm>> -> memref<3276800x16xi32, #tpu.memory_space<hbm>>
    tpu.enqueue_indirect_dma source(%dma_start3A_39 : memref<3276800x16xi32, #tpu.memory_space<hbm>>) target(%dma_start3A_33 : memref<80x16xi32, #tpu.memory_space<vmem>>) offsets(%dma_start3A_36 : memref<80xi32, #tpu.memory_space<vmem>>) semaphore(%arg11 : memref<!tpu.dma_semaphore, #tpu.memory_space<semaphore_mem>>)
    %scan3A_40 = arith.constant 0 : i32
    %scan3A_41 = arith.constant 0 : i32
    %scan3A_42 = arith.constant 5 : i32
    %scan3A_43 = arith.addi %scan3A_41, %scan3A_42 : i32
    %scan3A_44 = arith.constant 1 : i32
    %scan3A_45 = scf.for %scan3A_236 = %scan3A_41 to %scan3A_43 step %scan3A_44 iter_args(%scan3A_237 = %scan3A_40) -> (i32)  : i32 {
      %mul3A_238 = arith.constant 16 : i32
      %mul3A_239 = arith.muli %scan3A_236, %mul3A_238 : i32
      %get3A = arith.constant 2 : i32
      %get3A_240 = arith.index_cast %get3A : i32 to index
      %get3A_241 = arith.index_cast %mul3A_239 : i32 to index
      %get3A_242 = tpu.vector_load %arg5[%get3A_240, %get3A_241] {strides = array<i32>} : memref<125x80xi32, #tpu.memory_space<vmem>>, vector<16xi32>,
      %mul3A_243 = arith.constant 16 : i32
      %mul3A_244 = arith.muli %scan3A_236, %mul3A_243 : i32
      %get3A_245 = arith.constant 2 : i32
      %get3A_246 = arith.index_cast %get3A_245 : i32 to index
      %get3A_247 = arith.index_cast %mul3A_244 : i32 to index
      %get3A_248 = tpu.vector_load %arg6[%get3A_246, %get3A_247] {strides = array<i32>} : memref<125x80xi32, #tpu.memory_space<vmem>>, vector<16xi32>,
      %max3A = arith.maxsi %get3A_242, %get3A_248 : vector<16xi32>
      %min3A = arith.minsi %get3A_242, %get3A_248 : vector<16xi32>
      %shift_right_logical3A = arith.constant 3 : i32
      %shift_right_logical3A_249 = vector.broadcast %shift_right_logical3A : i32 to vector<16xi32>
      %shift_right_logical3A_250 = arith.shrui %max3A, %shift_right_logical3A_249 : vector<16xi32>
      %mul3A_251 = arith.constant 40 : i32
      %mul3A_252 = vector.broadcast %mul3A_251 : i32 to vector<16xi32>
      %mul3A_253 = arith.muli %shift_right_logical3A_250, %mul3A_252 : vector<16xi32>
      %shift_right_logical3A_254 = arith.constant 8 : i32
      %shift_right_logical3A_255 = vector.broadcast %shift_right_logical3A_254 : i32 to vector<16xi32>
      %shift_right_logical3A_256 = arith.shrui %min3A, %shift_right_logical3A_255 : vector<16xi32>
      %add3A_257 = arith.addi %mul3A_253, %shift_right_logical3A_256 : vector<16xi32>
      %mul3A_258 = arith.constant 1024 : i32
      %mul3A_259 = vector.broadcast %mul3A_258 : i32 to vector<16xi32>
      %mul3A_260 = arith.muli %add3A_257, %mul3A_259 : vector<16xi32>
      %and3A = arith.constant 7 : i32
      %and3A_261 = vector.broadcast %and3A : i32 to vector<16xi32>
      %and3A_262 = arith.andi %max3A, %and3A_261 : vector<16xi32>
      %shift_left3A = arith.constant 7 : i32
      %shift_left3A_263 = vector.broadcast %shift_left3A : i32 to vector<16xi32>
      %shift_left3A_264 = arith.shli %and3A_262, %shift_left3A_263 : vector<16xi32>
      %add3A_265 = arith.addi %mul3A_260, %shift_left3A_264 : vector<16xi32>
      %and3A_266 = arith.constant 127 : i32
      %and3A_267 = vector.broadcast %and3A_266 : i32 to vector<16xi32>
      %and3A_268 = arith.andi %min3A, %and3A_267 : vector<16xi32>
      %add3A_269 = arith.addi %add3A_265, %and3A_268 : vector<16xi32>
      %shift_right_logical3A_270 = arith.constant 7 : i32
      %shift_right_logical3A_271 = vector.broadcast %shift_right_logical3A_270 : i32 to vector<16xi32>
      %shift_right_logical3A_272 = arith.shrui %min3A, %shift_right_logical3A_271 : vector<16xi32>
      %and3A_273 = arith.constant 1 : i32
      %and3A_274 = vector.broadcast %and3A_273 : i32 to vector<16xi32>
      %and3A_275 = arith.andi %shift_right_logical3A_272, %and3A_274 : vector<16xi32>
      %shift_right_logical3A_276 = arith.constant 4 : i32
      %shift_right_logical3A_277 = vector.broadcast %shift_right_logical3A_276 : i32 to vector<16xi32>
      %shift_right_logical3A_278 = arith.shrui %add3A_269, %shift_right_logical3A_277 : vector<16xi32>
      %mul3A_279 = arith.constant 16 : i32
      %mul3A_280 = arith.muli %scan3A_236, %mul3A_279 : i32
      %swap3A = arith.constant 2 : i32
      %swap3A_281 = arith.index_cast %swap3A : i32 to index
      %swap3A_282 = arith.index_cast %mul3A_280 : i32 to index
      %swap3A_283 = tpu.vector_load %arg7[%swap3A_281, %swap3A_282] {strides = array<i32>} : memref<8x80xi32, #tpu.memory_space<vmem>>, vector<16xi32>,
      tpu.vector_store %arg7[%swap3A_281, %swap3A_282], %shift_right_logical3A_278 {strides = array<i32>} : memref<8x80xi32, #tpu.memory_space<vmem>>, vector<16xi32>,
      %scan3A_284 = arith.constant 0 : i32
      scf.yield %scan3A_284 : i32
    }
    %scan3A_46 = arith.constant 5 : i32
    %dma_start3A_47 = arith.constant 2 : i32
    %dma_start3A_48 = arith.constant 2 : i32
    %dma_start3A_49 = arith.constant 0 : i32
    %dma_start3A_50 = arith.constant 0 : i32
    %dma_start3A_51 = tpu.memref_slice %arg8[%dma_start3A_48, %dma_start3A_49, %dma_start3A_50] : memref<8x80x16xi32, #tpu.memory_space<vmem>> -> memref<1x80x16xi32, #tpu.memory_space<vmem>>
    %dma_start3A_52 = tpu.memref_squeeze %dma_start3A_51 : memref<1x80x16xi32, #tpu.memory_space<vmem>> -> memref<80x16xi32, #tpu.memory_space<vmem>>
    %dma_start3A_53 = arith.constant 0 : i32
    %dma_start3A_54 = tpu.memref_slice %arg7[%dma_start3A_47, %dma_start3A_53] : memref<8x80xi32, #tpu.memory_space<vmem>> -> memref<1x80xi32, #tpu.memory_space<vmem>>
    %dma_start3A_55 = tpu.memref_squeeze %dma_start3A_54 : memref<1x80xi32, #tpu.memory_space<vmem>> -> memref<80xi32, #tpu.memory_space<vmem>>
    %dma_start3A_56 = arith.constant 0 : i32
    %dma_start3A_57 = arith.constant 0 : i32
    %dma_start3A_58 = tpu.memref_slice %arg2[%dma_start3A_56, %dma_start3A_57] : memref<3276800x16xi32, #tpu.memory_space<hbm>> -> memref<3276800x16xi32, #tpu.memory_space<hbm>>
    tpu.enqueue_indirect_dma source(%dma_start3A_58 : memref<3276800x16xi32, #tpu.memory_space<hbm>>) target(%dma_start3A_52 : memref<80x16xi32, #tpu.memory_space<vmem>>) offsets(%dma_start3A_55 : memref<80xi32, #tpu.memory_space<vmem>>) semaphore(%arg12 : memref<!tpu.dma_semaphore, #tpu.memory_space<semaphore_mem>>)
    %scan3A_59 = arith.constant 0 : i32
    %scan3A_60 = arith.constant 0 : i32
    %scan3A_61 = arith.constant 5 : i32
    %scan3A_62 = arith.addi %scan3A_60, %scan3A_61 : i32
    %scan3A_63 = arith.constant 1 : i32
    %scan3A_64 = scf.for %scan3A_236 = %scan3A_60 to %scan3A_62 step %scan3A_63 iter_args(%scan3A_237 = %scan3A_59) -> (i32)  : i32 {
      %mul3A_238 = arith.constant 16 : i32
      %mul3A_239 = arith.muli %scan3A_236, %mul3A_238 : i32
      %get3A = arith.constant 3 : i32
      %get3A_240 = arith.index_cast %get3A : i32 to index
      %get3A_241 = arith.index_cast %mul3A_239 : i32 to index
      %get3A_242 = tpu.vector_load %arg5[%get3A_240, %get3A_241] {strides = array<i32>} : memref<125x80xi32, #tpu.memory_space<vmem>>, vector<16xi32>,
      %mul3A_243 = arith.constant 16 : i32
      %mul3A_244 = arith.muli %scan3A_236, %mul3A_243 : i32
      %get3A_245 = arith.constant 3 : i32
      %get3A_246 = arith.index_cast %get3A_245 : i32 to index
      %get3A_247 = arith.index_cast %mul3A_244 : i32 to index
      %get3A_248 = tpu.vector_load %arg6[%get3A_246, %get3A_247] {strides = array<i32>} : memref<125x80xi32, #tpu.memory_space<vmem>>, vector<16xi32>,
      %max3A = arith.maxsi %get3A_242, %get3A_248 : vector<16xi32>
      %min3A = arith.minsi %get3A_242, %get3A_248 : vector<16xi32>
      %shift_right_logical3A = arith.constant 3 : i32
      %shift_right_logical3A_249 = vector.broadcast %shift_right_logical3A : i32 to vector<16xi32>
      %shift_right_logical3A_250 = arith.shrui %max3A, %shift_right_logical3A_249 : vector<16xi32>
      %mul3A_251 = arith.constant 40 : i32
      %mul3A_252 = vector.broadcast %mul3A_251 : i32 to vector<16xi32>
      %mul3A_253 = arith.muli %shift_right_logical3A_250, %mul3A_252 : vector<16xi32>
      %shift_right_logical3A_254 = arith.constant 8 : i32
      %shift_right_logical3A_255 = vector.broadcast %shift_right_logical3A_254 : i32 to vector<16xi32>
      %shift_right_logical3A_256 = arith.shrui %min3A, %shift_right_logical3A_255 : vector<16xi32>
      %add3A_257 = arith.addi %mul3A_253, %shift_right_logical3A_256 : vector<16xi32>
      %mul3A_258 = arith.constant 1024 : i32
      %mul3A_259 = vector.broadcast %mul3A_258 : i32 to vector<16xi32>
      %mul3A_260 = arith.muli %add3A_257, %mul3A_259 : vector<16xi32>
      %and3A = arith.constant 7 : i32
      %and3A_261 = vector.broadcast %and3A : i32 to vector<16xi32>
      %and3A_262 = arith.andi %max3A, %and3A_261 : vector<16xi32>
      %shift_left3A = arith.constant 7 : i32
      %shift_left3A_263 = vector.broadcast %shift_left3A : i32 to vector<16xi32>
      %shift_left3A_264 = arith.shli %and3A_262, %shift_left3A_263 : vector<16xi32>
      %add3A_265 = arith.addi %mul3A_260, %shift_left3A_264 : vector<16xi32>
      %and3A_266 = arith.constant 127 : i32
      %and3A_267 = vector.broadcast %and3A_266 : i32 to vector<16xi32>
      %and3A_268 = arith.andi %min3A, %and3A_267 : vector<16xi32>
      %add3A_269 = arith.addi %add3A_265, %and3A_268 : vector<16xi32>
      %shift_right_logical3A_270 = arith.constant 7 : i32
      %shift_right_logical3A_271 = vector.broadcast %shift_right_logical3A_270 : i32 to vector<16xi32>
      %shift_right_logical3A_272 = arith.shrui %min3A, %shift_right_logical3A_271 : vector<16xi32>
      %and3A_273 = arith.constant 1 : i32
      %and3A_274 = vector.broadcast %and3A_273 : i32 to vector<16xi32>
      %and3A_275 = arith.andi %shift_right_logical3A_272, %and3A_274 : vector<16xi32>
      %shift_right_logical3A_276 = arith.constant 4 : i32
      %shift_right_logical3A_277 = vector.broadcast %shift_right_logical3A_276 : i32 to vector<16xi32>
      %shift_right_logical3A_278 = arith.shrui %add3A_269, %shift_right_logical3A_277 : vector<16xi32>
      %mul3A_279 = arith.constant 16 : i32
      %mul3A_280 = arith.muli %scan3A_236, %mul3A_279 : i32
      %swap3A = arith.constant 3 : i32
      %swap3A_281 = arith.index_cast %swap3A : i32 to index
      %swap3A_282 = arith.index_cast %mul3A_280 : i32 to index
      %swap3A_283 = tpu.vector_load %arg7[%swap3A_281, %swap3A_282] {strides = array<i32>} : memref<8x80xi32, #tpu.memory_space<vmem>>, vector<16xi32>,
      tpu.vector_store %arg7[%swap3A_281, %swap3A_282], %shift_right_logical3A_278 {strides = array<i32>} : memref<8x80xi32, #tpu.memory_space<vmem>>, vector<16xi32>,
      %scan3A_284 = arith.constant 0 : i32
      scf.yield %scan3A_284 : i32
    }
    %scan3A_65 = arith.constant 5 : i32
    %dma_start3A_66 = arith.constant 3 : i32
    %dma_start3A_67 = arith.constant 3 : i32
    %dma_start3A_68 = arith.constant 0 : i32
    %dma_start3A_69 = arith.constant 0 : i32
    %dma_start3A_70 = tpu.memref_slice %arg8[%dma_start3A_67, %dma_start3A_68, %dma_start3A_69] : memref<8x80x16xi32, #tpu.memory_space<vmem>> -> memref<1x80x16xi32, #tpu.memory_space<vmem>>
    %dma_start3A_71 = tpu.memref_squeeze %dma_start3A_70 : memref<1x80x16xi32, #tpu.memory_space<vmem>> -> memref<80x16xi32, #tpu.memory_space<vmem>>
    %dma_start3A_72 = arith.constant 0 : i32
    %dma_start3A_73 = tpu.memref_slice %arg7[%dma_start3A_66, %dma_start3A_72] : memref<8x80xi32, #tpu.memory_space<vmem>> -> memref<1x80xi32, #tpu.memory_space<vmem>>
    %dma_start3A_74 = tpu.memref_squeeze %dma_start3A_73 : memref<1x80xi32, #tpu.memory_space<vmem>> -> memref<80xi32, #tpu.memory_space<vmem>>
    %dma_start3A_75 = arith.constant 0 : i32
    %dma_start3A_76 = arith.constant 0 : i32
    %dma_start3A_77 = tpu.memref_slice %arg2[%dma_start3A_75, %dma_start3A_76] : memref<3276800x16xi32, #tpu.memory_space<hbm>> -> memref<3276800x16xi32, #tpu.memory_space<hbm>>
    tpu.enqueue_indirect_dma source(%dma_start3A_77 : memref<3276800x16xi32, #tpu.memory_space<hbm>>) target(%dma_start3A_71 : memref<80x16xi32, #tpu.memory_space<vmem>>) offsets(%dma_start3A_74 : memref<80xi32, #tpu.memory_space<vmem>>) semaphore(%arg13 : memref<!tpu.dma_semaphore, #tpu.memory_space<semaphore_mem>>)
    %scan3A_78 = arith.constant 0 : i32
    %scan3A_79 = arith.constant 0 : i32
    %scan3A_80 = arith.constant 5 : i32
    %scan3A_81 = arith.addi %scan3A_79, %scan3A_80 : i32
    %scan3A_82 = arith.constant 1 : i32
    %scan3A_83 = scf.for %scan3A_236 = %scan3A_79 to %scan3A_81 step %scan3A_82 iter_args(%scan3A_237 = %scan3A_78) -> (i32)  : i32 {
      %mul3A_238 = arith.constant 16 : i32
      %mul3A_239 = arith.muli %scan3A_236, %mul3A_238 : i32
      %get3A = arith.constant 4 : i32
      %get3A_240 = arith.index_cast %get3A : i32 to index
      %get3A_241 = arith.index_cast %mul3A_239 : i32 to index
      %get3A_242 = tpu.vector_load %arg5[%get3A_240, %get3A_241] {strides = array<i32>} : memref<125x80xi32, #tpu.memory_space<vmem>>, vector<16xi32>,
      %mul3A_243 = arith.constant 16 : i32
      %mul3A_244 = arith.muli %scan3A_236, %mul3A_243 : i32
      %get3A_245 = arith.constant 4 : i32
      %get3A_246 = arith.index_cast %get3A_245 : i32 to index
      %get3A_247 = arith.index_cast %mul3A_244 : i32 to index
      %get3A_248 = tpu.vector_load %arg6[%get3A_246, %get3A_247] {strides = array<i32>} : memref<125x80xi32, #tpu.memory_space<vmem>>, vector<16xi32>,
      %max3A = arith.maxsi %get3A_242, %get3A_248 : vector<16xi32>
      %min3A = arith.minsi %get3A_242, %get3A_248 : vector<16xi32>
      %shift_right_logical3A = arith.constant 3 : i32
      %shift_right_logical3A_249 = vector.broadcast %shift_right_logical3A : i32 to vector<16xi32>
      %shift_right_logical3A_250 = arith.shrui %max3A, %shift_right_logical3A_249 : vector<16xi32>
      %mul3A_251 = arith.constant 40 : i32
      %mul3A_252 = vector.broadcast %mul3A_251 : i32 to vector<16xi32>
      %mul3A_253 = arith.muli %shift_right_logical3A_250, %mul3A_252 : vector<16xi32>
      %shift_right_logical3A_254 = arith.constant 8 : i32
      %shift_right_logical3A_255 = vector.broadcast %shift_right_logical3A_254 : i32 to vector<16xi32>
      %shift_right_logical3A_256 = arith.shrui %min3A, %shift_right_logical3A_255 : vector<16xi32>
      %add3A_257 = arith.addi %mul3A_253, %shift_right_logical3A_256 : vector<16xi32>
      %mul3A_258 = arith.constant 1024 : i32
      %mul3A_259 = vector.broadcast %mul3A_258 : i32 to vector<16xi32>
      %mul3A_260 = arith.muli %add3A_257, %mul3A_259 : vector<16xi32>
      %and3A = arith.constant 7 : i32
      %and3A_261 = vector.broadcast %and3A : i32 to vector<16xi32>
      %and3A_262 = arith.andi %max3A, %and3A_261 : vector<16xi32>
      %shift_left3A = arith.constant 7 : i32
      %shift_left3A_263 = vector.broadcast %shift_left3A : i32 to vector<16xi32>
      %shift_left3A_264 = arith.shli %and3A_262, %shift_left3A_263 : vector<16xi32>
      %add3A_265 = arith.addi %mul3A_260, %shift_left3A_264 : vector<16xi32>
      %and3A_266 = arith.constant 127 : i32
      %and3A_267 = vector.broadcast %and3A_266 : i32 to vector<16xi32>
      %and3A_268 = arith.andi %min3A, %and3A_267 : vector<16xi32>
      %add3A_269 = arith.addi %add3A_265, %and3A_268 : vector<16xi32>
      %shift_right_logical3A_270 = arith.constant 7 : i32
      %shift_right_logical3A_271 = vector.broadcast %shift_right_logical3A_270 : i32 to vector<16xi32>
      %shift_right_logical3A_272 = arith.shrui %min3A, %shift_right_logical3A_271 : vector<16xi32>
      %and3A_273 = arith.constant 1 : i32
      %and3A_274 = vector.broadcast %and3A_273 : i32 to vector<16xi32>
      %and3A_275 = arith.andi %shift_right_logical3A_272, %and3A_274 : vector<16xi32>
      %shift_right_logical3A_276 = arith.constant 4 : i32
      %shift_right_logical3A_277 = vector.broadcast %shift_right_logical3A_276 : i32 to vector<16xi32>
      %shift_right_logical3A_278 = arith.shrui %add3A_269, %shift_right_logical3A_277 : vector<16xi32>
      %mul3A_279 = arith.constant 16 : i32
      %mul3A_280 = arith.muli %scan3A_236, %mul3A_279 : i32
      %swap3A = arith.constant 4 : i32
      %swap3A_281 = arith.index_cast %swap3A : i32 to index
      %swap3A_282 = arith.index_cast %mul3A_280 : i32 to index
      %swap3A_283 = tpu.vector_load %arg7[%swap3A_281, %swap3A_282] {strides = array<i32>} : memref<8x80xi32, #tpu.memory_space<vmem>>, vector<16xi32>,
      tpu.vector_store %arg7[%swap3A_281, %swap3A_282], %shift_right_logical3A_278 {strides = array<i32>} : memref<8x80xi32, #tpu.memory_space<vmem>>, vector<16xi32>,
      %scan3A_284 = arith.constant 0 : i32
      scf.yield %scan3A_284 : i32
    }
    %scan3A_84 = arith.constant 5 : i32
    %dma_start3A_85 = arith.constant 4 : i32
    %dma_start3A_86 = arith.constant 4 : i32
    %dma_start3A_87 = arith.constant 0 : i32
    %dma_start3A_88 = arith.constant 0 : i32
    %dma_start3A_89 = tpu.memref_slice %arg8[%dma_start3A_86, %dma_start3A_87, %dma_start3A_88] : memref<8x80x16xi32, #tpu.memory_space<vmem>> -> memref<1x80x16xi32, #tpu.memory_space<vmem>>
    %dma_start3A_90 = tpu.memref_squeeze %dma_start3A_89 : memref<1x80x16xi32, #tpu.memory_space<vmem>> -> memref<80x16xi32, #tpu.memory_space<vmem>>
    %dma_start3A_91 = arith.constant 0 : i32
    %dma_start3A_92 = tpu.memref_slice %arg7[%dma_start3A_85, %dma_start3A_91] : memref<8x80xi32, #tpu.memory_space<vmem>> -> memref<1x80xi32, #tpu.memory_space<vmem>>
    %dma_start3A_93 = tpu.memref_squeeze %dma_start3A_92 : memref<1x80xi32, #tpu.memory_space<vmem>> -> memref<80xi32, #tpu.memory_space<vmem>>
    %dma_start3A_94 = arith.constant 0 : i32
    %dma_start3A_95 = arith.constant 0 : i32
    %dma_start3A_96 = tpu.memref_slice %arg2[%dma_start3A_94, %dma_start3A_95] : memref<3276800x16xi32, #tpu.memory_space<hbm>> -> memref<3276800x16xi32, #tpu.memory_space<hbm>>
    tpu.enqueue_indirect_dma source(%dma_start3A_96 : memref<3276800x16xi32, #tpu.memory_space<hbm>>) target(%dma_start3A_90 : memref<80x16xi32, #tpu.memory_space<vmem>>) offsets(%dma_start3A_93 : memref<80xi32, #tpu.memory_space<vmem>>) semaphore(%arg14 : memref<!tpu.dma_semaphore, #tpu.memory_space<semaphore_mem>>)
    %scan3A_97 = arith.constant 0 : i32
    %scan3A_98 = arith.constant 0 : i32
    %scan3A_99 = arith.constant 5 : i32
    %scan3A_100 = arith.addi %scan3A_98, %scan3A_99 : i32
    %scan3A_101 = arith.constant 1 : i32
    %scan3A_102 = scf.for %scan3A_236 = %scan3A_98 to %scan3A_100 step %scan3A_101 iter_args(%scan3A_237 = %scan3A_97) -> (i32)  : i32 {
      %mul3A_238 = arith.constant 16 : i32
      %mul3A_239 = arith.muli %scan3A_236, %mul3A_238 : i32
      %get3A = arith.constant 5 : i32
      %get3A_240 = arith.index_cast %get3A : i32 to index
      %get3A_241 = arith.index_cast %mul3A_239 : i32 to index
      %get3A_242 = tpu.vector_load %arg5[%get3A_240, %get3A_241] {strides = array<i32>} : memref<125x80xi32, #tpu.memory_space<vmem>>, vector<16xi32>,
      %mul3A_243 = arith.constant 16 : i32
      %mul3A_244 = arith.muli %scan3A_236, %mul3A_243 : i32
      %get3A_245 = arith.constant 5 : i32
      %get3A_246 = arith.index_cast %get3A_245 : i32 to index
      %get3A_247 = arith.index_cast %mul3A_244 : i32 to index
      %get3A_248 = tpu.vector_load %arg6[%get3A_246, %get3A_247] {strides = array<i32>} : memref<125x80xi32, #tpu.memory_space<vmem>>, vector<16xi32>,
      %max3A = arith.maxsi %get3A_242, %get3A_248 : vector<16xi32>
      %min3A = arith.minsi %get3A_242, %get3A_248 : vector<16xi32>
      %shift_right_logical3A = arith.constant 3 : i32
      %shift_right_logical3A_249 = vector.broadcast %shift_right_logical3A : i32 to vector<16xi32>
      %shift_right_logical3A_250 = arith.shrui %max3A, %shift_right_logical3A_249 : vector<16xi32>
      %mul3A_251 = arith.constant 40 : i32
      %mul3A_252 = vector.broadcast %mul3A_251 : i32 to vector<16xi32>
      %mul3A_253 = arith.muli %shift_right_logical3A_250, %mul3A_252 : vector<16xi32>
      %shift_right_logical3A_254 = arith.constant 8 : i32
      %shift_right_logical3A_255 = vector.broadcast %shift_right_logical3A_254 : i32 to vector<16xi32>
      %shift_right_logical3A_256 = arith.shrui %min3A, %shift_right_logical3A_255 : vector<16xi32>
      %add3A_257 = arith.addi %mul3A_253, %shift_right_logical3A_256 : vector<16xi32>
      %mul3A_258 = arith.constant 1024 : i32
      %mul3A_259 = vector.broadcast %mul3A_258 : i32 to vector<16xi32>
      %mul3A_260 = arith.muli %add3A_257, %mul3A_259 : vector<16xi32>
      %and3A = arith.constant 7 : i32
      %and3A_261 = vector.broadcast %and3A : i32 to vector<16xi32>
      %and3A_262 = arith.andi %max3A, %and3A_261 : vector<16xi32>
      %shift_left3A = arith.constant 7 : i32
      %shift_left3A_263 = vector.broadcast %shift_left3A : i32 to vector<16xi32>
      %shift_left3A_264 = arith.shli %and3A_262, %shift_left3A_263 : vector<16xi32>
      %add3A_265 = arith.addi %mul3A_260, %shift_left3A_264 : vector<16xi32>
      %and3A_266 = arith.constant 127 : i32
      %and3A_267 = vector.broadcast %and3A_266 : i32 to vector<16xi32>
      %and3A_268 = arith.andi %min3A, %and3A_267 : vector<16xi32>
      %add3A_269 = arith.addi %add3A_265, %and3A_268 : vector<16xi32>
      %shift_right_logical3A_270 = arith.constant 7 : i32
      %shift_right_logical3A_271 = vector.broadcast %shift_right_logical3A_270 : i32 to vector<16xi32>
      %shift_right_logical3A_272 = arith.shrui %min3A, %shift_right_logical3A_271 : vector<16xi32>
      %and3A_273 = arith.constant 1 : i32
      %and3A_274 = vector.broadcast %and3A_273 : i32 to vector<16xi32>
      %and3A_275 = arith.andi %shift_right_logical3A_272, %and3A_274 : vector<16xi32>
      %shift_right_logical3A_276 = arith.constant 4 : i32
      %shift_right_logical3A_277 = vector.broadcast %shift_right_logical3A_276 : i32 to vector<16xi32>
      %shift_right_logical3A_278 = arith.shrui %add3A_269, %shift_right_logical3A_277 : vector<16xi32>
      %mul3A_279 = arith.constant 16 : i32
      %mul3A_280 = arith.muli %scan3A_236, %mul3A_279 : i32
      %swap3A = arith.constant 5 : i32
      %swap3A_281 = arith.index_cast %swap3A : i32 to index
      %swap3A_282 = arith.index_cast %mul3A_280 : i32 to index
      %swap3A_283 = tpu.vector_load %arg7[%swap3A_281, %swap3A_282] {strides = array<i32>} : memref<8x80xi32, #tpu.memory_space<vmem>>, vector<16xi32>,
      tpu.vector_store %arg7[%swap3A_281, %swap3A_282], %shift_right_logical3A_278 {strides = array<i32>} : memref<8x80xi32, #tpu.memory_space<vmem>>, vector<16xi32>,
      %scan3A_284 = arith.constant 0 : i32
      scf.yield %scan3A_284 : i32
    }
    %scan3A_103 = arith.constant 5 : i32
    %dma_start3A_104 = arith.constant 5 : i32
    %dma_start3A_105 = arith.constant 5 : i32
    %dma_start3A_106 = arith.constant 0 : i32
    %dma_start3A_107 = arith.constant 0 : i32
    %dma_start3A_108 = tpu.memref_slice %arg8[%dma_start3A_105, %dma_start3A_106, %dma_start3A_107] : memref<8x80x16xi32, #tpu.memory_space<vmem>> -> memref<1x80x16xi32, #tpu.memory_space<vmem>>
    %dma_start3A_109 = tpu.memref_squeeze %dma_start3A_108 : memref<1x80x16xi32, #tpu.memory_space<vmem>> -> memref<80x16xi32, #tpu.memory_space<vmem>>
    %dma_start3A_110 = arith.constant 0 : i32
    %dma_start3A_111 = tpu.memref_slice %arg7[%dma_start3A_104, %dma_start3A_110] : memref<8x80xi32, #tpu.memory_space<vmem>> -> memref<1x80xi32, #tpu.memory_space<vmem>>
    %dma_start3A_112 = tpu.memref_squeeze %dma_start3A_111 : memref<1x80xi32, #tpu.memory_space<vmem>> -> memref<80xi32, #tpu.memory_space<vmem>>
    %dma_start3A_113 = arith.constant 0 : i32
    %dma_start3A_114 = arith.constant 0 : i32
    %dma_start3A_115 = tpu.memref_slice %arg2[%dma_start3A_113, %dma_start3A_114] : memref<3276800x16xi32, #tpu.memory_space<hbm>> -> memref<3276800x16xi32, #tpu.memory_space<hbm>>
    tpu.enqueue_indirect_dma source(%dma_start3A_115 : memref<3276800x16xi32, #tpu.memory_space<hbm>>) target(%dma_start3A_109 : memref<80x16xi32, #tpu.memory_space<vmem>>) offsets(%dma_start3A_112 : memref<80xi32, #tpu.memory_space<vmem>>) semaphore(%arg15 : memref<!tpu.dma_semaphore, #tpu.memory_space<semaphore_mem>>)
    %scan3A_116 = arith.constant 0 : i32
    %scan3A_117 = arith.constant 0 : i32
    %scan3A_118 = arith.constant 5 : i32
    %scan3A_119 = arith.addi %scan3A_117, %scan3A_118 : i32
    %scan3A_120 = arith.constant 1 : i32
    %scan3A_121 = scf.for %scan3A_236 = %scan3A_117 to %scan3A_119 step %scan3A_120 iter_args(%scan3A_237 = %scan3A_116) -> (i32)  : i32 {
      %mul3A_238 = arith.constant 16 : i32
      %mul3A_239 = arith.muli %scan3A_236, %mul3A_238 : i32
      %get3A = arith.constant 6 : i32
      %get3A_240 = arith.index_cast %get3A : i32 to index
      %get3A_241 = arith.index_cast %mul3A_239 : i32 to index
      %get3A_242 = tpu.vector_load %arg5[%get3A_240, %get3A_241] {strides = array<i32>} : memref<125x80xi32, #tpu.memory_space<vmem>>, vector<16xi32>,
      %mul3A_243 = arith.constant 16 : i32
      %mul3A_244 = arith.muli %scan3A_236, %mul3A_243 : i32
      %get3A_245 = arith.constant 6 : i32
      %get3A_246 = arith.index_cast %get3A_245 : i32 to index
      %get3A_247 = arith.index_cast %mul3A_244 : i32 to index
      %get3A_248 = tpu.vector_load %arg6[%get3A_246, %get3A_247] {strides = array<i32>} : memref<125x80xi32, #tpu.memory_space<vmem>>, vector<16xi32>,
      %max3A = arith.maxsi %get3A_242, %get3A_248 : vector<16xi32>
      %min3A = arith.minsi %get3A_242, %get3A_248 : vector<16xi32>
      %shift_right_logical3A = arith.constant 3 : i32
      %shift_right_logical3A_249 = vector.broadcast %shift_right_logical3A : i32 to vector<16xi32>
      %shift_right_logical3A_250 = arith.shrui %max3A, %shift_right_logical3A_249 : vector<16xi32>
      %mul3A_251 = arith.constant 40 : i32
      %mul3A_252 = vector.broadcast %mul3A_251 : i32 to vector<16xi32>
      %mul3A_253 = arith.muli %shift_right_logical3A_250, %mul3A_252 : vector<16xi32>
      %shift_right_logical3A_254 = arith.constant 8 : i32
      %shift_right_logical3A_255 = vector.broadcast %shift_right_logical3A_254 : i32 to vector<16xi32>
      %shift_right_logical3A_256 = arith.shrui %min3A, %shift_right_logical3A_255 : vector<16xi32>
      %add3A_257 = arith.addi %mul3A_253, %shift_right_logical3A_256 : vector<16xi32>
      %mul3A_258 = arith.constant 1024 : i32
      %mul3A_259 = vector.broadcast %mul3A_258 : i32 to vector<16xi32>
      %mul3A_260 = arith.muli %add3A_257, %mul3A_259 : vector<16xi32>
      %and3A = arith.constant 7 : i32
      %and3A_261 = vector.broadcast %and3A : i32 to vector<16xi32>
      %and3A_262 = arith.andi %max3A, %and3A_261 : vector<16xi32>
      %shift_left3A = arith.constant 7 : i32
      %shift_left3A_263 = vector.broadcast %shift_left3A : i32 to vector<16xi32>
      %shift_left3A_264 = arith.shli %and3A_262, %shift_left3A_263 : vector<16xi32>
      %add3A_265 = arith.addi %mul3A_260, %shift_left3A_264 : vector<16xi32>
      %and3A_266 = arith.constant 127 : i32
      %and3A_267 = vector.broadcast %and3A_266 : i32 to vector<16xi32>
      %and3A_268 = arith.andi %min3A, %and3A_267 : vector<16xi32>
      %add3A_269 = arith.addi %add3A_265, %and3A_268 : vector<16xi32>
      %shift_right_logical3A_270 = arith.constant 7 : i32
      %shift_right_logical3A_271 = vector.broadcast %shift_right_logical3A_270 : i32 to vector<16xi32>
      %shift_right_logical3A_272 = arith.shrui %min3A, %shift_right_logical3A_271 : vector<16xi32>
      %and3A_273 = arith.constant 1 : i32
      %and3A_274 = vector.broadcast %and3A_273 : i32 to vector<16xi32>
      %and3A_275 = arith.andi %shift_right_logical3A_272, %and3A_274 : vector<16xi32>
      %shift_right_logical3A_276 = arith.constant 4 : i32
      %shift_right_logical3A_277 = vector.broadcast %shift_right_logical3A_276 : i32 to vector<16xi32>
      %shift_right_logical3A_278 = arith.shrui %add3A_269, %shift_right_logical3A_277 : vector<16xi32>
      %mul3A_279 = arith.constant 16 : i32
      %mul3A_280 = arith.muli %scan3A_236, %mul3A_279 : i32
      %swap3A = arith.constant 6 : i32
      %swap3A_281 = arith.index_cast %swap3A : i32 to index
      %swap3A_282 = arith.index_cast %mul3A_280 : i32 to index
      %swap3A_283 = tpu.vector_load %arg7[%swap3A_281, %swap3A_282] {strides = array<i32>} : memref<8x80xi32, #tpu.memory_space<vmem>>, vector<16xi32>,
      tpu.vector_store %arg7[%swap3A_281, %swap3A_282], %shift_right_logical3A_278 {strides = array<i32>} : memref<8x80xi32, #tpu.memory_space<vmem>>, vector<16xi32>,
      %scan3A_284 = arith.constant 0 : i32
      scf.yield %scan3A_284 : i32
    }
    %scan3A_122 = arith.constant 5 : i32
    %dma_start3A_123 = arith.constant 6 : i32
    %dma_start3A_124 = arith.constant 6 : i32
    %dma_start3A_125 = arith.constant 0 : i32
    %dma_start3A_126 = arith.constant 0 : i32
    %dma_start3A_127 = tpu.memref_slice %arg8[%dma_start3A_124, %dma_start3A_125, %dma_start3A_126] : memref<8x80x16xi32, #tpu.memory_space<vmem>> -> memref<1x80x16xi32, #tpu.memory_space<vmem>>
    %dma_start3A_128 = tpu.memref_squeeze %dma_start3A_127 : memref<1x80x16xi32, #tpu.memory_space<vmem>> -> memref<80x16xi32, #tpu.memory_space<vmem>>
    %dma_start3A_129 = arith.constant 0 : i32
    %dma_start3A_130 = tpu.memref_slice %arg7[%dma_start3A_123, %dma_start3A_129] : memref<8x80xi32, #tpu.memory_space<vmem>> -> memref<1x80xi32, #tpu.memory_space<vmem>>
    %dma_start3A_131 = tpu.memref_squeeze %dma_start3A_130 : memref<1x80xi32, #tpu.memory_space<vmem>> -> memref<80xi32, #tpu.memory_space<vmem>>
    %dma_start3A_132 = arith.constant 0 : i32
    %dma_start3A_133 = arith.constant 0 : i32
    %dma_start3A_134 = tpu.memref_slice %arg2[%dma_start3A_132, %dma_start3A_133] : memref<3276800x16xi32, #tpu.memory_space<hbm>> -> memref<3276800x16xi32, #tpu.memory_space<hbm>>
    tpu.enqueue_indirect_dma source(%dma_start3A_134 : memref<3276800x16xi32, #tpu.memory_space<hbm>>) target(%dma_start3A_128 : memref<80x16xi32, #tpu.memory_space<vmem>>) offsets(%dma_start3A_131 : memref<80xi32, #tpu.memory_space<vmem>>) semaphore(%arg16 : memref<!tpu.dma_semaphore, #tpu.memory_space<semaphore_mem>>)
    %scan3A_135 = arith.constant 0 : i32
    %scan3A_136 = arith.constant 0 : i32
    %scan3A_137 = arith.constant 15 : i32
    %scan3A_138 = arith.addi %scan3A_136, %scan3A_137 : i32
    %scan3A_139 = arith.constant 1 : i32
    %scan3A_140 = scf.for %scan3A_236 = %scan3A_136 to %scan3A_138 step %scan3A_139 iter_args(%scan3A_237 = %scan3A_135) -> (i32)  : i32 {
      %mul3A_238 = arith.constant 8 : i32
      %mul3A_239 = arith.muli %scan3A_236, %mul3A_238 : i32
      %add3A_240 = arith.constant 0 : i32
      %add3A_241 = arith.addi %mul3A_239, %add3A_240 : i32
      %add3A_242 = arith.constant 8 : i32
      %add3A_243 = arith.addi %add3A_241, %add3A_242 : i32
      %sub3A = arith.constant 1 : i32
      %sub3A_244 = arith.subi %add3A_243, %sub3A : i32
      %lt3A = arith.constant 125 : i32
      %lt3A_245 = arith.cmpi slt, %sub3A_244, %lt3A : i32
      %convert_element_type3A = arith.extui %lt3A_245 : i1 to i32
      %cond3A = arith.constant 0 : i32
      %cond3A_246 = arith.cmpi ne, %convert_element_type3A, %cond3A : i32
      scf.if %cond3A_246 {
        %add3A_507 = arith.constant 8 : i32
        %add3A_508 = arith.addi %add3A_241, %add3A_507 : i32
        %sub3A_509 = arith.constant 1 : i32
        %sub3A_510 = arith.subi %add3A_508, %sub3A_509 : i32
        %scan3A_511 = arith.constant 0 : i32
        %scan3A_512 = arith.constant 0 : i32
        %scan3A_513 = arith.constant 5 : i32
        %scan3A_514 = arith.addi %scan3A_512, %scan3A_513 : i32
        %scan3A_515 = arith.constant 1 : i32
        %scan3A_516 = scf.for %scan3A_530 = %scan3A_512 to %scan3A_514 step %scan3A_515 iter_args(%scan3A_531 = %scan3A_511) -> (i32)  : i32 {
          %mul3A_532 = arith.constant 16 : i32
          %mul3A_533 = arith.muli %scan3A_530, %mul3A_532 : i32
          %get3A = arith.index_cast %sub3A_510 : i32 to index
          %get3A_534 = arith.index_cast %mul3A_533 : i32 to index
          %get3A_535 = tpu.vector_load %arg5[%get3A, %get3A_534] {strides = array<i32>} : memref<125x80xi32, #tpu.memory_space<vmem>>, vector<16xi32>,
          %mul3A_536 = arith.constant 16 : i32
          %mul3A_537 = arith.muli %scan3A_530, %mul3A_536 : i32
          %get3A_538 = arith.index_cast %sub3A_510 : i32 to index
          %get3A_539 = arith.index_cast %mul3A_537 : i32 to index
          %get3A_540 = tpu.vector_load %arg6[%get3A_538, %get3A_539] {strides = array<i32>} : memref<125x80xi32, #tpu.memory_space<vmem>>, vector<16xi32>,
          %max3A = arith.maxsi %get3A_535, %get3A_540 : vector<16xi32>
          %min3A = arith.minsi %get3A_535, %get3A_540 : vector<16xi32>
          %shift_right_logical3A = arith.constant 3 : i32
          %shift_right_logical3A_541 = vector.broadcast %shift_right_logical3A : i32 to vector<16xi32>
          %shift_right_logical3A_542 = arith.shrui %max3A, %shift_right_logical3A_541 : vector<16xi32>
          %mul3A_543 = arith.constant 40 : i32
          %mul3A_544 = vector.broadcast %mul3A_543 : i32 to vector<16xi32>
          %mul3A_545 = arith.muli %shift_right_logical3A_542, %mul3A_544 : vector<16xi32>
          %shift_right_logical3A_546 = arith.constant 8 : i32
          %shift_right_logical3A_547 = vector.broadcast %shift_right_logical3A_546 : i32 to vector<16xi32>
          %shift_right_logical3A_548 = arith.shrui %min3A, %shift_right_logical3A_547 : vector<16xi32>
          %add3A_549 = arith.addi %mul3A_545, %shift_right_logical3A_548 : vector<16xi32>
          %mul3A_550 = arith.constant 1024 : i32
          %mul3A_551 = vector.broadcast %mul3A_550 : i32 to vector<16xi32>
          %mul3A_552 = arith.muli %add3A_549, %mul3A_551 : vector<16xi32>
          %and3A = arith.constant 7 : i32
          %and3A_553 = vector.broadcast %and3A : i32 to vector<16xi32>
          %and3A_554 = arith.andi %max3A, %and3A_553 : vector<16xi32>
          %shift_left3A = arith.constant 7 : i32
          %shift_left3A_555 = vector.broadcast %shift_left3A : i32 to vector<16xi32>
          %shift_left3A_556 = arith.shli %and3A_554, %shift_left3A_555 : vector<16xi32>
          %add3A_557 = arith.addi %mul3A_552, %shift_left3A_556 : vector<16xi32>
          %and3A_558 = arith.constant 127 : i32
          %and3A_559 = vector.broadcast %and3A_558 : i32 to vector<16xi32>
          %and3A_560 = arith.andi %min3A, %and3A_559 : vector<16xi32>
          %add3A_561 = arith.addi %add3A_557, %and3A_560 : vector<16xi32>
          %shift_right_logical3A_562 = arith.constant 7 : i32
          %shift_right_logical3A_563 = vector.broadcast %shift_right_logical3A_562 : i32 to vector<16xi32>
          %shift_right_logical3A_564 = arith.shrui %min3A, %shift_right_logical3A_563 : vector<16xi32>
          %and3A_565 = arith.constant 1 : i32
          %and3A_566 = vector.broadcast %and3A_565 : i32 to vector<16xi32>
          %and3A_567 = arith.andi %shift_right_logical3A_564, %and3A_566 : vector<16xi32>
          %shift_right_logical3A_568 = arith.constant 4 : i32
          %shift_right_logical3A_569 = vector.broadcast %shift_right_logical3A_568 : i32 to vector<16xi32>
          %shift_right_logical3A_570 = arith.shrui %add3A_561, %shift_right_logical3A_569 : vector<16xi32>
          %mul3A_571 = arith.constant 16 : i32
          %mul3A_572 = arith.muli %scan3A_530, %mul3A_571 : i32
          %swap3A = arith.constant 7 : i32
          %swap3A_573 = arith.index_cast %swap3A : i32 to index
          %swap3A_574 = arith.index_cast %mul3A_572 : i32 to index
          %swap3A_575 = tpu.vector_load %arg7[%swap3A_573, %swap3A_574] {strides = array<i32>} : memref<8x80xi32, #tpu.memory_space<vmem>>, vector<16xi32>,
          tpu.vector_store %arg7[%swap3A_573, %swap3A_574], %shift_right_logical3A_570 {strides = array<i32>} : memref<8x80xi32, #tpu.memory_space<vmem>>, vector<16xi32>,
          %scan3A_576 = arith.constant 0 : i32
          scf.yield %scan3A_576 : i32
        }
        %scan3A_517 = arith.constant 5 : i32
        %dma_start3A_518 = arith.constant 7 : i32
        %dma_start3A_519 = arith.constant 7 : i32
        %dma_start3A_520 = arith.constant 0 : i32
        %dma_start3A_521 = arith.constant 0 : i32
        %dma_start3A_522 = tpu.memref_slice %arg8[%dma_start3A_519, %dma_start3A_520, %dma_start3A_521] : memref<8x80x16xi32, #tpu.memory_space<vmem>> -> memref<1x80x16xi32, #tpu.memory_space<vmem>>
        %dma_start3A_523 = tpu.memref_squeeze %dma_start3A_522 : memref<1x80x16xi32, #tpu.memory_space<vmem>> -> memref<80x16xi32, #tpu.memory_space<vmem>>
        %dma_start3A_524 = arith.constant 0 : i32
        %dma_start3A_525 = tpu.memref_slice %arg7[%dma_start3A_518, %dma_start3A_524] : memref<8x80xi32, #tpu.memory_space<vmem>> -> memref<1x80xi32, #tpu.memory_space<vmem>>
        %dma_start3A_526 = tpu.memref_squeeze %dma_start3A_525 : memref<1x80xi32, #tpu.memory_space<vmem>> -> memref<80xi32, #tpu.memory_space<vmem>>
        %dma_start3A_527 = arith.constant 0 : i32
        %dma_start3A_528 = arith.constant 0 : i32
        %dma_start3A_529 = tpu.memref_slice %arg2[%dma_start3A_527, %dma_start3A_528] : memref<3276800x16xi32, #tpu.memory_space<hbm>> -> memref<3276800x16xi32, #tpu.memory_space<hbm>>
        tpu.enqueue_indirect_dma source(%dma_start3A_529 : memref<3276800x16xi32, #tpu.memory_space<hbm>>) target(%dma_start3A_523 : memref<80x16xi32, #tpu.memory_space<vmem>>) offsets(%dma_start3A_526 : memref<80xi32, #tpu.memory_space<vmem>>) semaphore(%arg17 : memref<!tpu.dma_semaphore, #tpu.memory_space<semaphore_mem>>)
      } else {
      }
      %dma_wait3A_247 = arith.constant 0 : i32
      %dma_wait3A_248 = arith.constant 0 : i32
      %dma_wait3A_249 = arith.constant 0 : i32
      %dma_wait3A_250 = arith.constant 0 : i32
      %dma_wait3A_251 = tpu.memref_slice %arg8[%dma_wait3A_248, %dma_wait3A_249, %dma_wait3A_250] : memref<8x80x16xi32, #tpu.memory_space<vmem>> -> memref<1x80x16xi32, #tpu.memory_space<vmem>>
      %dma_wait3A_252 = tpu.memref_squeeze %dma_wait3A_251 : memref<1x80x16xi32, #tpu.memory_space<vmem>> -> memref<80x16xi32, #tpu.memory_space<vmem>>
      %dma_wait3A_253 = arith.constant 0 : i32
      %dma_wait3A_254 = tpu.memref_slice %arg7[%dma_wait3A_247, %dma_wait3A_253] : memref<8x80xi32, #tpu.memory_space<vmem>> -> memref<1x80xi32, #tpu.memory_space<vmem>>
      %dma_wait3A_255 = tpu.memref_squeeze %dma_wait3A_254 : memref<1x80xi32, #tpu.memory_space<vmem>> -> memref<80xi32, #tpu.memory_space<vmem>>
      %dma_wait3A_256 = arith.constant 0 : i32
      %dma_wait3A_257 = arith.constant 0 : i32
      %dma_wait3A_258 = tpu.memref_slice %arg2[%dma_wait3A_256, %dma_wait3A_257] : memref<3276800x16xi32, #tpu.memory_space<hbm>> -> memref<3276800x16xi32, #tpu.memory_space<hbm>>
      tpu.wait_indirect_dma semaphore(%arg10 : memref<!tpu.dma_semaphore, #tpu.memory_space<semaphore_mem>>) src(%dma_wait3A_258 : memref<3276800x16xi32, #tpu.memory_space<hbm>>) dst(%dma_wait3A_252 : memref<80x16xi32, #tpu.memory_space<vmem>>)
      %mul3A_259 = arith.constant 80 : i32
      %mul3A_260 = arith.muli %add3A_241, %mul3A_259 : i32
      %scan3A_261 = arith.constant 0 : i32
      %scan3A_262 = arith.constant 0 : i32
      %scan3A_263 = arith.constant 5 : i32
      %scan3A_264 = arith.addi %scan3A_262, %scan3A_263 : i32
      %scan3A_265 = arith.constant 1 : i32
      %scan3A_266 = scf.for %scan3A_507 = %scan3A_262 to %scan3A_264 step %scan3A_265 iter_args(%scan3A_508 = %scan3A_261) -> (i32)  : i32 {
        %mul3A_509 = arith.constant 16 : i32
        %mul3A_510 = arith.muli %scan3A_507, %mul3A_509 : i32
        %add3A_511 = vector.broadcast %mul3A_510 : i32 to vector<16xi32>
        %add3A_512 = arith.addi %add3A_511, %iota3A : vector<16xi32>
        %mul3A_513 = arith.constant 16 : i32
        %mul3A_514 = arith.muli %scan3A_507, %mul3A_513 : i32
        %get3A = arith.index_cast %add3A_241 : i32 to index
        %get3A_515 = arith.index_cast %mul3A_514 : i32 to index
        %get3A_516 = tpu.vector_load %arg5[%get3A, %get3A_515] {strides = array<i32>} : memref<125x80xi32, #tpu.memory_space<vmem>>, vector<16xi32>,
        %mul3A_517 = arith.constant 16 : i32
        %mul3A_518 = arith.muli %scan3A_507, %mul3A_517 : i32
        %get3A_519 = arith.index_cast %add3A_241 : i32 to index
        %get3A_520 = arith.index_cast %mul3A_518 : i32 to index
        %get3A_521 = tpu.vector_load %arg6[%get3A_519, %get3A_520] {strides = array<i32>} : memref<125x80xi32, #tpu.memory_space<vmem>>, vector<16xi32>,
        %max3A = arith.maxsi %get3A_516, %get3A_521 : vector<16xi32>
        %min3A = arith.minsi %get3A_516, %get3A_521 : vector<16xi32>
        %shift_right_logical3A = arith.constant 3 : i32
        %shift_right_logical3A_522 = vector.broadcast %shift_right_logical3A : i32 to vector<16xi32>
        %shift_right_logical3A_523 = arith.shrui %max3A, %shift_right_logical3A_522 : vector<16xi32>
        %mul3A_524 = arith.constant 40 : i32
        %mul3A_525 = vector.broadcast %mul3A_524 : i32 to vector<16xi32>
        %mul3A_526 = arith.muli %shift_right_logical3A_523, %mul3A_525 : vector<16xi32>
        %shift_right_logical3A_527 = arith.constant 8 : i32
        %shift_right_logical3A_528 = vector.broadcast %shift_right_logical3A_527 : i32 to vector<16xi32>
        %shift_right_logical3A_529 = arith.shrui %min3A, %shift_right_logical3A_528 : vector<16xi32>
        %add3A_530 = arith.addi %mul3A_526, %shift_right_logical3A_529 : vector<16xi32>
        %mul3A_531 = arith.constant 1024 : i32
        %mul3A_532 = vector.broadcast %mul3A_531 : i32 to vector<16xi32>
        %mul3A_533 = arith.muli %add3A_530, %mul3A_532 : vector<16xi32>
        %and3A = arith.constant 7 : i32
        %and3A_534 = vector.broadcast %and3A : i32 to vector<16xi32>
        %and3A_535 = arith.andi %max3A, %and3A_534 : vector<16xi32>
        %shift_left3A = arith.constant 7 : i32
        %shift_left3A_536 = vector.broadcast %shift_left3A : i32 to vector<16xi32>
        %shift_left3A_537 = arith.shli %and3A_535, %shift_left3A_536 : vector<16xi32>
        %add3A_538 = arith.addi %mul3A_533, %shift_left3A_537 : vector<16xi32>
        %and3A_539 = arith.constant 127 : i32
        %and3A_540 = vector.broadcast %and3A_539 : i32 to vector<16xi32>
        %and3A_541 = arith.andi %min3A, %and3A_540 : vector<16xi32>
        %add3A_542 = arith.addi %add3A_538, %and3A_541 : vector<16xi32>
        %shift_right_logical3A_543 = arith.constant 7 : i32
        %shift_right_logical3A_544 = vector.broadcast %shift_right_logical3A_543 : i32 to vector<16xi32>
        %shift_right_logical3A_545 = arith.shrui %min3A, %shift_right_logical3A_544 : vector<16xi32>
        %and3A_546 = arith.constant 1 : i32
        %and3A_547 = vector.broadcast %and3A_546 : i32 to vector<16xi32>
        %and3A_548 = arith.andi %shift_right_logical3A_545, %and3A_547 : vector<16xi32>
        %and3A_549 = arith.constant 15 : i32
        %and3A_550 = vector.broadcast %and3A_549 : i32 to vector<16xi32>
        %and3A_551 = arith.andi %add3A_542, %and3A_550 : vector<16xi32>
        %gather3A = arith.constant 0 : i32
        %gather3A_552 = arith.constant 0 : i32
        %gather3A_553 = arith.constant 0 : i32
        %gather3A_554 = tpu.memref_slice %arg8[%gather3A, %gather3A_552, %gather3A_553] : memref<8x80x16xi32, #tpu.memory_space<vmem>> -> memref<1x80x16xi32, #tpu.memory_space<vmem>>
        %gather3A_555 = tpu.memref_squeeze %gather3A_554 : memref<1x80x16xi32, #tpu.memory_space<vmem>> -> memref<80x16xi32, #tpu.memory_space<vmem>>
        %gather3A_556 = tpu.vector_load_idx %gather3A_555[%add3A_512, %and3A_551] : memref<80x16xi32, #tpu.memory_space<vmem>>[vector<16xi32>, vector<16xi32>], vector<16xi32>,
        %bitcast3A = vector.bitcast %gather3A_556 : vector<16xi32> to vector<32xbf16>
        %unpack3A = tpu.unpack_subelements %bitcast3A, 0 {pack_format = #tpu.pack_format<interleaved>} : vector<32xbf16> -> vector<16xf32>
        %unpack3A_557 = tpu.unpack_subelements %bitcast3A, 1 {pack_format = #tpu.pack_format<interleaved>} : vector<32xbf16> -> vector<16xf32>
        %eq3A = arith.constant 1 : i32
        %eq3A_558 = vector.broadcast %eq3A : i32 to vector<16xi32>
        %eq3A_559 = arith.cmpi eq, %and3A_548, %eq3A_558 : vector<16xi32>
        %select_n3A = arith.select %eq3A_559, %unpack3A_557, %unpack3A : vector<16xi1>, vector<16xf32>
        %neg3A = arith.constant 0.000000e+00 : f32
        %neg3A_560 = vector.broadcast %neg3A : f32 to vector<16xf32>
        %neg3A_561 = arith.subf %neg3A_560, %select_n3A : vector<16xf32>
        %exp3A = math.exp %neg3A_561 : vector<16xf32>
        %add3A_562 = arith.constant 1.000000e+00 : f32
        %add3A_563 = vector.broadcast %add3A_562 : f32 to vector<16xf32>
        %add3A_564 = arith.addf %add3A_563, %exp3A : vector<16xf32>
        %div3A = arith.constant 1.000000e+00 : f32
        %div3A_565 = vector.broadcast %div3A : f32 to vector<16xf32>
        %div3A_566 = arith.divf %div3A_565, %add3A_564 : vector<16xf32>
        %mul3A_567 = arith.constant 16 : i32
        %mul3A_568 = arith.muli %scan3A_507, %mul3A_567 : i32
        %add3A_569 = arith.addi %mul3A_260, %mul3A_568 : i32
        %swap3A = arith.index_cast %add3A_569 : i32 to index
        %swap3A_570 = tpu.vector_load %arg9[%swap3A] {strides = array<i32>} : memref<10000xf32, #tpu.memory_space<vmem>>, vector<16xf32>,
        tpu.vector_store %arg9[%swap3A], %div3A_566 {strides = array<i32>} : memref<10000xf32, #tpu.memory_space<vmem>>, vector<16xf32>,
        %scan3A_571 = arith.constant 0 : i32
        scf.yield %scan3A_571 : i32
      }
      %scan3A_267 = arith.constant 5 : i32
      %mul3A_268 = arith.constant 8 : i32
      %mul3A_269 = arith.muli %scan3A_236, %mul3A_268 : i32
      %add3A_270 = arith.constant 1 : i32
      %add3A_271 = arith.addi %mul3A_269, %add3A_270 : i32
      %add3A_272 = arith.constant 8 : i32
      %add3A_273 = arith.addi %add3A_271, %add3A_272 : i32
      %sub3A_274 = arith.constant 1 : i32
      %sub3A_275 = arith.subi %add3A_273, %sub3A_274 : i32
      %lt3A_276 = arith.constant 125 : i32
      %lt3A_277 = arith.cmpi slt, %sub3A_275, %lt3A_276 : i32
      %convert_element_type3A_278 = arith.extui %lt3A_277 : i1 to i32
      %cond3A_279 = arith.constant 0 : i32
      %cond3A_280 = arith.cmpi ne, %convert_element_type3A_278, %cond3A_279 : i32
      scf.if %cond3A_280 {
        %add3A_507 = arith.constant 8 : i32
        %add3A_508 = arith.addi %add3A_271, %add3A_507 : i32
        %sub3A_509 = arith.constant 1 : i32
        %sub3A_510 = arith.subi %add3A_508, %sub3A_509 : i32
        %scan3A_511 = arith.constant 0 : i32
        %scan3A_512 = arith.constant 0 : i32
        %scan3A_513 = arith.constant 5 : i32
        %scan3A_514 = arith.addi %scan3A_512, %scan3A_513 : i32
        %scan3A_515 = arith.constant 1 : i32
        %scan3A_516 = scf.for %scan3A_530 = %scan3A_512 to %scan3A_514 step %scan3A_515 iter_args(%scan3A_531 = %scan3A_511) -> (i32)  : i32 {
          %mul3A_532 = arith.constant 16 : i32
          %mul3A_533 = arith.muli %scan3A_530, %mul3A_532 : i32
          %get3A = arith.index_cast %sub3A_510 : i32 to index
          %get3A_534 = arith.index_cast %mul3A_533 : i32 to index
          %get3A_535 = tpu.vector_load %arg5[%get3A, %get3A_534] {strides = array<i32>} : memref<125x80xi32, #tpu.memory_space<vmem>>, vector<16xi32>,
          %mul3A_536 = arith.constant 16 : i32
          %mul3A_537 = arith.muli %scan3A_530, %mul3A_536 : i32
          %get3A_538 = arith.index_cast %sub3A_510 : i32 to index
          %get3A_539 = arith.index_cast %mul3A_537 : i32 to index
          %get3A_540 = tpu.vector_load %arg6[%get3A_538, %get3A_539] {strides = array<i32>} : memref<125x80xi32, #tpu.memory_space<vmem>>, vector<16xi32>,
          %max3A = arith.maxsi %get3A_535, %get3A_540 : vector<16xi32>
          %min3A = arith.minsi %get3A_535, %get3A_540 : vector<16xi32>
          %shift_right_logical3A = arith.constant 3 : i32
          %shift_right_logical3A_541 = vector.broadcast %shift_right_logical3A : i32 to vector<16xi32>
          %shift_right_logical3A_542 = arith.shrui %max3A, %shift_right_logical3A_541 : vector<16xi32>
          %mul3A_543 = arith.constant 40 : i32
          %mul3A_544 = vector.broadcast %mul3A_543 : i32 to vector<16xi32>
          %mul3A_545 = arith.muli %shift_right_logical3A_542, %mul3A_544 : vector<16xi32>
          %shift_right_logical3A_546 = arith.constant 8 : i32
          %shift_right_logical3A_547 = vector.broadcast %shift_right_logical3A_546 : i32 to vector<16xi32>
          %shift_right_logical3A_548 = arith.shrui %min3A, %shift_right_logical3A_547 : vector<16xi32>
          %add3A_549 = arith.addi %mul3A_545, %shift_right_logical3A_548 : vector<16xi32>
          %mul3A_550 = arith.constant 1024 : i32
          %mul3A_551 = vector.broadcast %mul3A_550 : i32 to vector<16xi32>
          %mul3A_552 = arith.muli %add3A_549, %mul3A_551 : vector<16xi32>
          %and3A = arith.constant 7 : i32
          %and3A_553 = vector.broadcast %and3A : i32 to vector<16xi32>
          %and3A_554 = arith.andi %max3A, %and3A_553 : vector<16xi32>
          %shift_left3A = arith.constant 7 : i32
          %shift_left3A_555 = vector.broadcast %shift_left3A : i32 to vector<16xi32>
          %shift_left3A_556 = arith.shli %and3A_554, %shift_left3A_555 : vector<16xi32>
          %add3A_557 = arith.addi %mul3A_552, %shift_left3A_556 : vector<16xi32>
          %and3A_558 = arith.constant 127 : i32
          %and3A_559 = vector.broadcast %and3A_558 : i32 to vector<16xi32>
          %and3A_560 = arith.andi %min3A, %and3A_559 : vector<16xi32>
          %add3A_561 = arith.addi %add3A_557, %and3A_560 : vector<16xi32>
          %shift_right_logical3A_562 = arith.constant 7 : i32
          %shift_right_logical3A_563 = vector.broadcast %shift_right_logical3A_562 : i32 to vector<16xi32>
          %shift_right_logical3A_564 = arith.shrui %min3A, %shift_right_logical3A_563 : vector<16xi32>
          %and3A_565 = arith.constant 1 : i32
          %and3A_566 = vector.broadcast %and3A_565 : i32 to vector<16xi32>
          %and3A_567 = arith.andi %shift_right_logical3A_564, %and3A_566 : vector<16xi32>
          %shift_right_logical3A_568 = arith.constant 4 : i32
          %shift_right_logical3A_569 = vector.broadcast %shift_right_logical3A_568 : i32 to vector<16xi32>
          %shift_right_logical3A_570 = arith.shrui %add3A_561, %shift_right_logical3A_569 : vector<16xi32>
          %mul3A_571 = arith.constant 16 : i32
          %mul3A_572 = arith.muli %scan3A_530, %mul3A_571 : i32
          %swap3A = arith.constant 0 : i32
          %swap3A_573 = arith.index_cast %swap3A : i32 to index
          %swap3A_574 = arith.index_cast %mul3A_572 : i32 to index
          %swap3A_575 = tpu.vector_load %arg7[%swap3A_573, %swap3A_574] {strides = array<i32>} : memref<8x80xi32, #tpu.memory_space<vmem>>, vector<16xi32>,
          tpu.vector_store %arg7[%swap3A_573, %swap3A_574], %shift_right_logical3A_570 {strides = array<i32>} : memref<8x80xi32, #tpu.memory_space<vmem>>, vector<16xi32>,
          %scan3A_576 = arith.constant 0 : i32
          scf.yield %scan3A_576 : i32
        }
        %scan3A_517 = arith.constant 5 : i32
        %dma_start3A_518 = arith.constant 0 : i32
        %dma_start3A_519 = arith.constant 0 : i32
        %dma_start3A_520 = arith.constant 0 : i32
        %dma_start3A_521 = arith.constant 0 : i32
        %dma_start3A_522 = tpu.memref_slice %arg8[%dma_start3A_519, %dma_start3A_520, %dma_start3A_521] : memref<8x80x16xi32, #tpu.memory_space<vmem>> -> memref<1x80x16xi32, #tpu.memory_space<vmem>>
        %dma_start3A_523 = tpu.memref_squeeze %dma_start3A_522 : memref<1x80x16xi32, #tpu.memory_space<vmem>> -> memref<80x16xi32, #tpu.memory_space<vmem>>
        %dma_start3A_524 = arith.constant 0 : i32
        %dma_start3A_525 = tpu.memref_slice %arg7[%dma_start3A_518, %dma_start3A_524] : memref<8x80xi32, #tpu.memory_space<vmem>> -> memref<1x80xi32, #tpu.memory_space<vmem>>
        %dma_start3A_526 = tpu.memref_squeeze %dma_start3A_525 : memref<1x80xi32, #tpu.memory_space<vmem>> -> memref<80xi32, #tpu.memory_space<vmem>>
        %dma_start3A_527 = arith.constant 0 : i32
        %dma_start3A_528 = arith.constant 0 : i32
        %dma_start3A_529 = tpu.memref_slice %arg2[%dma_start3A_527, %dma_start3A_528] : memref<3276800x16xi32, #tpu.memory_space<hbm>> -> memref<3276800x16xi32, #tpu.memory_space<hbm>>
        tpu.enqueue_indirect_dma source(%dma_start3A_529 : memref<3276800x16xi32, #tpu.memory_space<hbm>>) target(%dma_start3A_523 : memref<80x16xi32, #tpu.memory_space<vmem>>) offsets(%dma_start3A_526 : memref<80xi32, #tpu.memory_space<vmem>>) semaphore(%arg10 : memref<!tpu.dma_semaphore, #tpu.memory_space<semaphore_mem>>)
      } else {
      }
      %dma_wait3A_281 = arith.constant 1 : i32
      %dma_wait3A_282 = arith.constant 1 : i32
      %dma_wait3A_283 = arith.constant 0 : i32
      %dma_wait3A_284 = arith.constant 0 : i32
      %dma_wait3A_285 = tpu.memref_slice %arg8[%dma_wait3A_282, %dma_wait3A_283, %dma_wait3A_284] : memref<8x80x16xi32, #tpu.memory_space<vmem>> -> memref<1x80x16xi32, #tpu.memory_space<vmem>>
      %dma_wait3A_286 = tpu.memref_squeeze %dma_wait3A_285 : memref<1x80x16xi32, #tpu.memory_space<vmem>> -> memref<80x16xi32, #tpu.memory_space<vmem>>
      %dma_wait3A_287 = arith.constant 0 : i32
      %dma_wait3A_288 = tpu.memref_slice %arg7[%dma_wait3A_281, %dma_wait3A_287] : memref<8x80xi32, #tpu.memory_space<vmem>> -> memref<1x80xi32, #tpu.memory_space<vmem>>
      %dma_wait3A_289 = tpu.memref_squeeze %dma_wait3A_288 : memref<1x80xi32, #tpu.memory_space<vmem>> -> memref<80xi32, #tpu.memory_space<vmem>>
      %dma_wait3A_290 = arith.constant 0 : i32
      %dma_wait3A_291 = arith.constant 0 : i32
      %dma_wait3A_292 = tpu.memref_slice %arg2[%dma_wait3A_290, %dma_wait3A_291] : memref<3276800x16xi32, #tpu.memory_space<hbm>> -> memref<3276800x16xi32, #tpu.memory_space<hbm>>
      tpu.wait_indirect_dma semaphore(%arg11 : memref<!tpu.dma_semaphore, #tpu.memory_space<semaphore_mem>>) src(%dma_wait3A_292 : memref<3276800x16xi32, #tpu.memory_space<hbm>>) dst(%dma_wait3A_286 : memref<80x16xi32, #tpu.memory_space<vmem>>)
      %mul3A_293 = arith.constant 80 : i32
      %mul3A_294 = arith.muli %add3A_271, %mul3A_293 : i32
      %scan3A_295 = arith.constant 0 : i32
      %scan3A_296 = arith.constant 0 : i32
      %scan3A_297 = arith.constant 5 : i32
      %scan3A_298 = arith.addi %scan3A_296, %scan3A_297 : i32
      %scan3A_299 = arith.constant 1 : i32
      %scan3A_300 = scf.for %scan3A_507 = %scan3A_296 to %scan3A_298 step %scan3A_299 iter_args(%scan3A_508 = %scan3A_295) -> (i32)  : i32 {
        %mul3A_509 = arith.constant 16 : i32
        %mul3A_510 = arith.muli %scan3A_507, %mul3A_509 : i32
        %add3A_511 = vector.broadcast %mul3A_510 : i32 to vector<16xi32>
        %add3A_512 = arith.addi %add3A_511, %iota3A : vector<16xi32>
        %mul3A_513 = arith.constant 16 : i32
        %mul3A_514 = arith.muli %scan3A_507, %mul3A_513 : i32
        %get3A = arith.index_cast %add3A_271 : i32 to index
        %get3A_515 = arith.index_cast %mul3A_514 : i32 to index
        %get3A_516 = tpu.vector_load %arg5[%get3A, %get3A_515] {strides = array<i32>} : memref<125x80xi32, #tpu.memory_space<vmem>>, vector<16xi32>,
        %mul3A_517 = arith.constant 16 : i32
        %mul3A_518 = arith.muli %scan3A_507, %mul3A_517 : i32
        %get3A_519 = arith.index_cast %add3A_271 : i32 to index
        %get3A_520 = arith.index_cast %mul3A_518 : i32 to index
        %get3A_521 = tpu.vector_load %arg6[%get3A_519, %get3A_520] {strides = array<i32>} : memref<125x80xi32, #tpu.memory_space<vmem>>, vector<16xi32>,
        %max3A = arith.maxsi %get3A_516, %get3A_521 : vector<16xi32>
        %min3A = arith.minsi %get3A_516, %get3A_521 : vector<16xi32>
        %shift_right_logical3A = arith.constant 3 : i32
        %shift_right_logical3A_522 = vector.broadcast %shift_right_logical3A : i32 to vector<16xi32>
        %shift_right_logical3A_523 = arith.shrui %max3A, %shift_right_logical3A_522 : vector<16xi32>
        %mul3A_524 = arith.constant 40 : i32
        %mul3A_525 = vector.broadcast %mul3A_524 : i32 to vector<16xi32>
        %mul3A_526 = arith.muli %shift_right_logical3A_523, %mul3A_525 : vector<16xi32>
        %shift_right_logical3A_527 = arith.constant 8 : i32
        %shift_right_logical3A_528 = vector.broadcast %shift_right_logical3A_527 : i32 to vector<16xi32>
        %shift_right_logical3A_529 = arith.shrui %min3A, %shift_right_logical3A_528 : vector<16xi32>
        %add3A_530 = arith.addi %mul3A_526, %shift_right_logical3A_529 : vector<16xi32>
        %mul3A_531 = arith.constant 1024 : i32
        %mul3A_532 = vector.broadcast %mul3A_531 : i32 to vector<16xi32>
        %mul3A_533 = arith.muli %add3A_530, %mul3A_532 : vector<16xi32>
        %and3A = arith.constant 7 : i32
        %and3A_534 = vector.broadcast %and3A : i32 to vector<16xi32>
        %and3A_535 = arith.andi %max3A, %and3A_534 : vector<16xi32>
        %shift_left3A = arith.constant 7 : i32
        %shift_left3A_536 = vector.broadcast %shift_left3A : i32 to vector<16xi32>
        %shift_left3A_537 = arith.shli %and3A_535, %shift_left3A_536 : vector<16xi32>
        %add3A_538 = arith.addi %mul3A_533, %shift_left3A_537 : vector<16xi32>
        %and3A_539 = arith.constant 127 : i32
        %and3A_540 = vector.broadcast %and3A_539 : i32 to vector<16xi32>
        %and3A_541 = arith.andi %min3A, %and3A_540 : vector<16xi32>
        %add3A_542 = arith.addi %add3A_538, %and3A_541 : vector<16xi32>
        %shift_right_logical3A_543 = arith.constant 7 : i32
        %shift_right_logical3A_544 = vector.broadcast %shift_right_logical3A_543 : i32 to vector<16xi32>
        %shift_right_logical3A_545 = arith.shrui %min3A, %shift_right_logical3A_544 : vector<16xi32>
        %and3A_546 = arith.constant 1 : i32
        %and3A_547 = vector.broadcast %and3A_546 : i32 to vector<16xi32>
        %and3A_548 = arith.andi %shift_right_logical3A_545, %and3A_547 : vector<16xi32>
        %and3A_549 = arith.constant 15 : i32
        %and3A_550 = vector.broadcast %and3A_549 : i32 to vector<16xi32>
        %and3A_551 = arith.andi %add3A_542, %and3A_550 : vector<16xi32>
        %gather3A = arith.constant 1 : i32
        %gather3A_552 = arith.constant 0 : i32
        %gather3A_553 = arith.constant 0 : i32
        %gather3A_554 = tpu.memref_slice %arg8[%gather3A, %gather3A_552, %gather3A_553] : memref<8x80x16xi32, #tpu.memory_space<vmem>> -> memref<1x80x16xi32, #tpu.memory_space<vmem>>
        %gather3A_555 = tpu.memref_squeeze %gather3A_554 : memref<1x80x16xi32, #tpu.memory_space<vmem>> -> memref<80x16xi32, #tpu.memory_space<vmem>>
        %gather3A_556 = tpu.vector_load_idx %gather3A_555[%add3A_512, %and3A_551] : memref<80x16xi32, #tpu.memory_space<vmem>>[vector<16xi32>, vector<16xi32>], vector<16xi32>,
        %bitcast3A = vector.bitcast %gather3A_556 : vector<16xi32> to vector<32xbf16>
        %unpack3A = tpu.unpack_subelements %bitcast3A, 0 {pack_format = #tpu.pack_format<interleaved>} : vector<32xbf16> -> vector<16xf32>
        %unpack3A_557 = tpu.unpack_subelements %bitcast3A, 1 {pack_format = #tpu.pack_format<interleaved>} : vector<32xbf16> -> vector<16xf32>
        %eq3A = arith.constant 1 : i32
        %eq3A_558 = vector.broadcast %eq3A : i32 to vector<16xi32>
        %eq3A_559 = arith.cmpi eq, %and3A_548, %eq3A_558 : vector<16xi32>
        %select_n3A = arith.select %eq3A_559, %unpack3A_557, %unpack3A : vector<16xi1>, vector<16xf32>
        %neg3A = arith.constant 0.000000e+00 : f32
        %neg3A_560 = vector.broadcast %neg3A : f32 to vector<16xf32>
        %neg3A_561 = arith.subf %neg3A_560, %select_n3A : vector<16xf32>
        %exp3A = math.exp %neg3A_561 : vector<16xf32>
        %add3A_562 = arith.constant 1.000000e+00 : f32
        %add3A_563 = vector.broadcast %add3A_562 : f32 to vector<16xf32>
        %add3A_564 = arith.addf %add3A_563, %exp3A : vector<16xf32>
        %div3A = arith.constant 1.000000e+00 : f32
        %div3A_565 = vector.broadcast %div3A : f32 to vector<16xf32>
        %div3A_566 = arith.divf %div3A_565, %add3A_564 : vector<16xf32>
        %mul3A_567 = arith.constant 16 : i32
        %mul3A_568 = arith.muli %scan3A_507, %mul3A_567 : i32
        %add3A_569 = arith.addi %mul3A_294, %mul3A_568 : i32
        %swap3A = arith.index_cast %add3A_569 : i32 to index
        %swap3A_570 = tpu.vector_load %arg9[%swap3A] {strides = array<i32>} : memref<10000xf32, #tpu.memory_space<vmem>>, vector<16xf32>,
        tpu.vector_store %arg9[%swap3A], %div3A_566 {strides = array<i32>} : memref<10000xf32, #tpu.memory_space<vmem>>, vector<16xf32>,
        %scan3A_571 = arith.constant 0 : i32
        scf.yield %scan3A_571 : i32
      }
      %scan3A_301 = arith.constant 5 : i32
      %mul3A_302 = arith.constant 8 : i32
      %mul3A_303 = arith.muli %scan3A_236, %mul3A_302 : i32
      %add3A_304 = arith.constant 2 : i32
      %add3A_305 = arith.addi %mul3A_303, %add3A_304 : i32
      %add3A_306 = arith.constant 8 : i32
      %add3A_307 = arith.addi %add3A_305, %add3A_306 : i32
      %sub3A_308 = arith.constant 1 : i32
      %sub3A_309 = arith.subi %add3A_307, %sub3A_308 : i32
      %lt3A_310 = arith.constant 125 : i32
      %lt3A_311 = arith.cmpi slt, %sub3A_309, %lt3A_310 : i32
      %convert_element_type3A_312 = arith.extui %lt3A_311 : i1 to i32
      %cond3A_313 = arith.constant 0 : i32
      %cond3A_314 = arith.cmpi ne, %convert_element_type3A_312, %cond3A_313 : i32
      scf.if %cond3A_314 {
        %add3A_507 = arith.constant 8 : i32
        %add3A_508 = arith.addi %add3A_305, %add3A_507 : i32
        %sub3A_509 = arith.constant 1 : i32
        %sub3A_510 = arith.subi %add3A_508, %sub3A_509 : i32
        %scan3A_511 = arith.constant 0 : i32
        %scan3A_512 = arith.constant 0 : i32
        %scan3A_513 = arith.constant 5 : i32
        %scan3A_514 = arith.addi %scan3A_512, %scan3A_513 : i32
        %scan3A_515 = arith.constant 1 : i32
        %scan3A_516 = scf.for %scan3A_530 = %scan3A_512 to %scan3A_514 step %scan3A_515 iter_args(%scan3A_531 = %scan3A_511) -> (i32)  : i32 {
          %mul3A_532 = arith.constant 16 : i32
          %mul3A_533 = arith.muli %scan3A_530, %mul3A_532 : i32
          %get3A = arith.index_cast %sub3A_510 : i32 to index
          %get3A_534 = arith.index_cast %mul3A_533 : i32 to index
          %get3A_535 = tpu.vector_load %arg5[%get3A, %get3A_534] {strides = array<i32>} : memref<125x80xi32, #tpu.memory_space<vmem>>, vector<16xi32>,
          %mul3A_536 = arith.constant 16 : i32
          %mul3A_537 = arith.muli %scan3A_530, %mul3A_536 : i32
          %get3A_538 = arith.index_cast %sub3A_510 : i32 to index
          %get3A_539 = arith.index_cast %mul3A_537 : i32 to index
          %get3A_540 = tpu.vector_load %arg6[%get3A_538, %get3A_539] {strides = array<i32>} : memref<125x80xi32, #tpu.memory_space<vmem>>, vector<16xi32>,
          %max3A = arith.maxsi %get3A_535, %get3A_540 : vector<16xi32>
          %min3A = arith.minsi %get3A_535, %get3A_540 : vector<16xi32>
          %shift_right_logical3A = arith.constant 3 : i32
          %shift_right_logical3A_541 = vector.broadcast %shift_right_logical3A : i32 to vector<16xi32>
          %shift_right_logical3A_542 = arith.shrui %max3A, %shift_right_logical3A_541 : vector<16xi32>
          %mul3A_543 = arith.constant 40 : i32
          %mul3A_544 = vector.broadcast %mul3A_543 : i32 to vector<16xi32>
          %mul3A_545 = arith.muli %shift_right_logical3A_542, %mul3A_544 : vector<16xi32>
          %shift_right_logical3A_546 = arith.constant 8 : i32
          %shift_right_logical3A_547 = vector.broadcast %shift_right_logical3A_546 : i32 to vector<16xi32>
          %shift_right_logical3A_548 = arith.shrui %min3A, %shift_right_logical3A_547 : vector<16xi32>
          %add3A_549 = arith.addi %mul3A_545, %shift_right_logical3A_548 : vector<16xi32>
          %mul3A_550 = arith.constant 1024 : i32
          %mul3A_551 = vector.broadcast %mul3A_550 : i32 to vector<16xi32>
          %mul3A_552 = arith.muli %add3A_549, %mul3A_551 : vector<16xi32>
          %and3A = arith.constant 7 : i32
          %and3A_553 = vector.broadcast %and3A : i32 to vector<16xi32>
          %and3A_554 = arith.andi %max3A, %and3A_553 : vector<16xi32>
          %shift_left3A = arith.constant 7 : i32
          %shift_left3A_555 = vector.broadcast %shift_left3A : i32 to vector<16xi32>
          %shift_left3A_556 = arith.shli %and3A_554, %shift_left3A_555 : vector<16xi32>
          %add3A_557 = arith.addi %mul3A_552, %shift_left3A_556 : vector<16xi32>
          %and3A_558 = arith.constant 127 : i32
          %and3A_559 = vector.broadcast %and3A_558 : i32 to vector<16xi32>
          %and3A_560 = arith.andi %min3A, %and3A_559 : vector<16xi32>
          %add3A_561 = arith.addi %add3A_557, %and3A_560 : vector<16xi32>
          %shift_right_logical3A_562 = arith.constant 7 : i32
          %shift_right_logical3A_563 = vector.broadcast %shift_right_logical3A_562 : i32 to vector<16xi32>
          %shift_right_logical3A_564 = arith.shrui %min3A, %shift_right_logical3A_563 : vector<16xi32>
          %and3A_565 = arith.constant 1 : i32
          %and3A_566 = vector.broadcast %and3A_565 : i32 to vector<16xi32>
          %and3A_567 = arith.andi %shift_right_logical3A_564, %and3A_566 : vector<16xi32>
          %shift_right_logical3A_568 = arith.constant 4 : i32
          %shift_right_logical3A_569 = vector.broadcast %shift_right_logical3A_568 : i32 to vector<16xi32>
          %shift_right_logical3A_570 = arith.shrui %add3A_561, %shift_right_logical3A_569 : vector<16xi32>
          %mul3A_571 = arith.constant 16 : i32
          %mul3A_572 = arith.muli %scan3A_530, %mul3A_571 : i32
          %swap3A = arith.constant 1 : i32
          %swap3A_573 = arith.index_cast %swap3A : i32 to index
          %swap3A_574 = arith.index_cast %mul3A_572 : i32 to index
          %swap3A_575 = tpu.vector_load %arg7[%swap3A_573, %swap3A_574] {strides = array<i32>} : memref<8x80xi32, #tpu.memory_space<vmem>>, vector<16xi32>,
          tpu.vector_store %arg7[%swap3A_573, %swap3A_574], %shift_right_logical3A_570 {strides = array<i32>} : memref<8x80xi32, #tpu.memory_space<vmem>>, vector<16xi32>,
          %scan3A_576 = arith.constant 0 : i32
          scf.yield %scan3A_576 : i32
        }
        %scan3A_517 = arith.constant 5 : i32
        %dma_start3A_518 = arith.constant 1 : i32
        %dma_start3A_519 = arith.constant 1 : i32
        %dma_start3A_520 = arith.constant 0 : i32
        %dma_start3A_521 = arith.constant 0 : i32
        %dma_start3A_522 = tpu.memref_slice %arg8[%dma_start3A_519, %dma_start3A_520, %dma_start3A_521] : memref<8x80x16xi32, #tpu.memory_space<vmem>> -> memref<1x80x16xi32, #tpu.memory_space<vmem>>
        %dma_start3A_523 = tpu.memref_squeeze %dma_start3A_522 : memref<1x80x16xi32, #tpu.memory_space<vmem>> -> memref<80x16xi32, #tpu.memory_space<vmem>>
        %dma_start3A_524 = arith.constant 0 : i32
        %dma_start3A_525 = tpu.memref_slice %arg7[%dma_start3A_518, %dma_start3A_524] : memref<8x80xi32, #tpu.memory_space<vmem>> -> memref<1x80xi32, #tpu.memory_space<vmem>>
        %dma_start3A_526 = tpu.memref_squeeze %dma_start3A_525 : memref<1x80xi32, #tpu.memory_space<vmem>> -> memref<80xi32, #tpu.memory_space<vmem>>
        %dma_start3A_527 = arith.constant 0 : i32
        %dma_start3A_528 = arith.constant 0 : i32
        %dma_start3A_529 = tpu.memref_slice %arg2[%dma_start3A_527, %dma_start3A_528] : memref<3276800x16xi32, #tpu.memory_space<hbm>> -> memref<3276800x16xi32, #tpu.memory_space<hbm>>
        tpu.enqueue_indirect_dma source(%dma_start3A_529 : memref<3276800x16xi32, #tpu.memory_space<hbm>>) target(%dma_start3A_523 : memref<80x16xi32, #tpu.memory_space<vmem>>) offsets(%dma_start3A_526 : memref<80xi32, #tpu.memory_space<vmem>>) semaphore(%arg11 : memref<!tpu.dma_semaphore, #tpu.memory_space<semaphore_mem>>)
      } else {
      }
      %dma_wait3A_315 = arith.constant 2 : i32
      %dma_wait3A_316 = arith.constant 2 : i32
      %dma_wait3A_317 = arith.constant 0 : i32
      %dma_wait3A_318 = arith.constant 0 : i32
      %dma_wait3A_319 = tpu.memref_slice %arg8[%dma_wait3A_316, %dma_wait3A_317, %dma_wait3A_318] : memref<8x80x16xi32, #tpu.memory_space<vmem>> -> memref<1x80x16xi32, #tpu.memory_space<vmem>>
      %dma_wait3A_320 = tpu.memref_squeeze %dma_wait3A_319 : memref<1x80x16xi32, #tpu.memory_space<vmem>> -> memref<80x16xi32, #tpu.memory_space<vmem>>
      %dma_wait3A_321 = arith.constant 0 : i32
      %dma_wait3A_322 = tpu.memref_slice %arg7[%dma_wait3A_315, %dma_wait3A_321] : memref<8x80xi32, #tpu.memory_space<vmem>> -> memref<1x80xi32, #tpu.memory_space<vmem>>
      %dma_wait3A_323 = tpu.memref_squeeze %dma_wait3A_322 : memref<1x80xi32, #tpu.memory_space<vmem>> -> memref<80xi32, #tpu.memory_space<vmem>>
      %dma_wait3A_324 = arith.constant 0 : i32
      %dma_wait3A_325 = arith.constant 0 : i32
      %dma_wait3A_326 = tpu.memref_slice %arg2[%dma_wait3A_324, %dma_wait3A_325] : memref<3276800x16xi32, #tpu.memory_space<hbm>> -> memref<3276800x16xi32, #tpu.memory_space<hbm>>
      tpu.wait_indirect_dma semaphore(%arg12 : memref<!tpu.dma_semaphore, #tpu.memory_space<semaphore_mem>>) src(%dma_wait3A_326 : memref<3276800x16xi32, #tpu.memory_space<hbm>>) dst(%dma_wait3A_320 : memref<80x16xi32, #tpu.memory_space<vmem>>)
      %mul3A_327 = arith.constant 80 : i32
      %mul3A_328 = arith.muli %add3A_305, %mul3A_327 : i32
      %scan3A_329 = arith.constant 0 : i32
      %scan3A_330 = arith.constant 0 : i32
      %scan3A_331 = arith.constant 5 : i32
      %scan3A_332 = arith.addi %scan3A_330, %scan3A_331 : i32
      %scan3A_333 = arith.constant 1 : i32
      %scan3A_334 = scf.for %scan3A_507 = %scan3A_330 to %scan3A_332 step %scan3A_333 iter_args(%scan3A_508 = %scan3A_329) -> (i32)  : i32 {
        %mul3A_509 = arith.constant 16 : i32
        %mul3A_510 = arith.muli %scan3A_507, %mul3A_509 : i32
        %add3A_511 = vector.broadcast %mul3A_510 : i32 to vector<16xi32>
        %add3A_512 = arith.addi %add3A_511, %iota3A : vector<16xi32>
        %mul3A_513 = arith.constant 16 : i32
        %mul3A_514 = arith.muli %scan3A_507, %mul3A_513 : i32
        %get3A = arith.index_cast %add3A_305 : i32 to index
        %get3A_515 = arith.index_cast %mul3A_514 : i32 to index
        %get3A_516 = tpu.vector_load %arg5[%get3A, %get3A_515] {strides = array<i32>} : memref<125x80xi32, #tpu.memory_space<vmem>>, vector<16xi32>,
        %mul3A_517 = arith.constant 16 : i32
        %mul3A_518 = arith.muli %scan3A_507, %mul3A_517 : i32
        %get3A_519 = arith.index_cast %add3A_305 : i32 to index
        %get3A_520 = arith.index_cast %mul3A_518 : i32 to index
        %get3A_521 = tpu.vector_load %arg6[%get3A_519, %get3A_520] {strides = array<i32>} : memref<125x80xi32, #tpu.memory_space<vmem>>, vector<16xi32>,
        %max3A = arith.maxsi %get3A_516, %get3A_521 : vector<16xi32>
        %min3A = arith.minsi %get3A_516, %get3A_521 : vector<16xi32>
        %shift_right_logical3A = arith.constant 3 : i32
        %shift_right_logical3A_522 = vector.broadcast %shift_right_logical3A : i32 to vector<16xi32>
        %shift_right_logical3A_523 = arith.shrui %max3A, %shift_right_logical3A_522 : vector<16xi32>
        %mul3A_524 = arith.constant 40 : i32
        %mul3A_525 = vector.broadcast %mul3A_524 : i32 to vector<16xi32>
        %mul3A_526 = arith.muli %shift_right_logical3A_523, %mul3A_525 : vector<16xi32>
        %shift_right_logical3A_527 = arith.constant 8 : i32
        %shift_right_logical3A_528 = vector.broadcast %shift_right_logical3A_527 : i32 to vector<16xi32>
        %shift_right_logical3A_529 = arith.shrui %min3A, %shift_right_logical3A_528 : vector<16xi32>
        %add3A_530 = arith.addi %mul3A_526, %shift_right_logical3A_529 : vector<16xi32>
        %mul3A_531 = arith.constant 1024 : i32
        %mul3A_532 = vector.broadcast %mul3A_531 : i32 to vector<16xi32>
        %mul3A_533 = arith.muli %add3A_530, %mul3A_532 : vector<16xi32>
        %and3A = arith.constant 7 : i32
        %and3A_534 = vector.broadcast %and3A : i32 to vector<16xi32>
        %and3A_535 = arith.andi %max3A, %and3A_534 : vector<16xi32>
        %shift_left3A = arith.constant 7 : i32
        %shift_left3A_536 = vector.broadcast %shift_left3A : i32 to vector<16xi32>
        %shift_left3A_537 = arith.shli %and3A_535, %shift_left3A_536 : vector<16xi32>
        %add3A_538 = arith.addi %mul3A_533, %shift_left3A_537 : vector<16xi32>
        %and3A_539 = arith.constant 127 : i32
        %and3A_540 = vector.broadcast %and3A_539 : i32 to vector<16xi32>
        %and3A_541 = arith.andi %min3A, %and3A_540 : vector<16xi32>
        %add3A_542 = arith.addi %add3A_538, %and3A_541 : vector<16xi32>
        %shift_right_logical3A_543 = arith.constant 7 : i32
        %shift_right_logical3A_544 = vector.broadcast %shift_right_logical3A_543 : i32 to vector<16xi32>
        %shift_right_logical3A_545 = arith.shrui %min3A, %shift_right_logical3A_544 : vector<16xi32>
        %and3A_546 = arith.constant 1 : i32
        %and3A_547 = vector.broadcast %and3A_546 : i32 to vector<16xi32>
        %and3A_548 = arith.andi %shift_right_logical3A_545, %and3A_547 : vector<16xi32>
        %and3A_549 = arith.constant 15 : i32
        %and3A_550 = vector.broadcast %and3A_549 : i32 to vector<16xi32>
        %and3A_551 = arith.andi %add3A_542, %and3A_550 : vector<16xi32>
        %gather3A = arith.constant 2 : i32
        %gather3A_552 = arith.constant 0 : i32
        %gather3A_553 = arith.constant 0 : i32
        %gather3A_554 = tpu.memref_slice %arg8[%gather3A, %gather3A_552, %gather3A_553] : memref<8x80x16xi32, #tpu.memory_space<vmem>> -> memref<1x80x16xi32, #tpu.memory_space<vmem>>
        %gather3A_555 = tpu.memref_squeeze %gather3A_554 : memref<1x80x16xi32, #tpu.memory_space<vmem>> -> memref<80x16xi32, #tpu.memory_space<vmem>>
        %gather3A_556 = tpu.vector_load_idx %gather3A_555[%add3A_512, %and3A_551] : memref<80x16xi32, #tpu.memory_space<vmem>>[vector<16xi32>, vector<16xi32>], vector<16xi32>,
        %bitcast3A = vector.bitcast %gather3A_556 : vector<16xi32> to vector<32xbf16>
        %unpack3A = tpu.unpack_subelements %bitcast3A, 0 {pack_format = #tpu.pack_format<interleaved>} : vector<32xbf16> -> vector<16xf32>
        %unpack3A_557 = tpu.unpack_subelements %bitcast3A, 1 {pack_format = #tpu.pack_format<interleaved>} : vector<32xbf16> -> vector<16xf32>
        %eq3A = arith.constant 1 : i32
        %eq3A_558 = vector.broadcast %eq3A : i32 to vector<16xi32>
        %eq3A_559 = arith.cmpi eq, %and3A_548, %eq3A_558 : vector<16xi32>
        %select_n3A = arith.select %eq3A_559, %unpack3A_557, %unpack3A : vector<16xi1>, vector<16xf32>
        %neg3A = arith.constant 0.000000e+00 : f32
        %neg3A_560 = vector.broadcast %neg3A : f32 to vector<16xf32>
        %neg3A_561 = arith.subf %neg3A_560, %select_n3A : vector<16xf32>
        %exp3A = math.exp %neg3A_561 : vector<16xf32>
        %add3A_562 = arith.constant 1.000000e+00 : f32
        %add3A_563 = vector.broadcast %add3A_562 : f32 to vector<16xf32>
        %add3A_564 = arith.addf %add3A_563, %exp3A : vector<16xf32>
        %div3A = arith.constant 1.000000e+00 : f32
        %div3A_565 = vector.broadcast %div3A : f32 to vector<16xf32>
        %div3A_566 = arith.divf %div3A_565, %add3A_564 : vector<16xf32>
        %mul3A_567 = arith.constant 16 : i32
        %mul3A_568 = arith.muli %scan3A_507, %mul3A_567 : i32
        %add3A_569 = arith.addi %mul3A_328, %mul3A_568 : i32
        %swap3A = arith.index_cast %add3A_569 : i32 to index
        %swap3A_570 = tpu.vector_load %arg9[%swap3A] {strides = array<i32>} : memref<10000xf32, #tpu.memory_space<vmem>>, vector<16xf32>,
        tpu.vector_store %arg9[%swap3A], %div3A_566 {strides = array<i32>} : memref<10000xf32, #tpu.memory_space<vmem>>, vector<16xf32>,
        %scan3A_571 = arith.constant 0 : i32
        scf.yield %scan3A_571 : i32
      }
      %scan3A_335 = arith.constant 5 : i32
      %mul3A_336 = arith.constant 8 : i32
      %mul3A_337 = arith.muli %scan3A_236, %mul3A_336 : i32
      %add3A_338 = arith.constant 3 : i32
      %add3A_339 = arith.addi %mul3A_337, %add3A_338 : i32
      %add3A_340 = arith.constant 8 : i32
      %add3A_341 = arith.addi %add3A_339, %add3A_340 : i32
      %sub3A_342 = arith.constant 1 : i32
      %sub3A_343 = arith.subi %add3A_341, %sub3A_342 : i32
      %lt3A_344 = arith.constant 125 : i32
      %lt3A_345 = arith.cmpi slt, %sub3A_343, %lt3A_344 : i32
      %convert_element_type3A_346 = arith.extui %lt3A_345 : i1 to i32
      %cond3A_347 = arith.constant 0 : i32
      %cond3A_348 = arith.cmpi ne, %convert_element_type3A_346, %cond3A_347 : i32
      scf.if %cond3A_348 {
        %add3A_507 = arith.constant 8 : i32
        %add3A_508 = arith.addi %add3A_339, %add3A_507 : i32
        %sub3A_509 = arith.constant 1 : i32
        %sub3A_510 = arith.subi %add3A_508, %sub3A_509 : i32
        %scan3A_511 = arith.constant 0 : i32
        %scan3A_512 = arith.constant 0 : i32
        %scan3A_513 = arith.constant 5 : i32
        %scan3A_514 = arith.addi %scan3A_512, %scan3A_513 : i32
        %scan3A_515 = arith.constant 1 : i32
        %scan3A_516 = scf.for %scan3A_530 = %scan3A_512 to %scan3A_514 step %scan3A_515 iter_args(%scan3A_531 = %scan3A_511) -> (i32)  : i32 {
          %mul3A_532 = arith.constant 16 : i32
          %mul3A_533 = arith.muli %scan3A_530, %mul3A_532 : i32
          %get3A = arith.index_cast %sub3A_510 : i32 to index
          %get3A_534 = arith.index_cast %mul3A_533 : i32 to index
          %get3A_535 = tpu.vector_load %arg5[%get3A, %get3A_534] {strides = array<i32>} : memref<125x80xi32, #tpu.memory_space<vmem>>, vector<16xi32>,
          %mul3A_536 = arith.constant 16 : i32
          %mul3A_537 = arith.muli %scan3A_530, %mul3A_536 : i32
          %get3A_538 = arith.index_cast %sub3A_510 : i32 to index
          %get3A_539 = arith.index_cast %mul3A_537 : i32 to index
          %get3A_540 = tpu.vector_load %arg6[%get3A_538, %get3A_539] {strides = array<i32>} : memref<125x80xi32, #tpu.memory_space<vmem>>, vector<16xi32>,
          %max3A = arith.maxsi %get3A_535, %get3A_540 : vector<16xi32>
          %min3A = arith.minsi %get3A_535, %get3A_540 : vector<16xi32>
          %shift_right_logical3A = arith.constant 3 : i32
          %shift_right_logical3A_541 = vector.broadcast %shift_right_logical3A : i32 to vector<16xi32>
          %shift_right_logical3A_542 = arith.shrui %max3A, %shift_right_logical3A_541 : vector<16xi32>
          %mul3A_543 = arith.constant 40 : i32
          %mul3A_544 = vector.broadcast %mul3A_543 : i32 to vector<16xi32>
          %mul3A_545 = arith.muli %shift_right_logical3A_542, %mul3A_544 : vector<16xi32>
          %shift_right_logical3A_546 = arith.constant 8 : i32
          %shift_right_logical3A_547 = vector.broadcast %shift_right_logical3A_546 : i32 to vector<16xi32>
          %shift_right_logical3A_548 = arith.shrui %min3A, %shift_right_logical3A_547 : vector<16xi32>
          %add3A_549 = arith.addi %mul3A_545, %shift_right_logical3A_548 : vector<16xi32>
          %mul3A_550 = arith.constant 1024 : i32
          %mul3A_551 = vector.broadcast %mul3A_550 : i32 to vector<16xi32>
          %mul3A_552 = arith.muli %add3A_549, %mul3A_551 : vector<16xi32>
          %and3A = arith.constant 7 : i32
          %and3A_553 = vector.broadcast %and3A : i32 to vector<16xi32>
          %and3A_554 = arith.andi %max3A, %and3A_553 : vector<16xi32>
          %shift_left3A = arith.constant 7 : i32
          %shift_left3A_555 = vector.broadcast %shift_left3A : i32 to vector<16xi32>
          %shift_left3A_556 = arith.shli %and3A_554, %shift_left3A_555 : vector<16xi32>
          %add3A_557 = arith.addi %mul3A_552, %shift_left3A_556 : vector<16xi32>
          %and3A_558 = arith.constant 127 : i32
          %and3A_559 = vector.broadcast %and3A_558 : i32 to vector<16xi32>
          %and3A_560 = arith.andi %min3A, %and3A_559 : vector<16xi32>
          %add3A_561 = arith.addi %add3A_557, %and3A_560 : vector<16xi32>
          %shift_right_logical3A_562 = arith.constant 7 : i32
          %shift_right_logical3A_563 = vector.broadcast %shift_right_logical3A_562 : i32 to vector<16xi32>
          %shift_right_logical3A_564 = arith.shrui %min3A, %shift_right_logical3A_563 : vector<16xi32>
          %and3A_565 = arith.constant 1 : i32
          %and3A_566 = vector.broadcast %and3A_565 : i32 to vector<16xi32>
          %and3A_567 = arith.andi %shift_right_logical3A_564, %and3A_566 : vector<16xi32>
          %shift_right_logical3A_568 = arith.constant 4 : i32
          %shift_right_logical3A_569 = vector.broadcast %shift_right_logical3A_568 : i32 to vector<16xi32>
          %shift_right_logical3A_570 = arith.shrui %add3A_561, %shift_right_logical3A_569 : vector<16xi32>
          %mul3A_571 = arith.constant 16 : i32
          %mul3A_572 = arith.muli %scan3A_530, %mul3A_571 : i32
          %swap3A = arith.constant 2 : i32
          %swap3A_573 = arith.index_cast %swap3A : i32 to index
          %swap3A_574 = arith.index_cast %mul3A_572 : i32 to index
          %swap3A_575 = tpu.vector_load %arg7[%swap3A_573, %swap3A_574] {strides = array<i32>} : memref<8x80xi32, #tpu.memory_space<vmem>>, vector<16xi32>,
          tpu.vector_store %arg7[%swap3A_573, %swap3A_574], %shift_right_logical3A_570 {strides = array<i32>} : memref<8x80xi32, #tpu.memory_space<vmem>>, vector<16xi32>,
          %scan3A_576 = arith.constant 0 : i32
          scf.yield %scan3A_576 : i32
        }
        %scan3A_517 = arith.constant 5 : i32
        %dma_start3A_518 = arith.constant 2 : i32
        %dma_start3A_519 = arith.constant 2 : i32
        %dma_start3A_520 = arith.constant 0 : i32
        %dma_start3A_521 = arith.constant 0 : i32
        %dma_start3A_522 = tpu.memref_slice %arg8[%dma_start3A_519, %dma_start3A_520, %dma_start3A_521] : memref<8x80x16xi32, #tpu.memory_space<vmem>> -> memref<1x80x16xi32, #tpu.memory_space<vmem>>
        %dma_start3A_523 = tpu.memref_squeeze %dma_start3A_522 : memref<1x80x16xi32, #tpu.memory_space<vmem>> -> memref<80x16xi32, #tpu.memory_space<vmem>>
        %dma_start3A_524 = arith.constant 0 : i32
        %dma_start3A_525 = tpu.memref_slice %arg7[%dma_start3A_518, %dma_start3A_524] : memref<8x80xi32, #tpu.memory_space<vmem>> -> memref<1x80xi32, #tpu.memory_space<vmem>>
        %dma_start3A_526 = tpu.memref_squeeze %dma_start3A_525 : memref<1x80xi32, #tpu.memory_space<vmem>> -> memref<80xi32, #tpu.memory_space<vmem>>
        %dma_start3A_527 = arith.constant 0 : i32
        %dma_start3A_528 = arith.constant 0 : i32
        %dma_start3A_529 = tpu.memref_slice %arg2[%dma_start3A_527, %dma_start3A_528] : memref<3276800x16xi32, #tpu.memory_space<hbm>> -> memref<3276800x16xi32, #tpu.memory_space<hbm>>
        tpu.enqueue_indirect_dma source(%dma_start3A_529 : memref<3276800x16xi32, #tpu.memory_space<hbm>>) target(%dma_start3A_523 : memref<80x16xi32, #tpu.memory_space<vmem>>) offsets(%dma_start3A_526 : memref<80xi32, #tpu.memory_space<vmem>>) semaphore(%arg12 : memref<!tpu.dma_semaphore, #tpu.memory_space<semaphore_mem>>)
      } else {
      }
      %dma_wait3A_349 = arith.constant 3 : i32
      %dma_wait3A_350 = arith.constant 3 : i32
      %dma_wait3A_351 = arith.constant 0 : i32
      %dma_wait3A_352 = arith.constant 0 : i32
      %dma_wait3A_353 = tpu.memref_slice %arg8[%dma_wait3A_350, %dma_wait3A_351, %dma_wait3A_352] : memref<8x80x16xi32, #tpu.memory_space<vmem>> -> memref<1x80x16xi32, #tpu.memory_space<vmem>>
      %dma_wait3A_354 = tpu.memref_squeeze %dma_wait3A_353 : memref<1x80x16xi32, #tpu.memory_space<vmem>> -> memref<80x16xi32, #tpu.memory_space<vmem>>
      %dma_wait3A_355 = arith.constant 0 : i32
      %dma_wait3A_356 = tpu.memref_slice %arg7[%dma_wait3A_349, %dma_wait3A_355] : memref<8x80xi32, #tpu.memory_space<vmem>> -> memref<1x80xi32, #tpu.memory_space<vmem>>
      %dma_wait3A_357 = tpu.memref_squeeze %dma_wait3A_356 : memref<1x80xi32, #tpu.memory_space<vmem>> -> memref<80xi32, #tpu.memory_space<vmem>>
      %dma_wait3A_358 = arith.constant 0 : i32
      %dma_wait3A_359 = arith.constant 0 : i32
      %dma_wait3A_360 = tpu.memref_slice %arg2[%dma_wait3A_358, %dma_wait3A_359] : memref<3276800x16xi32, #tpu.memory_space<hbm>> -> memref<3276800x16xi32, #tpu.memory_space<hbm>>
      tpu.wait_indirect_dma semaphore(%arg13 : memref<!tpu.dma_semaphore, #tpu.memory_space<semaphore_mem>>) src(%dma_wait3A_360 : memref<3276800x16xi32, #tpu.memory_space<hbm>>) dst(%dma_wait3A_354 : memref<80x16xi32, #tpu.memory_space<vmem>>)
      %mul3A_361 = arith.constant 80 : i32
      %mul3A_362 = arith.muli %add3A_339, %mul3A_361 : i32
      %scan3A_363 = arith.constant 0 : i32
      %scan3A_364 = arith.constant 0 : i32
      %scan3A_365 = arith.constant 5 : i32
      %scan3A_366 = arith.addi %scan3A_364, %scan3A_365 : i32
      %scan3A_367 = arith.constant 1 : i32
      %scan3A_368 = scf.for %scan3A_507 = %scan3A_364 to %scan3A_366 step %scan3A_367 iter_args(%scan3A_508 = %scan3A_363) -> (i32)  : i32 {
        %mul3A_509 = arith.constant 16 : i32
        %mul3A_510 = arith.muli %scan3A_507, %mul3A_509 : i32
        %add3A_511 = vector.broadcast %mul3A_510 : i32 to vector<16xi32>
        %add3A_512 = arith.addi %add3A_511, %iota3A : vector<16xi32>
        %mul3A_513 = arith.constant 16 : i32
        %mul3A_514 = arith.muli %scan3A_507, %mul3A_513 : i32
        %get3A = arith.index_cast %add3A_339 : i32 to index
        %get3A_515 = arith.index_cast %mul3A_514 : i32 to index
        %get3A_516 = tpu.vector_load %arg5[%get3A, %get3A_515] {strides = array<i32>} : memref<125x80xi32, #tpu.memory_space<vmem>>, vector<16xi32>,
        %mul3A_517 = arith.constant 16 : i32
        %mul3A_518 = arith.muli %scan3A_507, %mul3A_517 : i32
        %get3A_519 = arith.index_cast %add3A_339 : i32 to index
        %get3A_520 = arith.index_cast %mul3A_518 : i32 to index
        %get3A_521 = tpu.vector_load %arg6[%get3A_519, %get3A_520] {strides = array<i32>} : memref<125x80xi32, #tpu.memory_space<vmem>>, vector<16xi32>,
        %max3A = arith.maxsi %get3A_516, %get3A_521 : vector<16xi32>
        %min3A = arith.minsi %get3A_516, %get3A_521 : vector<16xi32>
        %shift_right_logical3A = arith.constant 3 : i32
        %shift_right_logical3A_522 = vector.broadcast %shift_right_logical3A : i32 to vector<16xi32>
        %shift_right_logical3A_523 = arith.shrui %max3A, %shift_right_logical3A_522 : vector<16xi32>
        %mul3A_524 = arith.constant 40 : i32
        %mul3A_525 = vector.broadcast %mul3A_524 : i32 to vector<16xi32>
        %mul3A_526 = arith.muli %shift_right_logical3A_523, %mul3A_525 : vector<16xi32>
        %shift_right_logical3A_527 = arith.constant 8 : i32
        %shift_right_logical3A_528 = vector.broadcast %shift_right_logical3A_527 : i32 to vector<16xi32>
        %shift_right_logical3A_529 = arith.shrui %min3A, %shift_right_logical3A_528 : vector<16xi32>
        %add3A_530 = arith.addi %mul3A_526, %shift_right_logical3A_529 : vector<16xi32>
        %mul3A_531 = arith.constant 1024 : i32
        %mul3A_532 = vector.broadcast %mul3A_531 : i32 to vector<16xi32>
        %mul3A_533 = arith.muli %add3A_530, %mul3A_532 : vector<16xi32>
        %and3A = arith.constant 7 : i32
        %and3A_534 = vector.broadcast %and3A : i32 to vector<16xi32>
        %and3A_535 = arith.andi %max3A, %and3A_534 : vector<16xi32>
        %shift_left3A = arith.constant 7 : i32
        %shift_left3A_536 = vector.broadcast %shift_left3A : i32 to vector<16xi32>
        %shift_left3A_537 = arith.shli %and3A_535, %shift_left3A_536 : vector<16xi32>
        %add3A_538 = arith.addi %mul3A_533, %shift_left3A_537 : vector<16xi32>
        %and3A_539 = arith.constant 127 : i32
        %and3A_540 = vector.broadcast %and3A_539 : i32 to vector<16xi32>
        %and3A_541 = arith.andi %min3A, %and3A_540 : vector<16xi32>
        %add3A_542 = arith.addi %add3A_538, %and3A_541 : vector<16xi32>
        %shift_right_logical3A_543 = arith.constant 7 : i32
        %shift_right_logical3A_544 = vector.broadcast %shift_right_logical3A_543 : i32 to vector<16xi32>
        %shift_right_logical3A_545 = arith.shrui %min3A, %shift_right_logical3A_544 : vector<16xi32>
        %and3A_546 = arith.constant 1 : i32
        %and3A_547 = vector.broadcast %and3A_546 : i32 to vector<16xi32>
        %and3A_548 = arith.andi %shift_right_logical3A_545, %and3A_547 : vector<16xi32>
        %and3A_549 = arith.constant 15 : i32
        %and3A_550 = vector.broadcast %and3A_549 : i32 to vector<16xi32>
        %and3A_551 = arith.andi %add3A_542, %and3A_550 : vector<16xi32>
        %gather3A = arith.constant 3 : i32
        %gather3A_552 = arith.constant 0 : i32
        %gather3A_553 = arith.constant 0 : i32
        %gather3A_554 = tpu.memref_slice %arg8[%gather3A, %gather3A_552, %gather3A_553] : memref<8x80x16xi32, #tpu.memory_space<vmem>> -> memref<1x80x16xi32, #tpu.memory_space<vmem>>
        %gather3A_555 = tpu.memref_squeeze %gather3A_554 : memref<1x80x16xi32, #tpu.memory_space<vmem>> -> memref<80x16xi32, #tpu.memory_space<vmem>>
        %gather3A_556 = tpu.vector_load_idx %gather3A_555[%add3A_512, %and3A_551] : memref<80x16xi32, #tpu.memory_space<vmem>>[vector<16xi32>, vector<16xi32>], vector<16xi32>,
        %bitcast3A = vector.bitcast %gather3A_556 : vector<16xi32> to vector<32xbf16>
        %unpack3A = tpu.unpack_subelements %bitcast3A, 0 {pack_format = #tpu.pack_format<interleaved>} : vector<32xbf16> -> vector<16xf32>
        %unpack3A_557 = tpu.unpack_subelements %bitcast3A, 1 {pack_format = #tpu.pack_format<interleaved>} : vector<32xbf16> -> vector<16xf32>
        %eq3A = arith.constant 1 : i32
        %eq3A_558 = vector.broadcast %eq3A : i32 to vector<16xi32>
        %eq3A_559 = arith.cmpi eq, %and3A_548, %eq3A_558 : vector<16xi32>
        %select_n3A = arith.select %eq3A_559, %unpack3A_557, %unpack3A : vector<16xi1>, vector<16xf32>
        %neg3A = arith.constant 0.000000e+00 : f32
        %neg3A_560 = vector.broadcast %neg3A : f32 to vector<16xf32>
        %neg3A_561 = arith.subf %neg3A_560, %select_n3A : vector<16xf32>
        %exp3A = math.exp %neg3A_561 : vector<16xf32>
        %add3A_562 = arith.constant 1.000000e+00 : f32
        %add3A_563 = vector.broadcast %add3A_562 : f32 to vector<16xf32>
        %add3A_564 = arith.addf %add3A_563, %exp3A : vector<16xf32>
        %div3A = arith.constant 1.000000e+00 : f32
        %div3A_565 = vector.broadcast %div3A : f32 to vector<16xf32>
        %div3A_566 = arith.divf %div3A_565, %add3A_564 : vector<16xf32>
        %mul3A_567 = arith.constant 16 : i32
        %mul3A_568 = arith.muli %scan3A_507, %mul3A_567 : i32
        %add3A_569 = arith.addi %mul3A_362, %mul3A_568 : i32
        %swap3A = arith.index_cast %add3A_569 : i32 to index
        %swap3A_570 = tpu.vector_load %arg9[%swap3A] {strides = array<i32>} : memref<10000xf32, #tpu.memory_space<vmem>>, vector<16xf32>,
        tpu.vector_store %arg9[%swap3A], %div3A_566 {strides = array<i32>} : memref<10000xf32, #tpu.memory_space<vmem>>, vector<16xf32>,
        %scan3A_571 = arith.constant 0 : i32
        scf.yield %scan3A_571 : i32
      }
      %scan3A_369 = arith.constant 5 : i32
      %mul3A_370 = arith.constant 8 : i32
      %mul3A_371 = arith.muli %scan3A_236, %mul3A_370 : i32
      %add3A_372 = arith.constant 4 : i32
      %add3A_373 = arith.addi %mul3A_371, %add3A_372 : i32
      %add3A_374 = arith.constant 8 : i32
      %add3A_375 = arith.addi %add3A_373, %add3A_374 : i32
      %sub3A_376 = arith.constant 1 : i32
      %sub3A_377 = arith.subi %add3A_375, %sub3A_376 : i32
      %lt3A_378 = arith.constant 125 : i32
      %lt3A_379 = arith.cmpi slt, %sub3A_377, %lt3A_378 : i32
      %convert_element_type3A_380 = arith.extui %lt3A_379 : i1 to i32
      %cond3A_381 = arith.constant 0 : i32
      %cond3A_382 = arith.cmpi ne, %convert_element_type3A_380, %cond3A_381 : i32
      scf.if %cond3A_382 {
        %add3A_507 = arith.constant 8 : i32
        %add3A_508 = arith.addi %add3A_373, %add3A_507 : i32
        %sub3A_509 = arith.constant 1 : i32
        %sub3A_510 = arith.subi %add3A_508, %sub3A_509 : i32
        %scan3A_511 = arith.constant 0 : i32
        %scan3A_512 = arith.constant 0 : i32
        %scan3A_513 = arith.constant 5 : i32
        %scan3A_514 = arith.addi %scan3A_512, %scan3A_513 : i32
        %scan3A_515 = arith.constant 1 : i32
        %scan3A_516 = scf.for %scan3A_530 = %scan3A_512 to %scan3A_514 step %scan3A_515 iter_args(%scan3A_531 = %scan3A_511) -> (i32)  : i32 {
          %mul3A_532 = arith.constant 16 : i32
          %mul3A_533 = arith.muli %scan3A_530, %mul3A_532 : i32
          %get3A = arith.index_cast %sub3A_510 : i32 to index
          %get3A_534 = arith.index_cast %mul3A_533 : i32 to index
          %get3A_535 = tpu.vector_load %arg5[%get3A, %get3A_534] {strides = array<i32>} : memref<125x80xi32, #tpu.memory_space<vmem>>, vector<16xi32>,
          %mul3A_536 = arith.constant 16 : i32
          %mul3A_537 = arith.muli %scan3A_530, %mul3A_536 : i32
          %get3A_538 = arith.index_cast %sub3A_510 : i32 to index
          %get3A_539 = arith.index_cast %mul3A_537 : i32 to index
          %get3A_540 = tpu.vector_load %arg6[%get3A_538, %get3A_539] {strides = array<i32>} : memref<125x80xi32, #tpu.memory_space<vmem>>, vector<16xi32>,
          %max3A = arith.maxsi %get3A_535, %get3A_540 : vector<16xi32>
          %min3A = arith.minsi %get3A_535, %get3A_540 : vector<16xi32>
          %shift_right_logical3A = arith.constant 3 : i32
          %shift_right_logical3A_541 = vector.broadcast %shift_right_logical3A : i32 to vector<16xi32>
          %shift_right_logical3A_542 = arith.shrui %max3A, %shift_right_logical3A_541 : vector<16xi32>
          %mul3A_543 = arith.constant 40 : i32
          %mul3A_544 = vector.broadcast %mul3A_543 : i32 to vector<16xi32>
          %mul3A_545 = arith.muli %shift_right_logical3A_542, %mul3A_544 : vector<16xi32>
          %shift_right_logical3A_546 = arith.constant 8 : i32
          %shift_right_logical3A_547 = vector.broadcast %shift_right_logical3A_546 : i32 to vector<16xi32>
          %shift_right_logical3A_548 = arith.shrui %min3A, %shift_right_logical3A_547 : vector<16xi32>
          %add3A_549 = arith.addi %mul3A_545, %shift_right_logical3A_548 : vector<16xi32>
          %mul3A_550 = arith.constant 1024 : i32
          %mul3A_551 = vector.broadcast %mul3A_550 : i32 to vector<16xi32>
          %mul3A_552 = arith.muli %add3A_549, %mul3A_551 : vector<16xi32>
          %and3A = arith.constant 7 : i32
          %and3A_553 = vector.broadcast %and3A : i32 to vector<16xi32>
          %and3A_554 = arith.andi %max3A, %and3A_553 : vector<16xi32>
          %shift_left3A = arith.constant 7 : i32
          %shift_left3A_555 = vector.broadcast %shift_left3A : i32 to vector<16xi32>
          %shift_left3A_556 = arith.shli %and3A_554, %shift_left3A_555 : vector<16xi32>
          %add3A_557 = arith.addi %mul3A_552, %shift_left3A_556 : vector<16xi32>
          %and3A_558 = arith.constant 127 : i32
          %and3A_559 = vector.broadcast %and3A_558 : i32 to vector<16xi32>
          %and3A_560 = arith.andi %min3A, %and3A_559 : vector<16xi32>
          %add3A_561 = arith.addi %add3A_557, %and3A_560 : vector<16xi32>
          %shift_right_logical3A_562 = arith.constant 7 : i32
          %shift_right_logical3A_563 = vector.broadcast %shift_right_logical3A_562 : i32 to vector<16xi32>
          %shift_right_logical3A_564 = arith.shrui %min3A, %shift_right_logical3A_563 : vector<16xi32>
          %and3A_565 = arith.constant 1 : i32
          %and3A_566 = vector.broadcast %and3A_565 : i32 to vector<16xi32>
          %and3A_567 = arith.andi %shift_right_logical3A_564, %and3A_566 : vector<16xi32>
          %shift_right_logical3A_568 = arith.constant 4 : i32
          %shift_right_logical3A_569 = vector.broadcast %shift_right_logical3A_568 : i32 to vector<16xi32>
          %shift_right_logical3A_570 = arith.shrui %add3A_561, %shift_right_logical3A_569 : vector<16xi32>
          %mul3A_571 = arith.constant 16 : i32
          %mul3A_572 = arith.muli %scan3A_530, %mul3A_571 : i32
          %swap3A = arith.constant 3 : i32
          %swap3A_573 = arith.index_cast %swap3A : i32 to index
          %swap3A_574 = arith.index_cast %mul3A_572 : i32 to index
          %swap3A_575 = tpu.vector_load %arg7[%swap3A_573, %swap3A_574] {strides = array<i32>} : memref<8x80xi32, #tpu.memory_space<vmem>>, vector<16xi32>,
          tpu.vector_store %arg7[%swap3A_573, %swap3A_574], %shift_right_logical3A_570 {strides = array<i32>} : memref<8x80xi32, #tpu.memory_space<vmem>>, vector<16xi32>,
          %scan3A_576 = arith.constant 0 : i32
          scf.yield %scan3A_576 : i32
        }
        %scan3A_517 = arith.constant 5 : i32
        %dma_start3A_518 = arith.constant 3 : i32
        %dma_start3A_519 = arith.constant 3 : i32
        %dma_start3A_520 = arith.constant 0 : i32
        %dma_start3A_521 = arith.constant 0 : i32
        %dma_start3A_522 = tpu.memref_slice %arg8[%dma_start3A_519, %dma_start3A_520, %dma_start3A_521] : memref<8x80x16xi32, #tpu.memory_space<vmem>> -> memref<1x80x16xi32, #tpu.memory_space<vmem>>
        %dma_start3A_523 = tpu.memref_squeeze %dma_start3A_522 : memref<1x80x16xi32, #tpu.memory_space<vmem>> -> memref<80x16xi32, #tpu.memory_space<vmem>>
        %dma_start3A_524 = arith.constant 0 : i32
        %dma_start3A_525 = tpu.memref_slice %arg7[%dma_start3A_518, %dma_start3A_524] : memref<8x80xi32, #tpu.memory_space<vmem>> -> memref<1x80xi32, #tpu.memory_space<vmem>>
        %dma_start3A_526 = tpu.memref_squeeze %dma_start3A_525 : memref<1x80xi32, #tpu.memory_space<vmem>> -> memref<80xi32, #tpu.memory_space<vmem>>
        %dma_start3A_527 = arith.constant 0 : i32
        %dma_start3A_528 = arith.constant 0 : i32
        %dma_start3A_529 = tpu.memref_slice %arg2[%dma_start3A_527, %dma_start3A_528] : memref<3276800x16xi32, #tpu.memory_space<hbm>> -> memref<3276800x16xi32, #tpu.memory_space<hbm>>
        tpu.enqueue_indirect_dma source(%dma_start3A_529 : memref<3276800x16xi32, #tpu.memory_space<hbm>>) target(%dma_start3A_523 : memref<80x16xi32, #tpu.memory_space<vmem>>) offsets(%dma_start3A_526 : memref<80xi32, #tpu.memory_space<vmem>>) semaphore(%arg13 : memref<!tpu.dma_semaphore, #tpu.memory_space<semaphore_mem>>)
      } else {
      }
      %dma_wait3A_383 = arith.constant 4 : i32
      %dma_wait3A_384 = arith.constant 4 : i32
      %dma_wait3A_385 = arith.constant 0 : i32
      %dma_wait3A_386 = arith.constant 0 : i32
      %dma_wait3A_387 = tpu.memref_slice %arg8[%dma_wait3A_384, %dma_wait3A_385, %dma_wait3A_386] : memref<8x80x16xi32, #tpu.memory_space<vmem>> -> memref<1x80x16xi32, #tpu.memory_space<vmem>>
      %dma_wait3A_388 = tpu.memref_squeeze %dma_wait3A_387 : memref<1x80x16xi32, #tpu.memory_space<vmem>> -> memref<80x16xi32, #tpu.memory_space<vmem>>
      %dma_wait3A_389 = arith.constant 0 : i32
      %dma_wait3A_390 = tpu.memref_slice %arg7[%dma_wait3A_383, %dma_wait3A_389] : memref<8x80xi32, #tpu.memory_space<vmem>> -> memref<1x80xi32, #tpu.memory_space<vmem>>
      %dma_wait3A_391 = tpu.memref_squeeze %dma_wait3A_390 : memref<1x80xi32, #tpu.memory_space<vmem>> -> memref<80xi32, #tpu.memory_space<vmem>>
      %dma_wait3A_392 = arith.constant 0 : i32
      %dma_wait3A_393 = arith.constant 0 : i32
      %dma_wait3A_394 = tpu.memref_slice %arg2[%dma_wait3A_392, %dma_wait3A_393] : memref<3276800x16xi32, #tpu.memory_space<hbm>> -> memref<3276800x16xi32, #tpu.memory_space<hbm>>
      tpu.wait_indirect_dma semaphore(%arg14 : memref<!tpu.dma_semaphore, #tpu.memory_space<semaphore_mem>>) src(%dma_wait3A_394 : memref<3276800x16xi32, #tpu.memory_space<hbm>>) dst(%dma_wait3A_388 : memref<80x16xi32, #tpu.memory_space<vmem>>)
      %mul3A_395 = arith.constant 80 : i32
      %mul3A_396 = arith.muli %add3A_373, %mul3A_395 : i32
      %scan3A_397 = arith.constant 0 : i32
      %scan3A_398 = arith.constant 0 : i32
      %scan3A_399 = arith.constant 5 : i32
      %scan3A_400 = arith.addi %scan3A_398, %scan3A_399 : i32
      %scan3A_401 = arith.constant 1 : i32
      %scan3A_402 = scf.for %scan3A_507 = %scan3A_398 to %scan3A_400 step %scan3A_401 iter_args(%scan3A_508 = %scan3A_397) -> (i32)  : i32 {
        %mul3A_509 = arith.constant 16 : i32
        %mul3A_510 = arith.muli %scan3A_507, %mul3A_509 : i32
        %add3A_511 = vector.broadcast %mul3A_510 : i32 to vector<16xi32>
        %add3A_512 = arith.addi %add3A_511, %iota3A : vector<16xi32>
        %mul3A_513 = arith.constant 16 : i32
        %mul3A_514 = arith.muli %scan3A_507, %mul3A_513 : i32
        %get3A = arith.index_cast %add3A_373 : i32 to index
        %get3A_515 = arith.index_cast %mul3A_514 : i32 to index
        %get3A_516 = tpu.vector_load %arg5[%get3A, %get3A_515] {strides = array<i32>} : memref<125x80xi32, #tpu.memory_space<vmem>>, vector<16xi32>,
        %mul3A_517 = arith.constant 16 : i32
        %mul3A_518 = arith.muli %scan3A_507, %mul3A_517 : i32
        %get3A_519 = arith.index_cast %add3A_373 : i32 to index
        %get3A_520 = arith.index_cast %mul3A_518 : i32 to index
        %get3A_521 = tpu.vector_load %arg6[%get3A_519, %get3A_520] {strides = array<i32>} : memref<125x80xi32, #tpu.memory_space<vmem>>, vector<16xi32>,
        %max3A = arith.maxsi %get3A_516, %get3A_521 : vector<16xi32>
        %min3A = arith.minsi %get3A_516, %get3A_521 : vector<16xi32>
        %shift_right_logical3A = arith.constant 3 : i32
        %shift_right_logical3A_522 = vector.broadcast %shift_right_logical3A : i32 to vector<16xi32>
        %shift_right_logical3A_523 = arith.shrui %max3A, %shift_right_logical3A_522 : vector<16xi32>
        %mul3A_524 = arith.constant 40 : i32
        %mul3A_525 = vector.broadcast %mul3A_524 : i32 to vector<16xi32>
        %mul3A_526 = arith.muli %shift_right_logical3A_523, %mul3A_525 : vector<16xi32>
        %shift_right_logical3A_527 = arith.constant 8 : i32
        %shift_right_logical3A_528 = vector.broadcast %shift_right_logical3A_527 : i32 to vector<16xi32>
        %shift_right_logical3A_529 = arith.shrui %min3A, %shift_right_logical3A_528 : vector<16xi32>
        %add3A_530 = arith.addi %mul3A_526, %shift_right_logical3A_529 : vector<16xi32>
        %mul3A_531 = arith.constant 1024 : i32
        %mul3A_532 = vector.broadcast %mul3A_531 : i32 to vector<16xi32>
        %mul3A_533 = arith.muli %add3A_530, %mul3A_532 : vector<16xi32>
        %and3A = arith.constant 7 : i32
        %and3A_534 = vector.broadcast %and3A : i32 to vector<16xi32>
        %and3A_535 = arith.andi %max3A, %and3A_534 : vector<16xi32>
        %shift_left3A = arith.constant 7 : i32
        %shift_left3A_536 = vector.broadcast %shift_left3A : i32 to vector<16xi32>
        %shift_left3A_537 = arith.shli %and3A_535, %shift_left3A_536 : vector<16xi32>
        %add3A_538 = arith.addi %mul3A_533, %shift_left3A_537 : vector<16xi32>
        %and3A_539 = arith.constant 127 : i32
        %and3A_540 = vector.broadcast %and3A_539 : i32 to vector<16xi32>
        %and3A_541 = arith.andi %min3A, %and3A_540 : vector<16xi32>
        %add3A_542 = arith.addi %add3A_538, %and3A_541 : vector<16xi32>
        %shift_right_logical3A_543 = arith.constant 7 : i32
        %shift_right_logical3A_544 = vector.broadcast %shift_right_logical3A_543 : i32 to vector<16xi32>
        %shift_right_logical3A_545 = arith.shrui %min3A, %shift_right_logical3A_544 : vector<16xi32>
        %and3A_546 = arith.constant 1 : i32
        %and3A_547 = vector.broadcast %and3A_546 : i32 to vector<16xi32>
        %and3A_548 = arith.andi %shift_right_logical3A_545, %and3A_547 : vector<16xi32>
        %and3A_549 = arith.constant 15 : i32
        %and3A_550 = vector.broadcast %and3A_549 : i32 to vector<16xi32>
        %and3A_551 = arith.andi %add3A_542, %and3A_550 : vector<16xi32>
        %gather3A = arith.constant 4 : i32
        %gather3A_552 = arith.constant 0 : i32
        %gather3A_553 = arith.constant 0 : i32
        %gather3A_554 = tpu.memref_slice %arg8[%gather3A, %gather3A_552, %gather3A_553] : memref<8x80x16xi32, #tpu.memory_space<vmem>> -> memref<1x80x16xi32, #tpu.memory_space<vmem>>
        %gather3A_555 = tpu.memref_squeeze %gather3A_554 : memref<1x80x16xi32, #tpu.memory_space<vmem>> -> memref<80x16xi32, #tpu.memory_space<vmem>>
        %gather3A_556 = tpu.vector_load_idx %gather3A_555[%add3A_512, %and3A_551] : memref<80x16xi32, #tpu.memory_space<vmem>>[vector<16xi32>, vector<16xi32>], vector<16xi32>,
        %bitcast3A = vector.bitcast %gather3A_556 : vector<16xi32> to vector<32xbf16>
        %unpack3A = tpu.unpack_subelements %bitcast3A, 0 {pack_format = #tpu.pack_format<interleaved>} : vector<32xbf16> -> vector<16xf32>
        %unpack3A_557 = tpu.unpack_subelements %bitcast3A, 1 {pack_format = #tpu.pack_format<interleaved>} : vector<32xbf16> -> vector<16xf32>
        %eq3A = arith.constant 1 : i32
        %eq3A_558 = vector.broadcast %eq3A : i32 to vector<16xi32>
        %eq3A_559 = arith.cmpi eq, %and3A_548, %eq3A_558 : vector<16xi32>
        %select_n3A = arith.select %eq3A_559, %unpack3A_557, %unpack3A : vector<16xi1>, vector<16xf32>
        %neg3A = arith.constant 0.000000e+00 : f32
        %neg3A_560 = vector.broadcast %neg3A : f32 to vector<16xf32>
        %neg3A_561 = arith.subf %neg3A_560, %select_n3A : vector<16xf32>
        %exp3A = math.exp %neg3A_561 : vector<16xf32>
        %add3A_562 = arith.constant 1.000000e+00 : f32
        %add3A_563 = vector.broadcast %add3A_562 : f32 to vector<16xf32>
        %add3A_564 = arith.addf %add3A_563, %exp3A : vector<16xf32>
        %div3A = arith.constant 1.000000e+00 : f32
        %div3A_565 = vector.broadcast %div3A : f32 to vector<16xf32>
        %div3A_566 = arith.divf %div3A_565, %add3A_564 : vector<16xf32>
        %mul3A_567 = arith.constant 16 : i32
        %mul3A_568 = arith.muli %scan3A_507, %mul3A_567 : i32
        %add3A_569 = arith.addi %mul3A_396, %mul3A_568 : i32
        %swap3A = arith.index_cast %add3A_569 : i32 to index
        %swap3A_570 = tpu.vector_load %arg9[%swap3A] {strides = array<i32>} : memref<10000xf32, #tpu.memory_space<vmem>>, vector<16xf32>,
        tpu.vector_store %arg9[%swap3A], %div3A_566 {strides = array<i32>} : memref<10000xf32, #tpu.memory_space<vmem>>, vector<16xf32>,
        %scan3A_571 = arith.constant 0 : i32
        scf.yield %scan3A_571 : i32
      }
      %scan3A_403 = arith.constant 5 : i32
      %mul3A_404 = arith.constant 8 : i32
      %mul3A_405 = arith.muli %scan3A_236, %mul3A_404 : i32
      %add3A_406 = arith.constant 5 : i32
      %add3A_407 = arith.addi %mul3A_405, %add3A_406 : i32
      %add3A_408 = arith.constant 8 : i32
      %add3A_409 = arith.addi %add3A_407, %add3A_408 : i32
      %sub3A_410 = arith.constant 1 : i32
      %sub3A_411 = arith.subi %add3A_409, %sub3A_410 : i32
      %lt3A_412 = arith.constant 125 : i32
      %lt3A_413 = arith.cmpi slt, %sub3A_411, %lt3A_412 : i32
      %convert_element_type3A_414 = arith.extui %lt3A_413 : i1 to i32
      %cond3A_415 = arith.constant 0 : i32
      %cond3A_416 = arith.cmpi ne, %convert_element_type3A_414, %cond3A_415 : i32
      scf.if %cond3A_416 {
        %add3A_507 = arith.constant 8 : i32
        %add3A_508 = arith.addi %add3A_407, %add3A_507 : i32
        %sub3A_509 = arith.constant 1 : i32
        %sub3A_510 = arith.subi %add3A_508, %sub3A_509 : i32
        %scan3A_511 = arith.constant 0 : i32
        %scan3A_512 = arith.constant 0 : i32
        %scan3A_513 = arith.constant 5 : i32
        %scan3A_514 = arith.addi %scan3A_512, %scan3A_513 : i32
        %scan3A_515 = arith.constant 1 : i32
        %scan3A_516 = scf.for %scan3A_530 = %scan3A_512 to %scan3A_514 step %scan3A_515 iter_args(%scan3A_531 = %scan3A_511) -> (i32)  : i32 {
          %mul3A_532 = arith.constant 16 : i32
          %mul3A_533 = arith.muli %scan3A_530, %mul3A_532 : i32
          %get3A = arith.index_cast %sub3A_510 : i32 to index
          %get3A_534 = arith.index_cast %mul3A_533 : i32 to index
          %get3A_535 = tpu.vector_load %arg5[%get3A, %get3A_534] {strides = array<i32>} : memref<125x80xi32, #tpu.memory_space<vmem>>, vector<16xi32>,
          %mul3A_536 = arith.constant 16 : i32
          %mul3A_537 = arith.muli %scan3A_530, %mul3A_536 : i32
          %get3A_538 = arith.index_cast %sub3A_510 : i32 to index
          %get3A_539 = arith.index_cast %mul3A_537 : i32 to index
          %get3A_540 = tpu.vector_load %arg6[%get3A_538, %get3A_539] {strides = array<i32>} : memref<125x80xi32, #tpu.memory_space<vmem>>, vector<16xi32>,
          %max3A = arith.maxsi %get3A_535, %get3A_540 : vector<16xi32>
          %min3A = arith.minsi %get3A_535, %get3A_540 : vector<16xi32>
          %shift_right_logical3A = arith.constant 3 : i32
          %shift_right_logical3A_541 = vector.broadcast %shift_right_logical3A : i32 to vector<16xi32>
          %shift_right_logical3A_542 = arith.shrui %max3A, %shift_right_logical3A_541 : vector<16xi32>
          %mul3A_543 = arith.constant 40 : i32
          %mul3A_544 = vector.broadcast %mul3A_543 : i32 to vector<16xi32>
          %mul3A_545 = arith.muli %shift_right_logical3A_542, %mul3A_544 : vector<16xi32>
          %shift_right_logical3A_546 = arith.constant 8 : i32
          %shift_right_logical3A_547 = vector.broadcast %shift_right_logical3A_546 : i32 to vector<16xi32>
          %shift_right_logical3A_548 = arith.shrui %min3A, %shift_right_logical3A_547 : vector<16xi32>
          %add3A_549 = arith.addi %mul3A_545, %shift_right_logical3A_548 : vector<16xi32>
          %mul3A_550 = arith.constant 1024 : i32
          %mul3A_551 = vector.broadcast %mul3A_550 : i32 to vector<16xi32>
          %mul3A_552 = arith.muli %add3A_549, %mul3A_551 : vector<16xi32>
          %and3A = arith.constant 7 : i32
          %and3A_553 = vector.broadcast %and3A : i32 to vector<16xi32>
          %and3A_554 = arith.andi %max3A, %and3A_553 : vector<16xi32>
          %shift_left3A = arith.constant 7 : i32
          %shift_left3A_555 = vector.broadcast %shift_left3A : i32 to vector<16xi32>
          %shift_left3A_556 = arith.shli %and3A_554, %shift_left3A_555 : vector<16xi32>
          %add3A_557 = arith.addi %mul3A_552, %shift_left3A_556 : vector<16xi32>
          %and3A_558 = arith.constant 127 : i32
          %and3A_559 = vector.broadcast %and3A_558 : i32 to vector<16xi32>
          %and3A_560 = arith.andi %min3A, %and3A_559 : vector<16xi32>
          %add3A_561 = arith.addi %add3A_557, %and3A_560 : vector<16xi32>
          %shift_right_logical3A_562 = arith.constant 7 : i32
          %shift_right_logical3A_563 = vector.broadcast %shift_right_logical3A_562 : i32 to vector<16xi32>
          %shift_right_logical3A_564 = arith.shrui %min3A, %shift_right_logical3A_563 : vector<16xi32>
          %and3A_565 = arith.constant 1 : i32
          %and3A_566 = vector.broadcast %and3A_565 : i32 to vector<16xi32>
          %and3A_567 = arith.andi %shift_right_logical3A_564, %and3A_566 : vector<16xi32>
          %shift_right_logical3A_568 = arith.constant 4 : i32
          %shift_right_logical3A_569 = vector.broadcast %shift_right_logical3A_568 : i32 to vector<16xi32>
          %shift_right_logical3A_570 = arith.shrui %add3A_561, %shift_right_logical3A_569 : vector<16xi32>
          %mul3A_571 = arith.constant 16 : i32
          %mul3A_572 = arith.muli %scan3A_530, %mul3A_571 : i32
          %swap3A = arith.constant 4 : i32
          %swap3A_573 = arith.index_cast %swap3A : i32 to index
          %swap3A_574 = arith.index_cast %mul3A_572 : i32 to index
          %swap3A_575 = tpu.vector_load %arg7[%swap3A_573, %swap3A_574] {strides = array<i32>} : memref<8x80xi32, #tpu.memory_space<vmem>>, vector<16xi32>,
          tpu.vector_store %arg7[%swap3A_573, %swap3A_574], %shift_right_logical3A_570 {strides = array<i32>} : memref<8x80xi32, #tpu.memory_space<vmem>>, vector<16xi32>,
          %scan3A_576 = arith.constant 0 : i32
          scf.yield %scan3A_576 : i32
        }
        %scan3A_517 = arith.constant 5 : i32
        %dma_start3A_518 = arith.constant 4 : i32
        %dma_start3A_519 = arith.constant 4 : i32
        %dma_start3A_520 = arith.constant 0 : i32
        %dma_start3A_521 = arith.constant 0 : i32
        %dma_start3A_522 = tpu.memref_slice %arg8[%dma_start3A_519, %dma_start3A_520, %dma_start3A_521] : memref<8x80x16xi32, #tpu.memory_space<vmem>> -> memref<1x80x16xi32, #tpu.memory_space<vmem>>
        %dma_start3A_523 = tpu.memref_squeeze %dma_start3A_522 : memref<1x80x16xi32, #tpu.memory_space<vmem>> -> memref<80x16xi32, #tpu.memory_space<vmem>>
        %dma_start3A_524 = arith.constant 0 : i32
        %dma_start3A_525 = tpu.memref_slice %arg7[%dma_start3A_518, %dma_start3A_524] : memref<8x80xi32, #tpu.memory_space<vmem>> -> memref<1x80xi32, #tpu.memory_space<vmem>>
        %dma_start3A_526 = tpu.memref_squeeze %dma_start3A_525 : memref<1x80xi32, #tpu.memory_space<vmem>> -> memref<80xi32, #tpu.memory_space<vmem>>
        %dma_start3A_527 = arith.constant 0 : i32
        %dma_start3A_528 = arith.constant 0 : i32
        %dma_start3A_529 = tpu.memref_slice %arg2[%dma_start3A_527, %dma_start3A_528] : memref<3276800x16xi32, #tpu.memory_space<hbm>> -> memref<3276800x16xi32, #tpu.memory_space<hbm>>
        tpu.enqueue_indirect_dma source(%dma_start3A_529 : memref<3276800x16xi32, #tpu.memory_space<hbm>>) target(%dma_start3A_523 : memref<80x16xi32, #tpu.memory_space<vmem>>) offsets(%dma_start3A_526 : memref<80xi32, #tpu.memory_space<vmem>>) semaphore(%arg14 : memref<!tpu.dma_semaphore, #tpu.memory_space<semaphore_mem>>)
      } else {
      }
      %dma_wait3A_417 = arith.constant 5 : i32
      %dma_wait3A_418 = arith.constant 5 : i32
      %dma_wait3A_419 = arith.constant 0 : i32
      %dma_wait3A_420 = arith.constant 0 : i32
      %dma_wait3A_421 = tpu.memref_slice %arg8[%dma_wait3A_418, %dma_wait3A_419, %dma_wait3A_420] : memref<8x80x16xi32, #tpu.memory_space<vmem>> -> memref<1x80x16xi32, #tpu.memory_space<vmem>>
      %dma_wait3A_422 = tpu.memref_squeeze %dma_wait3A_421 : memref<1x80x16xi32, #tpu.memory_space<vmem>> -> memref<80x16xi32, #tpu.memory_space<vmem>>
      %dma_wait3A_423 = arith.constant 0 : i32
      %dma_wait3A_424 = tpu.memref_slice %arg7[%dma_wait3A_417, %dma_wait3A_423] : memref<8x80xi32, #tpu.memory_space<vmem>> -> memref<1x80xi32, #tpu.memory_space<vmem>>
      %dma_wait3A_425 = tpu.memref_squeeze %dma_wait3A_424 : memref<1x80xi32, #tpu.memory_space<vmem>> -> memref<80xi32, #tpu.memory_space<vmem>>
      %dma_wait3A_426 = arith.constant 0 : i32
      %dma_wait3A_427 = arith.constant 0 : i32
      %dma_wait3A_428 = tpu.memref_slice %arg2[%dma_wait3A_426, %dma_wait3A_427] : memref<3276800x16xi32, #tpu.memory_space<hbm>> -> memref<3276800x16xi32, #tpu.memory_space<hbm>>
      tpu.wait_indirect_dma semaphore(%arg15 : memref<!tpu.dma_semaphore, #tpu.memory_space<semaphore_mem>>) src(%dma_wait3A_428 : memref<3276800x16xi32, #tpu.memory_space<hbm>>) dst(%dma_wait3A_422 : memref<80x16xi32, #tpu.memory_space<vmem>>)
      %mul3A_429 = arith.constant 80 : i32
      %mul3A_430 = arith.muli %add3A_407, %mul3A_429 : i32
      %scan3A_431 = arith.constant 0 : i32
      %scan3A_432 = arith.constant 0 : i32
      %scan3A_433 = arith.constant 5 : i32
      %scan3A_434 = arith.addi %scan3A_432, %scan3A_433 : i32
      %scan3A_435 = arith.constant 1 : i32
      %scan3A_436 = scf.for %scan3A_507 = %scan3A_432 to %scan3A_434 step %scan3A_435 iter_args(%scan3A_508 = %scan3A_431) -> (i32)  : i32 {
        %mul3A_509 = arith.constant 16 : i32
        %mul3A_510 = arith.muli %scan3A_507, %mul3A_509 : i32
        %add3A_511 = vector.broadcast %mul3A_510 : i32 to vector<16xi32>
        %add3A_512 = arith.addi %add3A_511, %iota3A : vector<16xi32>
        %mul3A_513 = arith.constant 16 : i32
        %mul3A_514 = arith.muli %scan3A_507, %mul3A_513 : i32
        %get3A = arith.index_cast %add3A_407 : i32 to index
        %get3A_515 = arith.index_cast %mul3A_514 : i32 to index
        %get3A_516 = tpu.vector_load %arg5[%get3A, %get3A_515] {strides = array<i32>} : memref<125x80xi32, #tpu.memory_space<vmem>>, vector<16xi32>,
        %mul3A_517 = arith.constant 16 : i32
        %mul3A_518 = arith.muli %scan3A_507, %mul3A_517 : i32
        %get3A_519 = arith.index_cast %add3A_407 : i32 to index
        %get3A_520 = arith.index_cast %mul3A_518 : i32 to index
        %get3A_521 = tpu.vector_load %arg6[%get3A_519, %get3A_520] {strides = array<i32>} : memref<125x80xi32, #tpu.memory_space<vmem>>, vector<16xi32>,
        %max3A = arith.maxsi %get3A_516, %get3A_521 : vector<16xi32>
        %min3A = arith.minsi %get3A_516, %get3A_521 : vector<16xi32>
        %shift_right_logical3A = arith.constant 3 : i32
        %shift_right_logical3A_522 = vector.broadcast %shift_right_logical3A : i32 to vector<16xi32>
        %shift_right_logical3A_523 = arith.shrui %max3A, %shift_right_logical3A_522 : vector<16xi32>
        %mul3A_524 = arith.constant 40 : i32
        %mul3A_525 = vector.broadcast %mul3A_524 : i32 to vector<16xi32>
        %mul3A_526 = arith.muli %shift_right_logical3A_523, %mul3A_525 : vector<16xi32>
        %shift_right_logical3A_527 = arith.constant 8 : i32
        %shift_right_logical3A_528 = vector.broadcast %shift_right_logical3A_527 : i32 to vector<16xi32>
        %shift_right_logical3A_529 = arith.shrui %min3A, %shift_right_logical3A_528 : vector<16xi32>
        %add3A_530 = arith.addi %mul3A_526, %shift_right_logical3A_529 : vector<16xi32>
        %mul3A_531 = arith.constant 1024 : i32
        %mul3A_532 = vector.broadcast %mul3A_531 : i32 to vector<16xi32>
        %mul3A_533 = arith.muli %add3A_530, %mul3A_532 : vector<16xi32>
        %and3A = arith.constant 7 : i32
        %and3A_534 = vector.broadcast %and3A : i32 to vector<16xi32>
        %and3A_535 = arith.andi %max3A, %and3A_534 : vector<16xi32>
        %shift_left3A = arith.constant 7 : i32
        %shift_left3A_536 = vector.broadcast %shift_left3A : i32 to vector<16xi32>
        %shift_left3A_537 = arith.shli %and3A_535, %shift_left3A_536 : vector<16xi32>
        %add3A_538 = arith.addi %mul3A_533, %shift_left3A_537 : vector<16xi32>
        %and3A_539 = arith.constant 127 : i32
        %and3A_540 = vector.broadcast %and3A_539 : i32 to vector<16xi32>
        %and3A_541 = arith.andi %min3A, %and3A_540 : vector<16xi32>
        %add3A_542 = arith.addi %add3A_538, %and3A_541 : vector<16xi32>
        %shift_right_logical3A_543 = arith.constant 7 : i32
        %shift_right_logical3A_544 = vector.broadcast %shift_right_logical3A_543 : i32 to vector<16xi32>
        %shift_right_logical3A_545 = arith.shrui %min3A, %shift_right_logical3A_544 : vector<16xi32>
        %and3A_546 = arith.constant 1 : i32
        %and3A_547 = vector.broadcast %and3A_546 : i32 to vector<16xi32>
        %and3A_548 = arith.andi %shift_right_logical3A_545, %and3A_547 : vector<16xi32>
        %and3A_549 = arith.constant 15 : i32
        %and3A_550 = vector.broadcast %and3A_549 : i32 to vector<16xi32>
        %and3A_551 = arith.andi %add3A_542, %and3A_550 : vector<16xi32>
        %gather3A = arith.constant 5 : i32
        %gather3A_552 = arith.constant 0 : i32
        %gather3A_553 = arith.constant 0 : i32
        %gather3A_554 = tpu.memref_slice %arg8[%gather3A, %gather3A_552, %gather3A_553] : memref<8x80x16xi32, #tpu.memory_space<vmem>> -> memref<1x80x16xi32, #tpu.memory_space<vmem>>
        %gather3A_555 = tpu.memref_squeeze %gather3A_554 : memref<1x80x16xi32, #tpu.memory_space<vmem>> -> memref<80x16xi32, #tpu.memory_space<vmem>>
        %gather3A_556 = tpu.vector_load_idx %gather3A_555[%add3A_512, %and3A_551] : memref<80x16xi32, #tpu.memory_space<vmem>>[vector<16xi32>, vector<16xi32>], vector<16xi32>,
        %bitcast3A = vector.bitcast %gather3A_556 : vector<16xi32> to vector<32xbf16>
        %unpack3A = tpu.unpack_subelements %bitcast3A, 0 {pack_format = #tpu.pack_format<interleaved>} : vector<32xbf16> -> vector<16xf32>
        %unpack3A_557 = tpu.unpack_subelements %bitcast3A, 1 {pack_format = #tpu.pack_format<interleaved>} : vector<32xbf16> -> vector<16xf32>
        %eq3A = arith.constant 1 : i32
        %eq3A_558 = vector.broadcast %eq3A : i32 to vector<16xi32>
        %eq3A_559 = arith.cmpi eq, %and3A_548, %eq3A_558 : vector<16xi32>
        %select_n3A = arith.select %eq3A_559, %unpack3A_557, %unpack3A : vector<16xi1>, vector<16xf32>
        %neg3A = arith.constant 0.000000e+00 : f32
        %neg3A_560 = vector.broadcast %neg3A : f32 to vector<16xf32>
        %neg3A_561 = arith.subf %neg3A_560, %select_n3A : vector<16xf32>
        %exp3A = math.exp %neg3A_561 : vector<16xf32>
        %add3A_562 = arith.constant 1.000000e+00 : f32
        %add3A_563 = vector.broadcast %add3A_562 : f32 to vector<16xf32>
        %add3A_564 = arith.addf %add3A_563, %exp3A : vector<16xf32>
        %div3A = arith.constant 1.000000e+00 : f32
        %div3A_565 = vector.broadcast %div3A : f32 to vector<16xf32>
        %div3A_566 = arith.divf %div3A_565, %add3A_564 : vector<16xf32>
        %mul3A_567 = arith.constant 16 : i32
        %mul3A_568 = arith.muli %scan3A_507, %mul3A_567 : i32
        %add3A_569 = arith.addi %mul3A_430, %mul3A_568 : i32
        %swap3A = arith.index_cast %add3A_569 : i32 to index
        %swap3A_570 = tpu.vector_load %arg9[%swap3A] {strides = array<i32>} : memref<10000xf32, #tpu.memory_space<vmem>>, vector<16xf32>,
        tpu.vector_store %arg9[%swap3A], %div3A_566 {strides = array<i32>} : memref<10000xf32, #tpu.memory_space<vmem>>, vector<16xf32>,
        %scan3A_571 = arith.constant 0 : i32
        scf.yield %scan3A_571 : i32
      }
      %scan3A_437 = arith.constant 5 : i32
      %mul3A_438 = arith.constant 8 : i32
      %mul3A_439 = arith.muli %scan3A_236, %mul3A_438 : i32
      %add3A_440 = arith.constant 6 : i32
      %add3A_441 = arith.addi %mul3A_439, %add3A_440 : i32
      %add3A_442 = arith.constant 8 : i32
      %add3A_443 = arith.addi %add3A_441, %add3A_442 : i32
      %sub3A_444 = arith.constant 1 : i32
      %sub3A_445 = arith.subi %add3A_443, %sub3A_444 : i32
      %lt3A_446 = arith.constant 125 : i32
      %lt3A_447 = arith.cmpi slt, %sub3A_445, %lt3A_446 : i32
      %convert_element_type3A_448 = arith.extui %lt3A_447 : i1 to i32
      %cond3A_449 = arith.constant 0 : i32
      %cond3A_450 = arith.cmpi ne, %convert_element_type3A_448, %cond3A_449 : i32
      scf.if %cond3A_450 {
        %add3A_507 = arith.constant 8 : i32
        %add3A_508 = arith.addi %add3A_441, %add3A_507 : i32
        %sub3A_509 = arith.constant 1 : i32
        %sub3A_510 = arith.subi %add3A_508, %sub3A_509 : i32
        %scan3A_511 = arith.constant 0 : i32
        %scan3A_512 = arith.constant 0 : i32
        %scan3A_513 = arith.constant 5 : i32
        %scan3A_514 = arith.addi %scan3A_512, %scan3A_513 : i32
        %scan3A_515 = arith.constant 1 : i32
        %scan3A_516 = scf.for %scan3A_530 = %scan3A_512 to %scan3A_514 step %scan3A_515 iter_args(%scan3A_531 = %scan3A_511) -> (i32)  : i32 {
          %mul3A_532 = arith.constant 16 : i32
          %mul3A_533 = arith.muli %scan3A_530, %mul3A_532 : i32
          %get3A = arith.index_cast %sub3A_510 : i32 to index
          %get3A_534 = arith.index_cast %mul3A_533 : i32 to index
          %get3A_535 = tpu.vector_load %arg5[%get3A, %get3A_534] {strides = array<i32>} : memref<125x80xi32, #tpu.memory_space<vmem>>, vector<16xi32>,
          %mul3A_536 = arith.constant 16 : i32
          %mul3A_537 = arith.muli %scan3A_530, %mul3A_536 : i32
          %get3A_538 = arith.index_cast %sub3A_510 : i32 to index
          %get3A_539 = arith.index_cast %mul3A_537 : i32 to index
          %get3A_540 = tpu.vector_load %arg6[%get3A_538, %get3A_539] {strides = array<i32>} : memref<125x80xi32, #tpu.memory_space<vmem>>, vector<16xi32>,
          %max3A = arith.maxsi %get3A_535, %get3A_540 : vector<16xi32>
          %min3A = arith.minsi %get3A_535, %get3A_540 : vector<16xi32>
          %shift_right_logical3A = arith.constant 3 : i32
          %shift_right_logical3A_541 = vector.broadcast %shift_right_logical3A : i32 to vector<16xi32>
          %shift_right_logical3A_542 = arith.shrui %max3A, %shift_right_logical3A_541 : vector<16xi32>
          %mul3A_543 = arith.constant 40 : i32
          %mul3A_544 = vector.broadcast %mul3A_543 : i32 to vector<16xi32>
          %mul3A_545 = arith.muli %shift_right_logical3A_542, %mul3A_544 : vector<16xi32>
          %shift_right_logical3A_546 = arith.constant 8 : i32
          %shift_right_logical3A_547 = vector.broadcast %shift_right_logical3A_546 : i32 to vector<16xi32>
          %shift_right_logical3A_548 = arith.shrui %min3A, %shift_right_logical3A_547 : vector<16xi32>
          %add3A_549 = arith.addi %mul3A_545, %shift_right_logical3A_548 : vector<16xi32>
          %mul3A_550 = arith.constant 1024 : i32
          %mul3A_551 = vector.broadcast %mul3A_550 : i32 to vector<16xi32>
          %mul3A_552 = arith.muli %add3A_549, %mul3A_551 : vector<16xi32>
          %and3A = arith.constant 7 : i32
          %and3A_553 = vector.broadcast %and3A : i32 to vector<16xi32>
          %and3A_554 = arith.andi %max3A, %and3A_553 : vector<16xi32>
          %shift_left3A = arith.constant 7 : i32
          %shift_left3A_555 = vector.broadcast %shift_left3A : i32 to vector<16xi32>
          %shift_left3A_556 = arith.shli %and3A_554, %shift_left3A_555 : vector<16xi32>
          %add3A_557 = arith.addi %mul3A_552, %shift_left3A_556 : vector<16xi32>
          %and3A_558 = arith.constant 127 : i32
          %and3A_559 = vector.broadcast %and3A_558 : i32 to vector<16xi32>
          %and3A_560 = arith.andi %min3A, %and3A_559 : vector<16xi32>
          %add3A_561 = arith.addi %add3A_557, %and3A_560 : vector<16xi32>
          %shift_right_logical3A_562 = arith.constant 7 : i32
          %shift_right_logical3A_563 = vector.broadcast %shift_right_logical3A_562 : i32 to vector<16xi32>
          %shift_right_logical3A_564 = arith.shrui %min3A, %shift_right_logical3A_563 : vector<16xi32>
          %and3A_565 = arith.constant 1 : i32
          %and3A_566 = vector.broadcast %and3A_565 : i32 to vector<16xi32>
          %and3A_567 = arith.andi %shift_right_logical3A_564, %and3A_566 : vector<16xi32>
          %shift_right_logical3A_568 = arith.constant 4 : i32
          %shift_right_logical3A_569 = vector.broadcast %shift_right_logical3A_568 : i32 to vector<16xi32>
          %shift_right_logical3A_570 = arith.shrui %add3A_561, %shift_right_logical3A_569 : vector<16xi32>
          %mul3A_571 = arith.constant 16 : i32
          %mul3A_572 = arith.muli %scan3A_530, %mul3A_571 : i32
          %swap3A = arith.constant 5 : i32
          %swap3A_573 = arith.index_cast %swap3A : i32 to index
          %swap3A_574 = arith.index_cast %mul3A_572 : i32 to index
          %swap3A_575 = tpu.vector_load %arg7[%swap3A_573, %swap3A_574] {strides = array<i32>} : memref<8x80xi32, #tpu.memory_space<vmem>>, vector<16xi32>,
          tpu.vector_store %arg7[%swap3A_573, %swap3A_574], %shift_right_logical3A_570 {strides = array<i32>} : memref<8x80xi32, #tpu.memory_space<vmem>>, vector<16xi32>,
          %scan3A_576 = arith.constant 0 : i32
          scf.yield %scan3A_576 : i32
        }
        %scan3A_517 = arith.constant 5 : i32
        %dma_start3A_518 = arith.constant 5 : i32
        %dma_start3A_519 = arith.constant 5 : i32
        %dma_start3A_520 = arith.constant 0 : i32
        %dma_start3A_521 = arith.constant 0 : i32
        %dma_start3A_522 = tpu.memref_slice %arg8[%dma_start3A_519, %dma_start3A_520, %dma_start3A_521] : memref<8x80x16xi32, #tpu.memory_space<vmem>> -> memref<1x80x16xi32, #tpu.memory_space<vmem>>
        %dma_start3A_523 = tpu.memref_squeeze %dma_start3A_522 : memref<1x80x16xi32, #tpu.memory_space<vmem>> -> memref<80x16xi32, #tpu.memory_space<vmem>>
        %dma_start3A_524 = arith.constant 0 : i32
        %dma_start3A_525 = tpu.memref_slice %arg7[%dma_start3A_518, %dma_start3A_524] : memref<8x80xi32, #tpu.memory_space<vmem>> -> memref<1x80xi32, #tpu.memory_space<vmem>>
        %dma_start3A_526 = tpu.memref_squeeze %dma_start3A_525 : memref<1x80xi32, #tpu.memory_space<vmem>> -> memref<80xi32, #tpu.memory_space<vmem>>
        %dma_start3A_527 = arith.constant 0 : i32
        %dma_start3A_528 = arith.constant 0 : i32
        %dma_start3A_529 = tpu.memref_slice %arg2[%dma_start3A_527, %dma_start3A_528] : memref<3276800x16xi32, #tpu.memory_space<hbm>> -> memref<3276800x16xi32, #tpu.memory_space<hbm>>
        tpu.enqueue_indirect_dma source(%dma_start3A_529 : memref<3276800x16xi32, #tpu.memory_space<hbm>>) target(%dma_start3A_523 : memref<80x16xi32, #tpu.memory_space<vmem>>) offsets(%dma_start3A_526 : memref<80xi32, #tpu.memory_space<vmem>>) semaphore(%arg15 : memref<!tpu.dma_semaphore, #tpu.memory_space<semaphore_mem>>)
      } else {
      }
      %dma_wait3A_451 = arith.constant 6 : i32
      %dma_wait3A_452 = arith.constant 6 : i32
      %dma_wait3A_453 = arith.constant 0 : i32
      %dma_wait3A_454 = arith.constant 0 : i32
      %dma_wait3A_455 = tpu.memref_slice %arg8[%dma_wait3A_452, %dma_wait3A_453, %dma_wait3A_454] : memref<8x80x16xi32, #tpu.memory_space<vmem>> -> memref<1x80x16xi32, #tpu.memory_space<vmem>>
      %dma_wait3A_456 = tpu.memref_squeeze %dma_wait3A_455 : memref<1x80x16xi32, #tpu.memory_space<vmem>> -> memref<80x16xi32, #tpu.memory_space<vmem>>
      %dma_wait3A_457 = arith.constant 0 : i32
      %dma_wait3A_458 = tpu.memref_slice %arg7[%dma_wait3A_451, %dma_wait3A_457] : memref<8x80xi32, #tpu.memory_space<vmem>> -> memref<1x80xi32, #tpu.memory_space<vmem>>
      %dma_wait3A_459 = tpu.memref_squeeze %dma_wait3A_458 : memref<1x80xi32, #tpu.memory_space<vmem>> -> memref<80xi32, #tpu.memory_space<vmem>>
      %dma_wait3A_460 = arith.constant 0 : i32
      %dma_wait3A_461 = arith.constant 0 : i32
      %dma_wait3A_462 = tpu.memref_slice %arg2[%dma_wait3A_460, %dma_wait3A_461] : memref<3276800x16xi32, #tpu.memory_space<hbm>> -> memref<3276800x16xi32, #tpu.memory_space<hbm>>
      tpu.wait_indirect_dma semaphore(%arg16 : memref<!tpu.dma_semaphore, #tpu.memory_space<semaphore_mem>>) src(%dma_wait3A_462 : memref<3276800x16xi32, #tpu.memory_space<hbm>>) dst(%dma_wait3A_456 : memref<80x16xi32, #tpu.memory_space<vmem>>)
      %mul3A_463 = arith.constant 80 : i32
      %mul3A_464 = arith.muli %add3A_441, %mul3A_463 : i32
      %scan3A_465 = arith.constant 0 : i32
      %scan3A_466 = arith.constant 0 : i32
      %scan3A_467 = arith.constant 5 : i32
      %scan3A_468 = arith.addi %scan3A_466, %scan3A_467 : i32
      %scan3A_469 = arith.constant 1 : i32
      %scan3A_470 = scf.for %scan3A_507 = %scan3A_466 to %scan3A_468 step %scan3A_469 iter_args(%scan3A_508 = %scan3A_465) -> (i32)  : i32 {
        %mul3A_509 = arith.constant 16 : i32
        %mul3A_510 = arith.muli %scan3A_507, %mul3A_509 : i32
        %add3A_511 = vector.broadcast %mul3A_510 : i32 to vector<16xi32>
        %add3A_512 = arith.addi %add3A_511, %iota3A : vector<16xi32>
        %mul3A_513 = arith.constant 16 : i32
        %mul3A_514 = arith.muli %scan3A_507, %mul3A_513 : i32
        %get3A = arith.index_cast %add3A_441 : i32 to index
        %get3A_515 = arith.index_cast %mul3A_514 : i32 to index
        %get3A_516 = tpu.vector_load %arg5[%get3A, %get3A_515] {strides = array<i32>} : memref<125x80xi32, #tpu.memory_space<vmem>>, vector<16xi32>,
        %mul3A_517 = arith.constant 16 : i32
        %mul3A_518 = arith.muli %scan3A_507, %mul3A_517 : i32
        %get3A_519 = arith.index_cast %add3A_441 : i32 to index
        %get3A_520 = arith.index_cast %mul3A_518 : i32 to index
        %get3A_521 = tpu.vector_load %arg6[%get3A_519, %get3A_520] {strides = array<i32>} : memref<125x80xi32, #tpu.memory_space<vmem>>, vector<16xi32>,
        %max3A = arith.maxsi %get3A_516, %get3A_521 : vector<16xi32>
        %min3A = arith.minsi %get3A_516, %get3A_521 : vector<16xi32>
        %shift_right_logical3A = arith.constant 3 : i32
        %shift_right_logical3A_522 = vector.broadcast %shift_right_logical3A : i32 to vector<16xi32>
        %shift_right_logical3A_523 = arith.shrui %max3A, %shift_right_logical3A_522 : vector<16xi32>
        %mul3A_524 = arith.constant 40 : i32
        %mul3A_525 = vector.broadcast %mul3A_524 : i32 to vector<16xi32>
        %mul3A_526 = arith.muli %shift_right_logical3A_523, %mul3A_525 : vector<16xi32>
        %shift_right_logical3A_527 = arith.constant 8 : i32
        %shift_right_logical3A_528 = vector.broadcast %shift_right_logical3A_527 : i32 to vector<16xi32>
        %shift_right_logical3A_529 = arith.shrui %min3A, %shift_right_logical3A_528 : vector<16xi32>
        %add3A_530 = arith.addi %mul3A_526, %shift_right_logical3A_529 : vector<16xi32>
        %mul3A_531 = arith.constant 1024 : i32
        %mul3A_532 = vector.broadcast %mul3A_531 : i32 to vector<16xi32>
        %mul3A_533 = arith.muli %add3A_530, %mul3A_532 : vector<16xi32>
        %and3A = arith.constant 7 : i32
        %and3A_534 = vector.broadcast %and3A : i32 to vector<16xi32>
        %and3A_535 = arith.andi %max3A, %and3A_534 : vector<16xi32>
        %shift_left3A = arith.constant 7 : i32
        %shift_left3A_536 = vector.broadcast %shift_left3A : i32 to vector<16xi32>
        %shift_left3A_537 = arith.shli %and3A_535, %shift_left3A_536 : vector<16xi32>
        %add3A_538 = arith.addi %mul3A_533, %shift_left3A_537 : vector<16xi32>
        %and3A_539 = arith.constant 127 : i32
        %and3A_540 = vector.broadcast %and3A_539 : i32 to vector<16xi32>
        %and3A_541 = arith.andi %min3A, %and3A_540 : vector<16xi32>
        %add3A_542 = arith.addi %add3A_538, %and3A_541 : vector<16xi32>
        %shift_right_logical3A_543 = arith.constant 7 : i32
        %shift_right_logical3A_544 = vector.broadcast %shift_right_logical3A_543 : i32 to vector<16xi32>
        %shift_right_logical3A_545 = arith.shrui %min3A, %shift_right_logical3A_544 : vector<16xi32>
        %and3A_546 = arith.constant 1 : i32
        %and3A_547 = vector.broadcast %and3A_546 : i32 to vector<16xi32>
        %and3A_548 = arith.andi %shift_right_logical3A_545, %and3A_547 : vector<16xi32>
        %and3A_549 = arith.constant 15 : i32
        %and3A_550 = vector.broadcast %and3A_549 : i32 to vector<16xi32>
        %and3A_551 = arith.andi %add3A_542, %and3A_550 : vector<16xi32>
        %gather3A = arith.constant 6 : i32
        %gather3A_552 = arith.constant 0 : i32
        %gather3A_553 = arith.constant 0 : i32
        %gather3A_554 = tpu.memref_slice %arg8[%gather3A, %gather3A_552, %gather3A_553] : memref<8x80x16xi32, #tpu.memory_space<vmem>> -> memref<1x80x16xi32, #tpu.memory_space<vmem>>
        %gather3A_555 = tpu.memref_squeeze %gather3A_554 : memref<1x80x16xi32, #tpu.memory_space<vmem>> -> memref<80x16xi32, #tpu.memory_space<vmem>>
        %gather3A_556 = tpu.vector_load_idx %gather3A_555[%add3A_512, %and3A_551] : memref<80x16xi32, #tpu.memory_space<vmem>>[vector<16xi32>, vector<16xi32>], vector<16xi32>,
        %bitcast3A = vector.bitcast %gather3A_556 : vector<16xi32> to vector<32xbf16>
        %unpack3A = tpu.unpack_subelements %bitcast3A, 0 {pack_format = #tpu.pack_format<interleaved>} : vector<32xbf16> -> vector<16xf32>
        %unpack3A_557 = tpu.unpack_subelements %bitcast3A, 1 {pack_format = #tpu.pack_format<interleaved>} : vector<32xbf16> -> vector<16xf32>
        %eq3A = arith.constant 1 : i32
        %eq3A_558 = vector.broadcast %eq3A : i32 to vector<16xi32>
        %eq3A_559 = arith.cmpi eq, %and3A_548, %eq3A_558 : vector<16xi32>
        %select_n3A = arith.select %eq3A_559, %unpack3A_557, %unpack3A : vector<16xi1>, vector<16xf32>
        %neg3A = arith.constant 0.000000e+00 : f32
        %neg3A_560 = vector.broadcast %neg3A : f32 to vector<16xf32>
        %neg3A_561 = arith.subf %neg3A_560, %select_n3A : vector<16xf32>
        %exp3A = math.exp %neg3A_561 : vector<16xf32>
        %add3A_562 = arith.constant 1.000000e+00 : f32
        %add3A_563 = vector.broadcast %add3A_562 : f32 to vector<16xf32>
        %add3A_564 = arith.addf %add3A_563, %exp3A : vector<16xf32>
        %div3A = arith.constant 1.000000e+00 : f32
        %div3A_565 = vector.broadcast %div3A : f32 to vector<16xf32>
        %div3A_566 = arith.divf %div3A_565, %add3A_564 : vector<16xf32>
        %mul3A_567 = arith.constant 16 : i32
        %mul3A_568 = arith.muli %scan3A_507, %mul3A_567 : i32
        %add3A_569 = arith.addi %mul3A_464, %mul3A_568 : i32
        %swap3A = arith.index_cast %add3A_569 : i32 to index
        %swap3A_570 = tpu.vector_load %arg9[%swap3A] {strides = array<i32>} : memref<10000xf32, #tpu.memory_space<vmem>>, vector<16xf32>,
        tpu.vector_store %arg9[%swap3A], %div3A_566 {strides = array<i32>} : memref<10000xf32, #tpu.memory_space<vmem>>, vector<16xf32>,
        %scan3A_571 = arith.constant 0 : i32
        scf.yield %scan3A_571 : i32
      }
      %scan3A_471 = arith.constant 5 : i32
      %mul3A_472 = arith.constant 8 : i32
      %mul3A_473 = arith.muli %scan3A_236, %mul3A_472 : i32
      %add3A_474 = arith.constant 7 : i32
      %add3A_475 = arith.addi %mul3A_473, %add3A_474 : i32
      %add3A_476 = arith.constant 8 : i32
      %add3A_477 = arith.addi %add3A_475, %add3A_476 : i32
      %sub3A_478 = arith.constant 1 : i32
      %sub3A_479 = arith.subi %add3A_477, %sub3A_478 : i32
      %lt3A_480 = arith.constant 125 : i32
      %lt3A_481 = arith.cmpi slt, %sub3A_479, %lt3A_480 : i32
      %convert_element_type3A_482 = arith.extui %lt3A_481 : i1 to i32
      %cond3A_483 = arith.constant 0 : i32
      %cond3A_484 = arith.cmpi ne, %convert_element_type3A_482, %cond3A_483 : i32
      scf.if %cond3A_484 {
        %add3A_507 = arith.constant 8 : i32
        %add3A_508 = arith.addi %add3A_475, %add3A_507 : i32
        %sub3A_509 = arith.constant 1 : i32
        %sub3A_510 = arith.subi %add3A_508, %sub3A_509 : i32
        %scan3A_511 = arith.constant 0 : i32
        %scan3A_512 = arith.constant 0 : i32
        %scan3A_513 = arith.constant 5 : i32
        %scan3A_514 = arith.addi %scan3A_512, %scan3A_513 : i32
        %scan3A_515 = arith.constant 1 : i32
        %scan3A_516 = scf.for %scan3A_530 = %scan3A_512 to %scan3A_514 step %scan3A_515 iter_args(%scan3A_531 = %scan3A_511) -> (i32)  : i32 {
          %mul3A_532 = arith.constant 16 : i32
          %mul3A_533 = arith.muli %scan3A_530, %mul3A_532 : i32
          %get3A = arith.index_cast %sub3A_510 : i32 to index
          %get3A_534 = arith.index_cast %mul3A_533 : i32 to index
          %get3A_535 = tpu.vector_load %arg5[%get3A, %get3A_534] {strides = array<i32>} : memref<125x80xi32, #tpu.memory_space<vmem>>, vector<16xi32>,
          %mul3A_536 = arith.constant 16 : i32
          %mul3A_537 = arith.muli %scan3A_530, %mul3A_536 : i32
          %get3A_538 = arith.index_cast %sub3A_510 : i32 to index
          %get3A_539 = arith.index_cast %mul3A_537 : i32 to index
          %get3A_540 = tpu.vector_load %arg6[%get3A_538, %get3A_539] {strides = array<i32>} : memref<125x80xi32, #tpu.memory_space<vmem>>, vector<16xi32>,
          %max3A = arith.maxsi %get3A_535, %get3A_540 : vector<16xi32>
          %min3A = arith.minsi %get3A_535, %get3A_540 : vector<16xi32>
          %shift_right_logical3A = arith.constant 3 : i32
          %shift_right_logical3A_541 = vector.broadcast %shift_right_logical3A : i32 to vector<16xi32>
          %shift_right_logical3A_542 = arith.shrui %max3A, %shift_right_logical3A_541 : vector<16xi32>
          %mul3A_543 = arith.constant 40 : i32
          %mul3A_544 = vector.broadcast %mul3A_543 : i32 to vector<16xi32>
          %mul3A_545 = arith.muli %shift_right_logical3A_542, %mul3A_544 : vector<16xi32>
          %shift_right_logical3A_546 = arith.constant 8 : i32
          %shift_right_logical3A_547 = vector.broadcast %shift_right_logical3A_546 : i32 to vector<16xi32>
          %shift_right_logical3A_548 = arith.shrui %min3A, %shift_right_logical3A_547 : vector<16xi32>
          %add3A_549 = arith.addi %mul3A_545, %shift_right_logical3A_548 : vector<16xi32>
          %mul3A_550 = arith.constant 1024 : i32
          %mul3A_551 = vector.broadcast %mul3A_550 : i32 to vector<16xi32>
          %mul3A_552 = arith.muli %add3A_549, %mul3A_551 : vector<16xi32>
          %and3A = arith.constant 7 : i32
          %and3A_553 = vector.broadcast %and3A : i32 to vector<16xi32>
          %and3A_554 = arith.andi %max3A, %and3A_553 : vector<16xi32>
          %shift_left3A = arith.constant 7 : i32
          %shift_left3A_555 = vector.broadcast %shift_left3A : i32 to vector<16xi32>
          %shift_left3A_556 = arith.shli %and3A_554, %shift_left3A_555 : vector<16xi32>
          %add3A_557 = arith.addi %mul3A_552, %shift_left3A_556 : vector<16xi32>
          %and3A_558 = arith.constant 127 : i32
          %and3A_559 = vector.broadcast %and3A_558 : i32 to vector<16xi32>
          %and3A_560 = arith.andi %min3A, %and3A_559 : vector<16xi32>
          %add3A_561 = arith.addi %add3A_557, %and3A_560 : vector<16xi32>
          %shift_right_logical3A_562 = arith.constant 7 : i32
          %shift_right_logical3A_563 = vector.broadcast %shift_right_logical3A_562 : i32 to vector<16xi32>
          %shift_right_logical3A_564 = arith.shrui %min3A, %shift_right_logical3A_563 : vector<16xi32>
          %and3A_565 = arith.constant 1 : i32
          %and3A_566 = vector.broadcast %and3A_565 : i32 to vector<16xi32>
          %and3A_567 = arith.andi %shift_right_logical3A_564, %and3A_566 : vector<16xi32>
          %shift_right_logical3A_568 = arith.constant 4 : i32
          %shift_right_logical3A_569 = vector.broadcast %shift_right_logical3A_568 : i32 to vector<16xi32>
          %shift_right_logical3A_570 = arith.shrui %add3A_561, %shift_right_logical3A_569 : vector<16xi32>
          %mul3A_571 = arith.constant 16 : i32
          %mul3A_572 = arith.muli %scan3A_530, %mul3A_571 : i32
          %swap3A = arith.constant 6 : i32
          %swap3A_573 = arith.index_cast %swap3A : i32 to index
          %swap3A_574 = arith.index_cast %mul3A_572 : i32 to index
          %swap3A_575 = tpu.vector_load %arg7[%swap3A_573, %swap3A_574] {strides = array<i32>} : memref<8x80xi32, #tpu.memory_space<vmem>>, vector<16xi32>,
          tpu.vector_store %arg7[%swap3A_573, %swap3A_574], %shift_right_logical3A_570 {strides = array<i32>} : memref<8x80xi32, #tpu.memory_space<vmem>>, vector<16xi32>,
          %scan3A_576 = arith.constant 0 : i32
          scf.yield %scan3A_576 : i32
        }
        %scan3A_517 = arith.constant 5 : i32
        %dma_start3A_518 = arith.constant 6 : i32
        %dma_start3A_519 = arith.constant 6 : i32
        %dma_start3A_520 = arith.constant 0 : i32
        %dma_start3A_521 = arith.constant 0 : i32
        %dma_start3A_522 = tpu.memref_slice %arg8[%dma_start3A_519, %dma_start3A_520, %dma_start3A_521] : memref<8x80x16xi32, #tpu.memory_space<vmem>> -> memref<1x80x16xi32, #tpu.memory_space<vmem>>
        %dma_start3A_523 = tpu.memref_squeeze %dma_start3A_522 : memref<1x80x16xi32, #tpu.memory_space<vmem>> -> memref<80x16xi32, #tpu.memory_space<vmem>>
        %dma_start3A_524 = arith.constant 0 : i32
        %dma_start3A_525 = tpu.memref_slice %arg7[%dma_start3A_518, %dma_start3A_524] : memref<8x80xi32, #tpu.memory_space<vmem>> -> memref<1x80xi32, #tpu.memory_space<vmem>>
        %dma_start3A_526 = tpu.memref_squeeze %dma_start3A_525 : memref<1x80xi32, #tpu.memory_space<vmem>> -> memref<80xi32, #tpu.memory_space<vmem>>
        %dma_start3A_527 = arith.constant 0 : i32
        %dma_start3A_528 = arith.constant 0 : i32
        %dma_start3A_529 = tpu.memref_slice %arg2[%dma_start3A_527, %dma_start3A_528] : memref<3276800x16xi32, #tpu.memory_space<hbm>> -> memref<3276800x16xi32, #tpu.memory_space<hbm>>
        tpu.enqueue_indirect_dma source(%dma_start3A_529 : memref<3276800x16xi32, #tpu.memory_space<hbm>>) target(%dma_start3A_523 : memref<80x16xi32, #tpu.memory_space<vmem>>) offsets(%dma_start3A_526 : memref<80xi32, #tpu.memory_space<vmem>>) semaphore(%arg16 : memref<!tpu.dma_semaphore, #tpu.memory_space<semaphore_mem>>)
      } else {
      }
      %dma_wait3A_485 = arith.constant 7 : i32
      %dma_wait3A_486 = arith.constant 7 : i32
      %dma_wait3A_487 = arith.constant 0 : i32
      %dma_wait3A_488 = arith.constant 0 : i32
      %dma_wait3A_489 = tpu.memref_slice %arg8[%dma_wait3A_486, %dma_wait3A_487, %dma_wait3A_488] : memref<8x80x16xi32, #tpu.memory_space<vmem>> -> memref<1x80x16xi32, #tpu.memory_space<vmem>>
      %dma_wait3A_490 = tpu.memref_squeeze %dma_wait3A_489 : memref<1x80x16xi32, #tpu.memory_space<vmem>> -> memref<80x16xi32, #tpu.memory_space<vmem>>
      %dma_wait3A_491 = arith.constant 0 : i32
      %dma_wait3A_492 = tpu.memref_slice %arg7[%dma_wait3A_485, %dma_wait3A_491] : memref<8x80xi32, #tpu.memory_space<vmem>> -> memref<1x80xi32, #tpu.memory_space<vmem>>
      %dma_wait3A_493 = tpu.memref_squeeze %dma_wait3A_492 : memref<1x80xi32, #tpu.memory_space<vmem>> -> memref<80xi32, #tpu.memory_space<vmem>>
      %dma_wait3A_494 = arith.constant 0 : i32
      %dma_wait3A_495 = arith.constant 0 : i32
      %dma_wait3A_496 = tpu.memref_slice %arg2[%dma_wait3A_494, %dma_wait3A_495] : memref<3276800x16xi32, #tpu.memory_space<hbm>> -> memref<3276800x16xi32, #tpu.memory_space<hbm>>
      tpu.wait_indirect_dma semaphore(%arg17 : memref<!tpu.dma_semaphore, #tpu.memory_space<semaphore_mem>>) src(%dma_wait3A_496 : memref<3276800x16xi32, #tpu.memory_space<hbm>>) dst(%dma_wait3A_490 : memref<80x16xi32, #tpu.memory_space<vmem>>)
      %mul3A_497 = arith.constant 80 : i32
      %mul3A_498 = arith.muli %add3A_475, %mul3A_497 : i32
      %scan3A_499 = arith.constant 0 : i32
      %scan3A_500 = arith.constant 0 : i32
      %scan3A_501 = arith.constant 5 : i32
      %scan3A_502 = arith.addi %scan3A_500, %scan3A_501 : i32
      %scan3A_503 = arith.constant 1 : i32
      %scan3A_504 = scf.for %scan3A_507 = %scan3A_500 to %scan3A_502 step %scan3A_503 iter_args(%scan3A_508 = %scan3A_499) -> (i32)  : i32 {
        %mul3A_509 = arith.constant 16 : i32
        %mul3A_510 = arith.muli %scan3A_507, %mul3A_509 : i32
        %add3A_511 = vector.broadcast %mul3A_510 : i32 to vector<16xi32>
        %add3A_512 = arith.addi %add3A_511, %iota3A : vector<16xi32>
        %mul3A_513 = arith.constant 16 : i32
        %mul3A_514 = arith.muli %scan3A_507, %mul3A_513 : i32
        %get3A = arith.index_cast %add3A_475 : i32 to index
        %get3A_515 = arith.index_cast %mul3A_514 : i32 to index
        %get3A_516 = tpu.vector_load %arg5[%get3A, %get3A_515] {strides = array<i32>} : memref<125x80xi32, #tpu.memory_space<vmem>>, vector<16xi32>,
        %mul3A_517 = arith.constant 16 : i32
        %mul3A_518 = arith.muli %scan3A_507, %mul3A_517 : i32
        %get3A_519 = arith.index_cast %add3A_475 : i32 to index
        %get3A_520 = arith.index_cast %mul3A_518 : i32 to index
        %get3A_521 = tpu.vector_load %arg6[%get3A_519, %get3A_520] {strides = array<i32>} : memref<125x80xi32, #tpu.memory_space<vmem>>, vector<16xi32>,
        %max3A = arith.maxsi %get3A_516, %get3A_521 : vector<16xi32>
        %min3A = arith.minsi %get3A_516, %get3A_521 : vector<16xi32>
        %shift_right_logical3A = arith.constant 3 : i32
        %shift_right_logical3A_522 = vector.broadcast %shift_right_logical3A : i32 to vector<16xi32>
        %shift_right_logical3A_523 = arith.shrui %max3A, %shift_right_logical3A_522 : vector<16xi32>
        %mul3A_524 = arith.constant 40 : i32
        %mul3A_525 = vector.broadcast %mul3A_524 : i32 to vector<16xi32>
        %mul3A_526 = arith.muli %shift_right_logical3A_523, %mul3A_525 : vector<16xi32>
        %shift_right_logical3A_527 = arith.constant 8 : i32
        %shift_right_logical3A_528 = vector.broadcast %shift_right_logical3A_527 : i32 to vector<16xi32>
        %shift_right_logical3A_529 = arith.shrui %min3A, %shift_right_logical3A_528 : vector<16xi32>
        %add3A_530 = arith.addi %mul3A_526, %shift_right_logical3A_529 : vector<16xi32>
        %mul3A_531 = arith.constant 1024 : i32
        %mul3A_532 = vector.broadcast %mul3A_531 : i32 to vector<16xi32>
        %mul3A_533 = arith.muli %add3A_530, %mul3A_532 : vector<16xi32>
        %and3A = arith.constant 7 : i32
        %and3A_534 = vector.broadcast %and3A : i32 to vector<16xi32>
        %and3A_535 = arith.andi %max3A, %and3A_534 : vector<16xi32>
        %shift_left3A = arith.constant 7 : i32
        %shift_left3A_536 = vector.broadcast %shift_left3A : i32 to vector<16xi32>
        %shift_left3A_537 = arith.shli %and3A_535, %shift_left3A_536 : vector<16xi32>
        %add3A_538 = arith.addi %mul3A_533, %shift_left3A_537 : vector<16xi32>
        %and3A_539 = arith.constant 127 : i32
        %and3A_540 = vector.broadcast %and3A_539 : i32 to vector<16xi32>
        %and3A_541 = arith.andi %min3A, %and3A_540 : vector<16xi32>
        %add3A_542 = arith.addi %add3A_538, %and3A_541 : vector<16xi32>
        %shift_right_logical3A_543 = arith.constant 7 : i32
        %shift_right_logical3A_544 = vector.broadcast %shift_right_logical3A_543 : i32 to vector<16xi32>
        %shift_right_logical3A_545 = arith.shrui %min3A, %shift_right_logical3A_544 : vector<16xi32>
        %and3A_546 = arith.constant 1 : i32
        %and3A_547 = vector.broadcast %and3A_546 : i32 to vector<16xi32>
        %and3A_548 = arith.andi %shift_right_logical3A_545, %and3A_547 : vector<16xi32>
        %and3A_549 = arith.constant 15 : i32
        %and3A_550 = vector.broadcast %and3A_549 : i32 to vector<16xi32>
        %and3A_551 = arith.andi %add3A_542, %and3A_550 : vector<16xi32>
        %gather3A = arith.constant 7 : i32
        %gather3A_552 = arith.constant 0 : i32
        %gather3A_553 = arith.constant 0 : i32
        %gather3A_554 = tpu.memref_slice %arg8[%gather3A, %gather3A_552, %gather3A_553] : memref<8x80x16xi32, #tpu.memory_space<vmem>> -> memref<1x80x16xi32, #tpu.memory_space<vmem>>
        %gather3A_555 = tpu.memref_squeeze %gather3A_554 : memref<1x80x16xi32, #tpu.memory_space<vmem>> -> memref<80x16xi32, #tpu.memory_space<vmem>>
        %gather3A_556 = tpu.vector_load_idx %gather3A_555[%add3A_512, %and3A_551] : memref<80x16xi32, #tpu.memory_space<vmem>>[vector<16xi32>, vector<16xi32>], vector<16xi32>,
        %bitcast3A = vector.bitcast %gather3A_556 : vector<16xi32> to vector<32xbf16>
        %unpack3A = tpu.unpack_subelements %bitcast3A, 0 {pack_format = #tpu.pack_format<interleaved>} : vector<32xbf16> -> vector<16xf32>
        %unpack3A_557 = tpu.unpack_subelements %bitcast3A, 1 {pack_format = #tpu.pack_format<interleaved>} : vector<32xbf16> -> vector<16xf32>
        %eq3A = arith.constant 1 : i32
        %eq3A_558 = vector.broadcast %eq3A : i32 to vector<16xi32>
        %eq3A_559 = arith.cmpi eq, %and3A_548, %eq3A_558 : vector<16xi32>
        %select_n3A = arith.select %eq3A_559, %unpack3A_557, %unpack3A : vector<16xi1>, vector<16xf32>
        %neg3A = arith.constant 0.000000e+00 : f32
        %neg3A_560 = vector.broadcast %neg3A : f32 to vector<16xf32>
        %neg3A_561 = arith.subf %neg3A_560, %select_n3A : vector<16xf32>
        %exp3A = math.exp %neg3A_561 : vector<16xf32>
        %add3A_562 = arith.constant 1.000000e+00 : f32
        %add3A_563 = vector.broadcast %add3A_562 : f32 to vector<16xf32>
        %add3A_564 = arith.addf %add3A_563, %exp3A : vector<16xf32>
        %div3A = arith.constant 1.000000e+00 : f32
        %div3A_565 = vector.broadcast %div3A : f32 to vector<16xf32>
        %div3A_566 = arith.divf %div3A_565, %add3A_564 : vector<16xf32>
        %mul3A_567 = arith.constant 16 : i32
        %mul3A_568 = arith.muli %scan3A_507, %mul3A_567 : i32
        %add3A_569 = arith.addi %mul3A_498, %mul3A_568 : i32
        %swap3A = arith.index_cast %add3A_569 : i32 to index
        %swap3A_570 = tpu.vector_load %arg9[%swap3A] {strides = array<i32>} : memref<10000xf32, #tpu.memory_space<vmem>>, vector<16xf32>,
        tpu.vector_store %arg9[%swap3A], %div3A_566 {strides = array<i32>} : memref<10000xf32, #tpu.memory_space<vmem>>, vector<16xf32>,
        %scan3A_571 = arith.constant 0 : i32
        scf.yield %scan3A_571 : i32
      }
      %scan3A_505 = arith.constant 5 : i32
      %scan3A_506 = arith.constant 0 : i32
      scf.yield %scan3A_506 : i32
    }
    %scan3A_141 = arith.constant 15 : i32
    %dma_wait3A = arith.constant 0 : i32
    %dma_wait3A_142 = arith.constant 0 : i32
    %dma_wait3A_143 = arith.constant 0 : i32
    %dma_wait3A_144 = arith.constant 0 : i32
    %dma_wait3A_145 = tpu.memref_slice %arg8[%dma_wait3A_142, %dma_wait3A_143, %dma_wait3A_144] : memref<8x80x16xi32, #tpu.memory_space<vmem>> -> memref<1x80x16xi32, #tpu.memory_space<vmem>>
    %dma_wait3A_146 = tpu.memref_squeeze %dma_wait3A_145 : memref<1x80x16xi32, #tpu.memory_space<vmem>> -> memref<80x16xi32, #tpu.memory_space<vmem>>
    %dma_wait3A_147 = arith.constant 0 : i32
    %dma_wait3A_148 = tpu.memref_slice %arg7[%dma_wait3A, %dma_wait3A_147] : memref<8x80xi32, #tpu.memory_space<vmem>> -> memref<1x80xi32, #tpu.memory_space<vmem>>
    %dma_wait3A_149 = tpu.memref_squeeze %dma_wait3A_148 : memref<1x80xi32, #tpu.memory_space<vmem>> -> memref<80xi32, #tpu.memory_space<vmem>>
    %dma_wait3A_150 = arith.constant 0 : i32
    %dma_wait3A_151 = arith.constant 0 : i32
    %dma_wait3A_152 = tpu.memref_slice %arg2[%dma_wait3A_150, %dma_wait3A_151] : memref<3276800x16xi32, #tpu.memory_space<hbm>> -> memref<3276800x16xi32, #tpu.memory_space<hbm>>
    tpu.wait_indirect_dma semaphore(%arg10 : memref<!tpu.dma_semaphore, #tpu.memory_space<semaphore_mem>>) src(%dma_wait3A_152 : memref<3276800x16xi32, #tpu.memory_space<hbm>>) dst(%dma_wait3A_146 : memref<80x16xi32, #tpu.memory_space<vmem>>)
    %scan3A_153 = arith.constant 0 : i32
    %scan3A_154 = arith.constant 0 : i32
    %scan3A_155 = arith.constant 5 : i32
    %scan3A_156 = arith.addi %scan3A_154, %scan3A_155 : i32
    %scan3A_157 = arith.constant 1 : i32
    %scan3A_158 = scf.for %scan3A_236 = %scan3A_154 to %scan3A_156 step %scan3A_157 iter_args(%scan3A_237 = %scan3A_153) -> (i32)  : i32 {
      %mul3A_238 = arith.constant 16 : i32
      %mul3A_239 = arith.muli %scan3A_236, %mul3A_238 : i32
      %add3A_240 = vector.broadcast %mul3A_239 : i32 to vector<16xi32>
      %add3A_241 = arith.addi %add3A_240, %iota3A : vector<16xi32>
      %mul3A_242 = arith.constant 16 : i32
      %mul3A_243 = arith.muli %scan3A_236, %mul3A_242 : i32
      %get3A = arith.constant 120 : i32
      %get3A_244 = arith.index_cast %get3A : i32 to index
      %get3A_245 = arith.index_cast %mul3A_243 : i32 to index
      %get3A_246 = tpu.vector_load %arg5[%get3A_244, %get3A_245] {strides = array<i32>} : memref<125x80xi32, #tpu.memory_space<vmem>>, vector<16xi32>,
      %mul3A_247 = arith.constant 16 : i32
      %mul3A_248 = arith.muli %scan3A_236, %mul3A_247 : i32
      %get3A_249 = arith.constant 120 : i32
      %get3A_250 = arith.index_cast %get3A_249 : i32 to index
      %get3A_251 = arith.index_cast %mul3A_248 : i32 to index
      %get3A_252 = tpu.vector_load %arg6[%get3A_250, %get3A_251] {strides = array<i32>} : memref<125x80xi32, #tpu.memory_space<vmem>>, vector<16xi32>,
      %max3A = arith.maxsi %get3A_246, %get3A_252 : vector<16xi32>
      %min3A = arith.minsi %get3A_246, %get3A_252 : vector<16xi32>
      %shift_right_logical3A = arith.constant 3 : i32
      %shift_right_logical3A_253 = vector.broadcast %shift_right_logical3A : i32 to vector<16xi32>
      %shift_right_logical3A_254 = arith.shrui %max3A, %shift_right_logical3A_253 : vector<16xi32>
      %mul3A_255 = arith.constant 40 : i32
      %mul3A_256 = vector.broadcast %mul3A_255 : i32 to vector<16xi32>
      %mul3A_257 = arith.muli %shift_right_logical3A_254, %mul3A_256 : vector<16xi32>
      %shift_right_logical3A_258 = arith.constant 8 : i32
      %shift_right_logical3A_259 = vector.broadcast %shift_right_logical3A_258 : i32 to vector<16xi32>
      %shift_right_logical3A_260 = arith.shrui %min3A, %shift_right_logical3A_259 : vector<16xi32>
      %add3A_261 = arith.addi %mul3A_257, %shift_right_logical3A_260 : vector<16xi32>
      %mul3A_262 = arith.constant 1024 : i32
      %mul3A_263 = vector.broadcast %mul3A_262 : i32 to vector<16xi32>
      %mul3A_264 = arith.muli %add3A_261, %mul3A_263 : vector<16xi32>
      %and3A = arith.constant 7 : i32
      %and3A_265 = vector.broadcast %and3A : i32 to vector<16xi32>
      %and3A_266 = arith.andi %max3A, %and3A_265 : vector<16xi32>
      %shift_left3A = arith.constant 7 : i32
      %shift_left3A_267 = vector.broadcast %shift_left3A : i32 to vector<16xi32>
      %shift_left3A_268 = arith.shli %and3A_266, %shift_left3A_267 : vector<16xi32>
      %add3A_269 = arith.addi %mul3A_264, %shift_left3A_268 : vector<16xi32>
      %and3A_270 = arith.constant 127 : i32
      %and3A_271 = vector.broadcast %and3A_270 : i32 to vector<16xi32>
      %and3A_272 = arith.andi %min3A, %and3A_271 : vector<16xi32>
      %add3A_273 = arith.addi %add3A_269, %and3A_272 : vector<16xi32>
      %shift_right_logical3A_274 = arith.constant 7 : i32
      %shift_right_logical3A_275 = vector.broadcast %shift_right_logical3A_274 : i32 to vector<16xi32>
      %shift_right_logical3A_276 = arith.shrui %min3A, %shift_right_logical3A_275 : vector<16xi32>
      %and3A_277 = arith.constant 1 : i32
      %and3A_278 = vector.broadcast %and3A_277 : i32 to vector<16xi32>
      %and3A_279 = arith.andi %shift_right_logical3A_276, %and3A_278 : vector<16xi32>
      %and3A_280 = arith.constant 15 : i32
      %and3A_281 = vector.broadcast %and3A_280 : i32 to vector<16xi32>
      %and3A_282 = arith.andi %add3A_273, %and3A_281 : vector<16xi32>
      %gather3A = arith.constant 0 : i32
      %gather3A_283 = arith.constant 0 : i32
      %gather3A_284 = arith.constant 0 : i32
      %gather3A_285 = tpu.memref_slice %arg8[%gather3A, %gather3A_283, %gather3A_284] : memref<8x80x16xi32, #tpu.memory_space<vmem>> -> memref<1x80x16xi32, #tpu.memory_space<vmem>>
      %gather3A_286 = tpu.memref_squeeze %gather3A_285 : memref<1x80x16xi32, #tpu.memory_space<vmem>> -> memref<80x16xi32, #tpu.memory_space<vmem>>
      %gather3A_287 = tpu.vector_load_idx %gather3A_286[%add3A_241, %and3A_282] : memref<80x16xi32, #tpu.memory_space<vmem>>[vector<16xi32>, vector<16xi32>], vector<16xi32>,
      %bitcast3A = vector.bitcast %gather3A_287 : vector<16xi32> to vector<32xbf16>
      %unpack3A = tpu.unpack_subelements %bitcast3A, 0 {pack_format = #tpu.pack_format<interleaved>} : vector<32xbf16> -> vector<16xf32>
      %unpack3A_288 = tpu.unpack_subelements %bitcast3A, 1 {pack_format = #tpu.pack_format<interleaved>} : vector<32xbf16> -> vector<16xf32>
      %eq3A = arith.constant 1 : i32
      %eq3A_289 = vector.broadcast %eq3A : i32 to vector<16xi32>
      %eq3A_290 = arith.cmpi eq, %and3A_279, %eq3A_289 : vector<16xi32>
      %select_n3A = arith.select %eq3A_290, %unpack3A_288, %unpack3A : vector<16xi1>, vector<16xf32>
      %neg3A = arith.constant 0.000000e+00 : f32
      %neg3A_291 = vector.broadcast %neg3A : f32 to vector<16xf32>
      %neg3A_292 = arith.subf %neg3A_291, %select_n3A : vector<16xf32>
      %exp3A = math.exp %neg3A_292 : vector<16xf32>
      %add3A_293 = arith.constant 1.000000e+00 : f32
      %add3A_294 = vector.broadcast %add3A_293 : f32 to vector<16xf32>
      %add3A_295 = arith.addf %add3A_294, %exp3A : vector<16xf32>
      %div3A = arith.constant 1.000000e+00 : f32
      %div3A_296 = vector.broadcast %div3A : f32 to vector<16xf32>
      %div3A_297 = arith.divf %div3A_296, %add3A_295 : vector<16xf32>
      %mul3A_298 = arith.constant 16 : i32
      %mul3A_299 = arith.muli %scan3A_236, %mul3A_298 : i32
      %add3A_300 = arith.constant 9600 : i32
      %add3A_301 = arith.addi %add3A_300, %mul3A_299 : i32
      %swap3A = arith.index_cast %add3A_301 : i32 to index
      %swap3A_302 = tpu.vector_load %arg9[%swap3A] {strides = array<i32>} : memref<10000xf32, #tpu.memory_space<vmem>>, vector<16xf32>,
      tpu.vector_store %arg9[%swap3A], %div3A_297 {strides = array<i32>} : memref<10000xf32, #tpu.memory_space<vmem>>, vector<16xf32>,
      %scan3A_303 = arith.constant 0 : i32
      scf.yield %scan3A_303 : i32
    }
    %scan3A_159 = arith.constant 5 : i32
    %dma_wait3A_160 = arith.constant 1 : i32
    %dma_wait3A_161 = arith.constant 1 : i32
    %dma_wait3A_162 = arith.constant 0 : i32
    %dma_wait3A_163 = arith.constant 0 : i32
    %dma_wait3A_164 = tpu.memref_slice %arg8[%dma_wait3A_161, %dma_wait3A_162, %dma_wait3A_163] : memref<8x80x16xi32, #tpu.memory_space<vmem>> -> memref<1x80x16xi32, #tpu.memory_space<vmem>>
    %dma_wait3A_165 = tpu.memref_squeeze %dma_wait3A_164 : memref<1x80x16xi32, #tpu.memory_space<vmem>> -> memref<80x16xi32, #tpu.memory_space<vmem>>
    %dma_wait3A_166 = arith.constant 0 : i32
    %dma_wait3A_167 = tpu.memref_slice %arg7[%dma_wait3A_160, %dma_wait3A_166] : memref<8x80xi32, #tpu.memory_space<vmem>> -> memref<1x80xi32, #tpu.memory_space<vmem>>
    %dma_wait3A_168 = tpu.memref_squeeze %dma_wait3A_167 : memref<1x80xi32, #tpu.memory_space<vmem>> -> memref<80xi32, #tpu.memory_space<vmem>>
    %dma_wait3A_169 = arith.constant 0 : i32
    %dma_wait3A_170 = arith.constant 0 : i32
    %dma_wait3A_171 = tpu.memref_slice %arg2[%dma_wait3A_169, %dma_wait3A_170] : memref<3276800x16xi32, #tpu.memory_space<hbm>> -> memref<3276800x16xi32, #tpu.memory_space<hbm>>
    tpu.wait_indirect_dma semaphore(%arg11 : memref<!tpu.dma_semaphore, #tpu.memory_space<semaphore_mem>>) src(%dma_wait3A_171 : memref<3276800x16xi32, #tpu.memory_space<hbm>>) dst(%dma_wait3A_165 : memref<80x16xi32, #tpu.memory_space<vmem>>)
    %scan3A_172 = arith.constant 0 : i32
    %scan3A_173 = arith.constant 0 : i32
    %scan3A_174 = arith.constant 5 : i32
    %scan3A_175 = arith.addi %scan3A_173, %scan3A_174 : i32
    %scan3A_176 = arith.constant 1 : i32
    %scan3A_177 = scf.for %scan3A_236 = %scan3A_173 to %scan3A_175 step %scan3A_176 iter_args(%scan3A_237 = %scan3A_172) -> (i32)  : i32 {
      %mul3A_238 = arith.constant 16 : i32
      %mul3A_239 = arith.muli %scan3A_236, %mul3A_238 : i32
      %add3A_240 = vector.broadcast %mul3A_239 : i32 to vector<16xi32>
      %add3A_241 = arith.addi %add3A_240, %iota3A : vector<16xi32>
      %mul3A_242 = arith.constant 16 : i32
      %mul3A_243 = arith.muli %scan3A_236, %mul3A_242 : i32
      %get3A = arith.constant 121 : i32
      %get3A_244 = arith.index_cast %get3A : i32 to index
      %get3A_245 = arith.index_cast %mul3A_243 : i32 to index
      %get3A_246 = tpu.vector_load %arg5[%get3A_244, %get3A_245] {strides = array<i32>} : memref<125x80xi32, #tpu.memory_space<vmem>>, vector<16xi32>,
      %mul3A_247 = arith.constant 16 : i32
      %mul3A_248 = arith.muli %scan3A_236, %mul3A_247 : i32
      %get3A_249 = arith.constant 121 : i32
      %get3A_250 = arith.index_cast %get3A_249 : i32 to index
      %get3A_251 = arith.index_cast %mul3A_248 : i32 to index
      %get3A_252 = tpu.vector_load %arg6[%get3A_250, %get3A_251] {strides = array<i32>} : memref<125x80xi32, #tpu.memory_space<vmem>>, vector<16xi32>,
      %max3A = arith.maxsi %get3A_246, %get3A_252 : vector<16xi32>
      %min3A = arith.minsi %get3A_246, %get3A_252 : vector<16xi32>
      %shift_right_logical3A = arith.constant 3 : i32
      %shift_right_logical3A_253 = vector.broadcast %shift_right_logical3A : i32 to vector<16xi32>
      %shift_right_logical3A_254 = arith.shrui %max3A, %shift_right_logical3A_253 : vector<16xi32>
      %mul3A_255 = arith.constant 40 : i32
      %mul3A_256 = vector.broadcast %mul3A_255 : i32 to vector<16xi32>
      %mul3A_257 = arith.muli %shift_right_logical3A_254, %mul3A_256 : vector<16xi32>
      %shift_right_logical3A_258 = arith.constant 8 : i32
      %shift_right_logical3A_259 = vector.broadcast %shift_right_logical3A_258 : i32 to vector<16xi32>
      %shift_right_logical3A_260 = arith.shrui %min3A, %shift_right_logical3A_259 : vector<16xi32>
      %add3A_261 = arith.addi %mul3A_257, %shift_right_logical3A_260 : vector<16xi32>
      %mul3A_262 = arith.constant 1024 : i32
      %mul3A_263 = vector.broadcast %mul3A_262 : i32 to vector<16xi32>
      %mul3A_264 = arith.muli %add3A_261, %mul3A_263 : vector<16xi32>
      %and3A = arith.constant 7 : i32
      %and3A_265 = vector.broadcast %and3A : i32 to vector<16xi32>
      %and3A_266 = arith.andi %max3A, %and3A_265 : vector<16xi32>
      %shift_left3A = arith.constant 7 : i32
      %shift_left3A_267 = vector.broadcast %shift_left3A : i32 to vector<16xi32>
      %shift_left3A_268 = arith.shli %and3A_266, %shift_left3A_267 : vector<16xi32>
      %add3A_269 = arith.addi %mul3A_264, %shift_left3A_268 : vector<16xi32>
      %and3A_270 = arith.constant 127 : i32
      %and3A_271 = vector.broadcast %and3A_270 : i32 to vector<16xi32>
      %and3A_272 = arith.andi %min3A, %and3A_271 : vector<16xi32>
      %add3A_273 = arith.addi %add3A_269, %and3A_272 : vector<16xi32>
      %shift_right_logical3A_274 = arith.constant 7 : i32
      %shift_right_logical3A_275 = vector.broadcast %shift_right_logical3A_274 : i32 to vector<16xi32>
      %shift_right_logical3A_276 = arith.shrui %min3A, %shift_right_logical3A_275 : vector<16xi32>
      %and3A_277 = arith.constant 1 : i32
      %and3A_278 = vector.broadcast %and3A_277 : i32 to vector<16xi32>
      %and3A_279 = arith.andi %shift_right_logical3A_276, %and3A_278 : vector<16xi32>
      %and3A_280 = arith.constant 15 : i32
      %and3A_281 = vector.broadcast %and3A_280 : i32 to vector<16xi32>
      %and3A_282 = arith.andi %add3A_273, %and3A_281 : vector<16xi32>
      %gather3A = arith.constant 1 : i32
      %gather3A_283 = arith.constant 0 : i32
      %gather3A_284 = arith.constant 0 : i32
      %gather3A_285 = tpu.memref_slice %arg8[%gather3A, %gather3A_283, %gather3A_284] : memref<8x80x16xi32, #tpu.memory_space<vmem>> -> memref<1x80x16xi32, #tpu.memory_space<vmem>>
      %gather3A_286 = tpu.memref_squeeze %gather3A_285 : memref<1x80x16xi32, #tpu.memory_space<vmem>> -> memref<80x16xi32, #tpu.memory_space<vmem>>
      %gather3A_287 = tpu.vector_load_idx %gather3A_286[%add3A_241, %and3A_282] : memref<80x16xi32, #tpu.memory_space<vmem>>[vector<16xi32>, vector<16xi32>], vector<16xi32>,
      %bitcast3A = vector.bitcast %gather3A_287 : vector<16xi32> to vector<32xbf16>
      %unpack3A = tpu.unpack_subelements %bitcast3A, 0 {pack_format = #tpu.pack_format<interleaved>} : vector<32xbf16> -> vector<16xf32>
      %unpack3A_288 = tpu.unpack_subelements %bitcast3A, 1 {pack_format = #tpu.pack_format<interleaved>} : vector<32xbf16> -> vector<16xf32>
      %eq3A = arith.constant 1 : i32
      %eq3A_289 = vector.broadcast %eq3A : i32 to vector<16xi32>
      %eq3A_290 = arith.cmpi eq, %and3A_279, %eq3A_289 : vector<16xi32>
      %select_n3A = arith.select %eq3A_290, %unpack3A_288, %unpack3A : vector<16xi1>, vector<16xf32>
      %neg3A = arith.constant 0.000000e+00 : f32
      %neg3A_291 = vector.broadcast %neg3A : f32 to vector<16xf32>
      %neg3A_292 = arith.subf %neg3A_291, %select_n3A : vector<16xf32>
      %exp3A = math.exp %neg3A_292 : vector<16xf32>
      %add3A_293 = arith.constant 1.000000e+00 : f32
      %add3A_294 = vector.broadcast %add3A_293 : f32 to vector<16xf32>
      %add3A_295 = arith.addf %add3A_294, %exp3A : vector<16xf32>
      %div3A = arith.constant 1.000000e+00 : f32
      %div3A_296 = vector.broadcast %div3A : f32 to vector<16xf32>
      %div3A_297 = arith.divf %div3A_296, %add3A_295 : vector<16xf32>
      %mul3A_298 = arith.constant 16 : i32
      %mul3A_299 = arith.muli %scan3A_236, %mul3A_298 : i32
      %add3A_300 = arith.constant 9680 : i32
      %add3A_301 = arith.addi %add3A_300, %mul3A_299 : i32
      %swap3A = arith.index_cast %add3A_301 : i32 to index
      %swap3A_302 = tpu.vector_load %arg9[%swap3A] {strides = array<i32>} : memref<10000xf32, #tpu.memory_space<vmem>>, vector<16xf32>,
      tpu.vector_store %arg9[%swap3A], %div3A_297 {strides = array<i32>} : memref<10000xf32, #tpu.memory_space<vmem>>, vector<16xf32>,
      %scan3A_303 = arith.constant 0 : i32
      scf.yield %scan3A_303 : i32
    }
    %scan3A_178 = arith.constant 5 : i32
    %dma_wait3A_179 = arith.constant 2 : i32
    %dma_wait3A_180 = arith.constant 2 : i32
    %dma_wait3A_181 = arith.constant 0 : i32
    %dma_wait3A_182 = arith.constant 0 : i32
    %dma_wait3A_183 = tpu.memref_slice %arg8[%dma_wait3A_180, %dma_wait3A_181, %dma_wait3A_182] : memref<8x80x16xi32, #tpu.memory_space<vmem>> -> memref<1x80x16xi32, #tpu.memory_space<vmem>>
    %dma_wait3A_184 = tpu.memref_squeeze %dma_wait3A_183 : memref<1x80x16xi32, #tpu.memory_space<vmem>> -> memref<80x16xi32, #tpu.memory_space<vmem>>
    %dma_wait3A_185 = arith.constant 0 : i32
    %dma_wait3A_186 = tpu.memref_slice %arg7[%dma_wait3A_179, %dma_wait3A_185] : memref<8x80xi32, #tpu.memory_space<vmem>> -> memref<1x80xi32, #tpu.memory_space<vmem>>
    %dma_wait3A_187 = tpu.memref_squeeze %dma_wait3A_186 : memref<1x80xi32, #tpu.memory_space<vmem>> -> memref<80xi32, #tpu.memory_space<vmem>>
    %dma_wait3A_188 = arith.constant 0 : i32
    %dma_wait3A_189 = arith.constant 0 : i32
    %dma_wait3A_190 = tpu.memref_slice %arg2[%dma_wait3A_188, %dma_wait3A_189] : memref<3276800x16xi32, #tpu.memory_space<hbm>> -> memref<3276800x16xi32, #tpu.memory_space<hbm>>
    tpu.wait_indirect_dma semaphore(%arg12 : memref<!tpu.dma_semaphore, #tpu.memory_space<semaphore_mem>>) src(%dma_wait3A_190 : memref<3276800x16xi32, #tpu.memory_space<hbm>>) dst(%dma_wait3A_184 : memref<80x16xi32, #tpu.memory_space<vmem>>)
    %scan3A_191 = arith.constant 0 : i32
    %scan3A_192 = arith.constant 0 : i32
    %scan3A_193 = arith.constant 5 : i32
    %scan3A_194 = arith.addi %scan3A_192, %scan3A_193 : i32
    %scan3A_195 = arith.constant 1 : i32
    %scan3A_196 = scf.for %scan3A_236 = %scan3A_192 to %scan3A_194 step %scan3A_195 iter_args(%scan3A_237 = %scan3A_191) -> (i32)  : i32 {
      %mul3A_238 = arith.constant 16 : i32
      %mul3A_239 = arith.muli %scan3A_236, %mul3A_238 : i32
      %add3A_240 = vector.broadcast %mul3A_239 : i32 to vector<16xi32>
      %add3A_241 = arith.addi %add3A_240, %iota3A : vector<16xi32>
      %mul3A_242 = arith.constant 16 : i32
      %mul3A_243 = arith.muli %scan3A_236, %mul3A_242 : i32
      %get3A = arith.constant 122 : i32
      %get3A_244 = arith.index_cast %get3A : i32 to index
      %get3A_245 = arith.index_cast %mul3A_243 : i32 to index
      %get3A_246 = tpu.vector_load %arg5[%get3A_244, %get3A_245] {strides = array<i32>} : memref<125x80xi32, #tpu.memory_space<vmem>>, vector<16xi32>,
      %mul3A_247 = arith.constant 16 : i32
      %mul3A_248 = arith.muli %scan3A_236, %mul3A_247 : i32
      %get3A_249 = arith.constant 122 : i32
      %get3A_250 = arith.index_cast %get3A_249 : i32 to index
      %get3A_251 = arith.index_cast %mul3A_248 : i32 to index
      %get3A_252 = tpu.vector_load %arg6[%get3A_250, %get3A_251] {strides = array<i32>} : memref<125x80xi32, #tpu.memory_space<vmem>>, vector<16xi32>,
      %max3A = arith.maxsi %get3A_246, %get3A_252 : vector<16xi32>
      %min3A = arith.minsi %get3A_246, %get3A_252 : vector<16xi32>
      %shift_right_logical3A = arith.constant 3 : i32
      %shift_right_logical3A_253 = vector.broadcast %shift_right_logical3A : i32 to vector<16xi32>
      %shift_right_logical3A_254 = arith.shrui %max3A, %shift_right_logical3A_253 : vector<16xi32>
      %mul3A_255 = arith.constant 40 : i32
      %mul3A_256 = vector.broadcast %mul3A_255 : i32 to vector<16xi32>
      %mul3A_257 = arith.muli %shift_right_logical3A_254, %mul3A_256 : vector<16xi32>
      %shift_right_logical3A_258 = arith.constant 8 : i32
      %shift_right_logical3A_259 = vector.broadcast %shift_right_logical3A_258 : i32 to vector<16xi32>
      %shift_right_logical3A_260 = arith.shrui %min3A, %shift_right_logical3A_259 : vector<16xi32>
      %add3A_261 = arith.addi %mul3A_257, %shift_right_logical3A_260 : vector<16xi32>
      %mul3A_262 = arith.constant 1024 : i32
      %mul3A_263 = vector.broadcast %mul3A_262 : i32 to vector<16xi32>
      %mul3A_264 = arith.muli %add3A_261, %mul3A_263 : vector<16xi32>
      %and3A = arith.constant 7 : i32
      %and3A_265 = vector.broadcast %and3A : i32 to vector<16xi32>
      %and3A_266 = arith.andi %max3A, %and3A_265 : vector<16xi32>
      %shift_left3A = arith.constant 7 : i32
      %shift_left3A_267 = vector.broadcast %shift_left3A : i32 to vector<16xi32>
      %shift_left3A_268 = arith.shli %and3A_266, %shift_left3A_267 : vector<16xi32>
      %add3A_269 = arith.addi %mul3A_264, %shift_left3A_268 : vector<16xi32>
      %and3A_270 = arith.constant 127 : i32
      %and3A_271 = vector.broadcast %and3A_270 : i32 to vector<16xi32>
      %and3A_272 = arith.andi %min3A, %and3A_271 : vector<16xi32>
      %add3A_273 = arith.addi %add3A_269, %and3A_272 : vector<16xi32>
      %shift_right_logical3A_274 = arith.constant 7 : i32
      %shift_right_logical3A_275 = vector.broadcast %shift_right_logical3A_274 : i32 to vector<16xi32>
      %shift_right_logical3A_276 = arith.shrui %min3A, %shift_right_logical3A_275 : vector<16xi32>
      %and3A_277 = arith.constant 1 : i32
      %and3A_278 = vector.broadcast %and3A_277 : i32 to vector<16xi32>
      %and3A_279 = arith.andi %shift_right_logical3A_276, %and3A_278 : vector<16xi32>
      %and3A_280 = arith.constant 15 : i32
      %and3A_281 = vector.broadcast %and3A_280 : i32 to vector<16xi32>
      %and3A_282 = arith.andi %add3A_273, %and3A_281 : vector<16xi32>
      %gather3A = arith.constant 2 : i32
      %gather3A_283 = arith.constant 0 : i32
      %gather3A_284 = arith.constant 0 : i32
      %gather3A_285 = tpu.memref_slice %arg8[%gather3A, %gather3A_283, %gather3A_284] : memref<8x80x16xi32, #tpu.memory_space<vmem>> -> memref<1x80x16xi32, #tpu.memory_space<vmem>>
      %gather3A_286 = tpu.memref_squeeze %gather3A_285 : memref<1x80x16xi32, #tpu.memory_space<vmem>> -> memref<80x16xi32, #tpu.memory_space<vmem>>
      %gather3A_287 = tpu.vector_load_idx %gather3A_286[%add3A_241, %and3A_282] : memref<80x16xi32, #tpu.memory_space<vmem>>[vector<16xi32>, vector<16xi32>], vector<16xi32>,
      %bitcast3A = vector.bitcast %gather3A_287 : vector<16xi32> to vector<32xbf16>
      %unpack3A = tpu.unpack_subelements %bitcast3A, 0 {pack_format = #tpu.pack_format<interleaved>} : vector<32xbf16> -> vector<16xf32>
      %unpack3A_288 = tpu.unpack_subelements %bitcast3A, 1 {pack_format = #tpu.pack_format<interleaved>} : vector<32xbf16> -> vector<16xf32>
      %eq3A = arith.constant 1 : i32
      %eq3A_289 = vector.broadcast %eq3A : i32 to vector<16xi32>
      %eq3A_290 = arith.cmpi eq, %and3A_279, %eq3A_289 : vector<16xi32>
      %select_n3A = arith.select %eq3A_290, %unpack3A_288, %unpack3A : vector<16xi1>, vector<16xf32>
      %neg3A = arith.constant 0.000000e+00 : f32
      %neg3A_291 = vector.broadcast %neg3A : f32 to vector<16xf32>
      %neg3A_292 = arith.subf %neg3A_291, %select_n3A : vector<16xf32>
      %exp3A = math.exp %neg3A_292 : vector<16xf32>
      %add3A_293 = arith.constant 1.000000e+00 : f32
      %add3A_294 = vector.broadcast %add3A_293 : f32 to vector<16xf32>
      %add3A_295 = arith.addf %add3A_294, %exp3A : vector<16xf32>
      %div3A = arith.constant 1.000000e+00 : f32
      %div3A_296 = vector.broadcast %div3A : f32 to vector<16xf32>
      %div3A_297 = arith.divf %div3A_296, %add3A_295 : vector<16xf32>
      %mul3A_298 = arith.constant 16 : i32
      %mul3A_299 = arith.muli %scan3A_236, %mul3A_298 : i32
      %add3A_300 = arith.constant 9760 : i32
      %add3A_301 = arith.addi %add3A_300, %mul3A_299 : i32
      %swap3A = arith.index_cast %add3A_301 : i32 to index
      %swap3A_302 = tpu.vector_load %arg9[%swap3A] {strides = array<i32>} : memref<10000xf32, #tpu.memory_space<vmem>>, vector<16xf32>,
      tpu.vector_store %arg9[%swap3A], %div3A_297 {strides = array<i32>} : memref<10000xf32, #tpu.memory_space<vmem>>, vector<16xf32>,
      %scan3A_303 = arith.constant 0 : i32
      scf.yield %scan3A_303 : i32
    }
    %scan3A_197 = arith.constant 5 : i32
    %dma_wait3A_198 = arith.constant 3 : i32
    %dma_wait3A_199 = arith.constant 3 : i32
    %dma_wait3A_200 = arith.constant 0 : i32
    %dma_wait3A_201 = arith.constant 0 : i32
    %dma_wait3A_202 = tpu.memref_slice %arg8[%dma_wait3A_199, %dma_wait3A_200, %dma_wait3A_201] : memref<8x80x16xi32, #tpu.memory_space<vmem>> -> memref<1x80x16xi32, #tpu.memory_space<vmem>>
    %dma_wait3A_203 = tpu.memref_squeeze %dma_wait3A_202 : memref<1x80x16xi32, #tpu.memory_space<vmem>> -> memref<80x16xi32, #tpu.memory_space<vmem>>
    %dma_wait3A_204 = arith.constant 0 : i32
    %dma_wait3A_205 = tpu.memref_slice %arg7[%dma_wait3A_198, %dma_wait3A_204] : memref<8x80xi32, #tpu.memory_space<vmem>> -> memref<1x80xi32, #tpu.memory_space<vmem>>
    %dma_wait3A_206 = tpu.memref_squeeze %dma_wait3A_205 : memref<1x80xi32, #tpu.memory_space<vmem>> -> memref<80xi32, #tpu.memory_space<vmem>>
    %dma_wait3A_207 = arith.constant 0 : i32
    %dma_wait3A_208 = arith.constant 0 : i32
    %dma_wait3A_209 = tpu.memref_slice %arg2[%dma_wait3A_207, %dma_wait3A_208] : memref<3276800x16xi32, #tpu.memory_space<hbm>> -> memref<3276800x16xi32, #tpu.memory_space<hbm>>
    tpu.wait_indirect_dma semaphore(%arg13 : memref<!tpu.dma_semaphore, #tpu.memory_space<semaphore_mem>>) src(%dma_wait3A_209 : memref<3276800x16xi32, #tpu.memory_space<hbm>>) dst(%dma_wait3A_203 : memref<80x16xi32, #tpu.memory_space<vmem>>)
    %scan3A_210 = arith.constant 0 : i32
    %scan3A_211 = arith.constant 0 : i32
    %scan3A_212 = arith.constant 5 : i32
    %scan3A_213 = arith.addi %scan3A_211, %scan3A_212 : i32
    %scan3A_214 = arith.constant 1 : i32
    %scan3A_215 = scf.for %scan3A_236 = %scan3A_211 to %scan3A_213 step %scan3A_214 iter_args(%scan3A_237 = %scan3A_210) -> (i32)  : i32 {
      %mul3A_238 = arith.constant 16 : i32
      %mul3A_239 = arith.muli %scan3A_236, %mul3A_238 : i32
      %add3A_240 = vector.broadcast %mul3A_239 : i32 to vector<16xi32>
      %add3A_241 = arith.addi %add3A_240, %iota3A : vector<16xi32>
      %mul3A_242 = arith.constant 16 : i32
      %mul3A_243 = arith.muli %scan3A_236, %mul3A_242 : i32
      %get3A = arith.constant 123 : i32
      %get3A_244 = arith.index_cast %get3A : i32 to index
      %get3A_245 = arith.index_cast %mul3A_243 : i32 to index
      %get3A_246 = tpu.vector_load %arg5[%get3A_244, %get3A_245] {strides = array<i32>} : memref<125x80xi32, #tpu.memory_space<vmem>>, vector<16xi32>,
      %mul3A_247 = arith.constant 16 : i32
      %mul3A_248 = arith.muli %scan3A_236, %mul3A_247 : i32
      %get3A_249 = arith.constant 123 : i32
      %get3A_250 = arith.index_cast %get3A_249 : i32 to index
      %get3A_251 = arith.index_cast %mul3A_248 : i32 to index
      %get3A_252 = tpu.vector_load %arg6[%get3A_250, %get3A_251] {strides = array<i32>} : memref<125x80xi32, #tpu.memory_space<vmem>>, vector<16xi32>,
      %max3A = arith.maxsi %get3A_246, %get3A_252 : vector<16xi32>
      %min3A = arith.minsi %get3A_246, %get3A_252 : vector<16xi32>
      %shift_right_logical3A = arith.constant 3 : i32
      %shift_right_logical3A_253 = vector.broadcast %shift_right_logical3A : i32 to vector<16xi32>
      %shift_right_logical3A_254 = arith.shrui %max3A, %shift_right_logical3A_253 : vector<16xi32>
      %mul3A_255 = arith.constant 40 : i32
      %mul3A_256 = vector.broadcast %mul3A_255 : i32 to vector<16xi32>
      %mul3A_257 = arith.muli %shift_right_logical3A_254, %mul3A_256 : vector<16xi32>
      %shift_right_logical3A_258 = arith.constant 8 : i32
      %shift_right_logical3A_259 = vector.broadcast %shift_right_logical3A_258 : i32 to vector<16xi32>
      %shift_right_logical3A_260 = arith.shrui %min3A, %shift_right_logical3A_259 : vector<16xi32>
      %add3A_261 = arith.addi %mul3A_257, %shift_right_logical3A_260 : vector<16xi32>
      %mul3A_262 = arith.constant 1024 : i32
      %mul3A_263 = vector.broadcast %mul3A_262 : i32 to vector<16xi32>
      %mul3A_264 = arith.muli %add3A_261, %mul3A_263 : vector<16xi32>
      %and3A = arith.constant 7 : i32
      %and3A_265 = vector.broadcast %and3A : i32 to vector<16xi32>
      %and3A_266 = arith.andi %max3A, %and3A_265 : vector<16xi32>
      %shift_left3A = arith.constant 7 : i32
      %shift_left3A_267 = vector.broadcast %shift_left3A : i32 to vector<16xi32>
      %shift_left3A_268 = arith.shli %and3A_266, %shift_left3A_267 : vector<16xi32>
      %add3A_269 = arith.addi %mul3A_264, %shift_left3A_268 : vector<16xi32>
      %and3A_270 = arith.constant 127 : i32
      %and3A_271 = vector.broadcast %and3A_270 : i32 to vector<16xi32>
      %and3A_272 = arith.andi %min3A, %and3A_271 : vector<16xi32>
      %add3A_273 = arith.addi %add3A_269, %and3A_272 : vector<16xi32>
      %shift_right_logical3A_274 = arith.constant 7 : i32
      %shift_right_logical3A_275 = vector.broadcast %shift_right_logical3A_274 : i32 to vector<16xi32>
      %shift_right_logical3A_276 = arith.shrui %min3A, %shift_right_logical3A_275 : vector<16xi32>
      %and3A_277 = arith.constant 1 : i32
      %and3A_278 = vector.broadcast %and3A_277 : i32 to vector<16xi32>
      %and3A_279 = arith.andi %shift_right_logical3A_276, %and3A_278 : vector<16xi32>
      %and3A_280 = arith.constant 15 : i32
      %and3A_281 = vector.broadcast %and3A_280 : i32 to vector<16xi32>
      %and3A_282 = arith.andi %add3A_273, %and3A_281 : vector<16xi32>
      %gather3A = arith.constant 3 : i32
      %gather3A_283 = arith.constant 0 : i32
      %gather3A_284 = arith.constant 0 : i32
      %gather3A_285 = tpu.memref_slice %arg8[%gather3A, %gather3A_283, %gather3A_284] : memref<8x80x16xi32, #tpu.memory_space<vmem>> -> memref<1x80x16xi32, #tpu.memory_space<vmem>>
      %gather3A_286 = tpu.memref_squeeze %gather3A_285 : memref<1x80x16xi32, #tpu.memory_space<vmem>> -> memref<80x16xi32, #tpu.memory_space<vmem>>
      %gather3A_287 = tpu.vector_load_idx %gather3A_286[%add3A_241, %and3A_282] : memref<80x16xi32, #tpu.memory_space<vmem>>[vector<16xi32>, vector<16xi32>], vector<16xi32>,
      %bitcast3A = vector.bitcast %gather3A_287 : vector<16xi32> to vector<32xbf16>
      %unpack3A = tpu.unpack_subelements %bitcast3A, 0 {pack_format = #tpu.pack_format<interleaved>} : vector<32xbf16> -> vector<16xf32>
      %unpack3A_288 = tpu.unpack_subelements %bitcast3A, 1 {pack_format = #tpu.pack_format<interleaved>} : vector<32xbf16> -> vector<16xf32>
      %eq3A = arith.constant 1 : i32
      %eq3A_289 = vector.broadcast %eq3A : i32 to vector<16xi32>
      %eq3A_290 = arith.cmpi eq, %and3A_279, %eq3A_289 : vector<16xi32>
      %select_n3A = arith.select %eq3A_290, %unpack3A_288, %unpack3A : vector<16xi1>, vector<16xf32>
      %neg3A = arith.constant 0.000000e+00 : f32
      %neg3A_291 = vector.broadcast %neg3A : f32 to vector<16xf32>
      %neg3A_292 = arith.subf %neg3A_291, %select_n3A : vector<16xf32>
      %exp3A = math.exp %neg3A_292 : vector<16xf32>
      %add3A_293 = arith.constant 1.000000e+00 : f32
      %add3A_294 = vector.broadcast %add3A_293 : f32 to vector<16xf32>
      %add3A_295 = arith.addf %add3A_294, %exp3A : vector<16xf32>
      %div3A = arith.constant 1.000000e+00 : f32
      %div3A_296 = vector.broadcast %div3A : f32 to vector<16xf32>
      %div3A_297 = arith.divf %div3A_296, %add3A_295 : vector<16xf32>
      %mul3A_298 = arith.constant 16 : i32
      %mul3A_299 = arith.muli %scan3A_236, %mul3A_298 : i32
      %add3A_300 = arith.constant 9840 : i32
      %add3A_301 = arith.addi %add3A_300, %mul3A_299 : i32
      %swap3A = arith.index_cast %add3A_301 : i32 to index
      %swap3A_302 = tpu.vector_load %arg9[%swap3A] {strides = array<i32>} : memref<10000xf32, #tpu.memory_space<vmem>>, vector<16xf32>,
      tpu.vector_store %arg9[%swap3A], %div3A_297 {strides = array<i32>} : memref<10000xf32, #tpu.memory_space<vmem>>, vector<16xf32>,
      %scan3A_303 = arith.constant 0 : i32
      scf.yield %scan3A_303 : i32
    }
    %scan3A_216 = arith.constant 5 : i32
    %dma_wait3A_217 = arith.constant 4 : i32
    %dma_wait3A_218 = arith.constant 4 : i32
    %dma_wait3A_219 = arith.constant 0 : i32
    %dma_wait3A_220 = arith.constant 0 : i32
    %dma_wait3A_221 = tpu.memref_slice %arg8[%dma_wait3A_218, %dma_wait3A_219, %dma_wait3A_220] : memref<8x80x16xi32, #tpu.memory_space<vmem>> -> memref<1x80x16xi32, #tpu.memory_space<vmem>>
    %dma_wait3A_222 = tpu.memref_squeeze %dma_wait3A_221 : memref<1x80x16xi32, #tpu.memory_space<vmem>> -> memref<80x16xi32, #tpu.memory_space<vmem>>
    %dma_wait3A_223 = arith.constant 0 : i32
    %dma_wait3A_224 = tpu.memref_slice %arg7[%dma_wait3A_217, %dma_wait3A_223] : memref<8x80xi32, #tpu.memory_space<vmem>> -> memref<1x80xi32, #tpu.memory_space<vmem>>
    %dma_wait3A_225 = tpu.memref_squeeze %dma_wait3A_224 : memref<1x80xi32, #tpu.memory_space<vmem>> -> memref<80xi32, #tpu.memory_space<vmem>>
    %dma_wait3A_226 = arith.constant 0 : i32
    %dma_wait3A_227 = arith.constant 0 : i32
    %dma_wait3A_228 = tpu.memref_slice %arg2[%dma_wait3A_226, %dma_wait3A_227] : memref<3276800x16xi32, #tpu.memory_space<hbm>> -> memref<3276800x16xi32, #tpu.memory_space<hbm>>
    tpu.wait_indirect_dma semaphore(%arg14 : memref<!tpu.dma_semaphore, #tpu.memory_space<semaphore_mem>>) src(%dma_wait3A_228 : memref<3276800x16xi32, #tpu.memory_space<hbm>>) dst(%dma_wait3A_222 : memref<80x16xi32, #tpu.memory_space<vmem>>)
    %scan3A_229 = arith.constant 0 : i32
    %scan3A_230 = arith.constant 0 : i32
    %scan3A_231 = arith.constant 5 : i32
    %scan3A_232 = arith.addi %scan3A_230, %scan3A_231 : i32
    %scan3A_233 = arith.constant 1 : i32
    %scan3A_234 = scf.for %scan3A_236 = %scan3A_230 to %scan3A_232 step %scan3A_233 iter_args(%scan3A_237 = %scan3A_229) -> (i32)  : i32 {
      %mul3A_238 = arith.constant 16 : i32
      %mul3A_239 = arith.muli %scan3A_236, %mul3A_238 : i32
      %add3A_240 = vector.broadcast %mul3A_239 : i32 to vector<16xi32>
      %add3A_241 = arith.addi %add3A_240, %iota3A : vector<16xi32>
      %mul3A_242 = arith.constant 16 : i32
      %mul3A_243 = arith.muli %scan3A_236, %mul3A_242 : i32
      %get3A = arith.constant 124 : i32
      %get3A_244 = arith.index_cast %get3A : i32 to index
      %get3A_245 = arith.index_cast %mul3A_243 : i32 to index
      %get3A_246 = tpu.vector_load %arg5[%get3A_244, %get3A_245] {strides = array<i32>} : memref<125x80xi32, #tpu.memory_space<vmem>>, vector<16xi32>,
      %mul3A_247 = arith.constant 16 : i32
      %mul3A_248 = arith.muli %scan3A_236, %mul3A_247 : i32
      %get3A_249 = arith.constant 124 : i32
      %get3A_250 = arith.index_cast %get3A_249 : i32 to index
      %get3A_251 = arith.index_cast %mul3A_248 : i32 to index
      %get3A_252 = tpu.vector_load %arg6[%get3A_250, %get3A_251] {strides = array<i32>} : memref<125x80xi32, #tpu.memory_space<vmem>>, vector<16xi32>,
      %max3A = arith.maxsi %get3A_246, %get3A_252 : vector<16xi32>
      %min3A = arith.minsi %get3A_246, %get3A_252 : vector<16xi32>
      %shift_right_logical3A = arith.constant 3 : i32
      %shift_right_logical3A_253 = vector.broadcast %shift_right_logical3A : i32 to vector<16xi32>
      %shift_right_logical3A_254 = arith.shrui %max3A, %shift_right_logical3A_253 : vector<16xi32>
      %mul3A_255 = arith.constant 40 : i32
      %mul3A_256 = vector.broadcast %mul3A_255 : i32 to vector<16xi32>
      %mul3A_257 = arith.muli %shift_right_logical3A_254, %mul3A_256 : vector<16xi32>
      %shift_right_logical3A_258 = arith.constant 8 : i32
      %shift_right_logical3A_259 = vector.broadcast %shift_right_logical3A_258 : i32 to vector<16xi32>
      %shift_right_logical3A_260 = arith.shrui %min3A, %shift_right_logical3A_259 : vector<16xi32>
      %add3A_261 = arith.addi %mul3A_257, %shift_right_logical3A_260 : vector<16xi32>
      %mul3A_262 = arith.constant 1024 : i32
      %mul3A_263 = vector.broadcast %mul3A_262 : i32 to vector<16xi32>
      %mul3A_264 = arith.muli %add3A_261, %mul3A_263 : vector<16xi32>
      %and3A = arith.constant 7 : i32
      %and3A_265 = vector.broadcast %and3A : i32 to vector<16xi32>
      %and3A_266 = arith.andi %max3A, %and3A_265 : vector<16xi32>
      %shift_left3A = arith.constant 7 : i32
      %shift_left3A_267 = vector.broadcast %shift_left3A : i32 to vector<16xi32>
      %shift_left3A_268 = arith.shli %and3A_266, %shift_left3A_267 : vector<16xi32>
      %add3A_269 = arith.addi %mul3A_264, %shift_left3A_268 : vector<16xi32>
      %and3A_270 = arith.constant 127 : i32
      %and3A_271 = vector.broadcast %and3A_270 : i32 to vector<16xi32>
      %and3A_272 = arith.andi %min3A, %and3A_271 : vector<16xi32>
      %add3A_273 = arith.addi %add3A_269, %and3A_272 : vector<16xi32>
      %shift_right_logical3A_274 = arith.constant 7 : i32
      %shift_right_logical3A_275 = vector.broadcast %shift_right_logical3A_274 : i32 to vector<16xi32>
      %shift_right_logical3A_276 = arith.shrui %min3A, %shift_right_logical3A_275 : vector<16xi32>
      %and3A_277 = arith.constant 1 : i32
      %and3A_278 = vector.broadcast %and3A_277 : i32 to vector<16xi32>
      %and3A_279 = arith.andi %shift_right_logical3A_276, %and3A_278 : vector<16xi32>
      %and3A_280 = arith.constant 15 : i32
      %and3A_281 = vector.broadcast %and3A_280 : i32 to vector<16xi32>
      %and3A_282 = arith.andi %add3A_273, %and3A_281 : vector<16xi32>
      %gather3A = arith.constant 4 : i32
      %gather3A_283 = arith.constant 0 : i32
      %gather3A_284 = arith.constant 0 : i32
      %gather3A_285 = tpu.memref_slice %arg8[%gather3A, %gather3A_283, %gather3A_284] : memref<8x80x16xi32, #tpu.memory_space<vmem>> -> memref<1x80x16xi32, #tpu.memory_space<vmem>>
      %gather3A_286 = tpu.memref_squeeze %gather3A_285 : memref<1x80x16xi32, #tpu.memory_space<vmem>> -> memref<80x16xi32, #tpu.memory_space<vmem>>
      %gather3A_287 = tpu.vector_load_idx %gather3A_286[%add3A_241, %and3A_282] : memref<80x16xi32, #tpu.memory_space<vmem>>[vector<16xi32>, vector<16xi32>], vector<16xi32>,
      %bitcast3A = vector.bitcast %gather3A_287 : vector<16xi32> to vector<32xbf16>
      %unpack3A = tpu.unpack_subelements %bitcast3A, 0 {pack_format = #tpu.pack_format<interleaved>} : vector<32xbf16> -> vector<16xf32>
      %unpack3A_288 = tpu.unpack_subelements %bitcast3A, 1 {pack_format = #tpu.pack_format<interleaved>} : vector<32xbf16> -> vector<16xf32>
      %eq3A = arith.constant 1 : i32
      %eq3A_289 = vector.broadcast %eq3A : i32 to vector<16xi32>
      %eq3A_290 = arith.cmpi eq, %and3A_279, %eq3A_289 : vector<16xi32>
      %select_n3A = arith.select %eq3A_290, %unpack3A_288, %unpack3A : vector<16xi1>, vector<16xf32>
      %neg3A = arith.constant 0.000000e+00 : f32
      %neg3A_291 = vector.broadcast %neg3A : f32 to vector<16xf32>
      %neg3A_292 = arith.subf %neg3A_291, %select_n3A : vector<16xf32>
      %exp3A = math.exp %neg3A_292 : vector<16xf32>
      %add3A_293 = arith.constant 1.000000e+00 : f32
      %add3A_294 = vector.broadcast %add3A_293 : f32 to vector<16xf32>
      %add3A_295 = arith.addf %add3A_294, %exp3A : vector<16xf32>
      %div3A = arith.constant 1.000000e+00 : f32
      %div3A_296 = vector.broadcast %div3A : f32 to vector<16xf32>
      %div3A_297 = arith.divf %div3A_296, %add3A_295 : vector<16xf32>
      %mul3A_298 = arith.constant 16 : i32
      %mul3A_299 = arith.muli %scan3A_236, %mul3A_298 : i32
      %add3A_300 = arith.constant 9920 : i32
      %add3A_301 = arith.addi %add3A_300, %mul3A_299 : i32
      %swap3A = arith.index_cast %add3A_301 : i32 to index
      %swap3A_302 = tpu.vector_load %arg9[%swap3A] {strides = array<i32>} : memref<10000xf32, #tpu.memory_space<vmem>>, vector<16xf32>,
      tpu.vector_store %arg9[%swap3A], %div3A_297 {strides = array<i32>} : memref<10000xf32, #tpu.memory_space<vmem>>, vector<16xf32>,
      %scan3A_303 = arith.constant 0 : i32
      scf.yield %scan3A_303 : i32
    }
    %scan3A_235 = arith.constant 5 : i32
    "tpu.region"() ({
      %run_scoped3A_236 = tpu.sem_alloc : memref<!tpu.dma_semaphore, #tpu.memory_space<semaphore_mem>>
      %dma_start3A_237 = tpu.memref_slice %arg4[%mul3A_2] : memref<320000xf32, #tpu.memory_space<hbm>> -> memref<10000xf32, #tpu.memory_space<hbm>>
      %dma_start3A_238 = tpu.memref_slice %arg4[%mul3A_2] : memref<320000xf32, #tpu.memory_space<hbm>> -> memref<10000xf32, #tpu.memory_space<hbm>>
      tpu.enqueue_dma source(%arg9 : memref<10000xf32, #tpu.memory_space<vmem>>) target(%dma_start3A_238 : memref<10000xf32, #tpu.memory_space<hbm>>) target_semaphore(%run_scoped3A_236 : memref<!tpu.dma_semaphore, #tpu.memory_space<semaphore_mem>>)
      %dma_wait3A_239 = tpu.memref_slice %arg4[%mul3A_2] : memref<320000xf32, #tpu.memory_space<hbm>> -> memref<10000xf32, #tpu.memory_space<hbm>>
      %dma_wait3A_240 = tpu.memref_slice %arg4[%mul3A_2] : memref<320000xf32, #tpu.memory_space<hbm>> -> memref<10000xf32, #tpu.memory_space<hbm>>
      tpu.wait_dma2 semaphore(%run_scoped3A_236 : memref<!tpu.dma_semaphore, #tpu.memory_space<semaphore_mem>>) src(%arg9 : memref<10000xf32, #tpu.memory_space<vmem>>) dst(%dma_wait3A_240 : memref<10000xf32, #tpu.memory_space<hbm>>)
      tpu.yield
    }) : () -> ()
    return
  }
}

module attributes {stable_mosaic.version = 14 : i64} {
  func.func @_mm_body(%arg0: i32, %arg1: memref<15xi32, #tpu.memory_space<smem>>, %arg2: memref<15xi32, #tpu.memory_space<smem>>, %arg3: memref<2048x128xbf16, #tpu.memory_space<vmem>>, %arg4: memref<2048x128xbf16, #tpu.memory_space<vmem>>, %arg5: memref<256x8x8x128xi32, #tpu.memory_space<vmem>>) attributes {dimension_semantics = [#tpu.dimension_semantics<arbitrary>], iteration_bounds = array<i64: 15>, scalar_prefetch = 2 : i64, scratch_operands = 0 : i64, tpu.core_type = #tpu.core_type<tc>, window_params = [{transform_indices = @transform_0, window_bounds = array<i64: 2048, 128>}, {transform_indices = @transform_1, window_bounds = array<i64: 2048, 128>}, {transform_indices = @transform_2, window_bounds = array<i64: 256, 8, 8, 128>}]} {
    %get3A = arith.constant 0 : index
    %get3A_0 = arith.constant 0 : index
    %get3A_1 = vector.load %arg3[%get3A, %get3A_0] : memref<2048x128xbf16, #tpu.memory_space<vmem>>, vector<2048x128xbf16>
    %get3A_2 = arith.constant 0 : index
    %get3A_3 = arith.constant 0 : index
    %get3A_4 = vector.load %arg4[%get3A_2, %get3A_3] : memref<2048x128xbf16, #tpu.memory_space<vmem>>, vector<256x128xbf16>
    %dot_general3A = arith.constant dense<0.000000e+00> : vector<2048x256xf32>
    %dot_general3A_5 = tpu.matmul %get3A_1, %get3A_4, %dot_general3A {dimension_numbers = #tpu.dot_dimension_numbers<[1], [1], [0], [0], [0, 0, 1, 0], [], []>, transpose_lhs_hint = false} : vector<2048x128xbf16>, vector<256x128xbf16>, vector<2048x256xf32> -> vector<2048x256xf32>
    %slice3A = vector.extract_strided_slice %dot_general3A_5 {offsets = [0, 0], sizes = [2048, 128], strides = [1, 1]} : vector<2048x256xf32> to vector<2048x128xf32>
    %bitcast_convert_type3A = tpu.bitcast %slice3A : vector<2048x128xf32> -> vector<2048x128xi32>
    %add3A = arith.constant 32768 : i32
    %add3A_6 = vector.broadcast %add3A : i32 to vector<2048x128xi32>
    %add3A_7 = arith.addi %bitcast_convert_type3A, %add3A_6 : vector<2048x128xi32>
    %shift_right_logical3A = arith.constant 16 : i32
    %shift_right_logical3A_8 = vector.broadcast %shift_right_logical3A : i32 to vector<2048x128xi32>
    %shift_right_logical3A_9 = arith.shrui %add3A_7, %shift_right_logical3A_8 : vector<2048x128xi32>
    %slice3A_10 = vector.extract_strided_slice %dot_general3A_5 {offsets = [0, 128], sizes = [2048, 128], strides = [1, 1]} : vector<2048x256xf32> to vector<2048x128xf32>
    %bitcast_convert_type3A_11 = tpu.bitcast %slice3A_10 : vector<2048x128xf32> -> vector<2048x128xi32>
    %add3A_12 = arith.constant 32768 : i32
    %add3A_13 = vector.broadcast %add3A_12 : i32 to vector<2048x128xi32>
    %add3A_14 = arith.addi %bitcast_convert_type3A_11, %add3A_13 : vector<2048x128xi32>
    %shift_right_logical3A_15 = arith.constant 16 : i32
    %shift_right_logical3A_16 = vector.broadcast %shift_right_logical3A_15 : i32 to vector<2048x128xi32>
    %shift_right_logical3A_17 = arith.shrui %add3A_14, %shift_right_logical3A_16 : vector<2048x128xi32>
    %shift_left3A = arith.constant 16 : i32
    %shift_left3A_18 = vector.broadcast %shift_left3A : i32 to vector<2048x128xi32>
    %shift_left3A_19 = arith.shli %shift_right_logical3A_17, %shift_left3A_18 : vector<2048x128xi32>
    %or3A = arith.ori %shift_right_logical3A_9, %shift_left3A_19 : vector<2048x128xi32>
    %reshape3A = vector.shape_cast %or3A : vector<2048x128xi32> to vector<256x8x128xi32>
    %swap3A = arith.constant 0 : index
    %swap3A_20 = arith.constant 0 : index
    %swap3A_21 = arith.constant 0 : index
    %swap3A_22 = arith.constant 0 : index
    %swap3A_23 = vector.load %arg5[%swap3A, %swap3A_20, %swap3A_21, %swap3A_22] : memref<256x8x8x128xi32, #tpu.memory_space<vmem>>, vector<256x1x8x128xi32>
    %swap3A_24 = vector.shape_cast %swap3A_23 : vector<256x1x8x128xi32> to vector<256x8x128xi32>
    %swap3A_25 = vector.shape_cast %reshape3A : vector<256x8x128xi32> to vector<256x1x8x128xi32>
    tpu.vector_store %arg5[%swap3A, %swap3A_20, %swap3A_21, %swap3A_22], %swap3A_25 {strides = array<i32>} : memref<256x8x8x128xi32, #tpu.memory_space<vmem>>, vector<256x1x8x128xi32>,
    %get3A_26 = arith.constant 256 : index
    %get3A_27 = arith.constant 0 : index
    %get3A_28 = vector.load %arg4[%get3A_26, %get3A_27] : memref<2048x128xbf16, #tpu.memory_space<vmem>>, vector<256x128xbf16>
    %dot_general3A_29 = arith.constant dense<0.000000e+00> : vector<2048x256xf32>
    %dot_general3A_30 = tpu.matmul %get3A_1, %get3A_28, %dot_general3A_29 {dimension_numbers = #tpu.dot_dimension_numbers<[1], [1], [0], [0], [0, 0, 1, 0], [], []>, transpose_lhs_hint = false} : vector<2048x128xbf16>, vector<256x128xbf16>, vector<2048x256xf32> -> vector<2048x256xf32>
    %slice3A_31 = vector.extract_strided_slice %dot_general3A_30 {offsets = [0, 0], sizes = [2048, 128], strides = [1, 1]} : vector<2048x256xf32> to vector<2048x128xf32>
    %bitcast_convert_type3A_32 = tpu.bitcast %slice3A_31 : vector<2048x128xf32> -> vector<2048x128xi32>
    %add3A_33 = arith.constant 32768 : i32
    %add3A_34 = vector.broadcast %add3A_33 : i32 to vector<2048x128xi32>
    %add3A_35 = arith.addi %bitcast_convert_type3A_32, %add3A_34 : vector<2048x128xi32>
    %shift_right_logical3A_36 = arith.constant 16 : i32
    %shift_right_logical3A_37 = vector.broadcast %shift_right_logical3A_36 : i32 to vector<2048x128xi32>
    %shift_right_logical3A_38 = arith.shrui %add3A_35, %shift_right_logical3A_37 : vector<2048x128xi32>
    %slice3A_39 = vector.extract_strided_slice %dot_general3A_30 {offsets = [0, 128], sizes = [2048, 128], strides = [1, 1]} : vector<2048x256xf32> to vector<2048x128xf32>
    %bitcast_convert_type3A_40 = tpu.bitcast %slice3A_39 : vector<2048x128xf32> -> vector<2048x128xi32>
    %add3A_41 = arith.constant 32768 : i32
    %add3A_42 = vector.broadcast %add3A_41 : i32 to vector<2048x128xi32>
    %add3A_43 = arith.addi %bitcast_convert_type3A_40, %add3A_42 : vector<2048x128xi32>
    %shift_right_logical3A_44 = arith.constant 16 : i32
    %shift_right_logical3A_45 = vector.broadcast %shift_right_logical3A_44 : i32 to vector<2048x128xi32>
    %shift_right_logical3A_46 = arith.shrui %add3A_43, %shift_right_logical3A_45 : vector<2048x128xi32>
    %shift_left3A_47 = arith.constant 16 : i32
    %shift_left3A_48 = vector.broadcast %shift_left3A_47 : i32 to vector<2048x128xi32>
    %shift_left3A_49 = arith.shli %shift_right_logical3A_46, %shift_left3A_48 : vector<2048x128xi32>
    %or3A_50 = arith.ori %shift_right_logical3A_38, %shift_left3A_49 : vector<2048x128xi32>
    %reshape3A_51 = vector.shape_cast %or3A_50 : vector<2048x128xi32> to vector<256x8x128xi32>
    %swap3A_52 = arith.constant 0 : index
    %swap3A_53 = arith.constant 1 : index
    %swap3A_54 = arith.constant 0 : index
    %swap3A_55 = arith.constant 0 : index
    %swap3A_56 = vector.load %arg5[%swap3A_52, %swap3A_53, %swap3A_54, %swap3A_55] : memref<256x8x8x128xi32, #tpu.memory_space<vmem>>, vector<256x1x8x128xi32>
    %swap3A_57 = vector.shape_cast %swap3A_56 : vector<256x1x8x128xi32> to vector<256x8x128xi32>
    %swap3A_58 = vector.shape_cast %reshape3A_51 : vector<256x8x128xi32> to vector<256x1x8x128xi32>
    tpu.vector_store %arg5[%swap3A_52, %swap3A_53, %swap3A_54, %swap3A_55], %swap3A_58 {strides = array<i32>} : memref<256x8x8x128xi32, #tpu.memory_space<vmem>>, vector<256x1x8x128xi32>,
    %get3A_59 = arith.constant 512 : index
    %get3A_60 = arith.constant 0 : index
    %get3A_61 = vector.load %arg4[%get3A_59, %get3A_60] : memref<2048x128xbf16, #tpu.memory_space<vmem>>, vector<256x128xbf16>
    %dot_general3A_62 = arith.constant dense<0.000000e+00> : vector<2048x256xf32>
    %dot_general3A_63 = tpu.matmul %get3A_1, %get3A_61, %dot_general3A_62 {dimension_numbers = #tpu.dot_dimension_numbers<[1], [1], [0], [0], [0, 0, 1, 0], [], []>, transpose_lhs_hint = false} : vector<2048x128xbf16>, vector<256x128xbf16>, vector<2048x256xf32> -> vector<2048x256xf32>
    %slice3A_64 = vector.extract_strided_slice %dot_general3A_63 {offsets = [0, 0], sizes = [2048, 128], strides = [1, 1]} : vector<2048x256xf32> to vector<2048x128xf32>
    %bitcast_convert_type3A_65 = tpu.bitcast %slice3A_64 : vector<2048x128xf32> -> vector<2048x128xi32>
    %add3A_66 = arith.constant 32768 : i32
    %add3A_67 = vector.broadcast %add3A_66 : i32 to vector<2048x128xi32>
    %add3A_68 = arith.addi %bitcast_convert_type3A_65, %add3A_67 : vector<2048x128xi32>
    %shift_right_logical3A_69 = arith.constant 16 : i32
    %shift_right_logical3A_70 = vector.broadcast %shift_right_logical3A_69 : i32 to vector<2048x128xi32>
    %shift_right_logical3A_71 = arith.shrui %add3A_68, %shift_right_logical3A_70 : vector<2048x128xi32>
    %slice3A_72 = vector.extract_strided_slice %dot_general3A_63 {offsets = [0, 128], sizes = [2048, 128], strides = [1, 1]} : vector<2048x256xf32> to vector<2048x128xf32>
    %bitcast_convert_type3A_73 = tpu.bitcast %slice3A_72 : vector<2048x128xf32> -> vector<2048x128xi32>
    %add3A_74 = arith.constant 32768 : i32
    %add3A_75 = vector.broadcast %add3A_74 : i32 to vector<2048x128xi32>
    %add3A_76 = arith.addi %bitcast_convert_type3A_73, %add3A_75 : vector<2048x128xi32>
    %shift_right_logical3A_77 = arith.constant 16 : i32
    %shift_right_logical3A_78 = vector.broadcast %shift_right_logical3A_77 : i32 to vector<2048x128xi32>
    %shift_right_logical3A_79 = arith.shrui %add3A_76, %shift_right_logical3A_78 : vector<2048x128xi32>
    %shift_left3A_80 = arith.constant 16 : i32
    %shift_left3A_81 = vector.broadcast %shift_left3A_80 : i32 to vector<2048x128xi32>
    %shift_left3A_82 = arith.shli %shift_right_logical3A_79, %shift_left3A_81 : vector<2048x128xi32>
    %or3A_83 = arith.ori %shift_right_logical3A_71, %shift_left3A_82 : vector<2048x128xi32>
    %reshape3A_84 = vector.shape_cast %or3A_83 : vector<2048x128xi32> to vector<256x8x128xi32>
    %swap3A_85 = arith.constant 0 : index
    %swap3A_86 = arith.constant 2 : index
    %swap3A_87 = arith.constant 0 : index
    %swap3A_88 = arith.constant 0 : index
    %swap3A_89 = vector.load %arg5[%swap3A_85, %swap3A_86, %swap3A_87, %swap3A_88] : memref<256x8x8x128xi32, #tpu.memory_space<vmem>>, vector<256x1x8x128xi32>
    %swap3A_90 = vector.shape_cast %swap3A_89 : vector<256x1x8x128xi32> to vector<256x8x128xi32>
    %swap3A_91 = vector.shape_cast %reshape3A_84 : vector<256x8x128xi32> to vector<256x1x8x128xi32>
    tpu.vector_store %arg5[%swap3A_85, %swap3A_86, %swap3A_87, %swap3A_88], %swap3A_91 {strides = array<i32>} : memref<256x8x8x128xi32, #tpu.memory_space<vmem>>, vector<256x1x8x128xi32>,
    %get3A_92 = arith.constant 768 : index
    %get3A_93 = arith.constant 0 : index
    %get3A_94 = vector.load %arg4[%get3A_92, %get3A_93] : memref<2048x128xbf16, #tpu.memory_space<vmem>>, vector<256x128xbf16>
    %dot_general3A_95 = arith.constant dense<0.000000e+00> : vector<2048x256xf32>
    %dot_general3A_96 = tpu.matmul %get3A_1, %get3A_94, %dot_general3A_95 {dimension_numbers = #tpu.dot_dimension_numbers<[1], [1], [0], [0], [0, 0, 1, 0], [], []>, transpose_lhs_hint = false} : vector<2048x128xbf16>, vector<256x128xbf16>, vector<2048x256xf32> -> vector<2048x256xf32>
    %slice3A_97 = vector.extract_strided_slice %dot_general3A_96 {offsets = [0, 0], sizes = [2048, 128], strides = [1, 1]} : vector<2048x256xf32> to vector<2048x128xf32>
    %bitcast_convert_type3A_98 = tpu.bitcast %slice3A_97 : vector<2048x128xf32> -> vector<2048x128xi32>
    %add3A_99 = arith.constant 32768 : i32
    %add3A_100 = vector.broadcast %add3A_99 : i32 to vector<2048x128xi32>
    %add3A_101 = arith.addi %bitcast_convert_type3A_98, %add3A_100 : vector<2048x128xi32>
    %shift_right_logical3A_102 = arith.constant 16 : i32
    %shift_right_logical3A_103 = vector.broadcast %shift_right_logical3A_102 : i32 to vector<2048x128xi32>
    %shift_right_logical3A_104 = arith.shrui %add3A_101, %shift_right_logical3A_103 : vector<2048x128xi32>
    %slice3A_105 = vector.extract_strided_slice %dot_general3A_96 {offsets = [0, 128], sizes = [2048, 128], strides = [1, 1]} : vector<2048x256xf32> to vector<2048x128xf32>
    %bitcast_convert_type3A_106 = tpu.bitcast %slice3A_105 : vector<2048x128xf32> -> vector<2048x128xi32>
    %add3A_107 = arith.constant 32768 : i32
    %add3A_108 = vector.broadcast %add3A_107 : i32 to vector<2048x128xi32>
    %add3A_109 = arith.addi %bitcast_convert_type3A_106, %add3A_108 : vector<2048x128xi32>
    %shift_right_logical3A_110 = arith.constant 16 : i32
    %shift_right_logical3A_111 = vector.broadcast %shift_right_logical3A_110 : i32 to vector<2048x128xi32>
    %shift_right_logical3A_112 = arith.shrui %add3A_109, %shift_right_logical3A_111 : vector<2048x128xi32>
    %shift_left3A_113 = arith.constant 16 : i32
    %shift_left3A_114 = vector.broadcast %shift_left3A_113 : i32 to vector<2048x128xi32>
    %shift_left3A_115 = arith.shli %shift_right_logical3A_112, %shift_left3A_114 : vector<2048x128xi32>
    %or3A_116 = arith.ori %shift_right_logical3A_104, %shift_left3A_115 : vector<2048x128xi32>
    %reshape3A_117 = vector.shape_cast %or3A_116 : vector<2048x128xi32> to vector<256x8x128xi32>
    %swap3A_118 = arith.constant 0 : index
    %swap3A_119 = arith.constant 3 : index
    %swap3A_120 = arith.constant 0 : index
    %swap3A_121 = arith.constant 0 : index
    %swap3A_122 = vector.load %arg5[%swap3A_118, %swap3A_119, %swap3A_120, %swap3A_121] : memref<256x8x8x128xi32, #tpu.memory_space<vmem>>, vector<256x1x8x128xi32>
    %swap3A_123 = vector.shape_cast %swap3A_122 : vector<256x1x8x128xi32> to vector<256x8x128xi32>
    %swap3A_124 = vector.shape_cast %reshape3A_117 : vector<256x8x128xi32> to vector<256x1x8x128xi32>
    tpu.vector_store %arg5[%swap3A_118, %swap3A_119, %swap3A_120, %swap3A_121], %swap3A_124 {strides = array<i32>} : memref<256x8x8x128xi32, #tpu.memory_space<vmem>>, vector<256x1x8x128xi32>,
    %get3A_125 = arith.constant 1024 : index
    %get3A_126 = arith.constant 0 : index
    %get3A_127 = vector.load %arg4[%get3A_125, %get3A_126] : memref<2048x128xbf16, #tpu.memory_space<vmem>>, vector<256x128xbf16>
    %dot_general3A_128 = arith.constant dense<0.000000e+00> : vector<2048x256xf32>
    %dot_general3A_129 = tpu.matmul %get3A_1, %get3A_127, %dot_general3A_128 {dimension_numbers = #tpu.dot_dimension_numbers<[1], [1], [0], [0], [0, 0, 1, 0], [], []>, transpose_lhs_hint = false} : vector<2048x128xbf16>, vector<256x128xbf16>, vector<2048x256xf32> -> vector<2048x256xf32>
    %slice3A_130 = vector.extract_strided_slice %dot_general3A_129 {offsets = [0, 0], sizes = [2048, 128], strides = [1, 1]} : vector<2048x256xf32> to vector<2048x128xf32>
    %bitcast_convert_type3A_131 = tpu.bitcast %slice3A_130 : vector<2048x128xf32> -> vector<2048x128xi32>
    %add3A_132 = arith.constant 32768 : i32
    %add3A_133 = vector.broadcast %add3A_132 : i32 to vector<2048x128xi32>
    %add3A_134 = arith.addi %bitcast_convert_type3A_131, %add3A_133 : vector<2048x128xi32>
    %shift_right_logical3A_135 = arith.constant 16 : i32
    %shift_right_logical3A_136 = vector.broadcast %shift_right_logical3A_135 : i32 to vector<2048x128xi32>
    %shift_right_logical3A_137 = arith.shrui %add3A_134, %shift_right_logical3A_136 : vector<2048x128xi32>
    %slice3A_138 = vector.extract_strided_slice %dot_general3A_129 {offsets = [0, 128], sizes = [2048, 128], strides = [1, 1]} : vector<2048x256xf32> to vector<2048x128xf32>
    %bitcast_convert_type3A_139 = tpu.bitcast %slice3A_138 : vector<2048x128xf32> -> vector<2048x128xi32>
    %add3A_140 = arith.constant 32768 : i32
    %add3A_141 = vector.broadcast %add3A_140 : i32 to vector<2048x128xi32>
    %add3A_142 = arith.addi %bitcast_convert_type3A_139, %add3A_141 : vector<2048x128xi32>
    %shift_right_logical3A_143 = arith.constant 16 : i32
    %shift_right_logical3A_144 = vector.broadcast %shift_right_logical3A_143 : i32 to vector<2048x128xi32>
    %shift_right_logical3A_145 = arith.shrui %add3A_142, %shift_right_logical3A_144 : vector<2048x128xi32>
    %shift_left3A_146 = arith.constant 16 : i32
    %shift_left3A_147 = vector.broadcast %shift_left3A_146 : i32 to vector<2048x128xi32>
    %shift_left3A_148 = arith.shli %shift_right_logical3A_145, %shift_left3A_147 : vector<2048x128xi32>
    %or3A_149 = arith.ori %shift_right_logical3A_137, %shift_left3A_148 : vector<2048x128xi32>
    %reshape3A_150 = vector.shape_cast %or3A_149 : vector<2048x128xi32> to vector<256x8x128xi32>
    %swap3A_151 = arith.constant 0 : index
    %swap3A_152 = arith.constant 4 : index
    %swap3A_153 = arith.constant 0 : index
    %swap3A_154 = arith.constant 0 : index
    %swap3A_155 = vector.load %arg5[%swap3A_151, %swap3A_152, %swap3A_153, %swap3A_154] : memref<256x8x8x128xi32, #tpu.memory_space<vmem>>, vector<256x1x8x128xi32>
    %swap3A_156 = vector.shape_cast %swap3A_155 : vector<256x1x8x128xi32> to vector<256x8x128xi32>
    %swap3A_157 = vector.shape_cast %reshape3A_150 : vector<256x8x128xi32> to vector<256x1x8x128xi32>
    tpu.vector_store %arg5[%swap3A_151, %swap3A_152, %swap3A_153, %swap3A_154], %swap3A_157 {strides = array<i32>} : memref<256x8x8x128xi32, #tpu.memory_space<vmem>>, vector<256x1x8x128xi32>,
    %get3A_158 = arith.constant 1280 : index
    %get3A_159 = arith.constant 0 : index
    %get3A_160 = vector.load %arg4[%get3A_158, %get3A_159] : memref<2048x128xbf16, #tpu.memory_space<vmem>>, vector<256x128xbf16>
    %dot_general3A_161 = arith.constant dense<0.000000e+00> : vector<2048x256xf32>
    %dot_general3A_162 = tpu.matmul %get3A_1, %get3A_160, %dot_general3A_161 {dimension_numbers = #tpu.dot_dimension_numbers<[1], [1], [0], [0], [0, 0, 1, 0], [], []>, transpose_lhs_hint = false} : vector<2048x128xbf16>, vector<256x128xbf16>, vector<2048x256xf32> -> vector<2048x256xf32>
    %slice3A_163 = vector.extract_strided_slice %dot_general3A_162 {offsets = [0, 0], sizes = [2048, 128], strides = [1, 1]} : vector<2048x256xf32> to vector<2048x128xf32>
    %bitcast_convert_type3A_164 = tpu.bitcast %slice3A_163 : vector<2048x128xf32> -> vector<2048x128xi32>
    %add3A_165 = arith.constant 32768 : i32
    %add3A_166 = vector.broadcast %add3A_165 : i32 to vector<2048x128xi32>
    %add3A_167 = arith.addi %bitcast_convert_type3A_164, %add3A_166 : vector<2048x128xi32>
    %shift_right_logical3A_168 = arith.constant 16 : i32
    %shift_right_logical3A_169 = vector.broadcast %shift_right_logical3A_168 : i32 to vector<2048x128xi32>
    %shift_right_logical3A_170 = arith.shrui %add3A_167, %shift_right_logical3A_169 : vector<2048x128xi32>
    %slice3A_171 = vector.extract_strided_slice %dot_general3A_162 {offsets = [0, 128], sizes = [2048, 128], strides = [1, 1]} : vector<2048x256xf32> to vector<2048x128xf32>
    %bitcast_convert_type3A_172 = tpu.bitcast %slice3A_171 : vector<2048x128xf32> -> vector<2048x128xi32>
    %add3A_173 = arith.constant 32768 : i32
    %add3A_174 = vector.broadcast %add3A_173 : i32 to vector<2048x128xi32>
    %add3A_175 = arith.addi %bitcast_convert_type3A_172, %add3A_174 : vector<2048x128xi32>
    %shift_right_logical3A_176 = arith.constant 16 : i32
    %shift_right_logical3A_177 = vector.broadcast %shift_right_logical3A_176 : i32 to vector<2048x128xi32>
    %shift_right_logical3A_178 = arith.shrui %add3A_175, %shift_right_logical3A_177 : vector<2048x128xi32>
    %shift_left3A_179 = arith.constant 16 : i32
    %shift_left3A_180 = vector.broadcast %shift_left3A_179 : i32 to vector<2048x128xi32>
    %shift_left3A_181 = arith.shli %shift_right_logical3A_178, %shift_left3A_180 : vector<2048x128xi32>
    %or3A_182 = arith.ori %shift_right_logical3A_170, %shift_left3A_181 : vector<2048x128xi32>
    %reshape3A_183 = vector.shape_cast %or3A_182 : vector<2048x128xi32> to vector<256x8x128xi32>
    %swap3A_184 = arith.constant 0 : index
    %swap3A_185 = arith.constant 5 : index
    %swap3A_186 = arith.constant 0 : index
    %swap3A_187 = arith.constant 0 : index
    %swap3A_188 = vector.load %arg5[%swap3A_184, %swap3A_185, %swap3A_186, %swap3A_187] : memref<256x8x8x128xi32, #tpu.memory_space<vmem>>, vector<256x1x8x128xi32>
    %swap3A_189 = vector.shape_cast %swap3A_188 : vector<256x1x8x128xi32> to vector<256x8x128xi32>
    %swap3A_190 = vector.shape_cast %reshape3A_183 : vector<256x8x128xi32> to vector<256x1x8x128xi32>
    tpu.vector_store %arg5[%swap3A_184, %swap3A_185, %swap3A_186, %swap3A_187], %swap3A_190 {strides = array<i32>} : memref<256x8x8x128xi32, #tpu.memory_space<vmem>>, vector<256x1x8x128xi32>,
    %get3A_191 = arith.constant 1536 : index
    %get3A_192 = arith.constant 0 : index
    %get3A_193 = vector.load %arg4[%get3A_191, %get3A_192] : memref<2048x128xbf16, #tpu.memory_space<vmem>>, vector<256x128xbf16>
    %dot_general3A_194 = arith.constant dense<0.000000e+00> : vector<2048x256xf32>
    %dot_general3A_195 = tpu.matmul %get3A_1, %get3A_193, %dot_general3A_194 {dimension_numbers = #tpu.dot_dimension_numbers<[1], [1], [0], [0], [0, 0, 1, 0], [], []>, transpose_lhs_hint = false} : vector<2048x128xbf16>, vector<256x128xbf16>, vector<2048x256xf32> -> vector<2048x256xf32>
    %slice3A_196 = vector.extract_strided_slice %dot_general3A_195 {offsets = [0, 0], sizes = [2048, 128], strides = [1, 1]} : vector<2048x256xf32> to vector<2048x128xf32>
    %bitcast_convert_type3A_197 = tpu.bitcast %slice3A_196 : vector<2048x128xf32> -> vector<2048x128xi32>
    %add3A_198 = arith.constant 32768 : i32
    %add3A_199 = vector.broadcast %add3A_198 : i32 to vector<2048x128xi32>
    %add3A_200 = arith.addi %bitcast_convert_type3A_197, %add3A_199 : vector<2048x128xi32>
    %shift_right_logical3A_201 = arith.constant 16 : i32
    %shift_right_logical3A_202 = vector.broadcast %shift_right_logical3A_201 : i32 to vector<2048x128xi32>
    %shift_right_logical3A_203 = arith.shrui %add3A_200, %shift_right_logical3A_202 : vector<2048x128xi32>
    %slice3A_204 = vector.extract_strided_slice %dot_general3A_195 {offsets = [0, 128], sizes = [2048, 128], strides = [1, 1]} : vector<2048x256xf32> to vector<2048x128xf32>
    %bitcast_convert_type3A_205 = tpu.bitcast %slice3A_204 : vector<2048x128xf32> -> vector<2048x128xi32>
    %add3A_206 = arith.constant 32768 : i32
    %add3A_207 = vector.broadcast %add3A_206 : i32 to vector<2048x128xi32>
    %add3A_208 = arith.addi %bitcast_convert_type3A_205, %add3A_207 : vector<2048x128xi32>
    %shift_right_logical3A_209 = arith.constant 16 : i32
    %shift_right_logical3A_210 = vector.broadcast %shift_right_logical3A_209 : i32 to vector<2048x128xi32>
    %shift_right_logical3A_211 = arith.shrui %add3A_208, %shift_right_logical3A_210 : vector<2048x128xi32>
    %shift_left3A_212 = arith.constant 16 : i32
    %shift_left3A_213 = vector.broadcast %shift_left3A_212 : i32 to vector<2048x128xi32>
    %shift_left3A_214 = arith.shli %shift_right_logical3A_211, %shift_left3A_213 : vector<2048x128xi32>
    %or3A_215 = arith.ori %shift_right_logical3A_203, %shift_left3A_214 : vector<2048x128xi32>
    %reshape3A_216 = vector.shape_cast %or3A_215 : vector<2048x128xi32> to vector<256x8x128xi32>
    %swap3A_217 = arith.constant 0 : index
    %swap3A_218 = arith.constant 6 : index
    %swap3A_219 = arith.constant 0 : index
    %swap3A_220 = arith.constant 0 : index
    %swap3A_221 = vector.load %arg5[%swap3A_217, %swap3A_218, %swap3A_219, %swap3A_220] : memref<256x8x8x128xi32, #tpu.memory_space<vmem>>, vector<256x1x8x128xi32>
    %swap3A_222 = vector.shape_cast %swap3A_221 : vector<256x1x8x128xi32> to vector<256x8x128xi32>
    %swap3A_223 = vector.shape_cast %reshape3A_216 : vector<256x8x128xi32> to vector<256x1x8x128xi32>
    tpu.vector_store %arg5[%swap3A_217, %swap3A_218, %swap3A_219, %swap3A_220], %swap3A_223 {strides = array<i32>} : memref<256x8x8x128xi32, #tpu.memory_space<vmem>>, vector<256x1x8x128xi32>,
    %get3A_224 = arith.constant 1792 : index
    %get3A_225 = arith.constant 0 : index
    %get3A_226 = vector.load %arg4[%get3A_224, %get3A_225] : memref<2048x128xbf16, #tpu.memory_space<vmem>>, vector<256x128xbf16>
    %dot_general3A_227 = arith.constant dense<0.000000e+00> : vector<2048x256xf32>
    %dot_general3A_228 = tpu.matmul %get3A_1, %get3A_226, %dot_general3A_227 {dimension_numbers = #tpu.dot_dimension_numbers<[1], [1], [0], [0], [0, 0, 1, 0], [], []>, transpose_lhs_hint = false} : vector<2048x128xbf16>, vector<256x128xbf16>, vector<2048x256xf32> -> vector<2048x256xf32>
    %slice3A_229 = vector.extract_strided_slice %dot_general3A_228 {offsets = [0, 0], sizes = [2048, 128], strides = [1, 1]} : vector<2048x256xf32> to vector<2048x128xf32>
    %bitcast_convert_type3A_230 = tpu.bitcast %slice3A_229 : vector<2048x128xf32> -> vector<2048x128xi32>
    %add3A_231 = arith.constant 32768 : i32
    %add3A_232 = vector.broadcast %add3A_231 : i32 to vector<2048x128xi32>
    %add3A_233 = arith.addi %bitcast_convert_type3A_230, %add3A_232 : vector<2048x128xi32>
    %shift_right_logical3A_234 = arith.constant 16 : i32
    %shift_right_logical3A_235 = vector.broadcast %shift_right_logical3A_234 : i32 to vector<2048x128xi32>
    %shift_right_logical3A_236 = arith.shrui %add3A_233, %shift_right_logical3A_235 : vector<2048x128xi32>
    %slice3A_237 = vector.extract_strided_slice %dot_general3A_228 {offsets = [0, 128], sizes = [2048, 128], strides = [1, 1]} : vector<2048x256xf32> to vector<2048x128xf32>
    %bitcast_convert_type3A_238 = tpu.bitcast %slice3A_237 : vector<2048x128xf32> -> vector<2048x128xi32>
    %add3A_239 = arith.constant 32768 : i32
    %add3A_240 = vector.broadcast %add3A_239 : i32 to vector<2048x128xi32>
    %add3A_241 = arith.addi %bitcast_convert_type3A_238, %add3A_240 : vector<2048x128xi32>
    %shift_right_logical3A_242 = arith.constant 16 : i32
    %shift_right_logical3A_243 = vector.broadcast %shift_right_logical3A_242 : i32 to vector<2048x128xi32>
    %shift_right_logical3A_244 = arith.shrui %add3A_241, %shift_right_logical3A_243 : vector<2048x128xi32>
    %shift_left3A_245 = arith.constant 16 : i32
    %shift_left3A_246 = vector.broadcast %shift_left3A_245 : i32 to vector<2048x128xi32>
    %shift_left3A_247 = arith.shli %shift_right_logical3A_244, %shift_left3A_246 : vector<2048x128xi32>
    %or3A_248 = arith.ori %shift_right_logical3A_236, %shift_left3A_247 : vector<2048x128xi32>
    %reshape3A_249 = vector.shape_cast %or3A_248 : vector<2048x128xi32> to vector<256x8x128xi32>
    %swap3A_250 = arith.constant 0 : index
    %swap3A_251 = arith.constant 7 : index
    %swap3A_252 = arith.constant 0 : index
    %swap3A_253 = arith.constant 0 : index
    %swap3A_254 = vector.load %arg5[%swap3A_250, %swap3A_251, %swap3A_252, %swap3A_253] : memref<256x8x8x128xi32, #tpu.memory_space<vmem>>, vector<256x1x8x128xi32>
    %swap3A_255 = vector.shape_cast %swap3A_254 : vector<256x1x8x128xi32> to vector<256x8x128xi32>
    %swap3A_256 = vector.shape_cast %reshape3A_249 : vector<256x8x128xi32> to vector<256x1x8x128xi32>
    tpu.vector_store %arg5[%swap3A_250, %swap3A_251, %swap3A_252, %swap3A_253], %swap3A_256 {strides = array<i32>} : memref<256x8x8x128xi32, #tpu.memory_space<vmem>>, vector<256x1x8x128xi32>,
    return
  }
  func.func @transform_0(%arg0: i32, %arg1: memref<15xi32, #tpu.memory_space<smem>>, %arg2: memref<15xi32, #tpu.memory_space<smem>>) -> (i32, i32) {
    %get3A = arith.index_cast %arg0 : i32 to index
    %get3A_0 = memref.load %arg1[%get3A] : memref<15xi32, #tpu.memory_space<smem>>
    %c0_i32 = arith.constant 0 : i32
    %c0_i32_1 = arith.constant 0 : i32
    return %get3A_0, %c0_i32 : i32, i32
  }
  func.func @transform_1(%arg0: i32, %arg1: memref<15xi32, #tpu.memory_space<smem>>, %arg2: memref<15xi32, #tpu.memory_space<smem>>) -> (i32, i32) {
    %get3A = arith.index_cast %arg0 : i32 to index
    %get3A_0 = memref.load %arg2[%get3A] : memref<15xi32, #tpu.memory_space<smem>>
    %c0_i32 = arith.constant 0 : i32
    %c0_i32_1 = arith.constant 0 : i32
    return %get3A_0, %c0_i32 : i32, i32
  }
  func.func @transform_2(%arg0: i32, %arg1: memref<15xi32, #tpu.memory_space<smem>>, %arg2: memref<15xi32, #tpu.memory_space<smem>>) -> (i32, i32, i32, i32) {
    %get3A = arith.index_cast %arg0 : i32 to index
    %get3A_0 = memref.load %arg1[%get3A] : memref<15xi32, #tpu.memory_space<smem>>
    %get3A_1 = arith.index_cast %arg0 : i32 to index
    %get3A_2 = memref.load %arg2[%get3A_1] : memref<15xi32, #tpu.memory_space<smem>>
    %c0_i32 = arith.constant 0 : i32
    %c0_i32_3 = arith.constant 0 : i32
    %c0_i32_4 = arith.constant 0 : i32
    return %get3A_0, %get3A_2, %c0_i32, %c0_i32_3 : i32, i32, i32, i32
  }
}

</mosaic_0001>

<sc_bundles>
// kernel: kernel.4.cloned.1.call-start
scs
__scs_entry_jumppad:
0x0: {  	(pc) =	sbr.rel $0x88, $3  }
0x1: {  	(tag) =	ssettag $0x0;
	lr =	simm.s32 $0x1  }
0x2: {  	[smem:$0x3F9F] =	sst lr;
	_ =	strace $0xD0000000  }
0x3: {  	_ = 	snop  }
0x4: {  	_ = 	snop  }
0x5: {  	_ = 	snop  }
0x6: {  	_ = 	snop  }
0x7: {  	_ = 	snop  }
__scs_overlays_trampoline_lowered:
0x8: {  	[smem:$0x3FAE] =	sst s0  }
0x9: {  	[smem:$0x3FAF] =	sst s1  }
0xa: {  	[smem:$0x3FB0] =	sst s2  }
0xb: {  	[smem:$0x3FB1] =	sst s3  }
0xc: {  	[smem:$0x3FB2] =	sst s4  }
0xd: {  	[smem:$0x3FB3] =	sst s5  }
0xe: {  	[smem:$0x3FB4] =	sst s6  }
0xf: {  	[smem:$0x3FB5] =	sst s7  }
0x10: {  	[smem:$0x3FB6] =	sst s8  }
0x11: {  	[smem:$0x3FB7] =	sst s9;
	s0 =	simm.s32 @!p0 $0x0  }
0x12: {  	s1 =	sld [smem:$0x3F9D];
	s0 =	simm.s32 @p0 $0x1  }
0x13: {  	[smem:$0x3FB8] =	sst s0;
	s0 =	simm.s32 @!p1 $0x0  }
0x14: {  	s2 =	sld [smem:$0x3F9C];
	s0 =	simm.s32 @p1 $0x1  }
0x15: {  	[smem:$0x3FB9] =	sst s0;
	s0 =	simm.s32 @!p2 $0x0  }
0x16: {  	s3 =	sld [smem:$0x3FDB];
	s0 =	simm.s32 @p2 $0x1  }
0x17: {  	s4 =	simm.s32 $0x1BF5;
	[smem:$0x3FBB] =	sst s0  }
0x18: {  	s0 =	sld [smem:$0x3F9E];
	_ =	swait.ge [sflag:s4], $0x0  }
0x19: {  	s7 =	sld [smem:$0x3F9F]  }
0x1a: {  	s8 =	sadd.s32 $0xFFFFE003, lr  }
0x1b: {  	s9 =	sadd.s32 $0xFFFFFEF7, lr;
	s5 =	simm.s32 $0xFFFFFFFF;
	p2 =	slt.u32 s8, $0xFFFFF086  }
0x1c: {  	p1 =	slt.u32 s9, $0xF7A;
	s5 =	simm.s32 @!p2 $0x0  }
0x1d: {  	s5 =	simm.s32 @p1 $0x1;
	p0 =	seq.s32 s7, s2  }
0x1e: {  	s7 =	smul.u32 @!p0 $0xF7A, s2;
	p2 =	seq.s32 @!p0 s5, $0x0  }
0x1f: {  	s9 =	smul.u32 $0xF7A, s1;
	s8 =	simm.s32 @!p0 $0x1BF5;
	p2 =	por !p2, p0  }
0x20: {  	[sflag:s8] =	ssyncset.s32 @!p0 $0xFFFFF086;
	s6 =	sadd.s32 @!p0 s3, s7;
	s7 =	simm.s32 @!p0 $0x108  }
0x21: {  	s3 =	sadd.s32 s3, s9;
	s6 =	sadd.s32 @!p0 $0x88, s6;
	s7 =	simm.s32 @p2 $0x1082  }
0x22: {  	[simem:s7], [sflag:s8] =	dma.local @!p0 [hbm:s6], $0xF7A  }
0x23: {  	s9 =	sor.u32 $0xD0000000, s2;
	s6 =	simm.s32 $0x108;
	_ =	swait.ge @!p0 [sflag:s8], $0x0  }
0x24: {  	s3 =	sadd.s32 $0x88, s3;
	s6 =	simm.s32 @!p1 $0x1082;
	[sflag:s4] =	ssyncset.s32 $0xFFFFF086  }
0x25: {  	[simem:s6], [sflag:s4] =	dma.local [hbm:s3], $0xF7A  }
0x26: {  	[smem:$0x3F9F] =	sst s1;
	(tag) =	ssettag s2;
	_ =	strace s9  }
0x27: {  	s1 =	sld [smem:$0x3FAF]  }
0x28: {  	s2 =	sld [smem:$0x3FB0]  }
0x29: {  	s4 =	sld [smem:$0x3FB2]  }
0x2a: {  	p0 =	seq.s32 s5, $0x0;
	s5 =	sld [smem:$0x3FB3]  }
0x2b: {  	s6 =	sld [smem:$0x3FB4]  }
0x2c: {  	s7 =	sld [smem:$0x3FB5]  }
0x2d: {  	s3 =	simm.s32 $0x108;
	s8 =	sld [smem:$0x3FB6]  }
0x2e: {  	s3 =	simm.s32 @!p0 $0x1082;
	s9 =	sld [smem:$0x3FB7]  }
0x2f: {  	lr =	sadd.s32 s0, s3;
	s0 =	sld [smem:$0x3FAE]  }
0x30: {  	s3 =	sld [smem:$0x3FB1]  }
0x31: {  	[smem:$0x3FBA] =	sst s10  }
0x32: {  	s10 =	sld [smem:$0x3FB8];
	_ =	sdelay $0x3  }
0x33: {  	p0 =	seq.s32 s10, $0x1;
	s10 =	sld [smem:$0x3FBA];
	_ =	sdelay $0x3  }
0x34: {  	[smem:$0x3FBA] =	sst s10  }
0x35: {  	s10 =	sld [smem:$0x3FB9];
	_ =	sdelay $0x3  }
0x36: {  	p1 =	seq.s32 s10, $0x1;
	s10 =	sld [smem:$0x3FBA];
	_ =	sdelay $0x3  }
0x37: {  	[smem:$0x3FBA] =	sst s10  }
0x38: {  	s10 =	sld [smem:$0x3FBB]  }
0x39: {  	_ = 	snop;
	(pc) =	sbr.ind lr, $3  }
0x3a: {  	_ = 	snop  }
0x3b: {  	_ = 	snop  }
0x3c: {  	p2 =	seq.s32 s10, $0x1;
	s10 =	sld [smem:$0x3FBA]  }
0x3d: {  	_ =	shalt  }
0x3e: {  	_ =	shalt  }
0x3f: {  	_ =	shalt  }
0x40: {  	_ =	shalt  }
0x41: {  	_ =	shalt  }
0x42: {  	_ =	shalt  }
0x43: {  	_ =	shalt  }
0x44: {  	_ =	shalt  }
0x45: {  	_ =	shalt  }
0x46: {  	_ =	shalt  }
0x47: {  	_ =	shalt  }
0x48: {  	_ =	shalt  }
0x49: {  	_ =	shalt  }
0x4a: {  	_ =	shalt  }
0x4b: {  	_ =	shalt  }
0x4c: {  	_ =	shalt  }
0x4d: {  	_ =	shalt  }
0x4e: {  	_ =	shalt  }
0x4f: {  	_ =	shalt  }
0x50: {  	_ =	shalt  }
0x51: {  	_ =	shalt  }
0x52: {  	_ =	shalt  }
0x53: {  	_ =	shalt  }
0x54: {  	_ =	shalt  }
0x55: {  	_ =	shalt  }
0x56: {  	_ =	shalt  }
0x57: {  	_ =	shalt  }
0x58: {  	_ =	shalt  }
0x59: {  	_ =	shalt  }
0x5a: {  	_ =	shalt  }
0x5b: {  	_ =	shalt  }
0x5c: {  	_ =	shalt  }
0x5d: {  	_ =	shalt  }
0x5e: {  	_ =	shalt  }
0x5f: {  	_ =	shalt  }
0x60: {  	_ =	shalt  }
0x61: {  	_ =	shalt  }
0x62: {  	_ =	shalt  }
0x63: {  	_ =	shalt  }
0x64: {  	_ =	shalt  }
0x65: {  	_ =	shalt  }
0x66: {  	_ =	shalt  }
0x67: {  	_ =	shalt  }
0x68: {  	_ =	shalt  }
0x69: {  	_ =	shalt  }
0x6a: {  	_ =	shalt  }
0x6b: {  	_ =	shalt  }
0x6c: {  	_ =	shalt  }
0x6d: {  	_ =	shalt  }
0x6e: {  	_ =	shalt  }
0x6f: {  	_ =	shalt  }
0x70: {  	_ =	shalt  }
0x71: {  	_ =	shalt  }
0x72: {  	_ =	shalt  }
0x73: {  	_ =	shalt  }
0x74: {  	_ =	shalt  }
0x75: {  	_ =	shalt  }
0x76: {  	_ =	shalt  }
0x77: {  	_ =	shalt  }
0x78: {  	_ =	shalt  }
0x79: {  	_ =	shalt  }
0x7a: {  	_ =	shalt  }
0x7b: {  	_ =	shalt  }
0x7c: {  	_ =	shalt  }
0x7d: {  	_ =	shalt  }
0x7e: {  	_ =	shalt  }
0x7f: {  	_ =	shalt  }
0x80: {  	_ =	shalt  }
0x81: {  	_ =	shalt  }
0x82: {  	_ =	shalt  }
0x83: {  	_ =	shalt  }
0x84: {  	_ =	shalt  }
0x85: {  	_ =	shalt  }
0x86: {  	_ =	shalt  }
0x87: {  	_ =	shalt  }
.Lfunc_end0:
.L_simem_size_0:
called_computation_lowered:
.L_overlay_start_0:
0x88: {  	s2 =	sld [smem:$0x3FD9]  }
0x89: {  	s3 =	sld [smem:$0x3FFE];
	_ =	sdelay $0x1  }
0x8a: {  	s1 =	srdreg.scid  }
0x8b: {  	s0 =	sand.u32 $0x1, s1  }
0x8c: {  	s17 =	sshll.u32 s0, $0xA;
	s2 =	sadd.s32 s3, s2  }
0x8d: {  	s2 =	sadd.s32 s2, s17  }
0x8e: {  	[smem:$0x3FC6] =	sst s2  }
0x8f: {  	_ = 	snop  }
0x90: {  	s2 =	sld [smem:$0x3FD0];
	(tm) =	ssettm $0x1  }
0x91: {  	s18 =	sld [smem:$0x3FFB];
	_ =	sdelay $0x3  }
0x92: {  	_ =	strace s18  }
0x93: {  	s3 =	sld [smem:$0x3FFC];
	_ =	sdelay $0x3  }
0x94: {  	_ =	strace s3  }
0x95: {  	s3 =	sld [smem:$0x3FFD];
	_ =	sdelay $0x3  }
0x96: {  	_ =	strace s3  }
0x97: {  	_ =	strace $0x8FFFFFFF  }
0x98: {  	s19 =	sld [smem:$0x3FDB];
	_ =	sdelay $0x1  }
0x99: {  	s4 =	simm.s32 $_scs_section_size  }
0x9a: {  	s5 =	simm.s32 $_size__tile_overlayer_lowered;
	s6 =	simm.s32 $_tile_overlayer_lowered  }
0x9b: {  	s22 =	simm.s32 $0x1BFF;
	s21 =	sshll.u32 s6, $0x1;
	s3 =	sadd.s32 s4, s19  }
0x9c: {  	s7 =	simm.s32 $0x0;
	s20 =	sshll.u32 s5, $0x1;
	s5 =	sadd.s32 s21, s3  }
0x9d: {  	[timem:s7], [sflag:s22] =	dma.local [hbm:s5], s20  }
0x9e: {  	_ =	swait.ge [sflag:s22], s20  }
0x9f: {  	s4 =	ssub.s32 $0x0, s20;
	[sflag:s22] =	ssyncset.done $0x0  }
0xa0: {  	[sflag:s22] =	ssyncadd.s32 s4;
	_ =	sdelay $0x1  }
0xa1: {  	s23 =	simm.s32 $0x1B8B  }
0xa2: {  	_ =	swait.ge [sflag:s23], $0x1  }
0xa3: {  	[sflag:s23] =	ssyncset.done $0x0  }
0xa4: {  	s25 =	simm.s32 $0x1B8E;
	s24 =	sld [smem:$0x3FFE];
	[sflag:s23] =	ssyncadd.s32 $0xFFFFFFFF  }
0xa5: {  	s26 =	simm.s32 $execute0_lowered;
	[smem:$0x3FD2] =	sst s25  }
0xa6: {  	s5 =	sshll.u32 s26, $0x1;
	_ =	strace $0x80000046;
	[dreg:$0x1] =	wrdreg $0xFFFFFFFF  }
0xa7: {  	s28 =	simm.s32 $_size_execute0_lowered;
	s3 =	sadd.s32 s3, s5;
	[dreg:$0x0] =	wrdreg $0x0  }
0xa8: {  	s5 =	sshll.u32 s28, $0x1;
	[dreg:$0x2] =	wrdreg s3  }
0xa9: {  	[dreg:$0x3] =	wrdreg s5  }
0xaa: {  	[dreg:$0x4] =	wrdreg $0xC0  }
0xab: {  	_ =	task [dreg:s7], $0x5FFFF  }
0xac: {  	[dreg:$0x1] =	wrdreg $0xFFFFFFFF  }
0xad: {  	[dreg:$0x0] =	wrdreg $0x60  }
0xae: {  	[dreg:$0x2] =	wrdreg s24  }
0xaf: {  	[dreg:$0x3] =	wrdreg s2  }
0xb0: {  	[dreg:$0x4] =	wrdreg $0x9  }
0xb1: {  	_ =	task.clear_ibuf [dreg:s7], $0x5FFFF;
	_ =	strace $0x90000046  }
0xb2: {  	s29 =	simm.s32 $0x9;
	_ =	strace $0x80000048  }
0xb3: {  	_ =	swait.ge [sflag:s29], $0x1  }
0xb4: {  	[sflag:s29] =	ssyncadd.s32 $0xFFFFFFFF  }
0xb5: {  	_ =	strace $0x90000048  }
0xb6: {  	_ =	sfence  }
0xb7: {  	s30 =	sld [smem:$0x0];
	_ =	sdelay $0x2  }
0xb8: {  	s31 =	sshll.u32 s1, $0xD;
	s1 =	sshrl.u32 s1, $0x2  }
0xb9: {  	s3 =	sand.u32 $0x4000, s31;
	s1 =	sadd.s32 s1, s30  }
0xba: {  	s0 =	sor.u32 s3, s0;
	s1 =	sshll.u32 s1, $0x11  }
0xbb: {  	s0 =	sor.u32 s1, s0  }
0xbc: {  	s0 =	sadd.s32 $0x8F2B, s0  }
0xbd: {  	[sflag:s0] =	ssyncadd.remote.s32 $0x1  }
0xbe: {  	_ =	sfence.sel $0xFFFF  }
0xbf: {  	[dreg:$0x0] =	wrdreg $0xFFFFFFFF;
	(pc) =	sbr.abs _section_cstart, $3  }
0xc0: {  	[dreg:$0x1] =	wrdreg $0xFFFFFFFF  }
0xc1: {  	_ =	task.clear_ibuf [dreg:s7], $0x2FFFF;
	_ =	strace $0x9FFFFFFF  }
0xc2: {  	(tm) =	ssettm $0x7FFFFFFF  }
0xc3: {  	_ =	shalt  }
tec
execute0_lowered:
.L_overlay_start_1:
0x0: {  	(tag) =	ssettag $0x1  }
0x1: {  	s0 =	srdreg.scid  }
0x2: {  	s2 =	stileid.u32;
	s1 =	rddreg [dreg:$0x0]  }
0x3: {  	s3 =	rddreg [dreg:$0x1];
	s5 =	simm.s32 $0x0;
	s10 =	simm.s32 $0x50A0  }
0x4: {  	s12 =	simm.s32 $0x55A0;
	s14 =	simm.s32 $0x5AA0;
	s16 =	simm.s32 $0x5FA0  }
0x5: {  	s18 =	simm.s32 $0x64A0;
	s0 =	sand.u32 $0x1, s0;
	s2 =	sshll.u32 s2, $0x1  }
0x6: {  	s20 =	simm.s32 $0x69A0;
	s2 =	sor.u32 s0, s2;
	s0 =	ssub.s32 $0x2, s0  }
0x7: {  	[smem:$0x7FF] =	sst s5;
	s2 =	smul.u32 $0x2710, s2;
	s29 =	sshrl.u32 s0, $0x1  }
0x8: {  	s4 =	sadd.s32 $0x14400, s1;
	_ =	strace $0x80000047;
	s0 =	ssub.s32 s0, s29  }
0x9: {  	[dreg:$0x3] =	wrdreg s4;
	s2 =	sshrl.u32 s2, $0x3;
	s0 =	smax.u32 s0, $0x1  }
0xa: {  	s1 =	sadd.s32 s2, s1;
	s31 =	sadd.s32 s3, s2;
	[dreg:$0x7] =	wrdreg s0  }
0xb: {  	s22 =	simm.s32 $0x6EA0;
	s30 =	sadd.s32 $0xA00, s1;
	[dreg:$0x6] =	wrdreg s31  }
0xc: {  	s25 =	simm.s32 $0x73A0;
	v0 =	vlaneseq.u32;
	s1 =	sadd.s32 $0xA640, s1;
	[dreg:$0x4] =	wrdreg s30  }
0xd: {  	v0 =	vmul.u32 $0x10, v0;
	s2 =	simm.s32 $0x0;
	[dreg:$0x5] =	wrdreg s1;
	s1 =	simm.s32 $0x9  }
.LBB2_1:
0xe: {  	[dreg:$0x8] =	wrdreg s2  }
0xf: {  	s0 =	rddreg [dreg:$0x4]  }
0x10: {  	[tilespmem:s5], [sflag:$0x9] =	stream.linear.gather [hbm4b:s0+s5], $0x2710, $0x38;
	[tilespmem:$0x9FB0] =	vst v63  }
0x11: {  	_ =	swait.ge [sflag:s1], $0x2710  }
0x12: {  	[sflag:s1] =	ssyncset.done $0x0  }
0x13: {  	s15 =	simm.s32 $0x2710;
	s24 =	rddreg [dreg:$0x5];
	[sflag:s1] =	ssyncadd.s32 $0xFFFFD8F0  }
0x14: {  	[tilespmem:s15], [sflag:$0x9] =	stream.linear.gather [hbm4b:s24+s5], $0x2710, $0x38;
	[tilespmem:$0x9FB0] =	vst v63  }
0x15: {  	_ =	swait.ge [sflag:s1], $0x2710  }
0x16: {  	[sflag:s1] =	ssyncset.done $0x0  }
0x17: {  	[sflag:s1] =	ssyncadd.s32 $0xFFFFD8F0  }
0x18: {  	v1 =	vld [tilespmem:$0x0]  }
0x19: {  	v2 =	vld [tilespmem:$0x2710]  }
0x1a: {  	v3 =	vld [tilespmem:$0x10]  }
0x1b: {  	v4 =	vld [tilespmem:$0x2720]  }
0x1c: {  	v7 =	vld [tilespmem:$0x20]  }
0x1d: {  	v54 =	vld [tilespmem:$0x2730]  }
0x1e: {  	v57 =	vld [tilespmem:$0x30]  }
0x1f: {  	v59 =	vld [tilespmem:$0x2740]  }
0x20: {  	v10 =	vld [tilespmem:$0x40]  }
0x21: {  	v61 =	vld [tilespmem:$0x2750];
	_ =	sdelay $0x2  }
0x22: {  	vm0 =	vlt.s32 v1, v2  }
0x23: {  	vm6 =	vlt.s32 v3, v4;
	vm7 =	vlt.s32 v7, v54;
	v5 =	vsel vm0, v2, v1  }
0x24: {  	vm8 =	vlt.s32 v57, v59;
	vm9 =	vlt.s32 v10, v61;
	v6 =	vshrl.u32 v5, $0x3  }
0x25: {  	v1 =	vsel vm0, v1, v2;
	v8 =	vsel vm6, v4, v3;
	v2 =	vmul.u32 $0x28, v6  }
0x26: {  	v3 =	vsel vm6, v3, v4;
	v9 =	vsel vm7, v54, v7;
	v53 =	vshrl.u32 v1, $0x8  }
0x27: {  	v63 =	vsel vm8, v59, v57;
	v5 =	vshll.u32 v5, $0x7;
	v2 =	vadd.s32 v53, v2  }
0x28: {  	v55 =	vshrl.u32 v8, $0x3;
	v5 =	vand.u32 $0x380, v5;
	v2 =	vshll.u32 v2, $0xA  }
0x29: {  	v1 =	vand.u32 $0x70, v1;
	v56 =	vmul.u32 $0x28, v55;
	v2 =	vor.u32 v5, v2  }
0x2a: {  	v14 =	vsel vm9, v61, v10;
	v1 =	vor.u32 v1, v2;
	v2 =	vshrl.u32 v3, $0x8  }
0x2b: {  	v58 =	vshll.u32 v8, $0x7;
	v60 =	vshrl.u32 v9, $0x3;
	v2 =	vadd.s32 v2, v56  }
0x2c: {  	v62 =	vshll.u32 v9, $0x7;
	v4 =	vand.u32 $0x380, v58;
	v2 =	vshll.u32 v2, $0xA  }
0x2d: {  	v12 =	vshrl.u32 v63, $0x3;
	v3 =	vand.u32 $0x70, v3;
	v2 =	vor.u32 v4, v2  }
0x2e: {  	v4 =	vmul.u32 $0x28, v60;
	v2 =	vor.u32 v3, v2;
	v3 =	vsel vm7, v7, v54  }
0x2f: {  	v15 =	vshrl.u32 v14, $0x3;
	v9 =	vshll.u32 v63, $0x7;
	v7 =	vshrl.u32 v3, $0x8  }
0x30: {  	v8 =	vshll.u32 v14, $0x7;
	v6 =	vsel vm9, v10, v61;
	v4 =	vadd.s32 v7, v4  }
0x31: {  	v9 =	vand.u32 $0x380, v9;
	v7 =	vand.u32 $0x380, v62;
	v4 =	vshll.u32 v4, $0xA  }
0x32: {  	v5 =	vsel vm8, v57, v59;
	v4 =	vor.u32 v7, v4;
	v7 =	vmul.u32 $0x28, v12  }
0x33: {  	v17 =	vand.u32 $0x380, v8;
	v13 =	vshrl.u32 v5, $0x8;
	v3 =	vand.u32 $0x70, v3  }
0x34: {  	v3 =	vor.u32 v3, v4;
	v4 =	vadd.s32 v13, v7;
	v7 =	vmul.u32 $0x28, v15  }
0x35: {  	v10 =	vshrl.u32 v6, $0x8;
	v18 =	vand.u32 $0x70, v6;
	v1 =	vshrl.u32 v1, $0x4  }
0x36: {  	[tilespmem:$0x4E20] =	vst v1;
	v1 =	vand.u32 $0x70, v5;
	v4 =	vshll.u32 v4, $0xA;
	v7 =	vadd.s32 v10, v7  }
0x37: {  	v2 =	vshrl.u32 v2, $0x4;
	v4 =	vor.u32 v9, v4;
	v16 =	vshll.u32 v7, $0xA  }
0x38: {  	[tilespmem:$0x4E30] =	vst v2;
	v3 =	vshrl.u32 v3, $0x4;
	v1 =	vor.u32 v1, v4;
	v2 =	vor.u32 v17, v16  }
0x39: {  	[tilespmem:$0x4E40] =	vst v3;
	v1 =	vshrl.u32 v1, $0x4;
	v2 =	vor.u32 v18, v2  }
0x3a: {  	[tilespmem:$0x4E50] =	vst v1;
	v1 =	vshrl.u32 v2, $0x4  }
0x3b: {  	s2 =	simm.s32 $0x4E20;
	s3 =	simm.s32 $0x50;
	s26 =	rddreg [dreg:$0x3];
	[tilespmem:$0x4E60] =	vst v1  }
0x3c: {  	[tilespmem:s10], [sflag:$0x1] =	stream.indirect.gather [hbm4b:s26+s3], $0x10, s2, s3, $0xb8;
	[tilespmem:$0x9FB0] =	vst v63  }
0x3d: {  	v1 =	vld [tilespmem:$0x50]  }
0x3e: {  	v2 =	vld [tilespmem:$0x2760]  }
0x3f: {  	v3 =	vld [tilespmem:$0x60]  }
0x40: {  	v19 =	vld [tilespmem:$0x2770]  }
0x41: {  	v23 =	vld [tilespmem:$0x70]  }
0x42: {  	v24 =	vld [tilespmem:$0x2780]  }
0x43: {  	v28 =	vld [tilespmem:$0x80]  }
0x44: {  	v30 =	vld [tilespmem:$0x2790]  }
0x45: {  	v33 =	vld [tilespmem:$0x90]  }
0x46: {  	v34 =	vld [tilespmem:$0x27A0];
	_ =	sdelay $0x2  }
0x47: {  	vm10 =	vlt.s32 v1, v2  }
0x48: {  	vm11 =	vlt.s32 v3, v19;
	vm12 =	vlt.s32 v23, v24;
	v20 =	vsel vm10, v2, v1  }
0x49: {  	vm13 =	vlt.s32 v28, v30;
	vm14 =	vlt.s32 v33, v34;
	v21 =	vshrl.u32 v20, $0x3  }
0x4a: {  	v1 =	vsel vm10, v1, v2;
	v25 =	vsel vm11, v19, v3;
	v2 =	vmul.u32 $0x28, v21  }
0x4b: {  	v3 =	vsel vm11, v3, v19;
	v31 =	vsel vm12, v24, v23;
	v22 =	vshrl.u32 v1, $0x8  }
0x4c: {  	v36 =	vsel vm13, v30, v28;
	v5 =	vshll.u32 v20, $0x7;
	v2 =	vadd.s32 v22, v2  }
0x4d: {  	v26 =	vshrl.u32 v25, $0x3;
	v5 =	vand.u32 $0x380, v5;
	v2 =	vshll.u32 v2, $0xA  }
0x4e: {  	v1 =	vand.u32 $0x70, v1;
	v27 =	vmul.u32 $0x28, v26;
	v2 =	vor.u32 v5, v2  }
0x4f: {  	v39 =	vsel vm14, v34, v33;
	v1 =	vor.u32 v1, v2;
	v2 =	vshrl.u32 v3, $0x8  }
0x50: {  	v6 =	vsel vm14, v33, v34;
	v29 =	vshll.u32 v25, $0x7;
	v2 =	vadd.s32 v2, v27  }
0x51: {  	v32 =	vshrl.u32 v31, $0x3;
	v4 =	vand.u32 $0x380, v29;
	v2 =	vshll.u32 v2, $0xA  }
0x52: {  	v35 =	vshll.u32 v31, $0x7;
	v3 =	vand.u32 $0x70, v3;
	v2 =	vor.u32 v4, v2  }
0x53: {  	v4 =	vmul.u32 $0x28, v32;
	v2 =	vor.u32 v3, v2;
	v3 =	vsel vm12, v23, v24  }
0x54: {  	v37 =	vshrl.u32 v36, $0x3;
	v40 =	vshrl.u32 v39, $0x3;
	v7 =	vshrl.u32 v3, $0x8  }
0x55: {  	v9 =	vshll.u32 v36, $0x7;
	v10 =	vshrl.u32 v6, $0x8;
	v4 =	vadd.s32 v7, v4  }
0x56: {  	v8 =	vshll.u32 v39, $0x7;
	v7 =	vand.u32 $0x380, v35;
	v4 =	vshll.u32 v4, $0xA  }
0x57: {  	v5 =	vsel vm13, v28, v30;
	v4 =	vor.u32 v7, v4;
	v7 =	vmul.u32 $0x28, v37  }
0x58: {  	v43 =	vand.u32 $0x70, v6;
	v38 =	vshrl.u32 v5, $0x8;
	v3 =	vand.u32 $0x70, v3  }
0x59: {  	v3 =	vor.u32 v3, v4;
	v4 =	vadd.s32 v38, v7;
	v7 =	vmul.u32 $0x28, v40  }
0x5a: {  	v9 =	vand.u32 $0x380, v9;
	v42 =	vand.u32 $0x380, v8;
	v1 =	vshrl.u32 v1, $0x4  }
0x5b: {  	[tilespmem:$0x4E70] =	vst v1;
	v1 =	vand.u32 $0x70, v5;
	v4 =	vshll.u32 v4, $0xA;
	v7 =	vadd.s32 v10, v7  }
0x5c: {  	v2 =	vshrl.u32 v2, $0x4;
	v4 =	vor.u32 v9, v4;
	v41 =	vshll.u32 v7, $0xA  }
0x5d: {  	[tilespmem:$0x4E80] =	vst v2;
	v3 =	vshrl.u32 v3, $0x4;
	v1 =	vor.u32 v1, v4;
	v2 =	vor.u32 v42, v41  }
0x5e: {  	[tilespmem:$0x4E90] =	vst v3;
	v1 =	vshrl.u32 v1, $0x4;
	v2 =	vor.u32 v43, v2  }
0x5f: {  	[tilespmem:$0x4EA0] =	vst v1;
	v1 =	vshrl.u32 v2, $0x4  }
0x60: {  	s4 =	simm.s32 $0x4E70;
	[tilespmem:$0x4EB0] =	vst v1  }
0x61: {  	[tilespmem:s12], [sflag:$0x2] =	stream.indirect.gather [hbm4b:s26+s3], $0x10, s4, s3, $0xb8;
	[tilespmem:$0x9FB0] =	vst v63  }
0x62: {  	v1 =	vld [tilespmem:$0xA0]  }
0x63: {  	v2 =	vld [tilespmem:$0x27B0]  }
0x64: {  	v3 =	vld [tilespmem:$0xB0]  }
0x65: {  	v44 =	vld [tilespmem:$0x27C0]  }
0x66: {  	v48 =	vld [tilespmem:$0xC0]  }
0x67: {  	v49 =	vld [tilespmem:$0x27D0]  }
0x68: {  	v53 =	vld [tilespmem:$0xD0]  }
0x69: {  	v55 =	vld [tilespmem:$0x27E0]  }
0x6a: {  	v58 =	vld [tilespmem:$0xE0]  }
0x6b: {  	v59 =	vld [tilespmem:$0x27F0];
	_ =	sdelay $0x2  }
0x6c: {  	vm15 =	vlt.s32 v1, v2  }
0x6d: {  	vm4 =	vlt.s32 v3, v44;
	vm5 =	vlt.s32 v48, v49;
	v45 =	vsel vm15, v2, v1  }
0x6e: {  	vm6 =	vlt.s32 v53, v55;
	vm7 =	vlt.s32 v58, v59;
	v46 =	vshrl.u32 v45, $0x3  }
0x6f: {  	v1 =	vsel vm15, v1, v2;
	v50 =	vsel vm4, v44, v3;
	v2 =	vmul.u32 $0x28, v46  }
0x70: {  	v3 =	vsel vm4, v3, v44;
	v56 =	vsel vm5, v49, v48;
	v47 =	vshrl.u32 v1, $0x8  }
0x71: {  	v61 =	vsel vm6, v55, v53;
	v5 =	vshll.u32 v45, $0x7;
	v2 =	vadd.s32 v47, v2  }
0x72: {  	v51 =	vshrl.u32 v50, $0x3;
	v5 =	vand.u32 $0x380, v5;
	v2 =	vshll.u32 v2, $0xA  }
0x73: {  	v1 =	vand.u32 $0x70, v1;
	v52 =	vmul.u32 $0x28, v51;
	v2 =	vor.u32 v5, v2  }
0x74: {  	v12 =	vsel vm7, v59, v58;
	v1 =	vor.u32 v1, v2;
	v2 =	vshrl.u32 v3, $0x8  }
0x75: {  	v6 =	vsel vm7, v58, v59;
	v54 =	vshll.u32 v50, $0x7;
	v2 =	vadd.s32 v2, v52  }
0x76: {  	v57 =	vshrl.u32 v56, $0x3;
	v4 =	vand.u32 $0x380, v54;
	v2 =	vshll.u32 v2, $0xA  }
0x77: {  	v60 =	vshll.u32 v56, $0x7;
	v3 =	vand.u32 $0x70, v3;
	v2 =	vor.u32 v4, v2  }
0x78: {  	v4 =	vmul.u32 $0x28, v57;
	v2 =	vor.u32 v3, v2;
	v3 =	vsel vm5, v48, v49  }
0x79: {  	v62 =	vshrl.u32 v61, $0x3;
	v13 =	vshrl.u32 v12, $0x3;
	v7 =	vshrl.u32 v3, $0x8  }
0x7a: {  	v9 =	vshll.u32 v61, $0x7;
	v10 =	vshrl.u32 v6, $0x8;
	v4 =	vadd.s32 v7, v4  }
0x7b: {  	v8 =	vshll.u32 v12, $0x7;
	v7 =	vand.u32 $0x380, v60;
	v4 =	vshll.u32 v4, $0xA  }
0x7c: {  	v5 =	vsel vm6, v53, v55;
	v4 =	vor.u32 v7, v4;
	v7 =	vmul.u32 $0x28, v62  }
0x7d: {  	v16 =	vand.u32 $0x70, v6;
	v63 =	vshrl.u32 v5, $0x8;
	v3 =	vand.u32 $0x70, v3  }
0x7e: {  	v3 =	vor.u32 v3, v4;
	v4 =	vadd.s32 v63, v7;
	v7 =	vmul.u32 $0x28, v13  }
0x7f: {  	v9 =	vand.u32 $0x380, v9;
	v15 =	vand.u32 $0x380, v8;
	v1 =	vshrl.u32 v1, $0x4  }
0x80: {  	[tilespmem:$0x4EC0] =	vst v1;
	v1 =	vand.u32 $0x70, v5;
	v4 =	vshll.u32 v4, $0xA;
	v7 =	vadd.s32 v10, v7  }
0x81: {  	v2 =	vshrl.u32 v2, $0x4;
	v4 =	vor.u32 v9, v4;
	v14 =	vshll.u32 v7, $0xA  }
0x82: {  	[tilespmem:$0x4ED0] =	vst v2;
	v3 =	vshrl.u32 v3, $0x4;
	v1 =	vor.u32 v1, v4;
	v2 =	vor.u32 v15, v14  }
0x83: {  	[tilespmem:$0x4EE0] =	vst v3;
	v1 =	vshrl.u32 v1, $0x4;
	v2 =	vor.u32 v16, v2  }
0x84: {  	[tilespmem:$0x4EF0] =	vst v1;
	v1 =	vshrl.u32 v2, $0x4  }
0x85: {  	s5 =	simm.s32 $0x4EC0;
	[tilespmem:$0x4F00] =	vst v1  }
0x86: {  	[tilespmem:s14], [sflag:$0x3] =	stream.indirect.gather [hbm4b:s26+s3], $0x10, s5, s3, $0xb8;
	[tilespmem:$0x9FB0] =	vst v63  }
0x87: {  	v1 =	vld [tilespmem:$0xF0]  }
0x88: {  	v2 =	vld [tilespmem:$0x2800]  }
0x89: {  	v3 =	vld [tilespmem:$0x100]  }
0x8a: {  	v17 =	vld [tilespmem:$0x2810]  }
0x8b: {  	v21 =	vld [tilespmem:$0x110]  }
0x8c: {  	v22 =	vld [tilespmem:$0x2820]  }
0x8d: {  	v26 =	vld [tilespmem:$0x120]  }
0x8e: {  	v28 =	vld [tilespmem:$0x2830]  }
0x8f: {  	v31 =	vld [tilespmem:$0x130]  }
0x90: {  	v32 =	vld [tilespmem:$0x2840];
	_ =	sdelay $0x2  }
0x91: {  	vm8 =	vlt.s32 v1, v2  }
0x92: {  	vm9 =	vlt.s32 v3, v17;
	vm10 =	vlt.s32 v21, v22;
	v18 =	vsel vm8, v2, v1  }
0x93: {  	vm11 =	vlt.s32 v26, v28;
	vm12 =	vlt.s32 v31, v32;
	v19 =	vshrl.u32 v18, $0x3  }
0x94: {  	v1 =	vsel vm8, v1, v2;
	v23 =	vsel vm9, v17, v3;
	v2 =	vmul.u32 $0x28, v19  }
0x95: {  	v3 =	vsel vm9, v3, v17;
	v29 =	vsel vm10, v22, v21;
	v20 =	vshrl.u32 v1, $0x8  }
0x96: {  	v34 =	vsel vm11, v28, v26;
	v5 =	vshll.u32 v18, $0x7;
	v2 =	vadd.s32 v20, v2  }
0x97: {  	v24 =	vshrl.u32 v23, $0x3;
	v5 =	vand.u32 $0x380, v5;
	v2 =	vshll.u32 v2, $0xA  }
0x98: {  	v1 =	vand.u32 $0x70, v1;
	v25 =	vmul.u32 $0x28, v24;
	v2 =	vor.u32 v5, v2  }
0x99: {  	v37 =	vsel vm12, v32, v31;
	v1 =	vor.u32 v1, v2;
	v2 =	vshrl.u32 v3, $0x8  }
0x9a: {  	v6 =	vsel vm12, v31, v32;
	v27 =	vshll.u32 v23, $0x7;
	v2 =	vadd.s32 v2, v25  }
0x9b: {  	v30 =	vshrl.u32 v29, $0x3;
	v4 =	vand.u32 $0x380, v27;
	v2 =	vshll.u32 v2, $0xA  }
0x9c: {  	v33 =	vshll.u32 v29, $0x7;
	v3 =	vand.u32 $0x70, v3;
	v2 =	vor.u32 v4, v2  }
0x9d: {  	v4 =	vmul.u32 $0x28, v30;
	v2 =	vor.u32 v3, v2;
	v3 =	vsel vm10, v21, v22  }
0x9e: {  	v35 =	vshrl.u32 v34, $0x3;
	v38 =	vshrl.u32 v37, $0x3;
	v7 =	vshrl.u32 v3, $0x8  }
0x9f: {  	v9 =	vshll.u32 v34, $0x7;
	v10 =	vshrl.u32 v6, $0x8;
	v4 =	vadd.s32 v7, v4  }
0xa0: {  	v8 =	vshll.u32 v37, $0x7;
	v7 =	vand.u32 $0x380, v33;
	v4 =	vshll.u32 v4, $0xA  }
0xa1: {  	v5 =	vsel vm11, v26, v28;
	v4 =	vor.u32 v7, v4;
	v7 =	vmul.u32 $0x28, v35  }
0xa2: {  	v41 =	vand.u32 $0x70, v6;
	v36 =	vshrl.u32 v5, $0x8;
	v3 =	vand.u32 $0x70, v3  }
0xa3: {  	v3 =	vor.u32 v3, v4;
	v4 =	vadd.s32 v36, v7;
	v7 =	vmul.u32 $0x28, v38  }
0xa4: {  	v9 =	vand.u32 $0x380, v9;
	v40 =	vand.u32 $0x380, v8;
	v1 =	vshrl.u32 v1, $0x4  }
0xa5: {  	[tilespmem:$0x4F10] =	vst v1;
	v1 =	vand.u32 $0x70, v5;
	v4 =	vshll.u32 v4, $0xA;
	v7 =	vadd.s32 v10, v7  }
0xa6: {  	v2 =	vshrl.u32 v2, $0x4;
	v4 =	vor.u32 v9, v4;
	v39 =	vshll.u32 v7, $0xA  }
0xa7: {  	[tilespmem:$0x4F20] =	vst v2;
	v3 =	vshrl.u32 v3, $0x4;
	v1 =	vor.u32 v1, v4;
	v2 =	vor.u32 v40, v39  }
0xa8: {  	[tilespmem:$0x4F30] =	vst v3;
	v1 =	vshrl.u32 v1, $0x4;
	v2 =	vor.u32 v41, v2  }
0xa9: {  	[tilespmem:$0x4F40] =	vst v1;
	v1 =	vshrl.u32 v2, $0x4  }
0xaa: {  	s6 =	simm.s32 $0x4F10;
	[tilespmem:$0x4F50] =	vst v1  }
0xab: {  	[tilespmem:s16], [sflag:$0x4] =	stream.indirect.gather [hbm4b:s26+s3], $0x10, s6, s3, $0xb8;
	[tilespmem:$0x9FB0] =	vst v63  }
0xac: {  	v1 =	vld [tilespmem:$0x140]  }
0xad: {  	v2 =	vld [tilespmem:$0x2850]  }
0xae: {  	v3 =	vld [tilespmem:$0x150]  }
0xaf: {  	v42 =	vld [tilespmem:$0x2860]  }
0xb0: {  	v46 =	vld [tilespmem:$0x160]  }
0xb1: {  	v47 =	vld [tilespmem:$0x2870]  }
0xb2: {  	v51 =	vld [tilespmem:$0x170]  }
0xb3: {  	v53 =	vld [tilespmem:$0x2880]  }
0xb4: {  	v56 =	vld [tilespmem:$0x180]  }
0xb5: {  	v57 =	vld [tilespmem:$0x2890];
	_ =	sdelay $0x2  }
0xb6: {  	vm13 =	vlt.s32 v1, v2  }
0xb7: {  	vm14 =	vlt.s32 v3, v42;
	vm15 =	vlt.s32 v46, v47;
	v43 =	vsel vm13, v2, v1  }
0xb8: {  	vm4 =	vlt.s32 v51, v53;
	vm5 =	vlt.s32 v56, v57;
	v44 =	vshrl.u32 v43, $0x3  }
0xb9: {  	v1 =	vsel vm13, v1, v2;
	v48 =	vsel vm14, v42, v3;
	v2 =	vmul.u32 $0x28, v44  }
0xba: {  	v3 =	vsel vm14, v3, v42;
	v54 =	vsel vm15, v47, v46;
	v45 =	vshrl.u32 v1, $0x8  }
0xbb: {  	v59 =	vsel vm4, v53, v51;
	v5 =	vshll.u32 v43, $0x7;
	v2 =	vadd.s32 v45, v2  }
0xbc: {  	v49 =	vshrl.u32 v48, $0x3;
	v5 =	vand.u32 $0x380, v5;
	v2 =	vshll.u32 v2, $0xA  }
0xbd: {  	v1 =	vand.u32 $0x70, v1;
	v50 =	vmul.u32 $0x28, v49;
	v2 =	vor.u32 v5, v2  }
0xbe: {  	v62 =	vsel vm5, v57, v56;
	v1 =	vor.u32 v1, v2;
	v2 =	vshrl.u32 v3, $0x8  }
0xbf: {  	v6 =	vsel vm5, v56, v57;
	v52 =	vshll.u32 v48, $0x7;
	v2 =	vadd.s32 v2, v50  }
0xc0: {  	v55 =	vshrl.u32 v54, $0x3;
	v4 =	vand.u32 $0x380, v52;
	v2 =	vshll.u32 v2, $0xA  }
0xc1: {  	v58 =	vshll.u32 v54, $0x7;
	v3 =	vand.u32 $0x70, v3;
	v2 =	vor.u32 v4, v2  }
0xc2: {  	v4 =	vmul.u32 $0x28, v55;
	v2 =	vor.u32 v3, v2;
	v3 =	vsel vm15, v46, v47  }
0xc3: {  	v60 =	vshrl.u32 v59, $0x3;
	v63 =	vshrl.u32 v62, $0x3;
	v7 =	vshrl.u32 v3, $0x8  }
0xc4: {  	v9 =	vshll.u32 v59, $0x7;
	v10 =	vshrl.u32 v6, $0x8;
	v4 =	vadd.s32 v7, v4  }
0xc5: {  	v8 =	vshll.u32 v62, $0x7;
	v7 =	vand.u32 $0x380, v58;
	v4 =	vshll.u32 v4, $0xA  }
0xc6: {  	v5 =	vsel vm4, v51, v53;
	v4 =	vor.u32 v7, v4;
	v7 =	vmul.u32 $0x28, v60  }
0xc7: {  	v12 =	vand.u32 $0x70, v6;
	v61 =	vshrl.u32 v5, $0x8;
	v3 =	vand.u32 $0x70, v3  }
0xc8: {  	v3 =	vor.u32 v3, v4;
	v4 =	vadd.s32 v61, v7;
	v7 =	vmul.u32 $0x28, v63  }
0xc9: {  	v9 =	vand.u32 $0x380, v9;
	v11 =	vand.u32 $0x380, v8;
	v1 =	vshrl.u32 v1, $0x4  }
0xca: {  	[tilespmem:$0x4F60] =	vst v1;
	v1 =	vand.u32 $0x70, v5;
	v4 =	vshll.u32 v4, $0xA;
	v7 =	vadd.s32 v10, v7  }
0xcb: {  	v2 =	vshrl.u32 v2, $0x4;
	v4 =	vor.u32 v9, v4;
	v10 =	vshll.u32 v7, $0xA  }
0xcc: {  	[tilespmem:$0x4F70] =	vst v2;
	v3 =	vshrl.u32 v3, $0x4;
	v1 =	vor.u32 v1, v4;
	v2 =	vor.u32 v11, v10  }
0xcd: {  	[tilespmem:$0x4F80] =	vst v3;
	v1 =	vshrl.u32 v1, $0x4;
	v2 =	vor.u32 v12, v2  }
0xce: {  	[tilespmem:$0x4F90] =	vst v1;
	v1 =	vshrl.u32 v2, $0x4  }
0xcf: {  	s7 =	simm.s32 $0x4F60;
	[tilespmem:$0x4FA0] =	vst v1  }
0xd0: {  	[tilespmem:s18], [sflag:$0x5] =	stream.indirect.gather [hbm4b:s26+s3], $0x10, s7, s3, $0xb8;
	[tilespmem:$0x9FB0] =	vst v63  }
0xd1: {  	v1 =	vld [tilespmem:$0x190]  }
0xd2: {  	v2 =	vld [tilespmem:$0x28A0]  }
0xd3: {  	v3 =	vld [tilespmem:$0x1A0]  }
0xd4: {  	v13 =	vld [tilespmem:$0x28B0]  }
0xd5: {  	v17 =	vld [tilespmem:$0x1B0]  }
0xd6: {  	v18 =	vld [tilespmem:$0x28C0]  }
0xd7: {  	v22 =	vld [tilespmem:$0x1C0]  }
0xd8: {  	v24 =	vld [tilespmem:$0x28D0]  }
0xd9: {  	v27 =	vld [tilespmem:$0x1D0]  }
0xda: {  	v28 =	vld [tilespmem:$0x28E0];
	_ =	sdelay $0x2  }
0xdb: {  	vm6 =	vlt.s32 v1, v2  }
0xdc: {  	vm7 =	vlt.s32 v3, v13;
	vm8 =	vlt.s32 v17, v18;
	v14 =	vsel vm6, v2, v1  }
0xdd: {  	vm9 =	vlt.s32 v22, v24;
	vm10 =	vlt.s32 v27, v28;
	v15 =	vshrl.u32 v14, $0x3  }
0xde: {  	v1 =	vsel vm6, v1, v2;
	v19 =	vsel vm7, v13, v3;
	v2 =	vmul.u32 $0x28, v15  }
0xdf: {  	v3 =	vsel vm7, v3, v13;
	v25 =	vsel vm8, v18, v17;
	v16 =	vshrl.u32 v1, $0x8  }
0xe0: {  	v30 =	vsel vm9, v24, v22;
	v5 =	vshll.u32 v14, $0x7;
	v2 =	vadd.s32 v16, v2  }
0xe1: {  	v20 =	vshrl.u32 v19, $0x3;
	v5 =	vand.u32 $0x380, v5;
	v2 =	vshll.u32 v2, $0xA  }
0xe2: {  	v1 =	vand.u32 $0x70, v1;
	v21 =	vmul.u32 $0x28, v20;
	v2 =	vor.u32 v5, v2  }
0xe3: {  	v33 =	vsel vm10, v28, v27;
	v1 =	vor.u32 v1, v2;
	v2 =	vshrl.u32 v3, $0x8  }
0xe4: {  	v6 =	vsel vm10, v27, v28;
	v23 =	vshll.u32 v19, $0x7;
	v2 =	vadd.s32 v2, v21  }
0xe5: {  	v26 =	vshrl.u32 v25, $0x3;
	v4 =	vand.u32 $0x380, v23;
	v2 =	vshll.u32 v2, $0xA  }
0xe6: {  	v29 =	vshll.u32 v25, $0x7;
	v3 =	vand.u32 $0x70, v3;
	v2 =	vor.u32 v4, v2  }
0xe7: {  	v4 =	vmul.u32 $0x28, v26;
	v2 =	vor.u32 v3, v2;
	v3 =	vsel vm8, v17, v18  }
0xe8: {  	v31 =	vshrl.u32 v30, $0x3;
	v34 =	vshrl.u32 v33, $0x3;
	v7 =	vshrl.u32 v3, $0x8  }
0xe9: {  	v9 =	vshll.u32 v30, $0x7;
	v10 =	vshrl.u32 v6, $0x8;
	v4 =	vadd.s32 v7, v4  }
0xea: {  	v8 =	vshll.u32 v33, $0x7;
	v7 =	vand.u32 $0x380, v29;
	v4 =	vshll.u32 v4, $0xA  }
0xeb: {  	v5 =	vsel vm9, v22, v24;
	v4 =	vor.u32 v7, v4;
	v7 =	vmul.u32 $0x28, v31  }
0xec: {  	v37 =	vand.u32 $0x70, v6;
	v32 =	vshrl.u32 v5, $0x8;
	v3 =	vand.u32 $0x70, v3  }
0xed: {  	v3 =	vor.u32 v3, v4;
	v4 =	vadd.s32 v32, v7;
	v7 =	vmul.u32 $0x28, v34  }
0xee: {  	v9 =	vand.u32 $0x380, v9;
	v36 =	vand.u32 $0x380, v8;
	v1 =	vshrl.u32 v1, $0x4  }
0xef: {  	[tilespmem:$0x4FB0] =	vst v1;
	v1 =	vand.u32 $0x70, v5;
	v4 =	vshll.u32 v4, $0xA;
	v7 =	vadd.s32 v10, v7  }
0xf0: {  	v2 =	vshrl.u32 v2, $0x4;
	v4 =	vor.u32 v9, v4;
	v35 =	vshll.u32 v7, $0xA  }
0xf1: {  	[tilespmem:$0x4FC0] =	vst v2;
	v3 =	vshrl.u32 v3, $0x4;
	v1 =	vor.u32 v1, v4;
	v2 =	vor.u32 v36, v35  }
0xf2: {  	[tilespmem:$0x4FD0] =	vst v3;
	v1 =	vshrl.u32 v1, $0x4;
	v2 =	vor.u32 v37, v2  }
0xf3: {  	[tilespmem:$0x4FE0] =	vst v1;
	v1 =	vshrl.u32 v2, $0x4  }
0xf4: {  	s8 =	simm.s32 $0x4FB0;
	[tilespmem:$0x4FF0] =	vst v1  }
0xf5: {  	[tilespmem:s20], [sflag:$0x6] =	stream.indirect.gather [hbm4b:s26+s3], $0x10, s8, s3, $0xb8;
	[tilespmem:$0x9FB0] =	vst v63  }
0xf6: {  	v1 =	vld [tilespmem:$0x1E0]  }
0xf7: {  	v2 =	vld [tilespmem:$0x28F0]  }
0xf8: {  	v3 =	vld [tilespmem:$0x1F0]  }
0xf9: {  	v38 =	vld [tilespmem:$0x2900]  }
0xfa: {  	v41 =	vld [tilespmem:$0x200]  }
0xfb: {  	v43 =	vld [tilespmem:$0x2910]  }
0xfc: {  	v44 =	vld [tilespmem:$0x210]  }
0xfd: {  	v46 =	vld [tilespmem:$0x2920]  }
0xfe: {  	v53 =	vld [tilespmem:$0x220]  }
0xff: {  	v11 =	vld [tilespmem:$0x2930];
	_ =	sdelay $0x2  }
0x100: {  	vm11 =	vlt.s32 v1, v2  }
0x101: {  	vm12 =	vlt.s32 v3, v38;
	vm13 =	vlt.s32 v41, v43;
	vm14 =	vlt.s32 v44, v46  }
0x102: {  	vm15 =	vlt.s32 v53, v11;
	v39 =	vsel vm11, v2, v1;
	v1 =	vsel vm11, v1, v2  }
0x103: {  	v45 =	vsel vm12, v38, v3;
	v3 =	vsel vm12, v3, v38;
	v50 =	vsel vm13, v43, v41  }
0x104: {  	v6 =	vsel vm13, v41, v43;
	v52 =	vsel vm14, v46, v44;
	v7 =	vsel vm14, v44, v46  }
0x105: {  	v58 =	vsel vm15, v11, v53;
	v59 =	vsel vm15, v53, v11;
	v40 =	vshrl.u32 v39, $0x3  }
0x106: {  	v42 =	vshrl.u32 v1, $0x8;
	v5 =	vshll.u32 v39, $0x7;
	v2 =	vmul.u32 $0x28, v40  }
0x107: {  	v47 =	vshrl.u32 v45, $0x3;
	v1 =	vand.u32 $0x70, v1;
	v49 =	vshll.u32 v45, $0x7  }
0x108: {  	v51 =	vshrl.u32 v50, $0x3;
	v54 =	vshrl.u32 v6, $0x8;
	v2 =	vadd.s32 v42, v2  }
0x109: {  	v55 =	vshrl.u32 v52, $0x3;
	v5 =	vand.u32 $0x380, v5;
	v2 =	vshll.u32 v2, $0xA  }
0x10a: {  	v56 =	vshrl.u32 v7, $0x8;
	v48 =	vmul.u32 $0x28, v47;
	v2 =	vor.u32 v5, v2  }
0x10b: {  	v57 =	vshll.u32 v52, $0x7;
	v1 =	vor.u32 v1, v2;
	v2 =	vshrl.u32 v3, $0x8  }
0x10c: {  	v60 =	vshrl.u32 v58, $0x3;
	v8 =	vmul.u32 $0x28, v51;
	v2 =	vadd.s32 v2, v48  }
0x10d: {  	v4 =	vand.u32 $0x380, v49;
	v5 =	vshll.u32 v50, $0x7;
	v2 =	vshll.u32 v2, $0xA  }
0x10e: {  	v2 =	vor.u32 v4, v2;
	v4 =	vadd.s32 v54, v8;
	v8 =	vmul.u32 $0x28, v55  }
0x10f: {  	v3 =	vand.u32 $0x70, v3;
	v5 =	vand.u32 $0x380, v5;
	v4 =	vshll.u32 v4, $0xA  }
0x110: {  	v2 =	vor.u32 v3, v2;
	v3 =	vor.u32 v5, v4;
	v4 =	vadd.s32 v56, v8  }
0x111: {  	s9 =	simm.s32 $0x5000;
	s11 =	simm.s32 $0x2760;
	v6 =	vand.u32 $0x70, v6;
	v5 =	vand.u32 $0x380, v57;
	v4 =	vshll.u32 v4, $0xA  }
0x112: {  	s13 =	simm.s32 $0xA0;
	s17 =	simm.s32 $0x27B0;
	[dreg:$0xa] =	wrdreg s11;
	v7 =	vand.u32 $0x70, v7;
	v4 =	vor.u32 v5, v4;
	v5 =	vmul.u32 $0x28, v60  }
0x113: {  	s21 =	simm.s32 $0x7990;
	s19 =	simm.s32 $0xF0;
	[dreg:$0xb] =	wrdreg s13;
	v61 =	vshrl.u32 v59, $0x8;
	v62 =	vshll.u32 v58, $0x7;
	v1 =	vshrl.u32 v1, $0x4  }
0x114: {  	s23 =	simm.s32 $0x2800;
	s28 =	simm.s32 $0x28F0;
	[dreg:$0xc] =	wrdreg s17;
	v63 =	vand.u32 $0x380, v62;
	[tilespmem:$0x5000] =	vst v1;
	v1 =	vshrl.u32 v2, $0x4;
	v5 =	vadd.s32 v61, v5  }
0x115: {  	s29 =	simm.s32 $0x7AD0;
	s30 =	simm.s32 $0x230;
	[dreg:$0xd] =	wrdreg s19;
	v3 =	vor.u32 v6, v3;
	v4 =	vor.u32 v7, v4;
	v2 =	vshll.u32 v5, $0xA  }
0x116: {  	s31 =	simm.s32 $0x2940;
	s24 =	simm.s32 $0x140;
	[dreg:$0xe] =	wrdreg s23;
	[tilespmem:$0x5010] =	vst v1;
	v1 =	vor.u32 v63, v2;
	v2 =	vshrl.u32 v3, $0x4;
	v3 =	vand.u32 $0x70, v59  }
0x117: {  	s0 =	simm.s32 $0x28A0;
	s11 =	simm.s32 $0x79E0;
	[dreg:$0xf] =	wrdreg s24;
	[tilespmem:$0x5020] =	vst v2;
	v2 =	vshrl.u32 v4, $0x4;
	v1 =	vor.u32 v3, v1  }
0x118: {  	s17 =	simm.s32 $0x7A30;
	s23 =	simm.s32 $0x50;
	s19 =	simm.s32 $0x78A0;
	[tilespmem:$0x5030] =	vst v2;
	v1 =	vshrl.u32 v1, $0x4  }
0x119: {  	s1 =	simm.s32 $0x190;
	s2 =	simm.s32 $0x0;
	s4 =	simm.s32 $0x7A80;
	[tilespmem:$0x5040] =	vst v1  }
0x11a: {  	[tilespmem:s22], [sflag:$0x7] =	stream.indirect.gather [hbm4b:s26+s3], $0x10, s9, s3, $0xb8;
	[tilespmem:$0x9FB0] =	vst v63  }
0x11b: {  	s6 =	simm.s32 $0x0;
	s7 =	simm.s32 $0x78F0;
	s26 =	simm.s32 $0x2850  }
0x11c: {  	s8 =	simm.s32 $0x7940;
	[dreg:$0x10] =	wrdreg s26;
	s26 =	simm.s32 $0x1E0  }
.LBB2_2:
0x11d: {  	s5 =	smul.u32 $0x280, s2;
	_ =	sdelay $0x1  }
0x11e: {  	v1 =	vld [tilespmem:s5+$0x230]  }
0x11f: {  	v2 =	vld [tilespmem:s5+$0x2940];
	_ =	sdelay $0x4  }
0x120: {  	vm0 =	vlt.s32 v1, v2  }
0x121: {  	v3 =	vsel vm0, v2, v1  }
0x122: {  	v4 =	vshrl.u32 v3, $0x3  }
0x123: {  	v1 =	vsel vm0, v1, v2;
	v2 =	vmul.u32 $0x28, v4  }
0x124: {  	v55 =	vshrl.u32 v1, $0x8  }
0x125: {  	v3 =	vshll.u32 v3, $0x7;
	v2 =	vadd.s32 v55, v2  }
0x126: {  	v3 =	vand.u32 $0x380, v3;
	v2 =	vshll.u32 v2, $0xA  }
0x127: {  	v1 =	vand.u32 $0x70, v1;
	v2 =	vor.u32 v3, v2  }
0x128: {  	v1 =	vor.u32 v1, v2  }
0x129: {  	v1 =	vshrl.u32 v1, $0x4  }
0x12a: {  	[tilespmem:$0x5050] =	vst v1  }
0x12b: {  	v1 =	vld [tilespmem:s5+$0x240]  }
0x12c: {  	v2 =	vld [tilespmem:s5+$0x2950];
	_ =	sdelay $0x4  }
0x12d: {  	vm10 =	vlt.s32 v1, v2  }
0x12e: {  	v3 =	vsel vm10, v2, v1  }
0x12f: {  	v56 =	vshrl.u32 v3, $0x3  }
0x130: {  	v1 =	vsel vm10, v1, v2;
	v2 =	vmul.u32 $0x28, v56  }
0x131: {  	v57 =	vshrl.u32 v1, $0x8  }
0x132: {  	v3 =	vshll.u32 v3, $0x7;
	v2 =	vadd.s32 v57, v2  }
0x133: {  	v3 =	vand.u32 $0x380, v3;
	v2 =	vshll.u32 v2, $0xA  }
0x134: {  	v1 =	vand.u32 $0x70, v1;
	v2 =	vor.u32 v3, v2  }
0x135: {  	v1 =	vor.u32 v1, v2  }
0x136: {  	v1 =	vshrl.u32 v1, $0x4  }
0x137: {  	[tilespmem:$0x5060] =	vst v1  }
0x138: {  	v1 =	vld [tilespmem:s5+$0x250]  }
0x139: {  	v2 =	vld [tilespmem:s5+$0x2960];
	_ =	sdelay $0x4  }
0x13a: {  	vm11 =	vlt.s32 v1, v2  }
0x13b: {  	v3 =	vsel vm11, v2, v1  }
0x13c: {  	v58 =	vshrl.u32 v3, $0x3  }
0x13d: {  	v1 =	vsel vm11, v1, v2;
	v2 =	vmul.u32 $0x28, v58  }
0x13e: {  	v59 =	vshrl.u32 v1, $0x8  }
0x13f: {  	v3 =	vshll.u32 v3, $0x7;
	v2 =	vadd.s32 v59, v2  }
0x140: {  	v3 =	vand.u32 $0x380, v3;
	v2 =	vshll.u32 v2, $0xA  }
0x141: {  	v1 =	vand.u32 $0x70, v1;
	v2 =	vor.u32 v3, v2  }
0x142: {  	v1 =	vor.u32 v1, v2  }
0x143: {  	v1 =	vshrl.u32 v1, $0x4  }
0x144: {  	[tilespmem:$0x5070] =	vst v1  }
0x145: {  	v1 =	vld [tilespmem:s5+$0x260]  }
0x146: {  	v2 =	vld [tilespmem:s5+$0x2970];
	_ =	sdelay $0x4  }
0x147: {  	vm12 =	vlt.s32 v1, v2  }
0x148: {  	v3 =	vsel vm12, v2, v1  }
0x149: {  	v60 =	vshrl.u32 v3, $0x3  }
0x14a: {  	v1 =	vsel vm12, v1, v2;
	v2 =	vmul.u32 $0x28, v60  }
0x14b: {  	v61 =	vshrl.u32 v1, $0x8  }
0x14c: {  	v3 =	vshll.u32 v3, $0x7;
	v2 =	vadd.s32 v61, v2  }
0x14d: {  	v3 =	vand.u32 $0x380, v3;
	v2 =	vshll.u32 v2, $0xA  }
0x14e: {  	v1 =	vand.u32 $0x70, v1;
	v2 =	vor.u32 v3, v2  }
0x14f: {  	v1 =	vor.u32 v1, v2  }
0x150: {  	v1 =	vshrl.u32 v1, $0x4  }
0x151: {  	[tilespmem:$0x5080] =	vst v1  }
0x152: {  	v1 =	vld [tilespmem:s5+$0x270]  }
0x153: {  	v2 =	vld [tilespmem:s5+$0x2980];
	_ =	sdelay $0x4  }
0x154: {  	vm13 =	vlt.s32 v1, v2  }
0x155: {  	v3 =	vsel vm13, v2, v1  }
0x156: {  	v62 =	vshrl.u32 v3, $0x3  }
0x157: {  	v1 =	vsel vm13, v1, v2;
	v2 =	vmul.u32 $0x28, v62  }
0x158: {  	v63 =	vshrl.u32 v1, $0x8  }
0x159: {  	v3 =	vshll.u32 v3, $0x7;
	v2 =	vadd.s32 v63, v2  }
0x15a: {  	v3 =	vand.u32 $0x380, v3;
	v2 =	vshll.u32 v2, $0xA  }
0x15b: {  	v1 =	vand.u32 $0x70, v1;
	v2 =	vor.u32 v3, v2  }
0x15c: {  	v1 =	vor.u32 v1, v2  }
0x15d: {  	v1 =	vshrl.u32 v1, $0x4  }
0x15e: {  	s3 =	rddreg [dreg:$0x3];
	s9 =	simm.s32 $0x50;
	s13 =	simm.s32 $0x5050;
	[tilespmem:$0x5090] =	vst v1  }
0x15f: {  	[tilespmem:s25], [sflag:$0x8] =	stream.indirect.gather [hbm4b:s3+s9], $0x10, s13, s9, $0xb8;
	[tilespmem:$0x9FB0] =	vst v63  }
0x160: {  	s13 =	simm.s32 $0x1  }
0x161: {  	_ =	swait.ge [sflag:s13], $0x500  }
0x162: {  	[sflag:s13] =	ssyncset.done $0x0  }
0x163: {  	[sflag:s13] =	ssyncadd.s32 $0xFFFFFB00  }
0x164: {  	v1 =	vld [tilespmem:s15+$0x0]  }
0x165: {  	v2 =	vld [tilespmem:s6+$0x0];
	_ =	sdelay $0x3  }
0x166: {  	s24 =	simm.s32 $0x0  }
0x167: {  	v3 =	vmov s24;
	vm14 =	vlt.s32 v2, v1  }
0x168: {  	v3 =	vshll.u32 v3, $0x4;
	v1 =	vsel vm14, v2, v1  }
0x169: {  	v2 =	vor.u32 v0, v3;
	v3 =	vand.u32 $0xF, v1  }
0x16a: {  	v2 =	vor.u32 v2, v3;
	_ =	sdelay $0x4  }
0x16b: {  	v2 =	vld.idx.msk [tilespmem:v2+s10+$0x0], $0xffff;
	_ =	sdelay $0x3  }
0x16c: {  	v1 =	vand.u32 $0x80, v1  }
0x16d: {  	vm15 =	veq.s32 v1, $0x0;
	v3 =	vunpack.i.u.bf16.f32 v2;
	v2 =	vunpack.i.l.bf16.f32 v2  }
0x16e: {  	v1 =	vsel vm15, v2, v3  }
0x16f: {  	v1 =	vsub.f32 $0.0e+00, v1;
	_ =	sdelay $0x1  }
0x170: {  	v1 =	vmul.f32 $1.442695020e+00, v1;
	_ =	sdelay $0x1  }
0x171: {  	(erf) = vpow2.f32 v1;
	_ =	sdelay $0x8  }
0x172: {  	v1 =	vpop (erf)  }
0x173: {  	v1 =	vadd.f32 $1.000000000e+00, v1;
	_ =	sdelay $0x1  }
0x174: {  	(erf) = vrcp.f32 v1;
	_ =	sdelay $0x8  }
0x175: {  	v1 =	vpop (erf)  }
0x176: {  	s24 =	sadd.s32 $0x10, s15;
	[tilespmem:s19+$0x0] =	vst v1  }
0x177: {  	s9 =	sadd.s32 $0x10, s6;
	s3 =	smov.u32 s19;
	v1 =	vld [tilespmem:s24+$0x0]  }
0x178: {  	[dreg:$0x9] =	wrdreg s15;
	s13 =	simm.s32 $0x10;
	s15 =	simm.s32 $0x20;
	v2 =	vld [tilespmem:s9+$0x0]  }
.LBB2_3:
0x179: {  	p0 =	seq.s32 s15, $0x40;
	_ =	sdelay $0x3  }
0x17a: {  	v3 =	vmov s13;
	s13 =	smov.u32 s15;
	vm0 =	vlt.s32 v2, v1  }
0x17b: {  	v3 =	vshll.u32 v3, $0x4;
	v1 =	vsel vm0, v2, v1  }
0x17c: {  	v2 =	vor.u32 v0, v3;
	v3 =	vand.u32 $0xF, v1  }
0x17d: {  	v2 =	vor.u32 v2, v3;
	_ =	sdelay $0x4  }
0x17e: {  	v2 =	vld.idx.msk [tilespmem:v2+s10+$0x0], $0xffff;
	_ =	sdelay $0x4  }
0x17f: {  	v1 =	vand.u32 $0x80, v1  }
0x180: {  	vm0 =	veq.s32 v1, $0x0;
	v3 =	vunpack.i.u.bf16.f32 v2;
	v2 =	vunpack.i.l.bf16.f32 v2  }
0x181: {  	v1 =	vsel vm0, v2, v3  }
0x182: {  	v1 =	vsub.f32 $0.0e+00, v1;
	_ =	sdelay $0x1  }
0x183: {  	v1 =	vmul.f32 $1.442695020e+00, v1;
	_ =	sdelay $0x1  }
0x184: {  	(erf) = vpow2.f32 v1;
	_ =	sdelay $0x8  }
0x185: {  	v1 =	vpop (erf)  }
0x186: {  	v1 =	vadd.f32 $1.000000000e+00, v1;
	_ =	sdelay $0x1  }
0x187: {  	(erf) = vrcp.f32 v1;
	_ =	sdelay $0x7  }
.Ltmp0:
0x188: {  	(pc) =	sbr.rel @!p0 .LBB2_3-.Ltmp0, $4  }
0x189: {  	s3 =	sadd.s32 $0x10, s3;
	v1 =	vpop (erf)  }
0x18a: {  	s24 =	sadd.s32 $0x10, s24;
	[tilespmem:s3+$0x0] =	vst v1  }
0x18b: {  	s9 =	sadd.s32 $0x10, s9;
	v1 =	vld [tilespmem:s24+$0x0]  }
0x18c: {  	s15 =	sadd.s32 $0x10, s15;
	v2 =	vld [tilespmem:s9+$0x0]  }
0x18d: {  	_ =	sdelay $0x3  }
0x18e: {  	v3 =	vmov s13;
	vm0 =	vlt.s32 v2, v1  }
0x18f: {  	v3 =	vshll.u32 v3, $0x4;
	v1 =	vsel vm0, v2, v1  }
0x190: {  	v2 =	vor.u32 v0, v3;
	v3 =	vand.u32 $0xF, v1  }
0x191: {  	v2 =	vor.u32 v2, v3;
	_ =	sdelay $0x4  }
0x192: {  	v2 =	vld.idx.msk [tilespmem:v2+s10+$0x0], $0xffff;
	_ =	sdelay $0x3  }
0x193: {  	v1 =	vand.u32 $0x80, v1  }
0x194: {  	vm8 =	veq.s32 v1, $0x0;
	v3 =	vunpack.i.u.bf16.f32 v2;
	v2 =	vunpack.i.l.bf16.f32 v2  }
0x195: {  	v1 =	vsel vm8, v2, v3  }
0x196: {  	v1 =	vsub.f32 $0.0e+00, v1;
	_ =	sdelay $0x1  }
0x197: {  	v1 =	vmul.f32 $1.442695020e+00, v1;
	_ =	sdelay $0x1  }
0x198: {  	(erf) = vpow2.f32 v1;
	_ =	sdelay $0x8  }
0x199: {  	v1 =	vpop (erf)  }
0x19a: {  	v1 =	vadd.f32 $1.000000000e+00, v1;
	_ =	sdelay $0x1  }
0x19b: {  	(erf) = vrcp.f32 v1;
	_ =	sdelay $0x8  }
0x19c: {  	s3 =	sadd.s32 $0x10, s3;
	v1 =	vpop (erf)  }
0x19d: {  	[tilespmem:s3+$0x0] =	vst v1  }
0x19e: {  	v1 =	vld [tilespmem:s5+$0x280]  }
0x19f: {  	v2 =	vld [tilespmem:s5+$0x2990];
	_ =	sdelay $0x4  }
0x1a0: {  	vm9 =	vlt.s32 v1, v2  }
0x1a1: {  	v3 =	vsel vm9, v2, v1  }
0x1a2: {  	v4 =	vshrl.u32 v3, $0x3  }
0x1a3: {  	v1 =	vsel vm9, v1, v2;
	v2 =	vmul.u32 $0x28, v4  }
0x1a4: {  	v55 =	vshrl.u32 v1, $0x8  }
0x1a5: {  	v3 =	vshll.u32 v3, $0x7;
	v2 =	vadd.s32 v55, v2  }
0x1a6: {  	v3 =	vand.u32 $0x380, v3;
	v2 =	vshll.u32 v2, $0xA  }
0x1a7: {  	v1 =	vand.u32 $0x70, v1;
	v2 =	vor.u32 v3, v2  }
0x1a8: {  	v1 =	vor.u32 v1, v2  }
0x1a9: {  	v1 =	vshrl.u32 v1, $0x4  }
0x1aa: {  	[tilespmem:$0x4E20] =	vst v1  }
0x1ab: {  	v1 =	vld [tilespmem:s5+$0x290]  }
0x1ac: {  	v2 =	vld [tilespmem:s5+$0x29A0];
	_ =	sdelay $0x4  }
0x1ad: {  	vm10 =	vlt.s32 v1, v2  }
0x1ae: {  	v3 =	vsel vm10, v2, v1  }
0x1af: {  	v56 =	vshrl.u32 v3, $0x3  }
0x1b0: {  	v1 =	vsel vm10, v1, v2;
	v2 =	vmul.u32 $0x28, v56  }
0x1b1: {  	v57 =	vshrl.u32 v1, $0x8  }
0x1b2: {  	v3 =	vshll.u32 v3, $0x7;
	v2 =	vadd.s32 v57, v2  }
0x1b3: {  	v3 =	vand.u32 $0x380, v3;
	v2 =	vshll.u32 v2, $0xA  }
0x1b4: {  	v1 =	vand.u32 $0x70, v1;
	v2 =	vor.u32 v3, v2  }
0x1b5: {  	v1 =	vor.u32 v1, v2  }
0x1b6: {  	v1 =	vshrl.u32 v1, $0x4  }
0x1b7: {  	[tilespmem:$0x4E30] =	vst v1  }
0x1b8: {  	v1 =	vld [tilespmem:s5+$0x2A0]  }
0x1b9: {  	v2 =	vld [tilespmem:s5+$0x29B0];
	_ =	sdelay $0x4  }
0x1ba: {  	vm11 =	vlt.s32 v1, v2  }
0x1bb: {  	v3 =	vsel vm11, v2, v1  }
0x1bc: {  	v58 =	vshrl.u32 v3, $0x3  }
0x1bd: {  	v1 =	vsel vm11, v1, v2;
	v2 =	vmul.u32 $0x28, v58  }
0x1be: {  	v59 =	vshrl.u32 v1, $0x8  }
0x1bf: {  	v3 =	vshll.u32 v3, $0x7;
	v2 =	vadd.s32 v59, v2  }
0x1c0: {  	v3 =	vand.u32 $0x380, v3;
	v2 =	vshll.u32 v2, $0xA  }
0x1c1: {  	v1 =	vand.u32 $0x70, v1;
	v2 =	vor.u32 v3, v2  }
0x1c2: {  	v1 =	vor.u32 v1, v2  }
0x1c3: {  	v1 =	vshrl.u32 v1, $0x4  }
0x1c4: {  	[tilespmem:$0x4E40] =	vst v1  }
0x1c5: {  	v1 =	vld [tilespmem:s5+$0x2B0]  }
0x1c6: {  	v2 =	vld [tilespmem:s5+$0x29C0];
	_ =	sdelay $0x4  }
0x1c7: {  	vm12 =	vlt.s32 v1, v2  }
0x1c8: {  	v3 =	vsel vm12, v2, v1  }
0x1c9: {  	v60 =	vshrl.u32 v3, $0x3  }
0x1ca: {  	v1 =	vsel vm12, v1, v2;
	v2 =	vmul.u32 $0x28, v60  }
0x1cb: {  	v61 =	vshrl.u32 v1, $0x8  }
0x1cc: {  	v3 =	vshll.u32 v3, $0x7;
	v2 =	vadd.s32 v61, v2  }
0x1cd: {  	v3 =	vand.u32 $0x380, v3;
	v2 =	vshll.u32 v2, $0xA  }
0x1ce: {  	v1 =	vand.u32 $0x70, v1;
	v2 =	vor.u32 v3, v2  }
0x1cf: {  	v1 =	vor.u32 v1, v2  }
0x1d0: {  	v1 =	vshrl.u32 v1, $0x4  }
0x1d1: {  	[tilespmem:$0x4E50] =	vst v1  }
0x1d2: {  	v1 =	vld [tilespmem:s5+$0x2C0]  }
0x1d3: {  	v2 =	vld [tilespmem:s5+$0x29D0];
	_ =	sdelay $0x4  }
0x1d4: {  	vm13 =	vlt.s32 v1, v2  }
0x1d5: {  	v3 =	vsel vm13, v2, v1  }
0x1d6: {  	v62 =	vshrl.u32 v3, $0x3  }
0x1d7: {  	v1 =	vsel vm13, v1, v2;
	v2 =	vmul.u32 $0x28, v62  }
0x1d8: {  	v63 =	vshrl.u32 v1, $0x8  }
0x1d9: {  	v3 =	vshll.u32 v3, $0x7;
	v2 =	vadd.s32 v63, v2  }
0x1da: {  	v3 =	vand.u32 $0x380, v3;
	v2 =	vshll.u32 v2, $0xA  }
0x1db: {  	v1 =	vand.u32 $0x70, v1;
	v2 =	vor.u32 v3, v2  }
0x1dc: {  	v1 =	vor.u32 v1, v2  }
0x1dd: {  	s15 =	rddreg [dreg:$0x3];
	v1 =	vshrl.u32 v1, $0x4  }
0x1de: {  	s9 =	simm.s32 $0x4E20;
	s24 =	simm.s32 $0x50;
	s13 =	simm.s32 $0x2;
	[tilespmem:$0x4E60] =	vst v1  }
0x1df: {  	[tilespmem:s10], [sflag:$0x1] =	stream.indirect.gather [hbm4b:s15+s24], $0x10, s9, s24, $0xb8;
	[tilespmem:$0x9FB0] =	vst v63  }
0x1e0: {  	_ =	swait.ge [sflag:s13], $0x500  }
0x1e1: {  	[sflag:s13] =	ssyncset.done $0x0  }
0x1e2: {  	s24 =	rddreg [dreg:$0xa];
	[sflag:s13] =	ssyncadd.s32 $0xFFFFFB00  }
0x1e3: {  	v1 =	vld [tilespmem:s24+$0x0]  }
0x1e4: {  	v2 =	vld [tilespmem:s23+$0x0];
	_ =	sdelay $0x3  }
0x1e5: {  	s15 =	simm.s32 $0x0  }
0x1e6: {  	v3 =	vmov s15;
	vm14 =	vlt.s32 v2, v1  }
0x1e7: {  	v3 =	vshll.u32 v3, $0x4;
	v1 =	vsel vm14, v2, v1  }
0x1e8: {  	v2 =	vor.u32 v0, v3;
	v3 =	vand.u32 $0xF, v1  }
0x1e9: {  	v2 =	vor.u32 v2, v3;
	_ =	sdelay $0x4  }
0x1ea: {  	v2 =	vld.idx.msk [tilespmem:v2+s12+$0x0], $0xffff;
	_ =	sdelay $0x3  }
0x1eb: {  	v1 =	vand.u32 $0x80, v1  }
0x1ec: {  	vm15 =	veq.s32 v1, $0x0;
	v3 =	vunpack.i.u.bf16.f32 v2;
	v2 =	vunpack.i.l.bf16.f32 v2  }
0x1ed: {  	v1 =	vsel vm15, v2, v3  }
0x1ee: {  	v1 =	vsub.f32 $0.0e+00, v1;
	_ =	sdelay $0x1  }
0x1ef: {  	v1 =	vmul.f32 $1.442695020e+00, v1;
	_ =	sdelay $0x1  }
0x1f0: {  	(erf) = vpow2.f32 v1;
	_ =	sdelay $0x8  }
0x1f1: {  	v1 =	vpop (erf)  }
0x1f2: {  	v1 =	vadd.f32 $1.000000000e+00, v1;
	_ =	sdelay $0x1  }
0x1f3: {  	(erf) = vrcp.f32 v1;
	_ =	sdelay $0x8  }
0x1f4: {  	v1 =	vpop (erf)  }
0x1f5: {  	s24 =	sadd.s32 $0x10, s24;
	[tilespmem:s7+$0x0] =	vst v1  }
0x1f6: {  	s9 =	sadd.s32 $0x10, s23;
	v1 =	vld [tilespmem:s24+$0x0]  }
0x1f7: {  	s3 =	smov.u32 s7;
	s15 =	simm.s32 $0x20;
	s13 =	simm.s32 $0x10;
	v2 =	vld [tilespmem:s9+$0x0]  }
.LBB2_5:
0x1f8: {  	p0 =	seq.s32 s15, $0x40;
	_ =	sdelay $0x3  }
0x1f9: {  	v3 =	vmov s13;
	s13 =	smov.u32 s15;
	vm0 =	vlt.s32 v2, v1  }
0x1fa: {  	v3 =	vshll.u32 v3, $0x4;
	v1 =	vsel vm0, v2, v1  }
0x1fb: {  	v2 =	vor.u32 v0, v3;
	v3 =	vand.u32 $0xF, v1  }
0x1fc: {  	v2 =	vor.u32 v2, v3;
	_ =	sdelay $0x4  }
0x1fd: {  	v2 =	vld.idx.msk [tilespmem:v2+s12+$0x0], $0xffff;
	_ =	sdelay $0x4  }
0x1fe: {  	v1 =	vand.u32 $0x80, v1  }
0x1ff: {  	vm0 =	veq.s32 v1, $0x0;
	v3 =	vunpack.i.u.bf16.f32 v2;
	v2 =	vunpack.i.l.bf16.f32 v2  }
0x200: {  	v1 =	vsel vm0, v2, v3  }
0x201: {  	v1 =	vsub.f32 $0.0e+00, v1;
	_ =	sdelay $0x1  }
0x202: {  	v1 =	vmul.f32 $1.442695020e+00, v1;
	_ =	sdelay $0x1  }
0x203: {  	(erf) = vpow2.f32 v1;
	_ =	sdelay $0x8  }
0x204: {  	v1 =	vpop (erf)  }
0x205: {  	v1 =	vadd.f32 $1.000000000e+00, v1;
	_ =	sdelay $0x1  }
0x206: {  	(erf) = vrcp.f32 v1;
	_ =	sdelay $0x7  }
.Ltmp1:
0x207: {  	(pc) =	sbr.rel @!p0 .LBB2_5-.Ltmp1, $4  }
0x208: {  	s3 =	sadd.s32 $0x10, s3;
	v1 =	vpop (erf)  }
0x209: {  	s24 =	sadd.s32 $0x10, s24;
	[tilespmem:s3+$0x0] =	vst v1  }
0x20a: {  	s9 =	sadd.s32 $0x10, s9;
	v1 =	vld [tilespmem:s24+$0x0]  }
0x20b: {  	s15 =	sadd.s32 $0x10, s15;
	v2 =	vld [tilespmem:s9+$0x0]  }
0x20c: {  	_ =	sdelay $0x3  }
0x20d: {  	v3 =	vmov s13;
	vm0 =	vlt.s32 v2, v1  }
0x20e: {  	v3 =	vshll.u32 v3, $0x4;
	v1 =	vsel vm0, v2, v1  }
0x20f: {  	v2 =	vor.u32 v0, v3;
	v3 =	vand.u32 $0xF, v1  }
0x210: {  	v2 =	vor.u32 v2, v3;
	_ =	sdelay $0x4  }
0x211: {  	v2 =	vld.idx.msk [tilespmem:v2+s12+$0x0], $0xffff;
	_ =	sdelay $0x3  }
0x212: {  	v1 =	vand.u32 $0x80, v1  }
0x213: {  	vm8 =	veq.s32 v1, $0x0;
	v3 =	vunpack.i.u.bf16.f32 v2;
	v2 =	vunpack.i.l.bf16.f32 v2  }
0x214: {  	v1 =	vsel vm8, v2, v3  }
0x215: {  	v1 =	vsub.f32 $0.0e+00, v1;
	_ =	sdelay $0x1  }
0x216: {  	v1 =	vmul.f32 $1.442695020e+00, v1;
	_ =	sdelay $0x1  }
0x217: {  	(erf) = vpow2.f32 v1;
	_ =	sdelay $0x8  }
0x218: {  	v1 =	vpop (erf)  }
0x219: {  	v1 =	vadd.f32 $1.000000000e+00, v1;
	_ =	sdelay $0x1  }
0x21a: {  	(erf) = vrcp.f32 v1;
	_ =	sdelay $0x8  }
0x21b: {  	s3 =	sadd.s32 $0x10, s3;
	v1 =	vpop (erf)  }
0x21c: {  	[tilespmem:s3+$0x0] =	vst v1  }
0x21d: {  	v1 =	vld [tilespmem:s5+$0x2D0]  }
0x21e: {  	v2 =	vld [tilespmem:s5+$0x29E0];
	_ =	sdelay $0x4  }
0x21f: {  	vm9 =	vlt.s32 v1, v2  }
0x220: {  	v3 =	vsel vm9, v2, v1  }
0x221: {  	v4 =	vshrl.u32 v3, $0x3  }
0x222: {  	v1 =	vsel vm9, v1, v2;
	v2 =	vmul.u32 $0x28, v4  }
0x223: {  	v55 =	vshrl.u32 v1, $0x8  }
0x224: {  	v3 =	vshll.u32 v3, $0x7;
	v2 =	vadd.s32 v55, v2  }
0x225: {  	v3 =	vand.u32 $0x380, v3;
	v2 =	vshll.u32 v2, $0xA  }
0x226: {  	v1 =	vand.u32 $0x70, v1;
	v2 =	vor.u32 v3, v2  }
0x227: {  	v1 =	vor.u32 v1, v2  }
0x228: {  	v1 =	vshrl.u32 v1, $0x4  }
0x229: {  	[tilespmem:$0x4E70] =	vst v1  }
0x22a: {  	v1 =	vld [tilespmem:s5+$0x2E0]  }
0x22b: {  	v2 =	vld [tilespmem:s5+$0x29F0];
	_ =	sdelay $0x4  }
0x22c: {  	vm10 =	vlt.s32 v1, v2  }
0x22d: {  	v3 =	vsel vm10, v2, v1  }
0x22e: {  	v56 =	vshrl.u32 v3, $0x3  }
0x22f: {  	v1 =	vsel vm10, v1, v2;
	v2 =	vmul.u32 $0x28, v56  }
0x230: {  	v57 =	vshrl.u32 v1, $0x8  }
0x231: {  	v3 =	vshll.u32 v3, $0x7;
	v2 =	vadd.s32 v57, v2  }
0x232: {  	v3 =	vand.u32 $0x380, v3;
	v2 =	vshll.u32 v2, $0xA  }
0x233: {  	v1 =	vand.u32 $0x70, v1;
	v2 =	vor.u32 v3, v2  }
0x234: {  	v1 =	vor.u32 v1, v2  }
0x235: {  	v1 =	vshrl.u32 v1, $0x4  }
0x236: {  	[tilespmem:$0x4E80] =	vst v1  }
0x237: {  	v1 =	vld [tilespmem:s5+$0x2F0]  }
0x238: {  	v2 =	vld [tilespmem:s5+$0x2A00];
	_ =	sdelay $0x4  }
0x239: {  	vm11 =	vlt.s32 v1, v2  }
0x23a: {  	v3 =	vsel vm11, v2, v1  }
0x23b: {  	v58 =	vshrl.u32 v3, $0x3  }
0x23c: {  	v1 =	vsel vm11, v1, v2;
	v2 =	vmul.u32 $0x28, v58  }
0x23d: {  	v59 =	vshrl.u32 v1, $0x8  }
0x23e: {  	v3 =	vshll.u32 v3, $0x7;
	v2 =	vadd.s32 v59, v2  }
0x23f: {  	v3 =	vand.u32 $0x380, v3;
	v2 =	vshll.u32 v2, $0xA  }
0x240: {  	v1 =	vand.u32 $0x70, v1;
	v2 =	vor.u32 v3, v2  }
0x241: {  	v1 =	vor.u32 v1, v2  }
0x242: {  	v1 =	vshrl.u32 v1, $0x4  }
0x243: {  	[tilespmem:$0x4E90] =	vst v1  }
0x244: {  	v1 =	vld [tilespmem:s5+$0x300]  }
0x245: {  	v2 =	vld [tilespmem:s5+$0x2A10];
	_ =	sdelay $0x4  }
0x246: {  	vm12 =	vlt.s32 v1, v2  }
0x247: {  	v3 =	vsel vm12, v2, v1  }
0x248: {  	v60 =	vshrl.u32 v3, $0x3  }
0x249: {  	v1 =	vsel vm12, v1, v2;
	v2 =	vmul.u32 $0x28, v60  }
0x24a: {  	v61 =	vshrl.u32 v1, $0x8  }
0x24b: {  	v3 =	vshll.u32 v3, $0x7;
	v2 =	vadd.s32 v61, v2  }
0x24c: {  	v3 =	vand.u32 $0x380, v3;
	v2 =	vshll.u32 v2, $0xA  }
0x24d: {  	v1 =	vand.u32 $0x70, v1;
	v2 =	vor.u32 v3, v2  }
0x24e: {  	v1 =	vor.u32 v1, v2  }
0x24f: {  	v1 =	vshrl.u32 v1, $0x4  }
0x250: {  	[tilespmem:$0x4EA0] =	vst v1  }
0x251: {  	v1 =	vld [tilespmem:s5+$0x310]  }
0x252: {  	v2 =	vld [tilespmem:s5+$0x2A20];
	_ =	sdelay $0x4  }
0x253: {  	vm13 =	vlt.s32 v1, v2  }
0x254: {  	v3 =	vsel vm13, v2, v1  }
0x255: {  	v62 =	vshrl.u32 v3, $0x3  }
0x256: {  	v1 =	vsel vm13, v1, v2;
	v2 =	vmul.u32 $0x28, v62  }
0x257: {  	v63 =	vshrl.u32 v1, $0x8  }
0x258: {  	v3 =	vshll.u32 v3, $0x7;
	v2 =	vadd.s32 v63, v2  }
0x259: {  	v3 =	vand.u32 $0x380, v3;
	v2 =	vshll.u32 v2, $0xA  }
0x25a: {  	v1 =	vand.u32 $0x70, v1;
	v2 =	vor.u32 v3, v2  }
0x25b: {  	v1 =	vor.u32 v1, v2  }
0x25c: {  	v1 =	vshrl.u32 v1, $0x4  }
0x25d: {  	s15 =	rddreg [dreg:$0x3];
	s9 =	simm.s32 $0x4E70;
	s24 =	simm.s32 $0x50;
	[tilespmem:$0x4EB0] =	vst v1  }
0x25e: {  	[tilespmem:s12], [sflag:$0x2] =	stream.indirect.gather [hbm4b:s15+s24], $0x10, s9, s24, $0xb8;
	[tilespmem:$0x9FB0] =	vst v63  }
0x25f: {  	s15 =	simm.s32 $0x3  }
0x260: {  	_ =	swait.ge [sflag:s15], $0x500  }
0x261: {  	[sflag:s15] =	ssyncset.done $0x0  }
0x262: {  	s9 =	rddreg [dreg:$0xc];
	[sflag:s15] =	ssyncadd.s32 $0xFFFFFB00  }
0x263: {  	s15 =	rddreg [dreg:$0xb];
	v1 =	vld [tilespmem:s9+$0x0]  }
0x264: {  	v2 =	vld [tilespmem:s15+$0x0];
	_ =	sdelay $0x3  }
0x265: {  	s24 =	simm.s32 $0x0  }
0x266: {  	v3 =	vmov s24;
	vm14 =	vlt.s32 v2, v1  }
0x267: {  	v3 =	vshll.u32 v3, $0x4;
	v1 =	vsel vm14, v2, v1  }
0x268: {  	v2 =	vor.u32 v0, v3;
	v3 =	vand.u32 $0xF, v1  }
0x269: {  	v2 =	vor.u32 v2, v3;
	_ =	sdelay $0x4  }
0x26a: {  	v2 =	vld.idx.msk [tilespmem:v2+s14+$0x0], $0xffff;
	_ =	sdelay $0x3  }
0x26b: {  	v1 =	vand.u32 $0x80, v1  }
0x26c: {  	vm15 =	veq.s32 v1, $0x0;
	v3 =	vunpack.i.u.bf16.f32 v2;
	v2 =	vunpack.i.l.bf16.f32 v2  }
0x26d: {  	v1 =	vsel vm15, v2, v3  }
0x26e: {  	v1 =	vsub.f32 $0.0e+00, v1;
	_ =	sdelay $0x1  }
0x26f: {  	v1 =	vmul.f32 $1.442695020e+00, v1;
	_ =	sdelay $0x1  }
0x270: {  	(erf) = vpow2.f32 v1;
	_ =	sdelay $0x8  }
0x271: {  	v1 =	vpop (erf)  }
0x272: {  	v1 =	vadd.f32 $1.000000000e+00, v1;
	_ =	sdelay $0x1  }
0x273: {  	(erf) = vrcp.f32 v1;
	_ =	sdelay $0x8  }
0x274: {  	v1 =	vpop (erf)  }
0x275: {  	s24 =	sadd.s32 $0x10, s9;
	[tilespmem:s8+$0x0] =	vst v1  }
0x276: {  	s9 =	sadd.s32 $0x10, s15;
	v1 =	vld [tilespmem:s24+$0x0]  }
0x277: {  	s13 =	simm.s32 $0x10;
	s3 =	smov.u32 s8;
	s15 =	simm.s32 $0x20;
	v2 =	vld [tilespmem:s9+$0x0]  }
.LBB2_7:
0x278: {  	p0 =	seq.s32 s15, $0x40;
	_ =	sdelay $0x3  }
0x279: {  	v3 =	vmov s13;
	s13 =	smov.u32 s15;
	vm0 =	vlt.s32 v2, v1  }
0x27a: {  	v3 =	vshll.u32 v3, $0x4;
	v1 =	vsel vm0, v2, v1  }
0x27b: {  	v2 =	vor.u32 v0, v3;
	v3 =	vand.u32 $0xF, v1  }
0x27c: {  	v2 =	vor.u32 v2, v3;
	_ =	sdelay $0x4  }
0x27d: {  	v2 =	vld.idx.msk [tilespmem:v2+s14+$0x0], $0xffff;
	_ =	sdelay $0x4  }
0x27e: {  	v1 =	vand.u32 $0x80, v1  }
0x27f: {  	vm0 =	veq.s32 v1, $0x0;
	v3 =	vunpack.i.u.bf16.f32 v2;
	v2 =	vunpack.i.l.bf16.f32 v2  }
0x280: {  	v1 =	vsel vm0, v2, v3  }
0x281: {  	v1 =	vsub.f32 $0.0e+00, v1;
	_ =	sdelay $0x1  }
0x282: {  	v1 =	vmul.f32 $1.442695020e+00, v1;
	_ =	sdelay $0x1  }
0x283: {  	(erf) = vpow2.f32 v1;
	_ =	sdelay $0x8  }
0x284: {  	v1 =	vpop (erf)  }
0x285: {  	v1 =	vadd.f32 $1.000000000e+00, v1;
	_ =	sdelay $0x1  }
0x286: {  	(erf) = vrcp.f32 v1;
	_ =	sdelay $0x7  }
.Ltmp2:
0x287: {  	(pc) =	sbr.rel @!p0 .LBB2_7-.Ltmp2, $4  }
0x288: {  	s3 =	sadd.s32 $0x10, s3;
	v1 =	vpop (erf)  }
0x289: {  	s24 =	sadd.s32 $0x10, s24;
	[tilespmem:s3+$0x0] =	vst v1  }
0x28a: {  	s9 =	sadd.s32 $0x10, s9;
	v1 =	vld [tilespmem:s24+$0x0]  }
0x28b: {  	s15 =	sadd.s32 $0x10, s15;
	v2 =	vld [tilespmem:s9+$0x0]  }
0x28c: {  	_ =	sdelay $0x3  }
0x28d: {  	v3 =	vmov s13;
	vm0 =	vlt.s32 v2, v1  }
0x28e: {  	v3 =	vshll.u32 v3, $0x4;
	v1 =	vsel vm0, v2, v1  }
0x28f: {  	v2 =	vor.u32 v0, v3;
	v3 =	vand.u32 $0xF, v1  }
0x290: {  	v2 =	vor.u32 v2, v3;
	_ =	sdelay $0x4  }
0x291: {  	v2 =	vld.idx.msk [tilespmem:v2+s14+$0x0], $0xffff;
	_ =	sdelay $0x3  }
0x292: {  	v1 =	vand.u32 $0x80, v1  }
0x293: {  	vm8 =	veq.s32 v1, $0x0;
	v3 =	vunpack.i.u.bf16.f32 v2;
	v2 =	vunpack.i.l.bf16.f32 v2  }
0x294: {  	v1 =	vsel vm8, v2, v3  }
0x295: {  	v1 =	vsub.f32 $0.0e+00, v1;
	_ =	sdelay $0x1  }
0x296: {  	v1 =	vmul.f32 $1.442695020e+00, v1;
	_ =	sdelay $0x1  }
0x297: {  	(erf) = vpow2.f32 v1;
	_ =	sdelay $0x8  }
0x298: {  	v1 =	vpop (erf)  }
0x299: {  	v1 =	vadd.f32 $1.000000000e+00, v1;
	_ =	sdelay $0x1  }
0x29a: {  	(erf) = vrcp.f32 v1;
	_ =	sdelay $0x8  }
0x29b: {  	s3 =	sadd.s32 $0x10, s3;
	v1 =	vpop (erf)  }
0x29c: {  	[tilespmem:s3+$0x0] =	vst v1  }
0x29d: {  	v1 =	vld [tilespmem:s5+$0x320]  }
0x29e: {  	v2 =	vld [tilespmem:s5+$0x2A30];
	_ =	sdelay $0x4  }
0x29f: {  	vm9 =	vlt.s32 v1, v2  }
0x2a0: {  	v3 =	vsel vm9, v2, v1  }
0x2a1: {  	v4 =	vshrl.u32 v3, $0x3  }
0x2a2: {  	v1 =	vsel vm9, v1, v2;
	v2 =	vmul.u32 $0x28, v4  }
0x2a3: {  	v55 =	vshrl.u32 v1, $0x8  }
0x2a4: {  	v3 =	vshll.u32 v3, $0x7;
	v2 =	vadd.s32 v55, v2  }
0x2a5: {  	v3 =	vand.u32 $0x380, v3;
	v2 =	vshll.u32 v2, $0xA  }
0x2a6: {  	v1 =	vand.u32 $0x70, v1;
	v2 =	vor.u32 v3, v2  }
0x2a7: {  	v1 =	vor.u32 v1, v2  }
0x2a8: {  	v1 =	vshrl.u32 v1, $0x4  }
0x2a9: {  	[tilespmem:$0x4EC0] =	vst v1  }
0x2aa: {  	v1 =	vld [tilespmem:s5+$0x330]  }
0x2ab: {  	v2 =	vld [tilespmem:s5+$0x2A40];
	_ =	sdelay $0x4  }
0x2ac: {  	vm10 =	vlt.s32 v1, v2  }
0x2ad: {  	v3 =	vsel vm10, v2, v1  }
0x2ae: {  	v56 =	vshrl.u32 v3, $0x3  }
0x2af: {  	v1 =	vsel vm10, v1, v2;
	v2 =	vmul.u32 $0x28, v56  }
0x2b0: {  	v57 =	vshrl.u32 v1, $0x8  }
0x2b1: {  	v3 =	vshll.u32 v3, $0x7;
	v2 =	vadd.s32 v57, v2  }
0x2b2: {  	v3 =	vand.u32 $0x380, v3;
	v2 =	vshll.u32 v2, $0xA  }
0x2b3: {  	v1 =	vand.u32 $0x70, v1;
	v2 =	vor.u32 v3, v2  }
0x2b4: {  	v1 =	vor.u32 v1, v2  }
0x2b5: {  	v1 =	vshrl.u32 v1, $0x4  }
0x2b6: {  	[tilespmem:$0x4ED0] =	vst v1  }
0x2b7: {  	v1 =	vld [tilespmem:s5+$0x340]  }
0x2b8: {  	v2 =	vld [tilespmem:s5+$0x2A50];
	_ =	sdelay $0x4  }
0x2b9: {  	vm11 =	vlt.s32 v1, v2  }
0x2ba: {  	v3 =	vsel vm11, v2, v1  }
0x2bb: {  	v58 =	vshrl.u32 v3, $0x3  }
0x2bc: {  	v1 =	vsel vm11, v1, v2;
	v2 =	vmul.u32 $0x28, v58  }
0x2bd: {  	v59 =	vshrl.u32 v1, $0x8  }
0x2be: {  	v3 =	vshll.u32 v3, $0x7;
	v2 =	vadd.s32 v59, v2  }
0x2bf: {  	v3 =	vand.u32 $0x380, v3;
	v2 =	vshll.u32 v2, $0xA  }
0x2c0: {  	v1 =	vand.u32 $0x70, v1;
	v2 =	vor.u32 v3, v2  }
0x2c1: {  	v1 =	vor.u32 v1, v2  }
0x2c2: {  	v1 =	vshrl.u32 v1, $0x4  }
0x2c3: {  	[tilespmem:$0x4EE0] =	vst v1  }
0x2c4: {  	v1 =	vld [tilespmem:s5+$0x350]  }
0x2c5: {  	v2 =	vld [tilespmem:s5+$0x2A60];
	_ =	sdelay $0x4  }
0x2c6: {  	vm12 =	vlt.s32 v1, v2  }
0x2c7: {  	v3 =	vsel vm12, v2, v1  }
0x2c8: {  	v60 =	vshrl.u32 v3, $0x3  }
0x2c9: {  	v1 =	vsel vm12, v1, v2;
	v2 =	vmul.u32 $0x28, v60  }
0x2ca: {  	v61 =	vshrl.u32 v1, $0x8  }
0x2cb: {  	v3 =	vshll.u32 v3, $0x7;
	v2 =	vadd.s32 v61, v2  }
0x2cc: {  	v3 =	vand.u32 $0x380, v3;
	v2 =	vshll.u32 v2, $0xA  }
0x2cd: {  	v1 =	vand.u32 $0x70, v1;
	v2 =	vor.u32 v3, v2  }
0x2ce: {  	v1 =	vor.u32 v1, v2  }
0x2cf: {  	v1 =	vshrl.u32 v1, $0x4  }
0x2d0: {  	[tilespmem:$0x4EF0] =	vst v1  }
0x2d1: {  	v1 =	vld [tilespmem:s5+$0x360]  }
0x2d2: {  	v2 =	vld [tilespmem:s5+$0x2A70];
	_ =	sdelay $0x4  }
0x2d3: {  	vm13 =	vlt.s32 v1, v2  }
0x2d4: {  	v3 =	vsel vm13, v2, v1  }
0x2d5: {  	v62 =	vshrl.u32 v3, $0x3  }
0x2d6: {  	v1 =	vsel vm13, v1, v2;
	v2 =	vmul.u32 $0x28, v62  }
0x2d7: {  	v63 =	vshrl.u32 v1, $0x8  }
0x2d8: {  	v3 =	vshll.u32 v3, $0x7;
	v2 =	vadd.s32 v63, v2  }
0x2d9: {  	v3 =	vand.u32 $0x380, v3;
	v2 =	vshll.u32 v2, $0xA  }
0x2da: {  	v1 =	vand.u32 $0x70, v1;
	v2 =	vor.u32 v3, v2  }
0x2db: {  	v1 =	vor.u32 v1, v2  }
0x2dc: {  	v1 =	vshrl.u32 v1, $0x4  }
0x2dd: {  	s15 =	rddreg [dreg:$0x3];
	s9 =	simm.s32 $0x4EC0;
	s24 =	simm.s32 $0x50;
	[tilespmem:$0x4F00] =	vst v1  }
0x2de: {  	[tilespmem:s14], [sflag:$0x3] =	stream.indirect.gather [hbm4b:s15+s24], $0x10, s9, s24, $0xb8;
	[tilespmem:$0x9FB0] =	vst v63  }
0x2df: {  	s15 =	simm.s32 $0x4  }
0x2e0: {  	_ =	swait.ge [sflag:s15], $0x500  }
0x2e1: {  	[sflag:s15] =	ssyncset.done $0x0  }
0x2e2: {  	s9 =	rddreg [dreg:$0xe];
	[sflag:s15] =	ssyncadd.s32 $0xFFFFFB00  }
0x2e3: {  	s15 =	rddreg [dreg:$0xd];
	v1 =	vld [tilespmem:s9+$0x0]  }
0x2e4: {  	v2 =	vld [tilespmem:s15+$0x0];
	_ =	sdelay $0x3  }
0x2e5: {  	s24 =	simm.s32 $0x0  }
0x2e6: {  	v3 =	vmov s24;
	vm14 =	vlt.s32 v2, v1  }
0x2e7: {  	v3 =	vshll.u32 v3, $0x4;
	v1 =	vsel vm14, v2, v1  }
0x2e8: {  	v2 =	vor.u32 v0, v3;
	v3 =	vand.u32 $0xF, v1  }
0x2e9: {  	v2 =	vor.u32 v2, v3;
	_ =	sdelay $0x4  }
0x2ea: {  	v2 =	vld.idx.msk [tilespmem:v2+s16+$0x0], $0xffff;
	_ =	sdelay $0x3  }
0x2eb: {  	v1 =	vand.u32 $0x80, v1  }
0x2ec: {  	vm15 =	veq.s32 v1, $0x0;
	v3 =	vunpack.i.u.bf16.f32 v2;
	v2 =	vunpack.i.l.bf16.f32 v2  }
0x2ed: {  	v1 =	vsel vm15, v2, v3  }
0x2ee: {  	v1 =	vsub.f32 $0.0e+00, v1;
	_ =	sdelay $0x1  }
0x2ef: {  	v1 =	vmul.f32 $1.442695020e+00, v1;
	_ =	sdelay $0x1  }
0x2f0: {  	(erf) = vpow2.f32 v1;
	_ =	sdelay $0x8  }
0x2f1: {  	v1 =	vpop (erf)  }
0x2f2: {  	v1 =	vadd.f32 $1.000000000e+00, v1;
	_ =	sdelay $0x1  }
0x2f3: {  	(erf) = vrcp.f32 v1;
	_ =	sdelay $0x8  }
0x2f4: {  	v1 =	vpop (erf)  }
0x2f5: {  	s24 =	sadd.s32 $0x10, s9;
	[tilespmem:s21+$0x0] =	vst v1  }
0x2f6: {  	s9 =	sadd.s32 $0x10, s15;
	v1 =	vld [tilespmem:s24+$0x0]  }
0x2f7: {  	s13 =	simm.s32 $0x10;
	s3 =	smov.u32 s21;
	s15 =	simm.s32 $0x20;
	v2 =	vld [tilespmem:s9+$0x0]  }
.LBB2_9:
0x2f8: {  	p0 =	seq.s32 s15, $0x40;
	_ =	sdelay $0x3  }
0x2f9: {  	v3 =	vmov s13;
	s13 =	smov.u32 s15;
	vm0 =	vlt.s32 v2, v1  }
0x2fa: {  	v3 =	vshll.u32 v3, $0x4;
	v1 =	vsel vm0, v2, v1  }
0x2fb: {  	v2 =	vor.u32 v0, v3;
	v3 =	vand.u32 $0xF, v1  }
0x2fc: {  	v2 =	vor.u32 v2, v3;
	_ =	sdelay $0x4  }
0x2fd: {  	v2 =	vld.idx.msk [tilespmem:v2+s16+$0x0], $0xffff;
	_ =	sdelay $0x4  }
0x2fe: {  	v1 =	vand.u32 $0x80, v1  }
0x2ff: {  	vm0 =	veq.s32 v1, $0x0;
	v3 =	vunpack.i.u.bf16.f32 v2;
	v2 =	vunpack.i.l.bf16.f32 v2  }
0x300: {  	v1 =	vsel vm0, v2, v3  }
0x301: {  	v1 =	vsub.f32 $0.0e+00, v1;
	_ =	sdelay $0x1  }
0x302: {  	v1 =	vmul.f32 $1.442695020e+00, v1;
	_ =	sdelay $0x1  }
0x303: {  	(erf) = vpow2.f32 v1;
	_ =	sdelay $0x8  }
0x304: {  	v1 =	vpop (erf)  }
0x305: {  	v1 =	vadd.f32 $1.000000000e+00, v1;
	_ =	sdelay $0x1  }
0x306: {  	(erf) = vrcp.f32 v1;
	_ =	sdelay $0x7  }
.Ltmp3:
0x307: {  	(pc) =	sbr.rel @!p0 .LBB2_9-.Ltmp3, $4  }
0x308: {  	s3 =	sadd.s32 $0x10, s3;
	v1 =	vpop (erf)  }
0x309: {  	s24 =	sadd.s32 $0x10, s24;
	[tilespmem:s3+$0x0] =	vst v1  }
0x30a: {  	s9 =	sadd.s32 $0x10, s9;
	v1 =	vld [tilespmem:s24+$0x0]  }
0x30b: {  	s15 =	sadd.s32 $0x10, s15;
	v2 =	vld [tilespmem:s9+$0x0]  }
0x30c: {  	_ =	sdelay $0x3  }
0x30d: {  	v3 =	vmov s13;
	vm0 =	vlt.s32 v2, v1  }
0x30e: {  	v3 =	vshll.u32 v3, $0x4;
	v1 =	vsel vm0, v2, v1  }
0x30f: {  	v2 =	vor.u32 v0, v3;
	v3 =	vand.u32 $0xF, v1  }
0x310: {  	v2 =	vor.u32 v2, v3;
	_ =	sdelay $0x4  }
0x311: {  	v2 =	vld.idx.msk [tilespmem:v2+s16+$0x0], $0xffff;
	_ =	sdelay $0x3  }
0x312: {  	v1 =	vand.u32 $0x80, v1  }
0x313: {  	vm8 =	veq.s32 v1, $0x0;
	v3 =	vunpack.i.u.bf16.f32 v2;
	v2 =	vunpack.i.l.bf16.f32 v2  }
0x314: {  	v1 =	vsel vm8, v2, v3  }
0x315: {  	v1 =	vsub.f32 $0.0e+00, v1;
	_ =	sdelay $0x1  }
0x316: {  	v1 =	vmul.f32 $1.442695020e+00, v1;
	_ =	sdelay $0x1  }
0x317: {  	(erf) = vpow2.f32 v1;
	_ =	sdelay $0x8  }
0x318: {  	v1 =	vpop (erf)  }
0x319: {  	v1 =	vadd.f32 $1.000000000e+00, v1;
	_ =	sdelay $0x1  }
0x31a: {  	(erf) = vrcp.f32 v1;
	_ =	sdelay $0x8  }
0x31b: {  	s3 =	sadd.s32 $0x10, s3;
	v1 =	vpop (erf)  }
0x31c: {  	[tilespmem:s3+$0x0] =	vst v1  }
0x31d: {  	v1 =	vld [tilespmem:s5+$0x370]  }
0x31e: {  	v2 =	vld [tilespmem:s5+$0x2A80];
	_ =	sdelay $0x4  }
0x31f: {  	vm9 =	vlt.s32 v1, v2  }
0x320: {  	v3 =	vsel vm9, v2, v1  }
0x321: {  	v4 =	vshrl.u32 v3, $0x3  }
0x322: {  	v1 =	vsel vm9, v1, v2;
	v2 =	vmul.u32 $0x28, v4  }
0x323: {  	v55 =	vshrl.u32 v1, $0x8  }
0x324: {  	v3 =	vshll.u32 v3, $0x7;
	v2 =	vadd.s32 v55, v2  }
0x325: {  	v3 =	vand.u32 $0x380, v3;
	v2 =	vshll.u32 v2, $0xA  }
0x326: {  	v1 =	vand.u32 $0x70, v1;
	v2 =	vor.u32 v3, v2  }
0x327: {  	v1 =	vor.u32 v1, v2  }
0x328: {  	v1 =	vshrl.u32 v1, $0x4  }
0x329: {  	[tilespmem:$0x4F10] =	vst v1  }
0x32a: {  	v1 =	vld [tilespmem:s5+$0x380]  }
0x32b: {  	v2 =	vld [tilespmem:s5+$0x2A90];
	_ =	sdelay $0x4  }
0x32c: {  	vm10 =	vlt.s32 v1, v2  }
0x32d: {  	v3 =	vsel vm10, v2, v1  }
0x32e: {  	v56 =	vshrl.u32 v3, $0x3  }
0x32f: {  	v1 =	vsel vm10, v1, v2;
	v2 =	vmul.u32 $0x28, v56  }
0x330: {  	v57 =	vshrl.u32 v1, $0x8  }
0x331: {  	v3 =	vshll.u32 v3, $0x7;
	v2 =	vadd.s32 v57, v2  }
0x332: {  	v3 =	vand.u32 $0x380, v3;
	v2 =	vshll.u32 v2, $0xA  }
0x333: {  	v1 =	vand.u32 $0x70, v1;
	v2 =	vor.u32 v3, v2  }
0x334: {  	v1 =	vor.u32 v1, v2  }
0x335: {  	v1 =	vshrl.u32 v1, $0x4  }
0x336: {  	[tilespmem:$0x4F20] =	vst v1  }
0x337: {  	v1 =	vld [tilespmem:s5+$0x390]  }
0x338: {  	v2 =	vld [tilespmem:s5+$0x2AA0];
	_ =	sdelay $0x4  }
0x339: {  	vm11 =	vlt.s32 v1, v2  }
0x33a: {  	v3 =	vsel vm11, v2, v1  }
0x33b: {  	v58 =	vshrl.u32 v3, $0x3  }
0x33c: {  	v1 =	vsel vm11, v1, v2;
	v2 =	vmul.u32 $0x28, v58  }
0x33d: {  	v59 =	vshrl.u32 v1, $0x8  }
0x33e: {  	v3 =	vshll.u32 v3, $0x7;
	v2 =	vadd.s32 v59, v2  }
0x33f: {  	v3 =	vand.u32 $0x380, v3;
	v2 =	vshll.u32 v2, $0xA  }
0x340: {  	v1 =	vand.u32 $0x70, v1;
	v2 =	vor.u32 v3, v2  }
0x341: {  	v1 =	vor.u32 v1, v2  }
0x342: {  	v1 =	vshrl.u32 v1, $0x4  }
0x343: {  	[tilespmem:$0x4F30] =	vst v1  }
0x344: {  	v1 =	vld [tilespmem:s5+$0x3A0]  }
0x345: {  	v2 =	vld [tilespmem:s5+$0x2AB0];
	_ =	sdelay $0x4  }
0x346: {  	vm12 =	vlt.s32 v1, v2  }
0x347: {  	v3 =	vsel vm12, v2, v1  }
0x348: {  	v60 =	vshrl.u32 v3, $0x3  }
0x349: {  	v1 =	vsel vm12, v1, v2;
	v2 =	vmul.u32 $0x28, v60  }
0x34a: {  	v61 =	vshrl.u32 v1, $0x8  }
0x34b: {  	v3 =	vshll.u32 v3, $0x7;
	v2 =	vadd.s32 v61, v2  }
0x34c: {  	v3 =	vand.u32 $0x380, v3;
	v2 =	vshll.u32 v2, $0xA  }
0x34d: {  	v1 =	vand.u32 $0x70, v1;
	v2 =	vor.u32 v3, v2  }
0x34e: {  	v1 =	vor.u32 v1, v2  }
0x34f: {  	v1 =	vshrl.u32 v1, $0x4  }
0x350: {  	[tilespmem:$0x4F40] =	vst v1  }
0x351: {  	v1 =	vld [tilespmem:s5+$0x3B0]  }
0x352: {  	v2 =	vld [tilespmem:s5+$0x2AC0];
	_ =	sdelay $0x4  }
0x353: {  	vm13 =	vlt.s32 v1, v2  }
0x354: {  	v3 =	vsel vm13, v2, v1  }
0x355: {  	v62 =	vshrl.u32 v3, $0x3  }
0x356: {  	v1 =	vsel vm13, v1, v2;
	v2 =	vmul.u32 $0x28, v62  }
0x357: {  	v63 =	vshrl.u32 v1, $0x8  }
0x358: {  	v3 =	vshll.u32 v3, $0x7;
	v2 =	vadd.s32 v63, v2  }
0x359: {  	v3 =	vand.u32 $0x380, v3;
	v2 =	vshll.u32 v2, $0xA  }
0x35a: {  	v1 =	vand.u32 $0x70, v1;
	v2 =	vor.u32 v3, v2  }
0x35b: {  	v1 =	vor.u32 v1, v2  }
0x35c: {  	v1 =	vshrl.u32 v1, $0x4  }
0x35d: {  	s15 =	rddreg [dreg:$0x3];
	s9 =	simm.s32 $0x4F10;
	s24 =	simm.s32 $0x50;
	[tilespmem:$0x4F50] =	vst v1  }
0x35e: {  	[tilespmem:s16], [sflag:$0x4] =	stream.indirect.gather [hbm4b:s15+s24], $0x10, s9, s24, $0xb8;
	[tilespmem:$0x9FB0] =	vst v63  }
0x35f: {  	s15 =	simm.s32 $0x5  }
0x360: {  	_ =	swait.ge [sflag:s15], $0x500  }
0x361: {  	[sflag:s15] =	ssyncset.done $0x0  }
0x362: {  	s9 =	rddreg [dreg:$0x10];
	[sflag:s15] =	ssyncadd.s32 $0xFFFFFB00  }
0x363: {  	s15 =	rddreg [dreg:$0xf];
	v1 =	vld [tilespmem:s9+$0x0]  }
0x364: {  	v2 =	vld [tilespmem:s15+$0x0];
	_ =	sdelay $0x3  }
0x365: {  	s24 =	simm.s32 $0x0  }
0x366: {  	v3 =	vmov s24;
	vm14 =	vlt.s32 v2, v1  }
0x367: {  	v3 =	vshll.u32 v3, $0x4;
	v1 =	vsel vm14, v2, v1  }
0x368: {  	v2 =	vor.u32 v0, v3;
	v3 =	vand.u32 $0xF, v1  }
0x369: {  	v2 =	vor.u32 v2, v3;
	_ =	sdelay $0x4  }
0x36a: {  	v2 =	vld.idx.msk [tilespmem:v2+s18+$0x0], $0xffff;
	_ =	sdelay $0x3  }
0x36b: {  	v1 =	vand.u32 $0x80, v1  }
0x36c: {  	vm15 =	veq.s32 v1, $0x0;
	v3 =	vunpack.i.u.bf16.f32 v2;
	v2 =	vunpack.i.l.bf16.f32 v2  }
0x36d: {  	v1 =	vsel vm15, v2, v3  }
0x36e: {  	v1 =	vsub.f32 $0.0e+00, v1;
	_ =	sdelay $0x1  }
0x36f: {  	v1 =	vmul.f32 $1.442695020e+00, v1;
	_ =	sdelay $0x1  }
0x370: {  	(erf) = vpow2.f32 v1;
	_ =	sdelay $0x8  }
0x371: {  	v1 =	vpop (erf)  }
0x372: {  	v1 =	vadd.f32 $1.000000000e+00, v1;
	_ =	sdelay $0x1  }
0x373: {  	(erf) = vrcp.f32 v1;
	_ =	sdelay $0x8  }
0x374: {  	v1 =	vpop (erf)  }
0x375: {  	s24 =	sadd.s32 $0x10, s9;
	[tilespmem:s11+$0x0] =	vst v1  }
0x376: {  	s9 =	sadd.s32 $0x10, s15;
	v1 =	vld [tilespmem:s24+$0x0]  }
0x377: {  	s13 =	simm.s32 $0x10;
	s3 =	smov.u32 s11;
	s15 =	simm.s32 $0x20;
	v2 =	vld [tilespmem:s9+$0x0]  }
.LBB2_11:
0x378: {  	p0 =	seq.s32 s15, $0x40;
	_ =	sdelay $0x3  }
0x379: {  	v3 =	vmov s13;
	s13 =	smov.u32 s15;
	vm0 =	vlt.s32 v2, v1  }
0x37a: {  	v3 =	vshll.u32 v3, $0x4;
	v1 =	vsel vm0, v2, v1  }
0x37b: {  	v2 =	vor.u32 v0, v3;
	v3 =	vand.u32 $0xF, v1  }
0x37c: {  	v2 =	vor.u32 v2, v3;
	_ =	sdelay $0x4  }
0x37d: {  	v2 =	vld.idx.msk [tilespmem:v2+s18+$0x0], $0xffff;
	_ =	sdelay $0x4  }
0x37e: {  	v1 =	vand.u32 $0x80, v1  }
0x37f: {  	vm0 =	veq.s32 v1, $0x0;
	v3 =	vunpack.i.u.bf16.f32 v2;
	v2 =	vunpack.i.l.bf16.f32 v2  }
0x380: {  	v1 =	vsel vm0, v2, v3  }
0x381: {  	v1 =	vsub.f32 $0.0e+00, v1;
	_ =	sdelay $0x1  }
0x382: {  	v1 =	vmul.f32 $1.442695020e+00, v1;
	_ =	sdelay $0x1  }
0x383: {  	(erf) = vpow2.f32 v1;
	_ =	sdelay $0x8  }
0x384: {  	v1 =	vpop (erf)  }
0x385: {  	v1 =	vadd.f32 $1.000000000e+00, v1;
	_ =	sdelay $0x1  }
0x386: {  	(erf) = vrcp.f32 v1;
	_ =	sdelay $0x7  }
.Ltmp4:
0x387: {  	(pc) =	sbr.rel @!p0 .LBB2_11-.Ltmp4, $4  }
0x388: {  	s3 =	sadd.s32 $0x10, s3;
	v1 =	vpop (erf)  }
0x389: {  	s24 =	sadd.s32 $0x10, s24;
	[tilespmem:s3+$0x0] =	vst v1  }
0x38a: {  	s9 =	sadd.s32 $0x10, s9;
	v1 =	vld [tilespmem:s24+$0x0]  }
0x38b: {  	s15 =	sadd.s32 $0x10, s15;
	v2 =	vld [tilespmem:s9+$0x0]  }
0x38c: {  	_ =	sdelay $0x3  }
0x38d: {  	v3 =	vmov s13;
	vm0 =	vlt.s32 v2, v1  }
0x38e: {  	v3 =	vshll.u32 v3, $0x4;
	v1 =	vsel vm0, v2, v1  }
0x38f: {  	v2 =	vor.u32 v0, v3;
	v3 =	vand.u32 $0xF, v1  }
0x390: {  	v2 =	vor.u32 v2, v3;
	_ =	sdelay $0x4  }
0x391: {  	v2 =	vld.idx.msk [tilespmem:v2+s18+$0x0], $0xffff;
	_ =	sdelay $0x3  }
0x392: {  	v1 =	vand.u32 $0x80, v1  }
0x393: {  	vm8 =	veq.s32 v1, $0x0;
	v3 =	vunpack.i.u.bf16.f32 v2;
	v2 =	vunpack.i.l.bf16.f32 v2  }
0x394: {  	v1 =	vsel vm8, v2, v3  }
0x395: {  	v1 =	vsub.f32 $0.0e+00, v1;
	_ =	sdelay $0x1  }
0x396: {  	v1 =	vmul.f32 $1.442695020e+00, v1;
	_ =	sdelay $0x1  }
0x397: {  	(erf) = vpow2.f32 v1;
	_ =	sdelay $0x8  }
0x398: {  	v1 =	vpop (erf)  }
0x399: {  	v1 =	vadd.f32 $1.000000000e+00, v1;
	_ =	sdelay $0x1  }
0x39a: {  	(erf) = vrcp.f32 v1;
	_ =	sdelay $0x8  }
0x39b: {  	s3 =	sadd.s32 $0x10, s3;
	v1 =	vpop (erf)  }
0x39c: {  	[tilespmem:s3+$0x0] =	vst v1  }
0x39d: {  	v1 =	vld [tilespmem:s5+$0x3C0]  }
0x39e: {  	v2 =	vld [tilespmem:s5+$0x2AD0];
	_ =	sdelay $0x4  }
0x39f: {  	vm9 =	vlt.s32 v1, v2  }
0x3a0: {  	v3 =	vsel vm9, v2, v1  }
0x3a1: {  	v4 =	vshrl.u32 v3, $0x3  }
0x3a2: {  	v1 =	vsel vm9, v1, v2;
	v2 =	vmul.u32 $0x28, v4  }
0x3a3: {  	v55 =	vshrl.u32 v1, $0x8  }
0x3a4: {  	v3 =	vshll.u32 v3, $0x7;
	v2 =	vadd.s32 v55, v2  }
0x3a5: {  	v3 =	vand.u32 $0x380, v3;
	v2 =	vshll.u32 v2, $0xA  }
0x3a6: {  	v1 =	vand.u32 $0x70, v1;
	v2 =	vor.u32 v3, v2  }
0x3a7: {  	v1 =	vor.u32 v1, v2  }
0x3a8: {  	v1 =	vshrl.u32 v1, $0x4  }
0x3a9: {  	[tilespmem:$0x4F60] =	vst v1  }
0x3aa: {  	v1 =	vld [tilespmem:s5+$0x3D0]  }
0x3ab: {  	v2 =	vld [tilespmem:s5+$0x2AE0];
	_ =	sdelay $0x4  }
0x3ac: {  	vm10 =	vlt.s32 v1, v2  }
0x3ad: {  	v3 =	vsel vm10, v2, v1  }
0x3ae: {  	v56 =	vshrl.u32 v3, $0x3  }
0x3af: {  	v1 =	vsel vm10, v1, v2;
	v2 =	vmul.u32 $0x28, v56  }
0x3b0: {  	v57 =	vshrl.u32 v1, $0x8  }
0x3b1: {  	v3 =	vshll.u32 v3, $0x7;
	v2 =	vadd.s32 v57, v2  }
0x3b2: {  	v3 =	vand.u32 $0x380, v3;
	v2 =	vshll.u32 v2, $0xA  }
0x3b3: {  	v1 =	vand.u32 $0x70, v1;
	v2 =	vor.u32 v3, v2  }
0x3b4: {  	v1 =	vor.u32 v1, v2  }
0x3b5: {  	v1 =	vshrl.u32 v1, $0x4  }
0x3b6: {  	[tilespmem:$0x4F70] =	vst v1  }
0x3b7: {  	v1 =	vld [tilespmem:s5+$0x3E0]  }
0x3b8: {  	v2 =	vld [tilespmem:s5+$0x2AF0];
	_ =	sdelay $0x4  }
0x3b9: {  	vm11 =	vlt.s32 v1, v2  }
0x3ba: {  	v3 =	vsel vm11, v2, v1  }
0x3bb: {  	v58 =	vshrl.u32 v3, $0x3  }
0x3bc: {  	v1 =	vsel vm11, v1, v2;
	v2 =	vmul.u32 $0x28, v58  }
0x3bd: {  	v59 =	vshrl.u32 v1, $0x8  }
0x3be: {  	v3 =	vshll.u32 v3, $0x7;
	v2 =	vadd.s32 v59, v2  }
0x3bf: {  	v3 =	vand.u32 $0x380, v3;
	v2 =	vshll.u32 v2, $0xA  }
0x3c0: {  	v1 =	vand.u32 $0x70, v1;
	v2 =	vor.u32 v3, v2  }
0x3c1: {  	v1 =	vor.u32 v1, v2  }
0x3c2: {  	v1 =	vshrl.u32 v1, $0x4  }
0x3c3: {  	[tilespmem:$0x4F80] =	vst v1  }
0x3c4: {  	v1 =	vld [tilespmem:s5+$0x3F0]  }
0x3c5: {  	v2 =	vld [tilespmem:s5+$0x2B00];
	_ =	sdelay $0x4  }
0x3c6: {  	vm12 =	vlt.s32 v1, v2  }
0x3c7: {  	v3 =	vsel vm12, v2, v1  }
0x3c8: {  	v60 =	vshrl.u32 v3, $0x3  }
0x3c9: {  	v1 =	vsel vm12, v1, v2;
	v2 =	vmul.u32 $0x28, v60  }
0x3ca: {  	v61 =	vshrl.u32 v1, $0x8  }
0x3cb: {  	v3 =	vshll.u32 v3, $0x7;
	v2 =	vadd.s32 v61, v2  }
0x3cc: {  	v3 =	vand.u32 $0x380, v3;
	v2 =	vshll.u32 v2, $0xA  }
0x3cd: {  	v1 =	vand.u32 $0x70, v1;
	v2 =	vor.u32 v3, v2  }
0x3ce: {  	v1 =	vor.u32 v1, v2  }
0x3cf: {  	v1 =	vshrl.u32 v1, $0x4  }
0x3d0: {  	[tilespmem:$0x4F90] =	vst v1  }
0x3d1: {  	v1 =	vld [tilespmem:s5+$0x400]  }
0x3d2: {  	v2 =	vld [tilespmem:s5+$0x2B10];
	_ =	sdelay $0x4  }
0x3d3: {  	vm13 =	vlt.s32 v1, v2  }
0x3d4: {  	v3 =	vsel vm13, v2, v1  }
0x3d5: {  	v62 =	vshrl.u32 v3, $0x3  }
0x3d6: {  	v1 =	vsel vm13, v1, v2;
	v2 =	vmul.u32 $0x28, v62  }
0x3d7: {  	v63 =	vshrl.u32 v1, $0x8  }
0x3d8: {  	v3 =	vshll.u32 v3, $0x7;
	v2 =	vadd.s32 v63, v2  }
0x3d9: {  	v3 =	vand.u32 $0x380, v3;
	v2 =	vshll.u32 v2, $0xA  }
0x3da: {  	v1 =	vand.u32 $0x70, v1;
	v2 =	vor.u32 v3, v2  }
0x3db: {  	v1 =	vor.u32 v1, v2  }
0x3dc: {  	v1 =	vshrl.u32 v1, $0x4  }
0x3dd: {  	s15 =	rddreg [dreg:$0x3];
	s9 =	simm.s32 $0x4F60;
	s24 =	simm.s32 $0x50;
	[tilespmem:$0x4FA0] =	vst v1  }
0x3de: {  	[tilespmem:s18], [sflag:$0x5] =	stream.indirect.gather [hbm4b:s15+s24], $0x10, s9, s24, $0xb8;
	[tilespmem:$0x9FB0] =	vst v63  }
0x3df: {  	s15 =	simm.s32 $0x6  }
0x3e0: {  	_ =	swait.ge [sflag:s15], $0x500  }
0x3e1: {  	[sflag:s15] =	ssyncset.done $0x0  }
0x3e2: {  	[sflag:s15] =	ssyncadd.s32 $0xFFFFFB00  }
0x3e3: {  	v1 =	vld [tilespmem:s0+$0x0]  }
0x3e4: {  	v2 =	vld [tilespmem:s1+$0x0];
	_ =	sdelay $0x3  }
0x3e5: {  	s24 =	simm.s32 $0x0  }
0x3e6: {  	v3 =	vmov s24;
	vm14 =	vlt.s32 v2, v1  }
0x3e7: {  	v3 =	vshll.u32 v3, $0x4;
	v1 =	vsel vm14, v2, v1  }
0x3e8: {  	v2 =	vor.u32 v0, v3;
	v3 =	vand.u32 $0xF, v1  }
0x3e9: {  	v2 =	vor.u32 v2, v3;
	_ =	sdelay $0x4  }
0x3ea: {  	v2 =	vld.idx.msk [tilespmem:v2+s20+$0x0], $0xffff;
	_ =	sdelay $0x3  }
0x3eb: {  	v1 =	vand.u32 $0x80, v1  }
0x3ec: {  	vm15 =	veq.s32 v1, $0x0;
	v3 =	vunpack.i.u.bf16.f32 v2;
	v2 =	vunpack.i.l.bf16.f32 v2  }
0x3ed: {  	v1 =	vsel vm15, v2, v3  }
0x3ee: {  	v1 =	vsub.f32 $0.0e+00, v1;
	_ =	sdelay $0x1  }
0x3ef: {  	v1 =	vmul.f32 $1.442695020e+00, v1;
	_ =	sdelay $0x1  }
0x3f0: {  	(erf) = vpow2.f32 v1;
	_ =	sdelay $0x8  }
0x3f1: {  	v1 =	vpop (erf)  }
0x3f2: {  	v1 =	vadd.f32 $1.000000000e+00, v1;
	_ =	sdelay $0x1  }
0x3f3: {  	(erf) = vrcp.f32 v1;
	_ =	sdelay $0x8  }
0x3f4: {  	v1 =	vpop (erf)  }
0x3f5: {  	s24 =	sadd.s32 $0x10, s0;
	[tilespmem:s17+$0x0] =	vst v1  }
0x3f6: {  	s9 =	sadd.s32 $0x10, s1;
	v1 =	vld [tilespmem:s24+$0x0]  }
0x3f7: {  	s13 =	simm.s32 $0x10;
	s3 =	smov.u32 s17;
	s15 =	simm.s32 $0x20;
	v2 =	vld [tilespmem:s9+$0x0]  }
.LBB2_13:
0x3f8: {  	p0 =	sne.s32 s15, $0x40;
	_ =	sdelay $0x3  }
0x3f9: {  	v3 =	vmov s13;
	s13 =	smov.u32 s15;
	vm0 =	vlt.s32 v2, v1  }
0x3fa: {  	v3 =	vshll.u32 v3, $0x4;
	v1 =	vsel vm0, v2, v1  }
0x3fb: {  	v2 =	vor.u32 v0, v3;
	v3 =	vand.u32 $0xF, v1  }
0x3fc: {  	v2 =	vor.u32 v2, v3;
	_ =	sdelay $0x4  }
0x3fd: {  	v2 =	vld.idx.msk [tilespmem:v2+s20+$0x0], $0xffff;
	_ =	sdelay $0x4  }
0x3fe: {  	v1 =	vand.u32 $0x80, v1  }
0x3ff: {  	vm0 =	veq.s32 v1, $0x0;
	v3 =	vunpack.i.u.bf16.f32 v2;
	v2 =	vunpack.i.l.bf16.f32 v2  }
0x400: {  	v1 =	vsel vm0, v2, v3  }
0x401: {  	v1 =	vsub.f32 $0.0e+00, v1;
	_ =	sdelay $0x1  }
0x402: {  	v1 =	vmul.f32 $1.442695020e+00, v1;
	_ =	sdelay $0x1  }
0x403: {  	(erf) = vpow2.f32 v1;
	_ =	sdelay $0x8  }
0x404: {  	v1 =	vpop (erf)  }
0x405: {  	v1 =	vadd.f32 $1.000000000e+00, v1;
	_ =	sdelay $0x1  }
0x406: {  	(erf) = vrcp.f32 v1;
	_ =	sdelay $0x7  }
.Ltmp5:
0x407: {  	(pc) =	sbr.rel @p0 .LBB2_13-.Ltmp5, $4  }
0x408: {  	s3 =	sadd.s32 $0x10, s3;
	v1 =	vpop (erf)  }
0x409: {  	s24 =	sadd.s32 $0x10, s24;
	[tilespmem:s3+$0x0] =	vst v1  }
0x40a: {  	s9 =	sadd.s32 $0x10, s9;
	v1 =	vld [tilespmem:s24+$0x0]  }
0x40b: {  	s15 =	sadd.s32 $0x10, s15;
	v2 =	vld [tilespmem:s9+$0x0]  }
0x40c: {  	_ =	sdelay $0x3  }
0x40d: {  	v3 =	vmov s13;
	vm0 =	vlt.s32 v2, v1  }
0x40e: {  	v3 =	vshll.u32 v3, $0x4;
	v1 =	vsel vm0, v2, v1  }
0x40f: {  	v2 =	vor.u32 v0, v3;
	v3 =	vand.u32 $0xF, v1  }
0x410: {  	v2 =	vor.u32 v2, v3;
	_ =	sdelay $0x4  }
0x411: {  	v2 =	vld.idx.msk [tilespmem:v2+s20+$0x0], $0xffff;
	_ =	sdelay $0x3  }
0x412: {  	v1 =	vand.u32 $0x80, v1  }
0x413: {  	vm15 =	veq.s32 v1, $0x0;
	v3 =	vunpack.i.u.bf16.f32 v2;
	v2 =	vunpack.i.l.bf16.f32 v2  }
0x414: {  	v1 =	vsel vm15, v2, v3  }
0x415: {  	v1 =	vsub.f32 $0.0e+00, v1;
	_ =	sdelay $0x1  }
0x416: {  	v1 =	vmul.f32 $1.442695020e+00, v1;
	_ =	sdelay $0x1  }
0x417: {  	(erf) = vpow2.f32 v1;
	_ =	sdelay $0x8  }
0x418: {  	v1 =	vpop (erf)  }
0x419: {  	v1 =	vadd.f32 $1.000000000e+00, v1;
	_ =	sdelay $0x1  }
0x41a: {  	(erf) = vrcp.f32 v1;
	_ =	sdelay $0x4  }
0x41b: {  	p0 =	seq.s32 s2, $0xE  }
.Ltmp6:
0x41c: {  	_ = 	snop;
	(pc) =	sbr.rel @p0 .LBB2_16-.Ltmp6, $3  }
0x41d: {  	_ =	sdelay $0x1  }
0x41e: {  	s3 =	sadd.s32 $0x10, s3;
	v1 =	vpop (erf)  }
0x41f: {  	[tilespmem:s3+$0x0] =	vst v1  }
0x420: {  	v1 =	vld [tilespmem:s5+$0x410]  }
0x421: {  	v2 =	vld [tilespmem:s5+$0x2B20];
	_ =	sdelay $0x4  }
0x422: {  	vm0 =	vlt.s32 v1, v2  }
0x423: {  	v3 =	vsel vm0, v2, v1  }
0x424: {  	v4 =	vshrl.u32 v3, $0x3  }
0x425: {  	v1 =	vsel vm0, v1, v2;
	v2 =	vmul.u32 $0x28, v4  }
0x426: {  	v55 =	vshrl.u32 v1, $0x8  }
0x427: {  	v3 =	vshll.u32 v3, $0x7;
	v2 =	vadd.s32 v55, v2  }
0x428: {  	v3 =	vand.u32 $0x380, v3;
	v2 =	vshll.u32 v2, $0xA  }
0x429: {  	v1 =	vand.u32 $0x70, v1;
	v2 =	vor.u32 v3, v2  }
0x42a: {  	v1 =	vor.u32 v1, v2  }
0x42b: {  	v1 =	vshrl.u32 v1, $0x4  }
0x42c: {  	[tilespmem:$0x4FB0] =	vst v1  }
0x42d: {  	v1 =	vld [tilespmem:s5+$0x420]  }
0x42e: {  	v2 =	vld [tilespmem:s5+$0x2B30];
	_ =	sdelay $0x4  }
0x42f: {  	vm12 =	vlt.s32 v1, v2  }
0x430: {  	v3 =	vsel vm12, v2, v1  }
0x431: {  	v56 =	vshrl.u32 v3, $0x3  }
0x432: {  	v1 =	vsel vm12, v1, v2;
	v2 =	vmul.u32 $0x28, v56  }
0x433: {  	v57 =	vshrl.u32 v1, $0x8  }
0x434: {  	v3 =	vshll.u32 v3, $0x7;
	v2 =	vadd.s32 v57, v2  }
0x435: {  	v3 =	vand.u32 $0x380, v3;
	v2 =	vshll.u32 v2, $0xA  }
0x436: {  	v1 =	vand.u32 $0x70, v1;
	v2 =	vor.u32 v3, v2  }
0x437: {  	v1 =	vor.u32 v1, v2  }
0x438: {  	v1 =	vshrl.u32 v1, $0x4  }
0x439: {  	[tilespmem:$0x4FC0] =	vst v1  }
0x43a: {  	v1 =	vld [tilespmem:s5+$0x430]  }
0x43b: {  	v2 =	vld [tilespmem:s5+$0x2B40];
	_ =	sdelay $0x4  }
0x43c: {  	vm13 =	vlt.s32 v1, v2  }
0x43d: {  	v3 =	vsel vm13, v2, v1  }
0x43e: {  	v58 =	vshrl.u32 v3, $0x3  }
0x43f: {  	v1 =	vsel vm13, v1, v2;
	v2 =	vmul.u32 $0x28, v58  }
0x440: {  	v59 =	vshrl.u32 v1, $0x8  }
0x441: {  	v3 =	vshll.u32 v3, $0x7;
	v2 =	vadd.s32 v59, v2  }
0x442: {  	v3 =	vand.u32 $0x380, v3;
	v2 =	vshll.u32 v2, $0xA  }
0x443: {  	v1 =	vand.u32 $0x70, v1;
	v2 =	vor.u32 v3, v2  }
0x444: {  	v1 =	vor.u32 v1, v2  }
0x445: {  	v1 =	vshrl.u32 v1, $0x4  }
0x446: {  	[tilespmem:$0x4FD0] =	vst v1  }
0x447: {  	v1 =	vld [tilespmem:s5+$0x440]  }
0x448: {  	v2 =	vld [tilespmem:s5+$0x2B50];
	_ =	sdelay $0x4  }
0x449: {  	vm14 =	vlt.s32 v1, v2  }
0x44a: {  	v3 =	vsel vm14, v2, v1  }
0x44b: {  	v60 =	vshrl.u32 v3, $0x3  }
0x44c: {  	v1 =	vsel vm14, v1, v2;
	v2 =	vmul.u32 $0x28, v60  }
0x44d: {  	v61 =	vshrl.u32 v1, $0x8  }
0x44e: {  	v3 =	vshll.u32 v3, $0x7;
	v2 =	vadd.s32 v61, v2  }
0x44f: {  	v3 =	vand.u32 $0x380, v3;
	v2 =	vshll.u32 v2, $0xA  }
0x450: {  	v1 =	vand.u32 $0x70, v1;
	v2 =	vor.u32 v3, v2  }
0x451: {  	v1 =	vor.u32 v1, v2  }
0x452: {  	v1 =	vshrl.u32 v1, $0x4  }
0x453: {  	[tilespmem:$0x4FE0] =	vst v1  }
0x454: {  	v1 =	vld [tilespmem:s5+$0x450]  }
0x455: {  	v2 =	vld [tilespmem:s5+$0x2B60];
	_ =	sdelay $0x4  }
0x456: {  	vm15 =	vlt.s32 v1, v2  }
0x457: {  	v3 =	vsel vm15, v2, v1  }
0x458: {  	v62 =	vshrl.u32 v3, $0x3  }
0x459: {  	v1 =	vsel vm15, v1, v2;
	v2 =	vmul.u32 $0x28, v62  }
0x45a: {  	v63 =	vshrl.u32 v1, $0x8  }
0x45b: {  	v3 =	vshll.u32 v3, $0x7;
	v2 =	vadd.s32 v63, v2  }
0x45c: {  	v3 =	vand.u32 $0x380, v3;
	v2 =	vshll.u32 v2, $0xA  }
0x45d: {  	v1 =	vand.u32 $0x70, v1;
	v2 =	vor.u32 v3, v2  }
0x45e: {  	v1 =	vor.u32 v1, v2  }
0x45f: {  	v1 =	vshrl.u32 v1, $0x4  }
0x460: {  	s3 =	rddreg [dreg:$0x3];
	s9 =	simm.s32 $0x4FB0;
	s13 =	simm.s32 $0x50;
	[tilespmem:$0x4FF0] =	vst v1  }
0x461: {  	[tilespmem:s20], [sflag:$0x6] =	stream.indirect.gather [hbm4b:s3+s13], $0x10, s9, s13, $0xb8;
	[tilespmem:$0x9FB0] =	vst v63  }
.LBB2_16:
0x462: {  	s3 =	simm.s32 $0x7  }
0x463: {  	_ =	swait.ge [sflag:s3], $0x500  }
0x464: {  	[sflag:s3] =	ssyncset.done $0x0  }
0x465: {  	[sflag:s3] =	ssyncadd.s32 $0xFFFFFB00  }
0x466: {  	v1 =	vld [tilespmem:s28+$0x0]  }
0x467: {  	v2 =	vld [tilespmem:s26+$0x0];
	_ =	sdelay $0x3  }
0x468: {  	s24 =	simm.s32 $0x0  }
0x469: {  	v3 =	vmov s24;
	vm0 =	vlt.s32 v2, v1  }
0x46a: {  	v3 =	vshll.u32 v3, $0x4;
	v1 =	vsel vm0, v2, v1  }
0x46b: {  	v2 =	vor.u32 v0, v3;
	v3 =	vand.u32 $0xF, v1  }
0x46c: {  	v2 =	vor.u32 v2, v3;
	_ =	sdelay $0x4  }
0x46d: {  	v2 =	vld.idx.msk [tilespmem:v2+s22+$0x0], $0xffff;
	_ =	sdelay $0x3  }
0x46e: {  	v1 =	vand.u32 $0x80, v1  }
0x46f: {  	vm15 =	veq.s32 v1, $0x0;
	v3 =	vunpack.i.u.bf16.f32 v2;
	v2 =	vunpack.i.l.bf16.f32 v2  }
0x470: {  	v1 =	vsel vm15, v2, v3  }
0x471: {  	v1 =	vsub.f32 $0.0e+00, v1;
	_ =	sdelay $0x1  }
0x472: {  	v1 =	vmul.f32 $1.442695020e+00, v1;
	_ =	sdelay $0x1  }
0x473: {  	(erf) = vpow2.f32 v1;
	_ =	sdelay $0x8  }
0x474: {  	v1 =	vpop (erf)  }
0x475: {  	v1 =	vadd.f32 $1.000000000e+00, v1;
	_ =	sdelay $0x1  }
0x476: {  	(erf) = vrcp.f32 v1;
	_ =	sdelay $0x8  }
0x477: {  	v1 =	vpop (erf)  }
0x478: {  	s24 =	sadd.s32 $0x10, s28;
	[tilespmem:s4+$0x0] =	vst v1  }
0x479: {  	s9 =	sadd.s32 $0x10, s26;
	v1 =	vld [tilespmem:s24+$0x0]  }
0x47a: {  	s13 =	simm.s32 $0x10;
	s15 =	simm.s32 $0x20;
	s3 =	smov.u32 s4;
	v2 =	vld [tilespmem:s9+$0x0]  }
.LBB2_17:
0x47b: {  	p1 =	sne.s32 s15, $0x40;
	_ =	sdelay $0x3  }
0x47c: {  	v3 =	vmov s13;
	s13 =	smov.u32 s15;
	vm0 =	vlt.s32 v2, v1  }
0x47d: {  	v3 =	vshll.u32 v3, $0x4;
	v1 =	vsel vm0, v2, v1  }
0x47e: {  	v2 =	vor.u32 v0, v3;
	v3 =	vand.u32 $0xF, v1  }
0x47f: {  	v2 =	vor.u32 v2, v3;
	_ =	sdelay $0x4  }
0x480: {  	v2 =	vld.idx.msk [tilespmem:v2+s22+$0x0], $0xffff;
	_ =	sdelay $0x4  }
0x481: {  	v1 =	vand.u32 $0x80, v1  }
0x482: {  	vm0 =	veq.s32 v1, $0x0;
	v3 =	vunpack.i.u.bf16.f32 v2;
	v2 =	vunpack.i.l.bf16.f32 v2  }
0x483: {  	v1 =	vsel vm0, v2, v3  }
0x484: {  	v1 =	vsub.f32 $0.0e+00, v1;
	_ =	sdelay $0x1  }
0x485: {  	v1 =	vmul.f32 $1.442695020e+00, v1;
	_ =	sdelay $0x1  }
0x486: {  	(erf) = vpow2.f32 v1;
	_ =	sdelay $0x8  }
0x487: {  	v1 =	vpop (erf)  }
0x488: {  	v1 =	vadd.f32 $1.000000000e+00, v1;
	_ =	sdelay $0x1  }
0x489: {  	(erf) = vrcp.f32 v1;
	_ =	sdelay $0x7  }
.Ltmp7:
0x48a: {  	(pc) =	sbr.rel @p1 .LBB2_17-.Ltmp7, $4  }
0x48b: {  	s3 =	sadd.s32 $0x10, s3;
	v1 =	vpop (erf)  }
0x48c: {  	s24 =	sadd.s32 $0x10, s24;
	[tilespmem:s3+$0x0] =	vst v1  }
0x48d: {  	s9 =	sadd.s32 $0x10, s9;
	v1 =	vld [tilespmem:s24+$0x0]  }
0x48e: {  	s15 =	sadd.s32 $0x10, s15;
	v2 =	vld [tilespmem:s9+$0x0]  }
0x48f: {  	_ =	sdelay $0x3  }
0x490: {  	v3 =	vmov s13;
	vm0 =	vlt.s32 v2, v1  }
0x491: {  	v3 =	vshll.u32 v3, $0x4;
	v1 =	vsel vm0, v2, v1  }
0x492: {  	v2 =	vor.u32 v0, v3;
	v3 =	vand.u32 $0xF, v1  }
0x493: {  	v2 =	vor.u32 v2, v3;
	_ =	sdelay $0x4  }
0x494: {  	v2 =	vld.idx.msk [tilespmem:v2+s22+$0x0], $0xffff;
	_ =	sdelay $0x3  }
0x495: {  	v1 =	vand.u32 $0x80, v1  }
0x496: {  	vm15 =	veq.s32 v1, $0x0;
	v3 =	vunpack.i.u.bf16.f32 v2;
	v2 =	vunpack.i.l.bf16.f32 v2  }
0x497: {  	v1 =	vsel vm15, v2, v3  }
0x498: {  	v1 =	vsub.f32 $0.0e+00, v1;
	_ =	sdelay $0x1  }
0x499: {  	v1 =	vmul.f32 $1.442695020e+00, v1;
	_ =	sdelay $0x1  }
0x49a: {  	(erf) = vpow2.f32 v1;
	_ =	sdelay $0x8  }
0x49b: {  	v1 =	vpop (erf)  }
0x49c: {  	v1 =	vadd.f32 $1.000000000e+00, v1;
	_ =	sdelay $0x1  }
0x49d: {  	(erf) = vrcp.f32 v1;
	_ =	sdelay $0x5  }
.Ltmp8:
0x49e: {  	_ = 	snop;
	(pc) =	sbr.rel @p0 .LBB2_20-.Ltmp8, $3  }
0x49f: {  	_ =	sdelay $0x1  }
0x4a0: {  	s3 =	sadd.s32 $0x10, s3;
	v1 =	vpop (erf)  }
0x4a1: {  	[tilespmem:s3+$0x0] =	vst v1  }
0x4a2: {  	v1 =	vld [tilespmem:s5+$0x460]  }
0x4a3: {  	v2 =	vld [tilespmem:s5+$0x2B70];
	_ =	sdelay $0x4  }
0x4a4: {  	vm0 =	vlt.s32 v1, v2  }
0x4a5: {  	v3 =	vsel vm0, v2, v1  }
0x4a6: {  	v4 =	vshrl.u32 v3, $0x3  }
0x4a7: {  	v1 =	vsel vm0, v1, v2;
	v2 =	vmul.u32 $0x28, v4  }
0x4a8: {  	v55 =	vshrl.u32 v1, $0x8  }
0x4a9: {  	v3 =	vshll.u32 v3, $0x7;
	v2 =	vadd.s32 v55, v2  }
0x4aa: {  	v3 =	vand.u32 $0x380, v3;
	v2 =	vshll.u32 v2, $0xA  }
0x4ab: {  	v1 =	vand.u32 $0x70, v1;
	v2 =	vor.u32 v3, v2  }
0x4ac: {  	v1 =	vor.u32 v1, v2  }
0x4ad: {  	v1 =	vshrl.u32 v1, $0x4  }
0x4ae: {  	[tilespmem:$0x5000] =	vst v1  }
0x4af: {  	v1 =	vld [tilespmem:s5+$0x470]  }
0x4b0: {  	v2 =	vld [tilespmem:s5+$0x2B80];
	_ =	sdelay $0x4  }
0x4b1: {  	vm12 =	vlt.s32 v1, v2  }
0x4b2: {  	v3 =	vsel vm12, v2, v1  }
0x4b3: {  	v56 =	vshrl.u32 v3, $0x3  }
0x4b4: {  	v1 =	vsel vm12, v1, v2;
	v2 =	vmul.u32 $0x28, v56  }
0x4b5: {  	v57 =	vshrl.u32 v1, $0x8  }
0x4b6: {  	v3 =	vshll.u32 v3, $0x7;
	v2 =	vadd.s32 v57, v2  }
0x4b7: {  	v3 =	vand.u32 $0x380, v3;
	v2 =	vshll.u32 v2, $0xA  }
0x4b8: {  	v1 =	vand.u32 $0x70, v1;
	v2 =	vor.u32 v3, v2  }
0x4b9: {  	v1 =	vor.u32 v1, v2  }
0x4ba: {  	v1 =	vshrl.u32 v1, $0x4  }
0x4bb: {  	[tilespmem:$0x5010] =	vst v1  }
0x4bc: {  	v1 =	vld [tilespmem:s5+$0x480]  }
0x4bd: {  	v2 =	vld [tilespmem:s5+$0x2B90];
	_ =	sdelay $0x4  }
0x4be: {  	vm13 =	vlt.s32 v1, v2  }
0x4bf: {  	v3 =	vsel vm13, v2, v1  }
0x4c0: {  	v58 =	vshrl.u32 v3, $0x3  }
0x4c1: {  	v1 =	vsel vm13, v1, v2;
	v2 =	vmul.u32 $0x28, v58  }
0x4c2: {  	v59 =	vshrl.u32 v1, $0x8  }
0x4c3: {  	v3 =	vshll.u32 v3, $0x7;
	v2 =	vadd.s32 v59, v2  }
0x4c4: {  	v3 =	vand.u32 $0x380, v3;
	v2 =	vshll.u32 v2, $0xA  }
0x4c5: {  	v1 =	vand.u32 $0x70, v1;
	v2 =	vor.u32 v3, v2  }
0x4c6: {  	v1 =	vor.u32 v1, v2  }
0x4c7: {  	v1 =	vshrl.u32 v1, $0x4  }
0x4c8: {  	[tilespmem:$0x5020] =	vst v1  }
0x4c9: {  	v1 =	vld [tilespmem:s5+$0x490]  }
0x4ca: {  	v2 =	vld [tilespmem:s5+$0x2BA0];
	_ =	sdelay $0x4  }
0x4cb: {  	vm14 =	vlt.s32 v1, v2  }
0x4cc: {  	v3 =	vsel vm14, v2, v1  }
0x4cd: {  	v60 =	vshrl.u32 v3, $0x3  }
0x4ce: {  	v1 =	vsel vm14, v1, v2;
	v2 =	vmul.u32 $0x28, v60  }
0x4cf: {  	v61 =	vshrl.u32 v1, $0x8  }
0x4d0: {  	v3 =	vshll.u32 v3, $0x7;
	v2 =	vadd.s32 v61, v2  }
0x4d1: {  	v3 =	vand.u32 $0x380, v3;
	v2 =	vshll.u32 v2, $0xA  }
0x4d2: {  	v1 =	vand.u32 $0x70, v1;
	v2 =	vor.u32 v3, v2  }
0x4d3: {  	v1 =	vor.u32 v1, v2  }
0x4d4: {  	v1 =	vshrl.u32 v1, $0x4  }
0x4d5: {  	[tilespmem:$0x5030] =	vst v1  }
0x4d6: {  	v1 =	vld [tilespmem:s5+$0x4A0]  }
0x4d7: {  	v2 =	vld [tilespmem:s5+$0x2BB0];
	_ =	sdelay $0x4  }
0x4d8: {  	vm15 =	vlt.s32 v1, v2  }
0x4d9: {  	v3 =	vsel vm15, v2, v1  }
0x4da: {  	v62 =	vshrl.u32 v3, $0x3  }
0x4db: {  	v1 =	vsel vm15, v1, v2;
	v2 =	vmul.u32 $0x28, v62  }
0x4dc: {  	v63 =	vshrl.u32 v1, $0x8  }
0x4dd: {  	v3 =	vshll.u32 v3, $0x7;
	v2 =	vadd.s32 v63, v2  }
0x4de: {  	v3 =	vand.u32 $0x380, v3;
	v2 =	vshll.u32 v2, $0xA  }
0x4df: {  	v1 =	vand.u32 $0x70, v1;
	v2 =	vor.u32 v3, v2  }
0x4e0: {  	v1 =	vor.u32 v1, v2  }
0x4e1: {  	v1 =	vshrl.u32 v1, $0x4  }
0x4e2: {  	s3 =	rddreg [dreg:$0x3];
	s24 =	simm.s32 $0x5000;
	s9 =	simm.s32 $0x50;
	[tilespmem:$0x5040] =	vst v1  }
0x4e3: {  	[tilespmem:s22], [sflag:$0x7] =	stream.indirect.gather [hbm4b:s3+s9], $0x10, s24, s9, $0xb8;
	[tilespmem:$0x9FB0] =	vst v63  }
.LBB2_20:
0x4e4: {  	s3 =	simm.s32 $0x8  }
0x4e5: {  	_ =	swait.ge [sflag:s3], $0x500  }
0x4e6: {  	[sflag:s3] =	ssyncset.done $0x0  }
0x4e7: {  	[sflag:s3] =	ssyncadd.s32 $0xFFFFFB00  }
0x4e8: {  	v1 =	vld [tilespmem:s31+$0x0]  }
0x4e9: {  	v2 =	vld [tilespmem:s30+$0x0];
	_ =	sdelay $0x3  }
0x4ea: {  	s24 =	simm.s32 $0x0  }
0x4eb: {  	v3 =	vmov s24;
	vm0 =	vlt.s32 v2, v1  }
0x4ec: {  	v3 =	vshll.u32 v3, $0x4;
	v1 =	vsel vm0, v2, v1  }
0x4ed: {  	v2 =	vor.u32 v0, v3;
	v3 =	vand.u32 $0xF, v1  }
0x4ee: {  	v2 =	vor.u32 v2, v3;
	_ =	sdelay $0x4  }
0x4ef: {  	v2 =	vld.idx.msk [tilespmem:v2+s25+$0x0], $0xffff;
	_ =	sdelay $0x3  }
0x4f0: {  	v1 =	vand.u32 $0x80, v1  }
0x4f1: {  	vm15 =	veq.s32 v1, $0x0;
	v3 =	vunpack.i.u.bf16.f32 v2;
	v2 =	vunpack.i.l.bf16.f32 v2  }
0x4f2: {  	v1 =	vsel vm15, v2, v3  }
0x4f3: {  	v1 =	vsub.f32 $0.0e+00, v1;
	_ =	sdelay $0x1  }
0x4f4: {  	v1 =	vmul.f32 $1.442695020e+00, v1;
	_ =	sdelay $0x1  }
0x4f5: {  	(erf) = vpow2.f32 v1;
	_ =	sdelay $0x8  }
0x4f6: {  	v1 =	vpop (erf)  }
0x4f7: {  	v1 =	vadd.f32 $1.000000000e+00, v1;
	_ =	sdelay $0x1  }
0x4f8: {  	(erf) = vrcp.f32 v1;
	_ =	sdelay $0x8  }
0x4f9: {  	v1 =	vpop (erf)  }
0x4fa: {  	s5 =	sadd.s32 $0x10, s31;
	[tilespmem:s29+$0x0] =	vst v1  }
0x4fb: {  	s9 =	sadd.s32 $0x10, s30;
	v1 =	vld [tilespmem:s5+$0x0]  }
0x4fc: {  	s13 =	simm.s32 $0x10;
	s15 =	simm.s32 $0x20;
	s3 =	smov.u32 s29;
	v2 =	vld [tilespmem:s9+$0x0]  }
.LBB2_21:
0x4fd: {  	p0 =	sne.s32 s15, $0x40;
	_ =	sdelay $0x3  }
0x4fe: {  	v3 =	vmov s13;
	s13 =	smov.u32 s15;
	vm0 =	vlt.s32 v2, v1  }
0x4ff: {  	v3 =	vshll.u32 v3, $0x4;
	v1 =	vsel vm0, v2, v1  }
0x500: {  	v2 =	vor.u32 v0, v3;
	v3 =	vand.u32 $0xF, v1  }
0x501: {  	v2 =	vor.u32 v2, v3;
	_ =	sdelay $0x4  }
0x502: {  	v2 =	vld.idx.msk [tilespmem:v2+s25+$0x0], $0xffff;
	_ =	sdelay $0x4  }
0x503: {  	v1 =	vand.u32 $0x80, v1  }
0x504: {  	vm0 =	veq.s32 v1, $0x0;
	v3 =	vunpack.i.u.bf16.f32 v2;
	v2 =	vunpack.i.l.bf16.f32 v2  }
0x505: {  	v1 =	vsel vm0, v2, v3  }
0x506: {  	v1 =	vsub.f32 $0.0e+00, v1;
	_ =	sdelay $0x1  }
0x507: {  	v1 =	vmul.f32 $1.442695020e+00, v1;
	_ =	sdelay $0x1  }
0x508: {  	(erf) = vpow2.f32 v1;
	_ =	sdelay $0x8  }
0x509: {  	v1 =	vpop (erf)  }
0x50a: {  	v1 =	vadd.f32 $1.000000000e+00, v1;
	_ =	sdelay $0x1  }
0x50b: {  	(erf) = vrcp.f32 v1;
	_ =	sdelay $0x7  }
.Ltmp9:
0x50c: {  	(pc) =	sbr.rel @p0 .LBB2_21-.Ltmp9, $4  }
0x50d: {  	s3 =	sadd.s32 $0x10, s3;
	v1 =	vpop (erf)  }
0x50e: {  	s5 =	sadd.s32 $0x10, s5;
	[tilespmem:s3+$0x0] =	vst v1  }
0x50f: {  	s9 =	sadd.s32 $0x10, s9;
	v1 =	vld [tilespmem:s5+$0x0]  }
0x510: {  	s15 =	sadd.s32 $0x10, s15;
	v2 =	vld [tilespmem:s9+$0x0]  }
0x511: {  	_ =	sdelay $0x3  }
0x512: {  	v3 =	vmov s13;
	vm0 =	vlt.s32 v2, v1  }
0x513: {  	v3 =	vshll.u32 v3, $0x4;
	v1 =	vsel vm0, v2, v1  }
0x514: {  	v2 =	vor.u32 v0, v3;
	v3 =	vand.u32 $0xF, v1  }
0x515: {  	v2 =	vor.u32 v2, v3;
	_ =	sdelay $0x4  }
0x516: {  	v2 =	vld.idx.msk [tilespmem:v2+s25+$0x0], $0xffff;
	_ =	sdelay $0x3  }
0x517: {  	v1 =	vand.u32 $0x80, v1  }
0x518: {  	vm15 =	veq.s32 v1, $0x0;
	v3 =	vunpack.i.u.bf16.f32 v2;
	v2 =	vunpack.i.l.bf16.f32 v2  }
0x519: {  	v1 =	vsel vm15, v2, v3  }
0x51a: {  	v1 =	vsub.f32 $0.0e+00, v1;
	_ =	sdelay $0x1  }
0x51b: {  	v1 =	vmul.f32 $1.442695020e+00, v1;
	_ =	sdelay $0x1  }
0x51c: {  	(erf) = vpow2.f32 v1;
	_ =	sdelay $0x7  }
0x51d: {  	s15 =	rddreg [dreg:$0x9]  }
0x51e: {  	s3 =	sadd.s32 $0x10, s3;
	s2 =	sadd.s32 $0x1, s2;
	s5 =	rddreg [dreg:$0xa];
	v1 =	vpop (erf)  }
0x51f: {  	s6 =	sadd.s32 $0x280, s6;
	s19 =	sadd.s32 $0x280, s19;
	s9 =	rddreg [dreg:$0xb];
	v1 =	vadd.f32 $1.000000000e+00, v1  }
0x520: {  	s7 =	sadd.s32 $0x280, s7;
	s23 =	sadd.s32 $0x280, s23;
	s13 =	rddreg [dreg:$0xc]  }
0x521: {  	s8 =	sadd.s32 $0x280, s8;
	s24 =	rddreg [dreg:$0xd];
	s5 =	sadd.s32 $0x280, s5;
	(erf) = vrcp.f32 v1  }
0x522: {  	s21 =	sadd.s32 $0x280, s21;
	s11 =	sadd.s32 $0x280, s11;
	[dreg:$0xa] =	wrdreg s5  }
0x523: {  	s17 =	sadd.s32 $0x280, s17;
	s5 =	sadd.s32 $0x280, s9;
	s9 =	rddreg [dreg:$0xe]  }
0x524: {  	s1 =	sadd.s32 $0x280, s1;
	s0 =	sadd.s32 $0x280, s0;
	[dreg:$0xb] =	wrdreg s5  }
0x525: {  	s4 =	sadd.s32 $0x280, s4;
	s5 =	sadd.s32 $0x280, s13;
	s13 =	rddreg [dreg:$0xf]  }
0x526: {  	s26 =	sadd.s32 $0x280, s26;
	p0 =	sne.s32 s2, $0xF;
	[dreg:$0xc] =	wrdreg s5  }
.Ltmp10:
0x527: {  	s5 =	sadd.s32 $0x280, s24;
	s24 =	rddreg [dreg:$0x10];
	(pc) =	sbr.rel @p0 .LBB2_2-.Ltmp10, $4  }
0x528: {  	s28 =	sadd.s32 $0x280, s28;
	[dreg:$0xd] =	wrdreg s5;
	s5 =	sadd.s32 $0x280, s9  }
0x529: {  	s29 =	sadd.s32 $0x280, s29;
	[dreg:$0xe] =	wrdreg s5;
	s5 =	sadd.s32 $0x280, s13  }
0x52a: {  	s30 =	sadd.s32 $0x280, s30;
	[dreg:$0xf] =	wrdreg s5;
	s5 =	sadd.s32 $0x280, s24;
	v1 =	vpop (erf)  }
0x52b: {  	s31 =	sadd.s32 $0x280, s31;
	s15 =	sadd.s32 $0x280, s15;
	[dreg:$0x10] =	wrdreg s5;
	[tilespmem:s3+$0x0] =	vst v1  }
0x52c: {  	s0 =	simm.s32 $0x1  }
0x52d: {  	_ =	swait.ge [sflag:s0], $0x500  }
0x52e: {  	[sflag:s0] =	ssyncset.done $0x0  }
0x52f: {  	s30 =	simm.s32 $0x4C90;
	[sflag:s0] =	ssyncadd.s32 $0xFFFFFB00  }
0x530: {  	s1 =	simm.s32 $0x2580;
	v1 =	vld [tilespmem:s30+$0x0]  }
0x531: {  	v2 =	vld [tilespmem:s1+$0x0];
	_ =	sdelay $0x3  }
0x532: {  	s31 =	simm.s32 $0x0  }
0x533: {  	v3 =	vmov s31;
	vm0 =	vlt.s32 v2, v1  }
0x534: {  	v3 =	vshll.u32 v3, $0x4;
	v1 =	vsel vm0, v2, v1  }
0x535: {  	v2 =	vor.u32 v0, v3;
	v3 =	vand.u32 $0xF, v1  }
0x536: {  	v2 =	vor.u32 v2, v3;
	_ =	sdelay $0x4  }
0x537: {  	v2 =	vld.idx.msk [tilespmem:v2+s10+$0x0], $0xffff;
	_ =	sdelay $0x3  }
0x538: {  	v1 =	vand.u32 $0x80, v1  }
0x539: {  	vm15 =	veq.s32 v1, $0x0;
	v3 =	vunpack.i.u.bf16.f32 v2;
	v2 =	vunpack.i.l.bf16.f32 v2  }
0x53a: {  	v1 =	vsel vm15, v2, v3  }
0x53b: {  	v1 =	vsub.f32 $0.0e+00, v1;
	_ =	sdelay $0x1  }
0x53c: {  	v1 =	vmul.f32 $1.442695020e+00, v1;
	_ =	sdelay $0x1  }
0x53d: {  	(erf) = vpow2.f32 v1;
	_ =	sdelay $0x8  }
0x53e: {  	v1 =	vpop (erf)  }
0x53f: {  	v1 =	vadd.f32 $1.000000000e+00, v1;
	_ =	sdelay $0x1  }
0x540: {  	(erf) = vrcp.f32 v1;
	_ =	sdelay $0x8  }
0x541: {  	s0 =	simm.s32 $0x9E20;
	v1 =	vpop (erf)  }
0x542: {  	s1 =	simm.s32 $0x4CA0;
	[tilespmem:s0+$0x0] =	vst v1  }
0x543: {  	s2 =	simm.s32 $0x2590;
	v1 =	vld [tilespmem:s1+$0x0]  }
0x544: {  	s3 =	simm.s32 $0x10;
	s4 =	simm.s32 $0x20;
	v2 =	vld [tilespmem:s2+$0x0]  }
.LBB2_24:
0x545: {  	p0 =	sne.s32 s4, $0x40;
	_ =	sdelay $0x3  }
0x546: {  	v3 =	vmov s3;
	s3 =	smov.u32 s4;
	vm0 =	vlt.s32 v2, v1  }
0x547: {  	v3 =	vshll.u32 v3, $0x4;
	v1 =	vsel vm0, v2, v1  }
0x548: {  	v2 =	vor.u32 v0, v3;
	v3 =	vand.u32 $0xF, v1  }
0x549: {  	v2 =	vor.u32 v2, v3;
	_ =	sdelay $0x4  }
0x54a: {  	v2 =	vld.idx.msk [tilespmem:v2+s10+$0x0], $0xffff;
	_ =	sdelay $0x4  }
0x54b: {  	v1 =	vand.u32 $0x80, v1  }
0x54c: {  	vm0 =	veq.s32 v1, $0x0;
	v3 =	vunpack.i.u.bf16.f32 v2;
	v2 =	vunpack.i.l.bf16.f32 v2  }
0x54d: {  	v1 =	vsel vm0, v2, v3  }
0x54e: {  	v1 =	vsub.f32 $0.0e+00, v1;
	_ =	sdelay $0x1  }
0x54f: {  	v1 =	vmul.f32 $1.442695020e+00, v1;
	_ =	sdelay $0x1  }
0x550: {  	(erf) = vpow2.f32 v1;
	_ =	sdelay $0x8  }
0x551: {  	v1 =	vpop (erf)  }
0x552: {  	v1 =	vadd.f32 $1.000000000e+00, v1;
	_ =	sdelay $0x1  }
0x553: {  	(erf) = vrcp.f32 v1;
	_ =	sdelay $0x7  }
.Ltmp11:
0x554: {  	(pc) =	sbr.rel @p0 .LBB2_24-.Ltmp11, $4  }
0x555: {  	s0 =	sadd.s32 $0x10, s0;
	v1 =	vpop (erf)  }
0x556: {  	s1 =	sadd.s32 $0x10, s1;
	[tilespmem:s0+$0x0] =	vst v1  }
0x557: {  	s2 =	sadd.s32 $0x10, s2;
	v1 =	vld [tilespmem:s1+$0x0]  }
0x558: {  	s4 =	sadd.s32 $0x10, s4;
	v2 =	vld [tilespmem:s2+$0x0]  }
0x559: {  	_ =	sdelay $0x3  }
0x55a: {  	v3 =	vmov s3;
	vm0 =	vlt.s32 v2, v1  }
0x55b: {  	v3 =	vshll.u32 v3, $0x4;
	v1 =	vsel vm0, v2, v1  }
0x55c: {  	v2 =	vor.u32 v0, v3;
	v3 =	vand.u32 $0xF, v1  }
0x55d: {  	v2 =	vor.u32 v2, v3;
	_ =	sdelay $0x4  }
0x55e: {  	v2 =	vld.idx.msk [tilespmem:v2+s10+$0x0], $0xffff;
	_ =	sdelay $0x3  }
0x55f: {  	v1 =	vand.u32 $0x80, v1  }
0x560: {  	vm13 =	veq.s32 v1, $0x0;
	v3 =	vunpack.i.u.bf16.f32 v2;
	v2 =	vunpack.i.l.bf16.f32 v2  }
0x561: {  	v1 =	vsel vm13, v2, v3  }
0x562: {  	v1 =	vsub.f32 $0.0e+00, v1;
	_ =	sdelay $0x1  }
0x563: {  	v1 =	vmul.f32 $1.442695020e+00, v1;
	_ =	sdelay $0x1  }
0x564: {  	(erf) = vpow2.f32 v1;
	_ =	sdelay $0x8  }
0x565: {  	v1 =	vpop (erf)  }
0x566: {  	v1 =	vadd.f32 $1.000000000e+00, v1;
	_ =	sdelay $0x1  }
0x567: {  	(erf) = vrcp.f32 v1;
	_ =	sdelay $0x8  }
0x568: {  	s0 =	sadd.s32 $0x10, s0;
	v1 =	vpop (erf)  }
0x569: {  	s29 =	simm.s32 $0x2;
	[tilespmem:s0+$0x0] =	vst v1  }
0x56a: {  	_ =	swait.ge [sflag:s29], $0x500  }
0x56b: {  	[sflag:s29] =	ssyncset.done $0x0  }
0x56c: {  	s30 =	simm.s32 $0x4CE0;
	[sflag:s29] =	ssyncadd.s32 $0xFFFFFB00  }
0x56d: {  	s1 =	simm.s32 $0x25D0;
	v1 =	vld [tilespmem:s30+$0x0]  }
0x56e: {  	v2 =	vld [tilespmem:s1+$0x0];
	_ =	sdelay $0x3  }
0x56f: {  	s31 =	simm.s32 $0x0  }
0x570: {  	v3 =	vmov s31;
	vm14 =	vlt.s32 v2, v1  }
0x571: {  	v3 =	vshll.u32 v3, $0x4;
	v1 =	vsel vm14, v2, v1  }
0x572: {  	v2 =	vor.u32 v0, v3;
	v3 =	vand.u32 $0xF, v1  }
0x573: {  	v2 =	vor.u32 v2, v3;
	_ =	sdelay $0x4  }
0x574: {  	v2 =	vld.idx.msk [tilespmem:v2+s12+$0x0], $0xffff;
	_ =	sdelay $0x3  }
0x575: {  	v1 =	vand.u32 $0x80, v1  }
0x576: {  	vm15 =	veq.s32 v1, $0x0;
	v3 =	vunpack.i.u.bf16.f32 v2;
	v2 =	vunpack.i.l.bf16.f32 v2  }
0x577: {  	v1 =	vsel vm15, v2, v3  }
0x578: {  	v1 =	vsub.f32 $0.0e+00, v1;
	_ =	sdelay $0x1  }
0x579: {  	v1 =	vmul.f32 $1.442695020e+00, v1;
	_ =	sdelay $0x1  }
0x57a: {  	(erf) = vpow2.f32 v1;
	_ =	sdelay $0x8  }
0x57b: {  	v1 =	vpop (erf)  }
0x57c: {  	v1 =	vadd.f32 $1.000000000e+00, v1;
	_ =	sdelay $0x1  }
0x57d: {  	(erf) = vrcp.f32 v1;
	_ =	sdelay $0x8  }
0x57e: {  	s0 =	simm.s32 $0x9E70;
	v1 =	vpop (erf)  }
0x57f: {  	s1 =	simm.s32 $0x4CF0;
	[tilespmem:s0+$0x0] =	vst v1  }
0x580: {  	s2 =	simm.s32 $0x25E0;
	v1 =	vld [tilespmem:s1+$0x0]  }
0x581: {  	s3 =	simm.s32 $0x10;
	s4 =	simm.s32 $0x20;
	s5 =	simm.s32 $0x0;
	v2 =	vld [tilespmem:s2+$0x0]  }
.LBB2_26:
0x582: {  	p0 =	sne.s32 s4, $0x40;
	_ =	sdelay $0x3  }
0x583: {  	v3 =	vmov s3;
	s3 =	smov.u32 s4;
	vm0 =	vlt.s32 v2, v1  }
0x584: {  	v3 =	vshll.u32 v3, $0x4;
	v1 =	vsel vm0, v2, v1  }
0x585: {  	v2 =	vor.u32 v0, v3;
	v3 =	vand.u32 $0xF, v1  }
0x586: {  	v2 =	vor.u32 v2, v3;
	_ =	sdelay $0x4  }
0x587: {  	v2 =	vld.idx.msk [tilespmem:v2+s12+$0x0], $0xffff;
	_ =	sdelay $0x4  }
0x588: {  	v1 =	vand.u32 $0x80, v1  }
0x589: {  	vm0 =	veq.s32 v1, $0x0;
	v3 =	vunpack.i.u.bf16.f32 v2;
	v2 =	vunpack.i.l.bf16.f32 v2  }
0x58a: {  	v1 =	vsel vm0, v2, v3  }
0x58b: {  	v1 =	vsub.f32 $0.0e+00, v1;
	_ =	sdelay $0x1  }
0x58c: {  	v1 =	vmul.f32 $1.442695020e+00, v1;
	_ =	sdelay $0x1  }
0x58d: {  	(erf) = vpow2.f32 v1;
	_ =	sdelay $0x8  }
0x58e: {  	v1 =	vpop (erf)  }
0x58f: {  	v1 =	vadd.f32 $1.000000000e+00, v1;
	_ =	sdelay $0x1  }
0x590: {  	(erf) = vrcp.f32 v1;
	_ =	sdelay $0x7  }
.Ltmp12:
0x591: {  	(pc) =	sbr.rel @p0 .LBB2_26-.Ltmp12, $4  }
0x592: {  	s0 =	sadd.s32 $0x10, s0;
	v1 =	vpop (erf)  }
0x593: {  	s1 =	sadd.s32 $0x10, s1;
	[tilespmem:s0+$0x0] =	vst v1  }
0x594: {  	s2 =	sadd.s32 $0x10, s2;
	v1 =	vld [tilespmem:s1+$0x0]  }
0x595: {  	s4 =	sadd.s32 $0x10, s4;
	v2 =	vld [tilespmem:s2+$0x0]  }
0x596: {  	_ =	sdelay $0x3  }
0x597: {  	v3 =	vmov s3;
	vm0 =	vlt.s32 v2, v1  }
0x598: {  	v3 =	vshll.u32 v3, $0x4;
	v1 =	vsel vm0, v2, v1  }
0x599: {  	v2 =	vor.u32 v0, v3;
	v3 =	vand.u32 $0xF, v1  }
0x59a: {  	v2 =	vor.u32 v2, v3;
	_ =	sdelay $0x4  }
0x59b: {  	v2 =	vld.idx.msk [tilespmem:v2+s12+$0x0], $0xffff;
	_ =	sdelay $0x3  }
0x59c: {  	v1 =	vand.u32 $0x80, v1  }
0x59d: {  	vm13 =	veq.s32 v1, $0x0;
	v3 =	vunpack.i.u.bf16.f32 v2;
	v2 =	vunpack.i.l.bf16.f32 v2  }
0x59e: {  	v1 =	vsel vm13, v2, v3  }
0x59f: {  	v1 =	vsub.f32 $0.0e+00, v1;
	_ =	sdelay $0x1  }
0x5a0: {  	v1 =	vmul.f32 $1.442695020e+00, v1;
	_ =	sdelay $0x1  }
0x5a1: {  	(erf) = vpow2.f32 v1;
	_ =	sdelay $0x8  }
0x5a2: {  	v1 =	vpop (erf)  }
0x5a3: {  	v1 =	vadd.f32 $1.000000000e+00, v1;
	_ =	sdelay $0x1  }
0x5a4: {  	(erf) = vrcp.f32 v1;
	_ =	sdelay $0x8  }
0x5a5: {  	s0 =	sadd.s32 $0x10, s0;
	v1 =	vpop (erf)  }
0x5a6: {  	s29 =	simm.s32 $0x3;
	[tilespmem:s0+$0x0] =	vst v1  }
0x5a7: {  	_ =	swait.ge [sflag:s29], $0x500  }
0x5a8: {  	[sflag:s29] =	ssyncset.done $0x0  }
0x5a9: {  	s30 =	simm.s32 $0x4D30;
	[sflag:s29] =	ssyncadd.s32 $0xFFFFFB00  }
0x5aa: {  	s1 =	simm.s32 $0x2620;
	v1 =	vld [tilespmem:s30+$0x0]  }
0x5ab: {  	v2 =	vld [tilespmem:s1+$0x0];
	_ =	sdelay $0x3  }
0x5ac: {  	s31 =	simm.s32 $0x0  }
0x5ad: {  	v3 =	vmov s31;
	vm14 =	vlt.s32 v2, v1  }
0x5ae: {  	v3 =	vshll.u32 v3, $0x4;
	v1 =	vsel vm14, v2, v1  }
0x5af: {  	v2 =	vor.u32 v0, v3;
	v3 =	vand.u32 $0xF, v1  }
0x5b0: {  	v2 =	vor.u32 v2, v3;
	_ =	sdelay $0x4  }
0x5b1: {  	v2 =	vld.idx.msk [tilespmem:v2+s14+$0x0], $0xffff;
	_ =	sdelay $0x3  }
0x5b2: {  	v1 =	vand.u32 $0x80, v1  }
0x5b3: {  	vm15 =	veq.s32 v1, $0x0;
	v3 =	vunpack.i.u.bf16.f32 v2;
	v2 =	vunpack.i.l.bf16.f32 v2  }
0x5b4: {  	v1 =	vsel vm15, v2, v3  }
0x5b5: {  	v1 =	vsub.f32 $0.0e+00, v1;
	_ =	sdelay $0x1  }
0x5b6: {  	v1 =	vmul.f32 $1.442695020e+00, v1;
	_ =	sdelay $0x1  }
0x5b7: {  	(erf) = vpow2.f32 v1;
	_ =	sdelay $0x8  }
0x5b8: {  	v1 =	vpop (erf)  }
0x5b9: {  	v1 =	vadd.f32 $1.000000000e+00, v1;
	_ =	sdelay $0x1  }
0x5ba: {  	(erf) = vrcp.f32 v1;
	_ =	sdelay $0x8  }
0x5bb: {  	s0 =	simm.s32 $0x9EC0;
	v1 =	vpop (erf)  }
0x5bc: {  	s1 =	simm.s32 $0x4D40;
	[tilespmem:s0+$0x0] =	vst v1  }
0x5bd: {  	s2 =	simm.s32 $0x2630;
	v1 =	vld [tilespmem:s1+$0x0]  }
0x5be: {  	s3 =	simm.s32 $0x10;
	s4 =	simm.s32 $0x20;
	v2 =	vld [tilespmem:s2+$0x0]  }
.LBB2_28:
0x5bf: {  	p0 =	sne.s32 s4, $0x40;
	_ =	sdelay $0x3  }
0x5c0: {  	v3 =	vmov s3;
	s3 =	smov.u32 s4;
	vm0 =	vlt.s32 v2, v1  }
0x5c1: {  	v3 =	vshll.u32 v3, $0x4;
	v1 =	vsel vm0, v2, v1  }
0x5c2: {  	v2 =	vor.u32 v0, v3;
	v3 =	vand.u32 $0xF, v1  }
0x5c3: {  	v2 =	vor.u32 v2, v3;
	_ =	sdelay $0x4  }
0x5c4: {  	v2 =	vld.idx.msk [tilespmem:v2+s14+$0x0], $0xffff;
	_ =	sdelay $0x4  }
0x5c5: {  	v1 =	vand.u32 $0x80, v1  }
0x5c6: {  	vm0 =	veq.s32 v1, $0x0;
	v3 =	vunpack.i.u.bf16.f32 v2;
	v2 =	vunpack.i.l.bf16.f32 v2  }
0x5c7: {  	v1 =	vsel vm0, v2, v3  }
0x5c8: {  	v1 =	vsub.f32 $0.0e+00, v1;
	_ =	sdelay $0x1  }
0x5c9: {  	v1 =	vmul.f32 $1.442695020e+00, v1;
	_ =	sdelay $0x1  }
0x5ca: {  	(erf) = vpow2.f32 v1;
	_ =	sdelay $0x8  }
0x5cb: {  	v1 =	vpop (erf)  }
0x5cc: {  	v1 =	vadd.f32 $1.000000000e+00, v1;
	_ =	sdelay $0x1  }
0x5cd: {  	(erf) = vrcp.f32 v1;
	_ =	sdelay $0x7  }
.Ltmp13:
0x5ce: {  	(pc) =	sbr.rel @p0 .LBB2_28-.Ltmp13, $4  }
0x5cf: {  	s0 =	sadd.s32 $0x10, s0;
	v1 =	vpop (erf)  }
0x5d0: {  	s1 =	sadd.s32 $0x10, s1;
	[tilespmem:s0+$0x0] =	vst v1  }
0x5d1: {  	s2 =	sadd.s32 $0x10, s2;
	v1 =	vld [tilespmem:s1+$0x0]  }
0x5d2: {  	s4 =	sadd.s32 $0x10, s4;
	v2 =	vld [tilespmem:s2+$0x0]  }
0x5d3: {  	_ =	sdelay $0x3  }
0x5d4: {  	v3 =	vmov s3;
	vm0 =	vlt.s32 v2, v1  }
0x5d5: {  	v3 =	vshll.u32 v3, $0x4;
	v1 =	vsel vm0, v2, v1  }
0x5d6: {  	v2 =	vor.u32 v0, v3;
	v3 =	vand.u32 $0xF, v1  }
0x5d7: {  	v2 =	vor.u32 v2, v3;
	_ =	sdelay $0x4  }
0x5d8: {  	v2 =	vld.idx.msk [tilespmem:v2+s14+$0x0], $0xffff;
	_ =	sdelay $0x3  }
0x5d9: {  	v1 =	vand.u32 $0x80, v1  }
0x5da: {  	vm13 =	veq.s32 v1, $0x0;
	v3 =	vunpack.i.u.bf16.f32 v2;
	v2 =	vunpack.i.l.bf16.f32 v2  }
0x5db: {  	v1 =	vsel vm13, v2, v3  }
0x5dc: {  	v1 =	vsub.f32 $0.0e+00, v1;
	_ =	sdelay $0x1  }
0x5dd: {  	v1 =	vmul.f32 $1.442695020e+00, v1;
	_ =	sdelay $0x1  }
0x5de: {  	(erf) = vpow2.f32 v1;
	_ =	sdelay $0x8  }
0x5df: {  	v1 =	vpop (erf)  }
0x5e0: {  	v1 =	vadd.f32 $1.000000000e+00, v1;
	_ =	sdelay $0x1  }
0x5e1: {  	(erf) = vrcp.f32 v1;
	_ =	sdelay $0x8  }
0x5e2: {  	s0 =	sadd.s32 $0x10, s0;
	v1 =	vpop (erf)  }
0x5e3: {  	s29 =	simm.s32 $0x4;
	[tilespmem:s0+$0x0] =	vst v1  }
0x5e4: {  	_ =	swait.ge [sflag:s29], $0x500  }
0x5e5: {  	[sflag:s29] =	ssyncset.done $0x0  }
0x5e6: {  	s30 =	simm.s32 $0x4D80;
	[sflag:s29] =	ssyncadd.s32 $0xFFFFFB00  }
0x5e7: {  	s1 =	simm.s32 $0x2670;
	v1 =	vld [tilespmem:s30+$0x0]  }
0x5e8: {  	v2 =	vld [tilespmem:s1+$0x0];
	_ =	sdelay $0x3  }
0x5e9: {  	s31 =	simm.s32 $0x0  }
0x5ea: {  	v3 =	vmov s31;
	vm14 =	vlt.s32 v2, v1  }
0x5eb: {  	v3 =	vshll.u32 v3, $0x4;
	v1 =	vsel vm14, v2, v1  }
0x5ec: {  	v2 =	vor.u32 v0, v3;
	v3 =	vand.u32 $0xF, v1  }
0x5ed: {  	v2 =	vor.u32 v2, v3;
	_ =	sdelay $0x4  }
0x5ee: {  	v2 =	vld.idx.msk [tilespmem:v2+s16+$0x0], $0xffff;
	_ =	sdelay $0x3  }
0x5ef: {  	v1 =	vand.u32 $0x80, v1  }
0x5f0: {  	vm15 =	veq.s32 v1, $0x0;
	v3 =	vunpack.i.u.bf16.f32 v2;
	v2 =	vunpack.i.l.bf16.f32 v2  }
0x5f1: {  	v1 =	vsel vm15, v2, v3  }
0x5f2: {  	v1 =	vsub.f32 $0.0e+00, v1;
	_ =	sdelay $0x1  }
0x5f3: {  	v1 =	vmul.f32 $1.442695020e+00, v1;
	_ =	sdelay $0x1  }
0x5f4: {  	(erf) = vpow2.f32 v1;
	_ =	sdelay $0x8  }
0x5f5: {  	v1 =	vpop (erf)  }
0x5f6: {  	v1 =	vadd.f32 $1.000000000e+00, v1;
	_ =	sdelay $0x1  }
0x5f7: {  	(erf) = vrcp.f32 v1;
	_ =	sdelay $0x8  }
0x5f8: {  	s0 =	simm.s32 $0x9F10;
	v1 =	vpop (erf)  }
0x5f9: {  	s1 =	simm.s32 $0x4D90;
	[tilespmem:s0+$0x0] =	vst v1  }
0x5fa: {  	s2 =	simm.s32 $0x2680;
	v1 =	vld [tilespmem:s1+$0x0]  }
0x5fb: {  	s3 =	simm.s32 $0x10;
	s4 =	simm.s32 $0x20;
	v2 =	vld [tilespmem:s2+$0x0]  }
.LBB2_30:
0x5fc: {  	p0 =	sne.s32 s4, $0x40;
	_ =	sdelay $0x3  }
0x5fd: {  	v3 =	vmov s3;
	s3 =	smov.u32 s4;
	vm0 =	vlt.s32 v2, v1  }
0x5fe: {  	v3 =	vshll.u32 v3, $0x4;
	v1 =	vsel vm0, v2, v1  }
0x5ff: {  	v2 =	vor.u32 v0, v3;
	v3 =	vand.u32 $0xF, v1  }
0x600: {  	v2 =	vor.u32 v2, v3;
	_ =	sdelay $0x4  }
0x601: {  	v2 =	vld.idx.msk [tilespmem:v2+s16+$0x0], $0xffff;
	_ =	sdelay $0x4  }
0x602: {  	v1 =	vand.u32 $0x80, v1  }
0x603: {  	vm0 =	veq.s32 v1, $0x0;
	v3 =	vunpack.i.u.bf16.f32 v2;
	v2 =	vunpack.i.l.bf16.f32 v2  }
0x604: {  	v1 =	vsel vm0, v2, v3  }
0x605: {  	v1 =	vsub.f32 $0.0e+00, v1;
	_ =	sdelay $0x1  }
0x606: {  	v1 =	vmul.f32 $1.442695020e+00, v1;
	_ =	sdelay $0x1  }
0x607: {  	(erf) = vpow2.f32 v1;
	_ =	sdelay $0x8  }
0x608: {  	v1 =	vpop (erf)  }
0x609: {  	v1 =	vadd.f32 $1.000000000e+00, v1;
	_ =	sdelay $0x1  }
0x60a: {  	(erf) = vrcp.f32 v1;
	_ =	sdelay $0x7  }
.Ltmp14:
0x60b: {  	(pc) =	sbr.rel @p0 .LBB2_30-.Ltmp14, $4  }
0x60c: {  	s0 =	sadd.s32 $0x10, s0;
	v1 =	vpop (erf)  }
0x60d: {  	s1 =	sadd.s32 $0x10, s1;
	[tilespmem:s0+$0x0] =	vst v1  }
0x60e: {  	s2 =	sadd.s32 $0x10, s2;
	v1 =	vld [tilespmem:s1+$0x0]  }
0x60f: {  	s4 =	sadd.s32 $0x10, s4;
	v2 =	vld [tilespmem:s2+$0x0]  }
0x610: {  	_ =	sdelay $0x3  }
0x611: {  	v3 =	vmov s3;
	vm0 =	vlt.s32 v2, v1  }
0x612: {  	v3 =	vshll.u32 v3, $0x4;
	v1 =	vsel vm0, v2, v1  }
0x613: {  	v2 =	vor.u32 v0, v3;
	v3 =	vand.u32 $0xF, v1  }
0x614: {  	v2 =	vor.u32 v2, v3;
	_ =	sdelay $0x4  }
0x615: {  	v2 =	vld.idx.msk [tilespmem:v2+s16+$0x0], $0xffff;
	_ =	sdelay $0x3  }
0x616: {  	v1 =	vand.u32 $0x80, v1  }
0x617: {  	vm13 =	veq.s32 v1, $0x0;
	v3 =	vunpack.i.u.bf16.f32 v2;
	v2 =	vunpack.i.l.bf16.f32 v2  }
0x618: {  	v1 =	vsel vm13, v2, v3  }
0x619: {  	v1 =	vsub.f32 $0.0e+00, v1;
	_ =	sdelay $0x1  }
0x61a: {  	v1 =	vmul.f32 $1.442695020e+00, v1;
	_ =	sdelay $0x1  }
0x61b: {  	(erf) = vpow2.f32 v1;
	_ =	sdelay $0x8  }
0x61c: {  	v1 =	vpop (erf)  }
0x61d: {  	v1 =	vadd.f32 $1.000000000e+00, v1;
	_ =	sdelay $0x1  }
0x61e: {  	(erf) = vrcp.f32 v1;
	_ =	sdelay $0x8  }
0x61f: {  	s0 =	sadd.s32 $0x10, s0;
	v1 =	vpop (erf)  }
0x620: {  	s29 =	simm.s32 $0x5;
	[tilespmem:s0+$0x0] =	vst v1  }
0x621: {  	_ =	swait.ge [sflag:s29], $0x500  }
0x622: {  	[sflag:s29] =	ssyncset.done $0x0  }
0x623: {  	s30 =	simm.s32 $0x4DD0;
	[sflag:s29] =	ssyncadd.s32 $0xFFFFFB00  }
0x624: {  	s1 =	simm.s32 $0x26C0;
	v1 =	vld [tilespmem:s30+$0x0]  }
0x625: {  	v2 =	vld [tilespmem:s1+$0x0];
	_ =	sdelay $0x3  }
0x626: {  	s31 =	simm.s32 $0x0  }
0x627: {  	v3 =	vmov s31;
	vm14 =	vlt.s32 v2, v1  }
0x628: {  	v3 =	vshll.u32 v3, $0x4;
	v1 =	vsel vm14, v2, v1  }
0x629: {  	v2 =	vor.u32 v0, v3;
	v3 =	vand.u32 $0xF, v1  }
0x62a: {  	v2 =	vor.u32 v2, v3;
	_ =	sdelay $0x4  }
0x62b: {  	v2 =	vld.idx.msk [tilespmem:v2+s18+$0x0], $0xffff;
	_ =	sdelay $0x3  }
0x62c: {  	v1 =	vand.u32 $0x80, v1  }
0x62d: {  	vm15 =	veq.s32 v1, $0x0;
	v3 =	vunpack.i.u.bf16.f32 v2;
	v2 =	vunpack.i.l.bf16.f32 v2  }
0x62e: {  	v1 =	vsel vm15, v2, v3  }
0x62f: {  	v1 =	vsub.f32 $0.0e+00, v1;
	_ =	sdelay $0x1  }
0x630: {  	v1 =	vmul.f32 $1.442695020e+00, v1;
	_ =	sdelay $0x1  }
0x631: {  	(erf) = vpow2.f32 v1;
	_ =	sdelay $0x8  }
0x632: {  	v1 =	vpop (erf)  }
0x633: {  	v1 =	vadd.f32 $1.000000000e+00, v1;
	_ =	sdelay $0x1  }
0x634: {  	(erf) = vrcp.f32 v1;
	_ =	sdelay $0x8  }
0x635: {  	s0 =	simm.s32 $0x9F60;
	v1 =	vpop (erf)  }
0x636: {  	s1 =	simm.s32 $0x4DE0;
	[tilespmem:s0+$0x0] =	vst v1  }
0x637: {  	s2 =	simm.s32 $0x26D0;
	v1 =	vld [tilespmem:s1+$0x0]  }
0x638: {  	s3 =	simm.s32 $0x10;
	s4 =	simm.s32 $0x20;
	v2 =	vld [tilespmem:s2+$0x0]  }
.LBB2_32:
0x639: {  	p0 =	sne.s32 s4, $0x40;
	_ =	sdelay $0x3  }
0x63a: {  	v3 =	vmov s3;
	s3 =	smov.u32 s4;
	vm0 =	vlt.s32 v2, v1  }
0x63b: {  	v3 =	vshll.u32 v3, $0x4;
	v1 =	vsel vm0, v2, v1  }
0x63c: {  	v2 =	vor.u32 v0, v3;
	v3 =	vand.u32 $0xF, v1  }
0x63d: {  	v2 =	vor.u32 v2, v3;
	_ =	sdelay $0x4  }
0x63e: {  	v2 =	vld.idx.msk [tilespmem:v2+s18+$0x0], $0xffff;
	_ =	sdelay $0x4  }
0x63f: {  	v1 =	vand.u32 $0x80, v1  }
0x640: {  	vm0 =	veq.s32 v1, $0x0;
	v3 =	vunpack.i.u.bf16.f32 v2;
	v2 =	vunpack.i.l.bf16.f32 v2  }
0x641: {  	v1 =	vsel vm0, v2, v3  }
0x642: {  	v1 =	vsub.f32 $0.0e+00, v1;
	_ =	sdelay $0x1  }
0x643: {  	v1 =	vmul.f32 $1.442695020e+00, v1;
	_ =	sdelay $0x1  }
0x644: {  	(erf) = vpow2.f32 v1;
	_ =	sdelay $0x8  }
0x645: {  	v1 =	vpop (erf)  }
0x646: {  	v1 =	vadd.f32 $1.000000000e+00, v1;
	_ =	sdelay $0x1  }
0x647: {  	(erf) = vrcp.f32 v1;
	_ =	sdelay $0x7  }
.Ltmp15:
0x648: {  	(pc) =	sbr.rel @p0 .LBB2_32-.Ltmp15, $4  }
0x649: {  	s0 =	sadd.s32 $0x10, s0;
	v1 =	vpop (erf)  }
0x64a: {  	s1 =	sadd.s32 $0x10, s1;
	[tilespmem:s0+$0x0] =	vst v1  }
0x64b: {  	s2 =	sadd.s32 $0x10, s2;
	v1 =	vld [tilespmem:s1+$0x0]  }
0x64c: {  	s4 =	sadd.s32 $0x10, s4;
	v2 =	vld [tilespmem:s2+$0x0]  }
0x64d: {  	_ =	sdelay $0x3  }
0x64e: {  	v3 =	vmov s3;
	vm0 =	vlt.s32 v2, v1  }
0x64f: {  	v3 =	vshll.u32 v3, $0x4;
	v1 =	vsel vm0, v2, v1  }
0x650: {  	v2 =	vor.u32 v0, v3;
	v3 =	vand.u32 $0xF, v1  }
0x651: {  	v2 =	vor.u32 v2, v3;
	_ =	sdelay $0x4  }
0x652: {  	v2 =	vld.idx.msk [tilespmem:v2+s18+$0x0], $0xffff;
	_ =	sdelay $0x3  }
0x653: {  	v1 =	vand.u32 $0x80, v1  }
0x654: {  	vm15 =	veq.s32 v1, $0x0;
	v3 =	vunpack.i.u.bf16.f32 v2;
	v2 =	vunpack.i.l.bf16.f32 v2  }
0x655: {  	v1 =	vsel vm15, v2, v3  }
0x656: {  	v1 =	vsub.f32 $0.0e+00, v1;
	_ =	sdelay $0x1  }
0x657: {  	v1 =	vmul.f32 $1.442695020e+00, v1;
	_ =	sdelay $0x1  }
0x658: {  	(erf) = vpow2.f32 v1;
	_ =	sdelay $0x8  }
0x659: {  	v1 =	vpop (erf)  }
0x65a: {  	v1 =	vadd.f32 $1.000000000e+00, v1;
	_ =	sdelay $0x1  }
0x65b: {  	(erf) = vrcp.f32 v1;
	_ =	sdelay $0x8  }
0x65c: {  	s0 =	sadd.s32 $0x10, s0;
	v1 =	vpop (erf)  }
0x65d: {  	s30 =	rddreg [dreg:$0x6];
	s1 =	simm.s32 $0x78A0;
	[tilespmem:s0+$0x0] =	vst v1  }
0x65e: {  	[hbm4b:s30+s5] =	stream.linear.scatter [tilespmem:s1], [sflag:$0x9], $0x2710, $0x38;
	[tilespmem:$0x9FB0] =	vst v63  }
0x65f: {  	s1 =	simm.s32 $0x9  }
0x660: {  	_ =	swait.ge [sflag:s1], $0x2710  }
0x661: {  	s2 =	rddreg [dreg:$0x8]  }
0x662: {  	s31 =	rddreg [dreg:$0x7];
	s2 =	sadd.s32 $0x1, s2  }
0x663: {  	p0 =	sne.s32 s2, s31  }
.Ltmp16:
0x664: {  	_ = 	snop;
	(pc) =	sbr.rel @p0 .LBB2_1-.Ltmp16, $3  }
0x665: {  	_ =	sdelay $0x1  }
0x666: {  	[sflag:s1] =	ssyncset.done $0x0  }
0x667: {  	[sflag:s1] =	ssyncadd.s32 $0xFFFFD8F0  }
0x668: {  	_ =	sfence.sel $0x180000  }
0x669: {  	[bflag:$0x0] =	sbarrier.arrive $0xFFFF  }
0x66a: {  	_ =	strace $0x90000047  }
0x66b: {  	s0 =	stileid.u32;
	[bflag:$0x2] =	sbarrier.arrive $0xFFFF  }
0x66c: {  	p0 =	sne.s32 s0, $0x0;
	s0 =	rddreg [dreg:$0x2]  }
0x66d: {  	s0 =	sadd.s32 @!p0 $0x100000, s0  }
0x66e: {  	[sflag:s0] =	ssyncadd.tile.s32 @!p0 $0x1;
	_ =	shalt  }
.Lfunc_end2:
_tile_overlayer_lowered:
.L_overlay_start_2:
0x66f: {  	(tag) =	ssettag $0x2  }
0x670: {  	s0 =	rddreg [dreg:$0x0];
	s2 =	stileid.u32  }
0x671: {  	s1 =	rddreg [dreg:$0x1];
	p0 =	sne.s32 s2, $0x0  }
0x672: {  	s3 =	rddreg [dreg:$0x2];
	[bflag:$0x3] =	sbarrier.arrive $0xFFFF;
	s2 =	simm.s32 @!p0 $0x1C09  }
0x673: {  	[timem:s3], [sflag:s2] =	dma.local @!p0 [hbm:s0], s1  }
0x674: {  	s0 =	simm.s32 @!p0 $0x9  }
0x675: {  	_ =	swait.ge @!p0 [sflag:s0], s1  }
0x676: {  	s1 =	ssub.s32 @!p0 $0x0, s1;
	[sflag:s0] =	ssyncset.done @!p0 $0x0  }
0x677: {  	[sflag:s0] =	ssyncadd.s32 @!p0 s1  }
0x678: {  	[bflag:$0x3] =	sbarrier.arrive $0xFFFF  }
0x679: {  	_ =	shalt  }

</sc_bundles>
